<compile_context>
chip_gen: v7x
topology: tpu7x:2x2x1
jax: 0.10.2.dev20260603
libtpu: 0.0.44.dev20260713+nightly
codegen_flags: <defaults>
</compile_context>

<pallas_src>
import functools

import jax
import jax.numpy as jnp
from jax import lax
from jax.experimental import pallas as pl
from jax.experimental.pallas import tpu as pltpu
from jax.experimental.pallas import tpu_sc as plsc

N = 10000
D = 128
E = 320000

NC = 2
NS = 16
NW = NC * NS
NP = 10240
CH = 128
EPT = 10240
EP = NW * EPT
NCH = EPT // CH
IB = 8
RPT = NP // NS

_MESH = plsc.VectorSubcoreMesh(core_axis_name="c", subcore_axis_name="s")



@functools.partial(
    pl.kernel,
    out_type=jax.ShapeDtypeStruct((NC, NP), jnp.float32),
    mesh=_MESH,
    scratch_types=[
        pltpu.VMEM((NCH, CH), jnp.int32),
        pltpu.VMEM((CH,), jnp.float32),
        pltpu.VMEM((RPT,), jnp.float32),
        pltpu.VMEM_SHARED((NP,), jnp.float32),
    ],
)
def _deg_call(dst_hbm, out_hbm, dst_v, ones_v, zeros_v, acc_sh):
    c = lax.axis_index("c")
    s = lax.axis_index("s")
    wid = c * NS + s

    row0 = pl.multiple_of(wid * NCH, NCH)
    pltpu.sync_copy(dst_hbm.at[pl.ds(row0, NCH)], dst_v)

    def fill(i, _):
        o = pl.multiple_of(i * 16, 16)
        ones_v[pl.ds(o, 16)] = jnp.ones((16,), jnp.float32)
        return 0
    lax.fori_loop(0, CH // 16, fill, 0)

    def zfill(i, _):
        o = pl.multiple_of(i * 16, 16)
        zeros_v[pl.ds(o, 16)] = jnp.zeros((16,), jnp.float32)
        return 0
    lax.fori_loop(0, RPT // 16, zfill, 0)

    a0 = pl.multiple_of(s * RPT, RPT)
    pltpu.sync_copy(zeros_v, acc_sh.at[pl.ds(a0, RPT)])
    plsc.subcore_barrier()

    def body(j, _):
        pltpu.sync_copy(ones_v, acc_sh.at[dst_v.at[j]], add=True)
        return 0
    lax.fori_loop(0, NCH, body, 0)

    plsc.subcore_barrier()
    pltpu.sync_copy(acc_sh.at[pl.ds(a0, RPT)], out_hbm.at[c, pl.ds(a0, RPT)])


CH2 = 64
NCH2 = EPT // CH2
NPR = NCH2 // 2
AIB = 8
AIB2 = AIB // 2


@functools.partial(
    pl.kernel,
    out_type=jax.ShapeDtypeStruct((NC, NP, D), jnp.float32),
    mesh=_MESH,
    scratch_types=[
        pltpu.VMEM((AIB2, CH), jnp.int32),
        pltpu.VMEM((NPR, CH), jnp.int32),
        pltpu.VMEM((CH2, D), jnp.float32),
        pltpu.VMEM((CH2, D), jnp.float32),
        pltpu.VMEM((CH2, D), jnp.float32),
        pltpu.VMEM((CH2, D), jnp.float32),
        pltpu.VMEM_SHARED((NP, D), jnp.float32),
        [pltpu.SemaphoreType.DMA] * AIB2,
        [pltpu.SemaphoreType.DMA] * 4,
        [pltpu.SemaphoreType.DMA] * 4,
    ],
)
def _agg_call(hs_hbm, src_hbm, dst_hbm, out_hbm,
              srcr_v, dst_v, rows0_v, rows1_v, rows2_v, rows3_v, acc_sh,
              isems, gsems, ssems):
    c = lax.axis_index("c")
    s = lax.axis_index("s")
    wid = c * NS + s

    e0 = wid * EPT
    row0 = pl.multiple_of(wid * NPR, NPR)
    pltpu.sync_copy(dst_hbm.at[pl.ds(row0, NPR)], dst_v)

    def zrow(i, _):
        r = i // 8
        o = pl.multiple_of((i - r * 8) * 16, 16)
        rows0_v[r, pl.ds(o, 16)] = jnp.zeros((16,), jnp.float32)
        return 0
    lax.fori_loop(0, CH2 * (D // 16), zrow, 0)

    def zcopy(i, _):
        o = pl.multiple_of(s * RPT + i * CH2, CH2)
        pltpu.sync_copy(rows0_v, acc_sh.at[pl.ds(o, CH2)])
        return 0
    lax.fori_loop(0, RPT // CH2, zcopy, 0)
    plsc.subcore_barrier()

    rbufs = (rows0_v, rows1_v, rows2_v, rows3_v)

    def iload(p, slot):
        o = pl.multiple_of(e0 + p * CH, CH)
        pltpu.async_copy(src_hbm.at[pl.ds(o, CH)], srcr_v.at[slot],
                         isems[slot])

    def iwait(slot):
        pltpu.make_async_copy(src_hbm.at[pl.ds(0, CH)], srcr_v.at[slot],
                              isems[slot]).wait()

    def gather(slot, half, buf):
        idx = srcr_v.at[slot, pl.ds(64 * half, CH2)]
        pltpu.async_copy(hs_hbm.at[idx], rbufs[buf], gsems[buf])

    def gwait(buf):
        pltpu.make_async_copy(hs_hbm.at[srcr_v.at[0, pl.ds(0, CH2)]],
                              rbufs[buf], gsems[buf]).wait()

    def swait(buf):
        pltpu.make_async_copy(rbufs[buf], acc_sh.at[pl.ds(0, CH2)],
                              ssems[buf]).wait()

    for p in range(AIB2):
        iload(p, p)
    iwait(0)
    gather(0, 0, 0)
    gather(0, 1, 1)

    def body(i, _):
        for b in range(AIB):
            j = i * AIB + b

            @pl.when((j >= 2) & (j + 2 < NCH2))
            def _():
                swait((b + 2) % 4)

            @pl.when(j + 2 < NCH2)
            def _():
                if b % 2 == 0:
                    iwait(((b + 2) // 2) % AIB2)
                gather(((b + 2) // 2) % AIB2, (b + 2) % 2, (b + 2) % 4)

            gwait(b % 4)
            dst = dst_v.at[lax.div(j, 2), pl.ds(64 * (b % 2), CH2)]
            pltpu.async_copy(rbufs[b % 4], acc_sh.at[dst],
                             ssems[b % 4], add=True)

            @pl.when((b % 2 == 1) & (j // 2 + AIB2 < NPR))
            def _():
                iload(j // 2 + AIB2, (b // 2) % AIB2)
        return 0
    lax.fori_loop(0, NCH2 // AIB, body, 0)

    for b in range(4):
        swait(b)

    plsc.subcore_barrier()
    a0 = pl.multiple_of(s * RPT, RPT)
    pltpu.sync_copy(acc_sh.at[pl.ds(a0, RPT)], out_hbm.at[c, pl.ds(a0, RPT)])



BN = 2048
GRID = NP // BN


def _mm1_body(degp_ref, x_ref, w_ref, hs_ref, dis_ref):
    degp = degp_ref[...]
    ones = jnp.ones((NC, 1), jnp.float32)
    deg = lax.dot_general(degp, ones, (((0,), (0,)), ((), ())),
                          preferred_element_type=jnp.float32) + 1.0
    dis = lax.rsqrt(deg)
    h = jnp.dot(x_ref[...], w_ref[...], preferred_element_type=jnp.float32)
    hs_ref[...] = h * dis
    dis_ref[...] = dis


def _mm2_body(a0_ref, a1_ref, hs_ref, dis_ref, b_ref, w_ref, hs2_ref):
    dis = dis_ref[...]
    out1 = dis * (a0_ref[...] + a1_ref[...] + hs_ref[...]) + b_ref[...]
    h2 = jnp.dot(out1, w_ref[...], preferred_element_type=jnp.float32)
    hs2_ref[...] = h2 * dis


def _fin_body(a0_ref, a1_ref, hs_ref, dis_ref, b_ref, o_ref):
    o_ref[...] = (dis_ref[...] * (a0_ref[...] + a1_ref[...] + hs_ref[...])
                  + b_ref[...])


_row_spec = pl.BlockSpec((BN, D), lambda i: (i, 0))
_dis_spec = pl.BlockSpec((BN, 1), lambda i: (i, 0))
_w_spec = pl.BlockSpec((D, D), lambda i: (0, 0))
_b_spec = pl.BlockSpec((1, D), lambda i: (0, 0))

_mm1 = pl.pallas_call(
    _mm1_body,
    grid=(GRID,),
    in_specs=[pl.BlockSpec((NC, BN), lambda i: (0, i)), _row_spec, _w_spec],
    out_specs=[_row_spec, _dis_spec],
    out_shape=[jax.ShapeDtypeStruct((NP, D), jnp.float32),
               jax.ShapeDtypeStruct((NP, 1), jnp.float32)],
)

_mm2 = pl.pallas_call(
    _mm2_body,
    grid=(GRID,),
    in_specs=[_row_spec, _row_spec, _row_spec, _dis_spec, _b_spec, _w_spec],
    out_specs=_row_spec,
    out_shape=jax.ShapeDtypeStruct((NP, D), jnp.float32),
)

_BF = 2000
_fin_row = pl.BlockSpec((_BF, D), lambda i: (i, 0))
_fin = pl.pallas_call(
    _fin_body,
    grid=(N // _BF,),
    in_specs=[_fin_row, _fin_row, _fin_row,
              pl.BlockSpec((_BF, 1), lambda i: (i, 0)), _b_spec],
    out_specs=_fin_row,
    out_shape=jax.ShapeDtypeStruct((N, D), jnp.float32),
)


def kernel(embeddings, edge_index, W1, b1, W2, b2):
    pad_idx = N + (jnp.arange(EP - E, dtype=jnp.int32) % (NP - N))
    src = jnp.concatenate([edge_index[0], pad_idx])
    dst2d = jnp.concatenate([edge_index[1], pad_idx]).reshape(EP // CH, CH)
    xpad = jnp.pad(embeddings, ((0, NP - N), (0, 0)))

    degp = _deg_call(dst2d)
    hs1, dis = _mm1(degp, xpad, W1)
    acc1 = _agg_call(hs1, src, dst2d)
    hs2 = _mm2(acc1[0], acc1[1], hs1, dis, b1.reshape(1, D), W2)
    acc2 = _agg_call(hs2, src, dst2d)
    return _fin(acc2[0], acc2[1], hs2, dis, b2.reshape(1, D))

# --- scband reference (transcript-rebuilt; emitter-appended) ---
"""Pipeline reference for scband-gal-nhop-68032281968811 (READ-ONLY COPY).

The authoritative reference and input builder live on the scoring server;
editing this copy changes nothing except your own understanding.
"""

import jax, jax.numpy as jnp
import numpy as np

N = 10000
D = 128
E = 320000


def setup_inputs(seed: int = 0) -> dict:
    key = jax.random.key(seed)
    k1, k2, k3, k4, k5, k6 = jax.random.split(key, 6)
    x = jax.random.normal(k1, (N, D), dtype=jnp.float32)
    edge_index = jax.random.randint(k2, (2, E), 0, N, dtype=jnp.int32)
    scale = 1.0 / np.sqrt(D)
    W1 = jax.random.normal(k3, (D, D), dtype=jnp.float32) * scale
    b1 = jnp.zeros((D,), dtype=jnp.float32)
    W2 = jax.random.normal(k4, (D, D), dtype=jnp.float32) * scale
    b2 = jnp.zeros((D,), dtype=jnp.float32)
    return {"embeddings": x, "edge_index": edge_index, "W1": W1, "b1": b1, "W2": W2, "b2": b2}


def _gcn_conv(x, src, dst, W, b, n):
    # x' = D^{-1/2} (A + I) D^{-1/2} X W + b  (GCNConv with self-loops)
    h = x @ W
    loop = jnp.arange(n, dtype=src.dtype)
    src2 = jnp.concatenate([src, loop])
    dst2 = jnp.concatenate([dst, loop])
    ones = jnp.ones(src2.shape[0], dtype=x.dtype)
    deg = jnp.zeros((n,), dtype=x.dtype).at[dst2].add(ones)
    dis = jnp.where(deg > 0, jax.lax.rsqrt(jnp.maximum(deg, 1e-12)), 0.0)
    norm = dis[src2] * dis[dst2]
    msg = h[src2] * norm[:, None]
    out = jnp.zeros((n, h.shape[1]), dtype=x.dtype).at[dst2].add(msg)
    return out + b


def reference(embeddings, edge_index, W1, b1, W2, b2):
    src = edge_index[0]
    dst = edge_index[1]
    n = embeddings.shape[0]
    h = _gcn_conv(embeddings, src, dst, W1, b1, n)
    h = _gcn_conv(h, src, dst, W2, b2, n)
    return h

if __name__ == "__main__":
    import jax
    _d = setup_inputs()
    print(jax.jit(kernel)(*tuple(_d.values())))

</pallas_src>

<mosaic_0001>
#map = affine_map<(d0, d1) -> (0, 0)>
module attributes {stable_mosaic.version = 14 : i64} {
  func.func @_deg_call(%arg0: i32, %arg1: i32, %arg2: memref<2560x128xi32, #tpu.memory_space<hbm>>, %arg3: memref<2x10240xf32, #tpu.memory_space<hbm>>, %arg4: memref<80x128xi32, #tpu.memory_space<vmem>>, %arg5: memref<128xf32, #tpu.memory_space<vmem>>, %arg6: memref<640xf32, #tpu.memory_space<vmem>>, %arg7: memref<10240xf32, #tpu.memory_space<vmem_shared>>) attributes {dimension_semantics = [#tpu.dimension_semantics<core_parallel>, #tpu.dimension_semantics<subcore_parallel>], iteration_bounds = array<i64: 2, 16>, scalar_prefetch = 0 : i64, scratch_operands = 4 : i64, tpu.core_type = #tpu.core_type<sc_vector_subcore>, window_params = [{transform_indices = #map}, {transform_indices = #map}]} {
    %mul3A = arith.constant 16 : i32
    %mul3A_0 = arith.muli %arg0, %mul3A : i32
    %add3A = arith.addi %mul3A_0, %arg1 : i32
    %mul3A_1 = arith.constant 80 : i32
    %mul3A_2 = arith.muli %add3A, %mul3A_1 : i32
    %multiple_of3A = tpu.assume_multiple %mul3A_2, 80 : i32
    "tpu.region"() ({
      %run_scoped3A = tpu.sem_alloc : memref<!tpu.dma_semaphore, #tpu.memory_space<semaphore_mem>>
      %dma_start3A = arith.constant 0 : i32
      %dma_start3A_27 = tpu.memref_slice %arg2[%multiple_of3A, %dma_start3A] : memref<2560x128xi32, #tpu.memory_space<hbm>> -> memref<80x128xi32, #tpu.memory_space<hbm>>
      %dma_start3A_28 = arith.constant 0 : i32
      %dma_start3A_29 = tpu.memref_slice %arg2[%multiple_of3A, %dma_start3A_28] : memref<2560x128xi32, #tpu.memory_space<hbm>> -> memref<80x128xi32, #tpu.memory_space<hbm>>
      tpu.enqueue_dma source(%dma_start3A_29 : memref<80x128xi32, #tpu.memory_space<hbm>>) target(%arg4 : memref<80x128xi32, #tpu.memory_space<vmem>>) target_semaphore(%run_scoped3A : memref<!tpu.dma_semaphore, #tpu.memory_space<semaphore_mem>>)
      %dma_wait3A = arith.constant 0 : i32
      %dma_wait3A_30 = tpu.memref_slice %arg2[%multiple_of3A, %dma_wait3A] : memref<2560x128xi32, #tpu.memory_space<hbm>> -> memref<80x128xi32, #tpu.memory_space<hbm>>
      %dma_wait3A_31 = arith.constant 0 : i32
      %dma_wait3A_32 = tpu.memref_slice %arg2[%multiple_of3A, %dma_wait3A_31] : memref<2560x128xi32, #tpu.memory_space<hbm>> -> memref<80x128xi32, #tpu.memory_space<hbm>>
      tpu.wait_dma2 semaphore(%run_scoped3A : memref<!tpu.dma_semaphore, #tpu.memory_space<semaphore_mem>>) src(%dma_wait3A_32 : memref<80x128xi32, #tpu.memory_space<hbm>>) dst(%arg4 : memref<80x128xi32, #tpu.memory_space<vmem>>)
      tpu.yield
    }) : () -> ()
    %scan3A = arith.constant 0 : i32
    %scan3A_3 = arith.constant 0 : i32
    %scan3A_4 = arith.constant 8 : i32
    %scan3A_5 = arith.addi %scan3A_3, %scan3A_4 : i32
    %scan3A_6 = arith.constant 1 : i32
    %scan3A_7 = scf.for %scan3A_27 = %scan3A_3 to %scan3A_5 step %scan3A_6 iter_args(%scan3A_28 = %scan3A) -> (i32)  : i32 {
      %mul3A_29 = arith.constant 16 : i32
      %mul3A_30 = arith.muli %scan3A_27, %mul3A_29 : i32
      %multiple_of3A_31 = tpu.assume_multiple %mul3A_30, 16 : i32
      %broadcast_in_dim3A = arith.constant 1.000000e+00 : f32
      %broadcast_in_dim3A_32 = vector.broadcast %broadcast_in_dim3A : f32 to vector<16xf32>
      %swap3A = arith.index_cast %multiple_of3A_31 : i32 to index
      %swap3A_33 = tpu.vector_load %arg5[%swap3A] {strides = array<i32>} : memref<128xf32, #tpu.memory_space<vmem>>, vector<16xf32>,
      %swap3A_34 = vector.shape_cast %swap3A_33 : vector<16xf32> to vector<16xf32>
      %swap3A_35 = vector.shape_cast %broadcast_in_dim3A_32 : vector<16xf32> to vector<16xf32>
      tpu.vector_store %arg5[%swap3A], %swap3A_35 {strides = array<i32>} : memref<128xf32, #tpu.memory_space<vmem>>, vector<16xf32>,
      %scan3A_36 = arith.constant 0 : i32
      scf.yield %scan3A_36 : i32
    }
    %scan3A_8 = arith.constant 8 : i32
    %scan3A_9 = arith.constant 0 : i32
    %scan3A_10 = arith.constant 0 : i32
    %scan3A_11 = arith.constant 40 : i32
    %scan3A_12 = arith.addi %scan3A_10, %scan3A_11 : i32
    %scan3A_13 = arith.constant 1 : i32
    %scan3A_14 = scf.for %scan3A_27 = %scan3A_10 to %scan3A_12 step %scan3A_13 iter_args(%scan3A_28 = %scan3A_9) -> (i32)  : i32 {
      %mul3A_29 = arith.constant 16 : i32
      %mul3A_30 = arith.muli %scan3A_27, %mul3A_29 : i32
      %multiple_of3A_31 = tpu.assume_multiple %mul3A_30, 16 : i32
      %broadcast_in_dim3A = arith.constant 0.000000e+00 : f32
      %broadcast_in_dim3A_32 = vector.broadcast %broadcast_in_dim3A : f32 to vector<16xf32>
      %swap3A = arith.index_cast %multiple_of3A_31 : i32 to index
      %swap3A_33 = tpu.vector_load %arg6[%swap3A] {strides = array<i32>} : memref<640xf32, #tpu.memory_space<vmem>>, vector<16xf32>,
      %swap3A_34 = vector.shape_cast %swap3A_33 : vector<16xf32> to vector<16xf32>
      %swap3A_35 = vector.shape_cast %broadcast_in_dim3A_32 : vector<16xf32> to vector<16xf32>
      tpu.vector_store %arg6[%swap3A], %swap3A_35 {strides = array<i32>} : memref<640xf32, #tpu.memory_space<vmem>>, vector<16xf32>,
      %scan3A_36 = arith.constant 0 : i32
      scf.yield %scan3A_36 : i32
    }
    %scan3A_15 = arith.constant 40 : i32
    %mul3A_16 = arith.constant 640 : i32
    %mul3A_17 = arith.muli %arg1, %mul3A_16 : i32
    %multiple_of3A_18 = tpu.assume_multiple %mul3A_17, 640 : i32
    "tpu.region"() ({
      %run_scoped3A = tpu.sem_alloc : memref<!tpu.dma_semaphore, #tpu.memory_space<semaphore_mem>>
      %dma_start3A = tpu.memref_slice %arg7[%multiple_of3A_18] : memref<10240xf32, #tpu.memory_space<vmem_shared>> -> memref<640xf32, #tpu.memory_space<vmem_shared>>
      %dma_start3A_27 = tpu.memref_slice %arg7[%multiple_of3A_18] : memref<10240xf32, #tpu.memory_space<vmem_shared>> -> memref<640xf32, #tpu.memory_space<vmem_shared>>
      tpu.enqueue_dma source(%arg6 : memref<640xf32, #tpu.memory_space<vmem>>) target(%dma_start3A_27 : memref<640xf32, #tpu.memory_space<vmem_shared>>) target_semaphore(%run_scoped3A : memref<!tpu.dma_semaphore, #tpu.memory_space<semaphore_mem>>)
      %dma_wait3A = tpu.memref_slice %arg7[%multiple_of3A_18] : memref<10240xf32, #tpu.memory_space<vmem_shared>> -> memref<640xf32, #tpu.memory_space<vmem_shared>>
      %dma_wait3A_28 = tpu.memref_slice %arg7[%multiple_of3A_18] : memref<10240xf32, #tpu.memory_space<vmem_shared>> -> memref<640xf32, #tpu.memory_space<vmem_shared>>
      tpu.wait_dma2 semaphore(%run_scoped3A : memref<!tpu.dma_semaphore, #tpu.memory_space<semaphore_mem>>) src(%arg6 : memref<640xf32, #tpu.memory_space<vmem>>) dst(%dma_wait3A_28 : memref<640xf32, #tpu.memory_space<vmem_shared>>)
      tpu.yield
    }) : () -> ()
    %barrier3A = arith.constant 0 : index
    tpu.barrier barrier_id(%barrier3A)
    %scan3A_19 = arith.constant 0 : i32
    %scan3A_20 = arith.constant 0 : i32
    %scan3A_21 = arith.constant 80 : i32
    %scan3A_22 = arith.addi %scan3A_20, %scan3A_21 : i32
    %scan3A_23 = arith.constant 1 : i32
    %scan3A_24 = scf.for %scan3A_27 = %scan3A_20 to %scan3A_22 step %scan3A_23 iter_args(%scan3A_28 = %scan3A_19) -> (i32)  : i32 {
      "tpu.region"() ({
        %run_scoped3A = tpu.sem_alloc : memref<!tpu.dma_semaphore, #tpu.memory_space<semaphore_mem>>
        %dma_start3A = arith.constant 0 : i32
        %dma_start3A_30 = tpu.memref_slice %arg4[%scan3A_27, %dma_start3A] : memref<80x128xi32, #tpu.memory_space<vmem>> -> memref<1x128xi32, #tpu.memory_space<vmem>>
        %dma_start3A_31 = tpu.memref_squeeze %dma_start3A_30 : memref<1x128xi32, #tpu.memory_space<vmem>> -> memref<128xi32, #tpu.memory_space<vmem>>
        %dma_start3A_32 = arith.constant 0 : i32
        %dma_start3A_33 = tpu.memref_slice %arg7[%dma_start3A_32] : memref<10240xf32, #tpu.memory_space<vmem_shared>> -> memref<10240xf32, #tpu.memory_space<vmem_shared>>
        tpu.enqueue_indirect_dma source(%arg5 : memref<128xf32, #tpu.memory_space<vmem>>) target(%dma_start3A_33 : memref<10240xf32, #tpu.memory_space<vmem_shared>>) offsets(%dma_start3A_31 : memref<128xi32, #tpu.memory_space<vmem>>) semaphore(%run_scoped3A : memref<!tpu.dma_semaphore, #tpu.memory_space<semaphore_mem>>) {add = true}
        %dma_wait3A = arith.constant 0 : i32
        %dma_wait3A_34 = tpu.memref_slice %arg4[%scan3A_27, %dma_wait3A] : memref<80x128xi32, #tpu.memory_space<vmem>> -> memref<1x128xi32, #tpu.memory_space<vmem>>
        %dma_wait3A_35 = tpu.memref_squeeze %dma_wait3A_34 : memref<1x128xi32, #tpu.memory_space<vmem>> -> memref<128xi32, #tpu.memory_space<vmem>>
        %dma_wait3A_36 = arith.constant 0 : i32
        %dma_wait3A_37 = tpu.memref_slice %arg7[%dma_wait3A_36] : memref<10240xf32, #tpu.memory_space<vmem_shared>> -> memref<10240xf32, #tpu.memory_space<vmem_shared>>
        tpu.wait_indirect_dma semaphore(%run_scoped3A : memref<!tpu.dma_semaphore, #tpu.memory_space<semaphore_mem>>) src(%arg5 : memref<128xf32, #tpu.memory_space<vmem>>) dst(%dma_wait3A_37 : memref<10240xf32, #tpu.memory_space<vmem_shared>>)
        tpu.yield
      }) : () -> ()
      %scan3A_29 = arith.constant 0 : i32
      scf.yield %scan3A_29 : i32
    }
    %scan3A_25 = arith.constant 80 : i32
    %barrier3A_26 = arith.constant 0 : index
    tpu.barrier barrier_id(%barrier3A_26)
    "tpu.region"() ({
      %run_scoped3A = tpu.sem_alloc : memref<!tpu.dma_semaphore, #tpu.memory_space<semaphore_mem>>
      %dma_start3A = tpu.memref_slice %arg3[%arg0, %multiple_of3A_18] : memref<2x10240xf32, #tpu.memory_space<hbm>> -> memref<1x640xf32, #tpu.memory_space<hbm>>
      %dma_start3A_27 = tpu.memref_squeeze %dma_start3A : memref<1x640xf32, #tpu.memory_space<hbm>> -> memref<640xf32, #tpu.memory_space<hbm>>
      %dma_start3A_28 = tpu.memref_slice %arg7[%multiple_of3A_18] : memref<10240xf32, #tpu.memory_space<vmem_shared>> -> memref<640xf32, #tpu.memory_space<vmem_shared>>
      tpu.enqueue_dma source(%dma_start3A_28 : memref<640xf32, #tpu.memory_space<vmem_shared>>) target(%dma_start3A_27 : memref<640xf32, #tpu.memory_space<hbm>>) target_semaphore(%run_scoped3A : memref<!tpu.dma_semaphore, #tpu.memory_space<semaphore_mem>>)
      %dma_wait3A = tpu.memref_slice %arg3[%arg0, %multiple_of3A_18] : memref<2x10240xf32, #tpu.memory_space<hbm>> -> memref<1x640xf32, #tpu.memory_space<hbm>>
      %dma_wait3A_29 = tpu.memref_squeeze %dma_wait3A : memref<1x640xf32, #tpu.memory_space<hbm>> -> memref<640xf32, #tpu.memory_space<hbm>>
      %dma_wait3A_30 = tpu.memref_slice %arg7[%multiple_of3A_18] : memref<10240xf32, #tpu.memory_space<vmem_shared>> -> memref<640xf32, #tpu.memory_space<vmem_shared>>
      tpu.wait_dma2 semaphore(%run_scoped3A : memref<!tpu.dma_semaphore, #tpu.memory_space<semaphore_mem>>) src(%dma_wait3A_30 : memref<640xf32, #tpu.memory_space<vmem_shared>>) dst(%dma_wait3A_29 : memref<640xf32, #tpu.memory_space<hbm>>)
      tpu.yield
    }) : () -> ()
    return
  }
}

#map = affine_map<(d0, d1) -> (0, 0)>
#map1 = affine_map<(d0, d1) -> (0)>
#map2 = affine_map<(d0, d1) -> (0, 0, 0)>
module attributes {stable_mosaic.version = 14 : i64} {
  func.func @_agg_call(%arg0: i32, %arg1: i32, %arg2: memref<10240x128xf32, #tpu.memory_space<hbm>>, %arg3: memref<327680xi32, #tpu.memory_space<hbm>>, %arg4: memref<2560x128xi32, #tpu.memory_space<hbm>>, %arg5: memref<2x10240x128xf32, #tpu.memory_space<hbm>>, %arg6: memref<4x128xi32, #tpu.memory_space<vmem>>, %arg7: memref<80x128xi32, #tpu.memory_space<vmem>>, %arg8: memref<64x128xf32, #tpu.memory_space<vmem>>, %arg9: memref<64x128xf32, #tpu.memory_space<vmem>>, %arg10: memref<64x128xf32, #tpu.memory_space<vmem>>, %arg11: memref<64x128xf32, #tpu.memory_space<vmem>>, %arg12: memref<10240x128xf32, #tpu.memory_space<vmem_shared>>, %arg13: memref<!tpu.dma_semaphore, #tpu.memory_space<semaphore_mem>>, %arg14: memref<!tpu.dma_semaphore, #tpu.memory_space<semaphore_mem>>, %arg15: memref<!tpu.dma_semaphore, #tpu.memory_space<semaphore_mem>>, %arg16: memref<!tpu.dma_semaphore, #tpu.memory_space<semaphore_mem>>, %arg17: memref<!tpu.dma_semaphore, #tpu.memory_space<semaphore_mem>>, %arg18: memref<!tpu.dma_semaphore, #tpu.memory_space<semaphore_mem>>, %arg19: memref<!tpu.dma_semaphore, #tpu.memory_space<semaphore_mem>>, %arg20: memref<!tpu.dma_semaphore, #tpu.memory_space<semaphore_mem>>, %arg21: memref<!tpu.dma_semaphore, #tpu.memory_space<semaphore_mem>>, %arg22: memref<!tpu.dma_semaphore, #tpu.memory_space<semaphore_mem>>, %arg23: memref<!tpu.dma_semaphore, #tpu.memory_space<semaphore_mem>>, %arg24: memref<!tpu.dma_semaphore, #tpu.memory_space<semaphore_mem>>) attributes {dimension_semantics = [#tpu.dimension_semantics<core_parallel>, #tpu.dimension_semantics<subcore_parallel>], iteration_bounds = array<i64: 2, 16>, scalar_prefetch = 0 : i64, scratch_operands = 19 : i64, tpu.core_type = #tpu.core_type<sc_vector_subcore>, window_params = [{transform_indices = #map}, {transform_indices = #map1}, {transform_indices = #map}, {transform_indices = #map2}]} {
    %mul3A = arith.constant 16 : i32
    %mul3A_0 = arith.muli %arg0, %mul3A : i32
    %add3A = arith.addi %mul3A_0, %arg1 : i32
    %mul3A_1 = arith.constant 10240 : i32
    %mul3A_2 = arith.muli %add3A, %mul3A_1 : i32
    %mul3A_3 = arith.constant 80 : i32
    %mul3A_4 = arith.muli %add3A, %mul3A_3 : i32
    %multiple_of3A = tpu.assume_multiple %mul3A_4, 80 : i32
    "tpu.region"() ({
      %run_scoped3A = tpu.sem_alloc : memref<!tpu.dma_semaphore, #tpu.memory_space<semaphore_mem>>
      %dma_start3A_124 = arith.constant 0 : i32
      %dma_start3A_125 = tpu.memref_slice %arg4[%multiple_of3A, %dma_start3A_124] : memref<2560x128xi32, #tpu.memory_space<hbm>> -> memref<80x128xi32, #tpu.memory_space<hbm>>
      %dma_start3A_126 = arith.constant 0 : i32
      %dma_start3A_127 = tpu.memref_slice %arg4[%multiple_of3A, %dma_start3A_126] : memref<2560x128xi32, #tpu.memory_space<hbm>> -> memref<80x128xi32, #tpu.memory_space<hbm>>
      tpu.enqueue_dma source(%dma_start3A_127 : memref<80x128xi32, #tpu.memory_space<hbm>>) target(%arg7 : memref<80x128xi32, #tpu.memory_space<vmem>>) target_semaphore(%run_scoped3A : memref<!tpu.dma_semaphore, #tpu.memory_space<semaphore_mem>>)
      %dma_wait3A_128 = arith.constant 0 : i32
      %dma_wait3A_129 = tpu.memref_slice %arg4[%multiple_of3A, %dma_wait3A_128] : memref<2560x128xi32, #tpu.memory_space<hbm>> -> memref<80x128xi32, #tpu.memory_space<hbm>>
      %dma_wait3A_130 = arith.constant 0 : i32
      %dma_wait3A_131 = tpu.memref_slice %arg4[%multiple_of3A, %dma_wait3A_130] : memref<2560x128xi32, #tpu.memory_space<hbm>> -> memref<80x128xi32, #tpu.memory_space<hbm>>
      tpu.wait_dma2 semaphore(%run_scoped3A : memref<!tpu.dma_semaphore, #tpu.memory_space<semaphore_mem>>) src(%dma_wait3A_131 : memref<80x128xi32, #tpu.memory_space<hbm>>) dst(%arg7 : memref<80x128xi32, #tpu.memory_space<vmem>>)
      tpu.yield
    }) : () -> ()
    %scan3A = arith.constant 0 : i32
    %scan3A_5 = arith.constant 0 : i32
    %scan3A_6 = arith.constant 512 : i32
    %scan3A_7 = arith.addi %scan3A_5, %scan3A_6 : i32
    %scan3A_8 = arith.constant 1 : i32
    %scan3A_9 = scf.for %scan3A_124 = %scan3A_5 to %scan3A_7 step %scan3A_8 iter_args(%scan3A_125 = %scan3A) -> (i32)  : i32 {
      %jit3A = arith.constant 8 : i32
      %div3A = arith.divsi %scan3A_124, %jit3A : i32
      %sign3A = arith.constant 0 : i32
      %sign3A_126 = arith.cmpi sgt, %scan3A_124, %sign3A : i32
      %sign3A_127 = arith.extui %sign3A_126 : i1 to i32
      %sign3A_128 = arith.constant 0 : i32
      %sign3A_129 = arith.cmpi slt, %scan3A_124, %sign3A_128 : i32
      %sign3A_130 = arith.extui %sign3A_129 : i1 to i32
      %sign3A_131 = arith.subi %sign3A_127, %sign3A_130 : i32
      %sign3A_132 = arith.constant 0 : i32
      %sign3A_133 = arith.cmpi sgt, %jit3A, %sign3A_132 : i32
      %sign3A_134 = arith.extui %sign3A_133 : i1 to i32
      %sign3A_135 = arith.constant 0 : i32
      %sign3A_136 = arith.cmpi slt, %jit3A, %sign3A_135 : i32
      %sign3A_137 = arith.extui %sign3A_136 : i1 to i32
      %sign3A_138 = arith.subi %sign3A_134, %sign3A_137 : i32
      %ne3A = arith.cmpi ne, %sign3A_131, %sign3A_138 : i32
      %rem3A = arith.remsi %scan3A_124, %jit3A : i32
      %ne3A_139 = arith.constant 0 : i32
      %ne3A_140 = arith.cmpi ne, %rem3A, %ne3A_139 : i32
      %and3A = arith.andi %ne3A, %ne3A_140 : i1
      %sub3A = arith.constant 1 : i32
      %sub3A_141 = arith.subi %div3A, %sub3A : i32
      %select_n3A = arith.select %and3A, %sub3A_141, %div3A : i32
      %mul3A_142 = arith.constant 8 : i32
      %mul3A_143 = arith.muli %select_n3A, %mul3A_142 : i32
      %sub3A_144 = arith.subi %scan3A_124, %mul3A_143 : i32
      %mul3A_145 = arith.constant 16 : i32
      %mul3A_146 = arith.muli %sub3A_144, %mul3A_145 : i32
      %multiple_of3A_147 = tpu.assume_multiple %mul3A_146, 16 : i32
      %broadcast_in_dim3A = arith.constant 0.000000e+00 : f32
      %broadcast_in_dim3A_148 = vector.broadcast %broadcast_in_dim3A : f32 to vector<16xf32>
      %swap3A = arith.index_cast %select_n3A : i32 to index
      %swap3A_149 = arith.index_cast %multiple_of3A_147 : i32 to index
      %swap3A_150 = tpu.vector_load %arg8[%swap3A, %swap3A_149] {strides = array<i32>} : memref<64x128xf32, #tpu.memory_space<vmem>>, vector<1x16xf32>,
      %swap3A_151 = vector.shape_cast %swap3A_150 : vector<1x16xf32> to vector<16xf32>
      %swap3A_152 = vector.shape_cast %broadcast_in_dim3A_148 : vector<16xf32> to vector<1x16xf32>
      tpu.vector_store %arg8[%swap3A, %swap3A_149], %swap3A_152 {strides = array<i32>} : memref<64x128xf32, #tpu.memory_space<vmem>>, vector<1x16xf32>,
      %scan3A_153 = arith.constant 0 : i32
      scf.yield %scan3A_153 : i32
    }
    %scan3A_10 = arith.constant 512 : i32
    %scan3A_11 = arith.constant 0 : i32
    %scan3A_12 = arith.constant 0 : i32
    %scan3A_13 = arith.constant 10 : i32
    %scan3A_14 = arith.addi %scan3A_12, %scan3A_13 : i32
    %scan3A_15 = arith.constant 1 : i32
    %scan3A_16 = scf.for %scan3A_124 = %scan3A_12 to %scan3A_14 step %scan3A_15 iter_args(%scan3A_125 = %scan3A_11) -> (i32)  : i32 {
      %mul3A_126 = arith.constant 640 : i32
      %mul3A_127 = arith.muli %arg1, %mul3A_126 : i32
      %mul3A_128 = arith.constant 64 : i32
      %mul3A_129 = arith.muli %scan3A_124, %mul3A_128 : i32
      %add3A_130 = arith.addi %mul3A_127, %mul3A_129 : i32
      %multiple_of3A_131 = tpu.assume_multiple %add3A_130, 64 : i32
      "tpu.region"() ({
        %run_scoped3A = tpu.sem_alloc : memref<!tpu.dma_semaphore, #tpu.memory_space<semaphore_mem>>
        %dma_start3A_133 = arith.constant 0 : i32
        %dma_start3A_134 = tpu.memref_slice %arg12[%multiple_of3A_131, %dma_start3A_133] : memref<10240x128xf32, #tpu.memory_space<vmem_shared>> -> memref<64x128xf32, #tpu.memory_space<vmem_shared>>
        %dma_start3A_135 = arith.constant 0 : i32
        %dma_start3A_136 = tpu.memref_slice %arg12[%multiple_of3A_131, %dma_start3A_135] : memref<10240x128xf32, #tpu.memory_space<vmem_shared>> -> memref<64x128xf32, #tpu.memory_space<vmem_shared>>
        tpu.enqueue_dma source(%arg8 : memref<64x128xf32, #tpu.memory_space<vmem>>) target(%dma_start3A_136 : memref<64x128xf32, #tpu.memory_space<vmem_shared>>) target_semaphore(%run_scoped3A : memref<!tpu.dma_semaphore, #tpu.memory_space<semaphore_mem>>)
        %dma_wait3A_137 = arith.constant 0 : i32
        %dma_wait3A_138 = tpu.memref_slice %arg12[%multiple_of3A_131, %dma_wait3A_137] : memref<10240x128xf32, #tpu.memory_space<vmem_shared>> -> memref<64x128xf32, #tpu.memory_space<vmem_shared>>
        %dma_wait3A_139 = arith.constant 0 : i32
        %dma_wait3A_140 = tpu.memref_slice %arg12[%multiple_of3A_131, %dma_wait3A_139] : memref<10240x128xf32, #tpu.memory_space<vmem_shared>> -> memref<64x128xf32, #tpu.memory_space<vmem_shared>>
        tpu.wait_dma2 semaphore(%run_scoped3A : memref<!tpu.dma_semaphore, #tpu.memory_space<semaphore_mem>>) src(%arg8 : memref<64x128xf32, #tpu.memory_space<vmem>>) dst(%dma_wait3A_140 : memref<64x128xf32, #tpu.memory_space<vmem_shared>>)
        tpu.yield
      }) : () -> ()
      %scan3A_132 = arith.constant 0 : i32
      scf.yield %scan3A_132 : i32
    }
    %scan3A_17 = arith.constant 10 : i32
    %barrier3A = arith.constant 0 : index
    tpu.barrier barrier_id(%barrier3A)
    %add3A_18 = arith.constant 0 : i32
    %add3A_19 = arith.addi %mul3A_2, %add3A_18 : i32
    %multiple_of3A_20 = tpu.assume_multiple %add3A_19, 128 : i32
    %dma_start3A = arith.constant 0 : i32
    %dma_start3A_21 = arith.constant 0 : i32
    %dma_start3A_22 = tpu.memref_slice %arg6[%dma_start3A, %dma_start3A_21] : memref<4x128xi32, #tpu.memory_space<vmem>> -> memref<1x128xi32, #tpu.memory_space<vmem>>
    %dma_start3A_23 = tpu.memref_squeeze %dma_start3A_22 : memref<1x128xi32, #tpu.memory_space<vmem>> -> memref<128xi32, #tpu.memory_space<vmem>>
    %dma_start3A_24 = tpu.memref_slice %arg3[%multiple_of3A_20] : memref<327680xi32, #tpu.memory_space<hbm>> -> memref<128xi32, #tpu.memory_space<hbm>>
    %dma_start3A_25 = arith.constant 0 : i32
    %dma_start3A_26 = tpu.memref_slice %arg6[%dma_start3A, %dma_start3A_25] : memref<4x128xi32, #tpu.memory_space<vmem>> -> memref<1x128xi32, #tpu.memory_space<vmem>>
    %dma_start3A_27 = tpu.memref_squeeze %dma_start3A_26 : memref<1x128xi32, #tpu.memory_space<vmem>> -> memref<128xi32, #tpu.memory_space<vmem>>
    %dma_start3A_28 = tpu.memref_slice %arg3[%multiple_of3A_20] : memref<327680xi32, #tpu.memory_space<hbm>> -> memref<128xi32, #tpu.memory_space<hbm>>
    tpu.enqueue_dma source(%dma_start3A_28 : memref<128xi32, #tpu.memory_space<hbm>>) target(%dma_start3A_27 : memref<128xi32, #tpu.memory_space<vmem>>) target_semaphore(%arg13 : memref<!tpu.dma_semaphore, #tpu.memory_space<semaphore_mem>>)
    %add3A_29 = arith.constant 128 : i32
    %add3A_30 = arith.addi %mul3A_2, %add3A_29 : i32
    %multiple_of3A_31 = tpu.assume_multiple %add3A_30, 128 : i32
    %dma_start3A_32 = arith.constant 1 : i32
    %dma_start3A_33 = arith.constant 0 : i32
    %dma_start3A_34 = tpu.memref_slice %arg6[%dma_start3A_32, %dma_start3A_33] : memref<4x128xi32, #tpu.memory_space<vmem>> -> memref<1x128xi32, #tpu.memory_space<vmem>>
    %dma_start3A_35 = tpu.memref_squeeze %dma_start3A_34 : memref<1x128xi32, #tpu.memory_space<vmem>> -> memref<128xi32, #tpu.memory_space<vmem>>
    %dma_start3A_36 = tpu.memref_slice %arg3[%multiple_of3A_31] : memref<327680xi32, #tpu.memory_space<hbm>> -> memref<128xi32, #tpu.memory_space<hbm>>
    %dma_start3A_37 = arith.constant 0 : i32
    %dma_start3A_38 = tpu.memref_slice %arg6[%dma_start3A_32, %dma_start3A_37] : memref<4x128xi32, #tpu.memory_space<vmem>> -> memref<1x128xi32, #tpu.memory_space<vmem>>
    %dma_start3A_39 = tpu.memref_squeeze %dma_start3A_38 : memref<1x128xi32, #tpu.memory_space<vmem>> -> memref<128xi32, #tpu.memory_space<vmem>>
    %dma_start3A_40 = tpu.memref_slice %arg3[%multiple_of3A_31] : memref<327680xi32, #tpu.memory_space<hbm>> -> memref<128xi32, #tpu.memory_space<hbm>>
    tpu.enqueue_dma source(%dma_start3A_40 : memref<128xi32, #tpu.memory_space<hbm>>) target(%dma_start3A_39 : memref<128xi32, #tpu.memory_space<vmem>>) target_semaphore(%arg14 : memref<!tpu.dma_semaphore, #tpu.memory_space<semaphore_mem>>)
    %add3A_41 = arith.constant 256 : i32
    %add3A_42 = arith.addi %mul3A_2, %add3A_41 : i32
    %multiple_of3A_43 = tpu.assume_multiple %add3A_42, 128 : i32
    %dma_start3A_44 = arith.constant 2 : i32
    %dma_start3A_45 = arith.constant 0 : i32
    %dma_start3A_46 = tpu.memref_slice %arg6[%dma_start3A_44, %dma_start3A_45] : memref<4x128xi32, #tpu.memory_space<vmem>> -> memref<1x128xi32, #tpu.memory_space<vmem>>
    %dma_start3A_47 = tpu.memref_squeeze %dma_start3A_46 : memref<1x128xi32, #tpu.memory_space<vmem>> -> memref<128xi32, #tpu.memory_space<vmem>>
    %dma_start3A_48 = tpu.memref_slice %arg3[%multiple_of3A_43] : memref<327680xi32, #tpu.memory_space<hbm>> -> memref<128xi32, #tpu.memory_space<hbm>>
    %dma_start3A_49 = arith.constant 0 : i32
    %dma_start3A_50 = tpu.memref_slice %arg6[%dma_start3A_44, %dma_start3A_49] : memref<4x128xi32, #tpu.memory_space<vmem>> -> memref<1x128xi32, #tpu.memory_space<vmem>>
    %dma_start3A_51 = tpu.memref_squeeze %dma_start3A_50 : memref<1x128xi32, #tpu.memory_space<vmem>> -> memref<128xi32, #tpu.memory_space<vmem>>
    %dma_start3A_52 = tpu.memref_slice %arg3[%multiple_of3A_43] : memref<327680xi32, #tpu.memory_space<hbm>> -> memref<128xi32, #tpu.memory_space<hbm>>
    tpu.enqueue_dma source(%dma_start3A_52 : memref<128xi32, #tpu.memory_space<hbm>>) target(%dma_start3A_51 : memref<128xi32, #tpu.memory_space<vmem>>) target_semaphore(%arg15 : memref<!tpu.dma_semaphore, #tpu.memory_space<semaphore_mem>>)
    %add3A_53 = arith.constant 384 : i32
    %add3A_54 = arith.addi %mul3A_2, %add3A_53 : i32
    %multiple_of3A_55 = tpu.assume_multiple %add3A_54, 128 : i32
    %dma_start3A_56 = arith.constant 3 : i32
    %dma_start3A_57 = arith.constant 0 : i32
    %dma_start3A_58 = tpu.memref_slice %arg6[%dma_start3A_56, %dma_start3A_57] : memref<4x128xi32, #tpu.memory_space<vmem>> -> memref<1x128xi32, #tpu.memory_space<vmem>>
    %dma_start3A_59 = tpu.memref_squeeze %dma_start3A_58 : memref<1x128xi32, #tpu.memory_space<vmem>> -> memref<128xi32, #tpu.memory_space<vmem>>
    %dma_start3A_60 = tpu.memref_slice %arg3[%multiple_of3A_55] : memref<327680xi32, #tpu.memory_space<hbm>> -> memref<128xi32, #tpu.memory_space<hbm>>
    %dma_start3A_61 = arith.constant 0 : i32
    %dma_start3A_62 = tpu.memref_slice %arg6[%dma_start3A_56, %dma_start3A_61] : memref<4x128xi32, #tpu.memory_space<vmem>> -> memref<1x128xi32, #tpu.memory_space<vmem>>
    %dma_start3A_63 = tpu.memref_squeeze %dma_start3A_62 : memref<1x128xi32, #tpu.memory_space<vmem>> -> memref<128xi32, #tpu.memory_space<vmem>>
    %dma_start3A_64 = tpu.memref_slice %arg3[%multiple_of3A_55] : memref<327680xi32, #tpu.memory_space<hbm>> -> memref<128xi32, #tpu.memory_space<hbm>>
    tpu.enqueue_dma source(%dma_start3A_64 : memref<128xi32, #tpu.memory_space<hbm>>) target(%dma_start3A_63 : memref<128xi32, #tpu.memory_space<vmem>>) target_semaphore(%arg16 : memref<!tpu.dma_semaphore, #tpu.memory_space<semaphore_mem>>)
    %dma_wait3A = arith.constant 0 : i32
    %dma_wait3A_65 = arith.constant 0 : i32
    %dma_wait3A_66 = tpu.memref_slice %arg6[%dma_wait3A, %dma_wait3A_65] : memref<4x128xi32, #tpu.memory_space<vmem>> -> memref<1x128xi32, #tpu.memory_space<vmem>>
    %dma_wait3A_67 = tpu.memref_squeeze %dma_wait3A_66 : memref<1x128xi32, #tpu.memory_space<vmem>> -> memref<128xi32, #tpu.memory_space<vmem>>
    %dma_wait3A_68 = arith.constant 0 : i32
    %dma_wait3A_69 = tpu.memref_slice %arg3[%dma_wait3A_68] : memref<327680xi32, #tpu.memory_space<hbm>> -> memref<128xi32, #tpu.memory_space<hbm>>
    %dma_wait3A_70 = arith.constant 0 : i32
    %dma_wait3A_71 = tpu.memref_slice %arg6[%dma_wait3A, %dma_wait3A_70] : memref<4x128xi32, #tpu.memory_space<vmem>> -> memref<1x128xi32, #tpu.memory_space<vmem>>
    %dma_wait3A_72 = tpu.memref_squeeze %dma_wait3A_71 : memref<1x128xi32, #tpu.memory_space<vmem>> -> memref<128xi32, #tpu.memory_space<vmem>>
    %dma_wait3A_73 = arith.constant 0 : i32
    %dma_wait3A_74 = tpu.memref_slice %arg3[%dma_wait3A_73] : memref<327680xi32, #tpu.memory_space<hbm>> -> memref<128xi32, #tpu.memory_space<hbm>>
    tpu.wait_dma2 semaphore(%arg13 : memref<!tpu.dma_semaphore, #tpu.memory_space<semaphore_mem>>) src(%dma_wait3A_74 : memref<128xi32, #tpu.memory_space<hbm>>) dst(%dma_wait3A_72 : memref<128xi32, #tpu.memory_space<vmem>>)
    %dma_start3A_75 = arith.constant 0 : i32
    %dma_start3A_76 = arith.constant 0 : i32
    %dma_start3A_77 = tpu.memref_slice %arg6[%dma_start3A_75, %dma_start3A_76] : memref<4x128xi32, #tpu.memory_space<vmem>> -> memref<1x64xi32, #tpu.memory_space<vmem>>
    %dma_start3A_78 = tpu.memref_squeeze %dma_start3A_77 : memref<1x64xi32, #tpu.memory_space<vmem>> -> memref<64xi32, #tpu.memory_space<vmem>>
    %dma_start3A_79 = arith.constant 0 : i32
    %dma_start3A_80 = arith.constant 0 : i32
    %dma_start3A_81 = tpu.memref_slice %arg2[%dma_start3A_79, %dma_start3A_80] : memref<10240x128xf32, #tpu.memory_space<hbm>> -> memref<10240x128xf32, #tpu.memory_space<hbm>>
    tpu.enqueue_indirect_dma source(%dma_start3A_81 : memref<10240x128xf32, #tpu.memory_space<hbm>>) target(%arg8 : memref<64x128xf32, #tpu.memory_space<vmem>>) offsets(%dma_start3A_78 : memref<64xi32, #tpu.memory_space<vmem>>) semaphore(%arg17 : memref<!tpu.dma_semaphore, #tpu.memory_space<semaphore_mem>>)
    %dma_start3A_82 = arith.constant 0 : i32
    %dma_start3A_83 = arith.constant 64 : i32
    %dma_start3A_84 = tpu.memref_slice %arg6[%dma_start3A_82, %dma_start3A_83] : memref<4x128xi32, #tpu.memory_space<vmem>> -> memref<1x64xi32, #tpu.memory_space<vmem>>
    %dma_start3A_85 = tpu.memref_squeeze %dma_start3A_84 : memref<1x64xi32, #tpu.memory_space<vmem>> -> memref<64xi32, #tpu.memory_space<vmem>>
    %dma_start3A_86 = arith.constant 0 : i32
    %dma_start3A_87 = arith.constant 0 : i32
    %dma_start3A_88 = tpu.memref_slice %arg2[%dma_start3A_86, %dma_start3A_87] : memref<10240x128xf32, #tpu.memory_space<hbm>> -> memref<10240x128xf32, #tpu.memory_space<hbm>>
    tpu.enqueue_indirect_dma source(%dma_start3A_88 : memref<10240x128xf32, #tpu.memory_space<hbm>>) target(%arg9 : memref<64x128xf32, #tpu.memory_space<vmem>>) offsets(%dma_start3A_85 : memref<64xi32, #tpu.memory_space<vmem>>) semaphore(%arg18 : memref<!tpu.dma_semaphore, #tpu.memory_space<semaphore_mem>>)
    %scan3A_89 = arith.constant 0 : i32
    %scan3A_90 = arith.constant 0 : i32
    %scan3A_91 = arith.constant 20 : i32
    %scan3A_92 = arith.addi %scan3A_90, %scan3A_91 : i32
    %scan3A_93 = arith.constant 1 : i32
    %scan3A_94 = scf.for %scan3A_124 = %scan3A_90 to %scan3A_92 step %scan3A_93 iter_args(%scan3A_125 = %scan3A_89) -> (i32)  : i32 {
      %mul3A_126 = arith.constant 8 : i32
      %mul3A_127 = arith.muli %scan3A_124, %mul3A_126 : i32
      %add3A_128 = arith.constant 0 : i32
      %add3A_129 = arith.addi %mul3A_127, %add3A_128 : i32
      %ge3A = arith.constant 2 : i32
      %ge3A_130 = arith.cmpi sge, %add3A_129, %ge3A : i32
      %add3A_131 = arith.constant 2 : i32
      %add3A_132 = arith.addi %add3A_129, %add3A_131 : i32
      %lt3A = arith.constant 160 : i32
      %lt3A_133 = arith.cmpi slt, %add3A_132, %lt3A : i32
      %and3A = arith.andi %ge3A_130, %lt3A_133 : i1
      %convert_element_type3A = arith.extui %and3A : i1 to i32
      %cond3A = arith.constant 0 : i32
      %cond3A_134 = arith.cmpi ne, %convert_element_type3A, %cond3A : i32
      scf.if %cond3A_134 {
        %dma_wait3A_667 = arith.constant 0 : i32
        %dma_wait3A_668 = arith.constant 0 : i32
        %dma_wait3A_669 = tpu.memref_slice %arg12[%dma_wait3A_667, %dma_wait3A_668] : memref<10240x128xf32, #tpu.memory_space<vmem_shared>> -> memref<64x128xf32, #tpu.memory_space<vmem_shared>>
        %dma_wait3A_670 = arith.constant 0 : i32
        %dma_wait3A_671 = arith.constant 0 : i32
        %dma_wait3A_672 = tpu.memref_slice %arg12[%dma_wait3A_670, %dma_wait3A_671] : memref<10240x128xf32, #tpu.memory_space<vmem_shared>> -> memref<64x128xf32, #tpu.memory_space<vmem_shared>>
        tpu.wait_dma2 semaphore(%arg23 : memref<!tpu.dma_semaphore, #tpu.memory_space<semaphore_mem>>) src(%arg10 : memref<64x128xf32, #tpu.memory_space<vmem>>) dst(%dma_wait3A_672 : memref<64x128xf32, #tpu.memory_space<vmem_shared>>)
      } else {
      }
      %add3A_135 = arith.constant 2 : i32
      %add3A_136 = arith.addi %add3A_129, %add3A_135 : i32
      %lt3A_137 = arith.constant 160 : i32
      %lt3A_138 = arith.cmpi slt, %add3A_136, %lt3A_137 : i32
      %convert_element_type3A_139 = arith.extui %lt3A_138 : i1 to i32
      %cond3A_140 = arith.constant 0 : i32
      %cond3A_141 = arith.cmpi ne, %convert_element_type3A_139, %cond3A_140 : i32
      scf.if %cond3A_141 {
        %dma_wait3A_667 = arith.constant 1 : i32
        %dma_wait3A_668 = arith.constant 0 : i32
        %dma_wait3A_669 = tpu.memref_slice %arg6[%dma_wait3A_667, %dma_wait3A_668] : memref<4x128xi32, #tpu.memory_space<vmem>> -> memref<1x128xi32, #tpu.memory_space<vmem>>
        %dma_wait3A_670 = tpu.memref_squeeze %dma_wait3A_669 : memref<1x128xi32, #tpu.memory_space<vmem>> -> memref<128xi32, #tpu.memory_space<vmem>>
        %dma_wait3A_671 = arith.constant 0 : i32
        %dma_wait3A_672 = tpu.memref_slice %arg3[%dma_wait3A_671] : memref<327680xi32, #tpu.memory_space<hbm>> -> memref<128xi32, #tpu.memory_space<hbm>>
        %dma_wait3A_673 = arith.constant 0 : i32
        %dma_wait3A_674 = tpu.memref_slice %arg6[%dma_wait3A_667, %dma_wait3A_673] : memref<4x128xi32, #tpu.memory_space<vmem>> -> memref<1x128xi32, #tpu.memory_space<vmem>>
        %dma_wait3A_675 = tpu.memref_squeeze %dma_wait3A_674 : memref<1x128xi32, #tpu.memory_space<vmem>> -> memref<128xi32, #tpu.memory_space<vmem>>
        %dma_wait3A_676 = arith.constant 0 : i32
        %dma_wait3A_677 = tpu.memref_slice %arg3[%dma_wait3A_676] : memref<327680xi32, #tpu.memory_space<hbm>> -> memref<128xi32, #tpu.memory_space<hbm>>
        tpu.wait_dma2 semaphore(%arg14 : memref<!tpu.dma_semaphore, #tpu.memory_space<semaphore_mem>>) src(%dma_wait3A_677 : memref<128xi32, #tpu.memory_space<hbm>>) dst(%dma_wait3A_675 : memref<128xi32, #tpu.memory_space<vmem>>)
        %dma_start3A_678 = arith.constant 1 : i32
        %dma_start3A_679 = arith.constant 0 : i32
        %dma_start3A_680 = tpu.memref_slice %arg6[%dma_start3A_678, %dma_start3A_679] : memref<4x128xi32, #tpu.memory_space<vmem>> -> memref<1x64xi32, #tpu.memory_space<vmem>>
        %dma_start3A_681 = tpu.memref_squeeze %dma_start3A_680 : memref<1x64xi32, #tpu.memory_space<vmem>> -> memref<64xi32, #tpu.memory_space<vmem>>
        %dma_start3A_682 = arith.constant 0 : i32
        %dma_start3A_683 = arith.constant 0 : i32
        %dma_start3A_684 = tpu.memref_slice %arg2[%dma_start3A_682, %dma_start3A_683] : memref<10240x128xf32, #tpu.memory_space<hbm>> -> memref<10240x128xf32, #tpu.memory_space<hbm>>
        tpu.enqueue_indirect_dma source(%dma_start3A_684 : memref<10240x128xf32, #tpu.memory_space<hbm>>) target(%arg10 : memref<64x128xf32, #tpu.memory_space<vmem>>) offsets(%dma_start3A_681 : memref<64xi32, #tpu.memory_space<vmem>>) semaphore(%arg19 : memref<!tpu.dma_semaphore, #tpu.memory_space<semaphore_mem>>)
      } else {
      }
      %dma_wait3A_142 = arith.constant 0 : i32
      %dma_wait3A_143 = arith.constant 0 : i32
      %dma_wait3A_144 = tpu.memref_slice %arg6[%dma_wait3A_142, %dma_wait3A_143] : memref<4x128xi32, #tpu.memory_space<vmem>> -> memref<1x64xi32, #tpu.memory_space<vmem>>
      %dma_wait3A_145 = tpu.memref_squeeze %dma_wait3A_144 : memref<1x64xi32, #tpu.memory_space<vmem>> -> memref<64xi32, #tpu.memory_space<vmem>>
      %dma_wait3A_146 = arith.constant 0 : i32
      %dma_wait3A_147 = arith.constant 0 : i32
      %dma_wait3A_148 = tpu.memref_slice %arg2[%dma_wait3A_146, %dma_wait3A_147] : memref<10240x128xf32, #tpu.memory_space<hbm>> -> memref<10240x128xf32, #tpu.memory_space<hbm>>
      tpu.wait_indirect_dma semaphore(%arg17 : memref<!tpu.dma_semaphore, #tpu.memory_space<semaphore_mem>>) src(%dma_wait3A_148 : memref<10240x128xf32, #tpu.memory_space<hbm>>) dst(%arg8 : memref<64x128xf32, #tpu.memory_space<vmem>>)
      %div3A = arith.constant 2 : i32
      %div3A_149 = arith.divsi %add3A_129, %div3A : i32
      %dma_start3A_150 = arith.constant 0 : i32
      %dma_start3A_151 = tpu.memref_slice %arg7[%div3A_149, %dma_start3A_150] : memref<80x128xi32, #tpu.memory_space<vmem>> -> memref<1x64xi32, #tpu.memory_space<vmem>>
      %dma_start3A_152 = tpu.memref_squeeze %dma_start3A_151 : memref<1x64xi32, #tpu.memory_space<vmem>> -> memref<64xi32, #tpu.memory_space<vmem>>
      %dma_start3A_153 = arith.constant 0 : i32
      %dma_start3A_154 = arith.constant 0 : i32
      %dma_start3A_155 = tpu.memref_slice %arg12[%dma_start3A_153, %dma_start3A_154] : memref<10240x128xf32, #tpu.memory_space<vmem_shared>> -> memref<10240x128xf32, #tpu.memory_space<vmem_shared>>
      tpu.enqueue_indirect_dma source(%arg8 : memref<64x128xf32, #tpu.memory_space<vmem>>) target(%dma_start3A_155 : memref<10240x128xf32, #tpu.memory_space<vmem_shared>>) offsets(%dma_start3A_152 : memref<64xi32, #tpu.memory_space<vmem>>) semaphore(%arg21 : memref<!tpu.dma_semaphore, #tpu.memory_space<semaphore_mem>>) {add = true}
      %jit3A = arith.constant 2 : i32
      %div3A_156 = arith.divsi %add3A_129, %jit3A : i32
      %sign3A = arith.constant 0 : i32
      %sign3A_157 = arith.cmpi sgt, %add3A_129, %sign3A : i32
      %sign3A_158 = arith.extui %sign3A_157 : i1 to i32
      %sign3A_159 = arith.constant 0 : i32
      %sign3A_160 = arith.cmpi slt, %add3A_129, %sign3A_159 : i32
      %sign3A_161 = arith.extui %sign3A_160 : i1 to i32
      %sign3A_162 = arith.subi %sign3A_158, %sign3A_161 : i32
      %sign3A_163 = arith.constant 0 : i32
      %sign3A_164 = arith.cmpi sgt, %jit3A, %sign3A_163 : i32
      %sign3A_165 = arith.extui %sign3A_164 : i1 to i32
      %sign3A_166 = arith.constant 0 : i32
      %sign3A_167 = arith.cmpi slt, %jit3A, %sign3A_166 : i32
      %sign3A_168 = arith.extui %sign3A_167 : i1 to i32
      %sign3A_169 = arith.subi %sign3A_165, %sign3A_168 : i32
      %ne3A = arith.cmpi ne, %sign3A_162, %sign3A_169 : i32
      %rem3A = arith.remsi %add3A_129, %jit3A : i32
      %ne3A_170 = arith.constant 0 : i32
      %ne3A_171 = arith.cmpi ne, %rem3A, %ne3A_170 : i32
      %and3A_172 = arith.andi %ne3A, %ne3A_171 : i1
      %sub3A = arith.constant 1 : i32
      %sub3A_173 = arith.subi %div3A_156, %sub3A : i32
      %select_n3A = arith.select %and3A_172, %sub3A_173, %div3A_156 : i32
      %add3A_174 = arith.constant 4 : i32
      %add3A_175 = arith.addi %select_n3A, %add3A_174 : i32
      %lt3A_176 = arith.constant 80 : i32
      %lt3A_177 = arith.cmpi slt, %add3A_175, %lt3A_176 : i32
      %and3A_178 = arith.constant false
      %and3A_179 = arith.andi %and3A_178, %lt3A_177 : i1
      %convert_element_type3A_180 = arith.extui %and3A_179 : i1 to i32
      %cond3A_181 = arith.constant 0 : i32
      %cond3A_182 = arith.cmpi ne, %convert_element_type3A_180, %cond3A_181 : i32
      scf.if %cond3A_182 {
        %jit3A_667 = arith.constant 2 : i32
        %div3A_668 = arith.divsi %add3A_129, %jit3A_667 : i32
        %sign3A_669 = arith.constant 0 : i32
        %sign3A_670 = arith.cmpi sgt, %add3A_129, %sign3A_669 : i32
        %sign3A_671 = arith.extui %sign3A_670 : i1 to i32
        %sign3A_672 = arith.constant 0 : i32
        %sign3A_673 = arith.cmpi slt, %add3A_129, %sign3A_672 : i32
        %sign3A_674 = arith.extui %sign3A_673 : i1 to i32
        %sign3A_675 = arith.subi %sign3A_671, %sign3A_674 : i32
        %sign3A_676 = arith.constant 0 : i32
        %sign3A_677 = arith.cmpi sgt, %jit3A_667, %sign3A_676 : i32
        %sign3A_678 = arith.extui %sign3A_677 : i1 to i32
        %sign3A_679 = arith.constant 0 : i32
        %sign3A_680 = arith.cmpi slt, %jit3A_667, %sign3A_679 : i32
        %sign3A_681 = arith.extui %sign3A_680 : i1 to i32
        %sign3A_682 = arith.subi %sign3A_678, %sign3A_681 : i32
        %ne3A_683 = arith.cmpi ne, %sign3A_675, %sign3A_682 : i32
        %rem3A_684 = arith.remsi %add3A_129, %jit3A_667 : i32
        %ne3A_685 = arith.constant 0 : i32
        %ne3A_686 = arith.cmpi ne, %rem3A_684, %ne3A_685 : i32
        %and3A_687 = arith.andi %ne3A_683, %ne3A_686 : i1
        %sub3A_688 = arith.constant 1 : i32
        %sub3A_689 = arith.subi %div3A_668, %sub3A_688 : i32
        %select_n3A_690 = arith.select %and3A_687, %sub3A_689, %div3A_668 : i32
        %add3A_691 = arith.constant 4 : i32
        %add3A_692 = arith.addi %select_n3A_690, %add3A_691 : i32
        %mul3A_693 = arith.constant 128 : i32
        %mul3A_694 = arith.muli %add3A_692, %mul3A_693 : i32
        %add3A_695 = arith.addi %mul3A_2, %mul3A_694 : i32
        %multiple_of3A_696 = tpu.assume_multiple %add3A_695, 128 : i32
        %dma_start3A_697 = arith.constant 0 : i32
        %dma_start3A_698 = arith.constant 0 : i32
        %dma_start3A_699 = tpu.memref_slice %arg6[%dma_start3A_697, %dma_start3A_698] : memref<4x128xi32, #tpu.memory_space<vmem>> -> memref<1x128xi32, #tpu.memory_space<vmem>>
        %dma_start3A_700 = tpu.memref_squeeze %dma_start3A_699 : memref<1x128xi32, #tpu.memory_space<vmem>> -> memref<128xi32, #tpu.memory_space<vmem>>
        %dma_start3A_701 = tpu.memref_slice %arg3[%multiple_of3A_696] : memref<327680xi32, #tpu.memory_space<hbm>> -> memref<128xi32, #tpu.memory_space<hbm>>
        %dma_start3A_702 = arith.constant 0 : i32
        %dma_start3A_703 = tpu.memref_slice %arg6[%dma_start3A_697, %dma_start3A_702] : memref<4x128xi32, #tpu.memory_space<vmem>> -> memref<1x128xi32, #tpu.memory_space<vmem>>
        %dma_start3A_704 = tpu.memref_squeeze %dma_start3A_703 : memref<1x128xi32, #tpu.memory_space<vmem>> -> memref<128xi32, #tpu.memory_space<vmem>>
        %dma_start3A_705 = tpu.memref_slice %arg3[%multiple_of3A_696] : memref<327680xi32, #tpu.memory_space<hbm>> -> memref<128xi32, #tpu.memory_space<hbm>>
        tpu.enqueue_dma source(%dma_start3A_705 : memref<128xi32, #tpu.memory_space<hbm>>) target(%dma_start3A_704 : memref<128xi32, #tpu.memory_space<vmem>>) target_semaphore(%arg13 : memref<!tpu.dma_semaphore, #tpu.memory_space<semaphore_mem>>)
      } else {
      }
      %mul3A_183 = arith.constant 8 : i32
      %mul3A_184 = arith.muli %scan3A_124, %mul3A_183 : i32
      %add3A_185 = arith.constant 1 : i32
      %add3A_186 = arith.addi %mul3A_184, %add3A_185 : i32
      %ge3A_187 = arith.constant 2 : i32
      %ge3A_188 = arith.cmpi sge, %add3A_186, %ge3A_187 : i32
      %add3A_189 = arith.constant 2 : i32
      %add3A_190 = arith.addi %add3A_186, %add3A_189 : i32
      %lt3A_191 = arith.constant 160 : i32
      %lt3A_192 = arith.cmpi slt, %add3A_190, %lt3A_191 : i32
      %and3A_193 = arith.andi %ge3A_188, %lt3A_192 : i1
      %convert_element_type3A_194 = arith.extui %and3A_193 : i1 to i32
      %cond3A_195 = arith.constant 0 : i32
      %cond3A_196 = arith.cmpi ne, %convert_element_type3A_194, %cond3A_195 : i32
      scf.if %cond3A_196 {
        %dma_wait3A_667 = arith.constant 0 : i32
        %dma_wait3A_668 = arith.constant 0 : i32
        %dma_wait3A_669 = tpu.memref_slice %arg12[%dma_wait3A_667, %dma_wait3A_668] : memref<10240x128xf32, #tpu.memory_space<vmem_shared>> -> memref<64x128xf32, #tpu.memory_space<vmem_shared>>
        %dma_wait3A_670 = arith.constant 0 : i32
        %dma_wait3A_671 = arith.constant 0 : i32
        %dma_wait3A_672 = tpu.memref_slice %arg12[%dma_wait3A_670, %dma_wait3A_671] : memref<10240x128xf32, #tpu.memory_space<vmem_shared>> -> memref<64x128xf32, #tpu.memory_space<vmem_shared>>
        tpu.wait_dma2 semaphore(%arg24 : memref<!tpu.dma_semaphore, #tpu.memory_space<semaphore_mem>>) src(%arg11 : memref<64x128xf32, #tpu.memory_space<vmem>>) dst(%dma_wait3A_672 : memref<64x128xf32, #tpu.memory_space<vmem_shared>>)
      } else {
      }
      %add3A_197 = arith.constant 2 : i32
      %add3A_198 = arith.addi %add3A_186, %add3A_197 : i32
      %lt3A_199 = arith.constant 160 : i32
      %lt3A_200 = arith.cmpi slt, %add3A_198, %lt3A_199 : i32
      %convert_element_type3A_201 = arith.extui %lt3A_200 : i1 to i32
      %cond3A_202 = arith.constant 0 : i32
      %cond3A_203 = arith.cmpi ne, %convert_element_type3A_201, %cond3A_202 : i32
      scf.if %cond3A_203 {
        %dma_start3A_667 = arith.constant 1 : i32
        %dma_start3A_668 = arith.constant 64 : i32
        %dma_start3A_669 = tpu.memref_slice %arg6[%dma_start3A_667, %dma_start3A_668] : memref<4x128xi32, #tpu.memory_space<vmem>> -> memref<1x64xi32, #tpu.memory_space<vmem>>
        %dma_start3A_670 = tpu.memref_squeeze %dma_start3A_669 : memref<1x64xi32, #tpu.memory_space<vmem>> -> memref<64xi32, #tpu.memory_space<vmem>>
        %dma_start3A_671 = arith.constant 0 : i32
        %dma_start3A_672 = arith.constant 0 : i32
        %dma_start3A_673 = tpu.memref_slice %arg2[%dma_start3A_671, %dma_start3A_672] : memref<10240x128xf32, #tpu.memory_space<hbm>> -> memref<10240x128xf32, #tpu.memory_space<hbm>>
        tpu.enqueue_indirect_dma source(%dma_start3A_673 : memref<10240x128xf32, #tpu.memory_space<hbm>>) target(%arg11 : memref<64x128xf32, #tpu.memory_space<vmem>>) offsets(%dma_start3A_670 : memref<64xi32, #tpu.memory_space<vmem>>) semaphore(%arg20 : memref<!tpu.dma_semaphore, #tpu.memory_space<semaphore_mem>>)
      } else {
      }
      %dma_wait3A_204 = arith.constant 0 : i32
      %dma_wait3A_205 = arith.constant 0 : i32
      %dma_wait3A_206 = tpu.memref_slice %arg6[%dma_wait3A_204, %dma_wait3A_205] : memref<4x128xi32, #tpu.memory_space<vmem>> -> memref<1x64xi32, #tpu.memory_space<vmem>>
      %dma_wait3A_207 = tpu.memref_squeeze %dma_wait3A_206 : memref<1x64xi32, #tpu.memory_space<vmem>> -> memref<64xi32, #tpu.memory_space<vmem>>
      %dma_wait3A_208 = arith.constant 0 : i32
      %dma_wait3A_209 = arith.constant 0 : i32
      %dma_wait3A_210 = tpu.memref_slice %arg2[%dma_wait3A_208, %dma_wait3A_209] : memref<10240x128xf32, #tpu.memory_space<hbm>> -> memref<10240x128xf32, #tpu.memory_space<hbm>>
      tpu.wait_indirect_dma semaphore(%arg18 : memref<!tpu.dma_semaphore, #tpu.memory_space<semaphore_mem>>) src(%dma_wait3A_210 : memref<10240x128xf32, #tpu.memory_space<hbm>>) dst(%arg9 : memref<64x128xf32, #tpu.memory_space<vmem>>)
      %div3A_211 = arith.constant 2 : i32
      %div3A_212 = arith.divsi %add3A_186, %div3A_211 : i32
      %dma_start3A_213 = arith.constant 64 : i32
      %dma_start3A_214 = tpu.memref_slice %arg7[%div3A_212, %dma_start3A_213] : memref<80x128xi32, #tpu.memory_space<vmem>> -> memref<1x64xi32, #tpu.memory_space<vmem>>
      %dma_start3A_215 = tpu.memref_squeeze %dma_start3A_214 : memref<1x64xi32, #tpu.memory_space<vmem>> -> memref<64xi32, #tpu.memory_space<vmem>>
      %dma_start3A_216 = arith.constant 0 : i32
      %dma_start3A_217 = arith.constant 0 : i32
      %dma_start3A_218 = tpu.memref_slice %arg12[%dma_start3A_216, %dma_start3A_217] : memref<10240x128xf32, #tpu.memory_space<vmem_shared>> -> memref<10240x128xf32, #tpu.memory_space<vmem_shared>>
      tpu.enqueue_indirect_dma source(%arg9 : memref<64x128xf32, #tpu.memory_space<vmem>>) target(%dma_start3A_218 : memref<10240x128xf32, #tpu.memory_space<vmem_shared>>) offsets(%dma_start3A_215 : memref<64xi32, #tpu.memory_space<vmem>>) semaphore(%arg22 : memref<!tpu.dma_semaphore, #tpu.memory_space<semaphore_mem>>) {add = true}
      %jit3A_219 = arith.constant 2 : i32
      %div3A_220 = arith.divsi %add3A_186, %jit3A_219 : i32
      %sign3A_221 = arith.constant 0 : i32
      %sign3A_222 = arith.cmpi sgt, %add3A_186, %sign3A_221 : i32
      %sign3A_223 = arith.extui %sign3A_222 : i1 to i32
      %sign3A_224 = arith.constant 0 : i32
      %sign3A_225 = arith.cmpi slt, %add3A_186, %sign3A_224 : i32
      %sign3A_226 = arith.extui %sign3A_225 : i1 to i32
      %sign3A_227 = arith.subi %sign3A_223, %sign3A_226 : i32
      %sign3A_228 = arith.constant 0 : i32
      %sign3A_229 = arith.cmpi sgt, %jit3A_219, %sign3A_228 : i32
      %sign3A_230 = arith.extui %sign3A_229 : i1 to i32
      %sign3A_231 = arith.constant 0 : i32
      %sign3A_232 = arith.cmpi slt, %jit3A_219, %sign3A_231 : i32
      %sign3A_233 = arith.extui %sign3A_232 : i1 to i32
      %sign3A_234 = arith.subi %sign3A_230, %sign3A_233 : i32
      %ne3A_235 = arith.cmpi ne, %sign3A_227, %sign3A_234 : i32
      %rem3A_236 = arith.remsi %add3A_186, %jit3A_219 : i32
      %ne3A_237 = arith.constant 0 : i32
      %ne3A_238 = arith.cmpi ne, %rem3A_236, %ne3A_237 : i32
      %and3A_239 = arith.andi %ne3A_235, %ne3A_238 : i1
      %sub3A_240 = arith.constant 1 : i32
      %sub3A_241 = arith.subi %div3A_220, %sub3A_240 : i32
      %select_n3A_242 = arith.select %and3A_239, %sub3A_241, %div3A_220 : i32
      %add3A_243 = arith.constant 4 : i32
      %add3A_244 = arith.addi %select_n3A_242, %add3A_243 : i32
      %lt3A_245 = arith.constant 80 : i32
      %lt3A_246 = arith.cmpi slt, %add3A_244, %lt3A_245 : i32
      %and3A_247 = arith.constant true
      %and3A_248 = arith.andi %and3A_247, %lt3A_246 : i1
      %convert_element_type3A_249 = arith.extui %and3A_248 : i1 to i32
      %cond3A_250 = arith.constant 0 : i32
      %cond3A_251 = arith.cmpi ne, %convert_element_type3A_249, %cond3A_250 : i32
      scf.if %cond3A_251 {
        %jit3A_667 = arith.constant 2 : i32
        %div3A_668 = arith.divsi %add3A_186, %jit3A_667 : i32
        %sign3A_669 = arith.constant 0 : i32
        %sign3A_670 = arith.cmpi sgt, %add3A_186, %sign3A_669 : i32
        %sign3A_671 = arith.extui %sign3A_670 : i1 to i32
        %sign3A_672 = arith.constant 0 : i32
        %sign3A_673 = arith.cmpi slt, %add3A_186, %sign3A_672 : i32
        %sign3A_674 = arith.extui %sign3A_673 : i1 to i32
        %sign3A_675 = arith.subi %sign3A_671, %sign3A_674 : i32
        %sign3A_676 = arith.constant 0 : i32
        %sign3A_677 = arith.cmpi sgt, %jit3A_667, %sign3A_676 : i32
        %sign3A_678 = arith.extui %sign3A_677 : i1 to i32
        %sign3A_679 = arith.constant 0 : i32
        %sign3A_680 = arith.cmpi slt, %jit3A_667, %sign3A_679 : i32
        %sign3A_681 = arith.extui %sign3A_680 : i1 to i32
        %sign3A_682 = arith.subi %sign3A_678, %sign3A_681 : i32
        %ne3A_683 = arith.cmpi ne, %sign3A_675, %sign3A_682 : i32
        %rem3A_684 = arith.remsi %add3A_186, %jit3A_667 : i32
        %ne3A_685 = arith.constant 0 : i32
        %ne3A_686 = arith.cmpi ne, %rem3A_684, %ne3A_685 : i32
        %and3A_687 = arith.andi %ne3A_683, %ne3A_686 : i1
        %sub3A_688 = arith.constant 1 : i32
        %sub3A_689 = arith.subi %div3A_668, %sub3A_688 : i32
        %select_n3A_690 = arith.select %and3A_687, %sub3A_689, %div3A_668 : i32
        %add3A_691 = arith.constant 4 : i32
        %add3A_692 = arith.addi %select_n3A_690, %add3A_691 : i32
        %mul3A_693 = arith.constant 128 : i32
        %mul3A_694 = arith.muli %add3A_692, %mul3A_693 : i32
        %add3A_695 = arith.addi %mul3A_2, %mul3A_694 : i32
        %multiple_of3A_696 = tpu.assume_multiple %add3A_695, 128 : i32
        %dma_start3A_697 = arith.constant 0 : i32
        %dma_start3A_698 = arith.constant 0 : i32
        %dma_start3A_699 = tpu.memref_slice %arg6[%dma_start3A_697, %dma_start3A_698] : memref<4x128xi32, #tpu.memory_space<vmem>> -> memref<1x128xi32, #tpu.memory_space<vmem>>
        %dma_start3A_700 = tpu.memref_squeeze %dma_start3A_699 : memref<1x128xi32, #tpu.memory_space<vmem>> -> memref<128xi32, #tpu.memory_space<vmem>>
        %dma_start3A_701 = tpu.memref_slice %arg3[%multiple_of3A_696] : memref<327680xi32, #tpu.memory_space<hbm>> -> memref<128xi32, #tpu.memory_space<hbm>>
        %dma_start3A_702 = arith.constant 0 : i32
        %dma_start3A_703 = tpu.memref_slice %arg6[%dma_start3A_697, %dma_start3A_702] : memref<4x128xi32, #tpu.memory_space<vmem>> -> memref<1x128xi32, #tpu.memory_space<vmem>>
        %dma_start3A_704 = tpu.memref_squeeze %dma_start3A_703 : memref<1x128xi32, #tpu.memory_space<vmem>> -> memref<128xi32, #tpu.memory_space<vmem>>
        %dma_start3A_705 = tpu.memref_slice %arg3[%multiple_of3A_696] : memref<327680xi32, #tpu.memory_space<hbm>> -> memref<128xi32, #tpu.memory_space<hbm>>
        tpu.enqueue_dma source(%dma_start3A_705 : memref<128xi32, #tpu.memory_space<hbm>>) target(%dma_start3A_704 : memref<128xi32, #tpu.memory_space<vmem>>) target_semaphore(%arg13 : memref<!tpu.dma_semaphore, #tpu.memory_space<semaphore_mem>>)
      } else {
      }
      %mul3A_252 = arith.constant 8 : i32
      %mul3A_253 = arith.muli %scan3A_124, %mul3A_252 : i32
      %add3A_254 = arith.constant 2 : i32
      %add3A_255 = arith.addi %mul3A_253, %add3A_254 : i32
      %ge3A_256 = arith.constant 2 : i32
      %ge3A_257 = arith.cmpi sge, %add3A_255, %ge3A_256 : i32
      %add3A_258 = arith.constant 2 : i32
      %add3A_259 = arith.addi %add3A_255, %add3A_258 : i32
      %lt3A_260 = arith.constant 160 : i32
      %lt3A_261 = arith.cmpi slt, %add3A_259, %lt3A_260 : i32
      %and3A_262 = arith.andi %ge3A_257, %lt3A_261 : i1
      %convert_element_type3A_263 = arith.extui %and3A_262 : i1 to i32
      %cond3A_264 = arith.constant 0 : i32
      %cond3A_265 = arith.cmpi ne, %convert_element_type3A_263, %cond3A_264 : i32
      scf.if %cond3A_265 {
        %dma_wait3A_667 = arith.constant 0 : i32
        %dma_wait3A_668 = arith.constant 0 : i32
        %dma_wait3A_669 = tpu.memref_slice %arg12[%dma_wait3A_667, %dma_wait3A_668] : memref<10240x128xf32, #tpu.memory_space<vmem_shared>> -> memref<64x128xf32, #tpu.memory_space<vmem_shared>>
        %dma_wait3A_670 = arith.constant 0 : i32
        %dma_wait3A_671 = arith.constant 0 : i32
        %dma_wait3A_672 = tpu.memref_slice %arg12[%dma_wait3A_670, %dma_wait3A_671] : memref<10240x128xf32, #tpu.memory_space<vmem_shared>> -> memref<64x128xf32, #tpu.memory_space<vmem_shared>>
        tpu.wait_dma2 semaphore(%arg21 : memref<!tpu.dma_semaphore, #tpu.memory_space<semaphore_mem>>) src(%arg8 : memref<64x128xf32, #tpu.memory_space<vmem>>) dst(%dma_wait3A_672 : memref<64x128xf32, #tpu.memory_space<vmem_shared>>)
      } else {
      }
      %add3A_266 = arith.constant 2 : i32
      %add3A_267 = arith.addi %add3A_255, %add3A_266 : i32
      %lt3A_268 = arith.constant 160 : i32
      %lt3A_269 = arith.cmpi slt, %add3A_267, %lt3A_268 : i32
      %convert_element_type3A_270 = arith.extui %lt3A_269 : i1 to i32
      %cond3A_271 = arith.constant 0 : i32
      %cond3A_272 = arith.cmpi ne, %convert_element_type3A_270, %cond3A_271 : i32
      scf.if %cond3A_272 {
        %dma_wait3A_667 = arith.constant 2 : i32
        %dma_wait3A_668 = arith.constant 0 : i32
        %dma_wait3A_669 = tpu.memref_slice %arg6[%dma_wait3A_667, %dma_wait3A_668] : memref<4x128xi32, #tpu.memory_space<vmem>> -> memref<1x128xi32, #tpu.memory_space<vmem>>
        %dma_wait3A_670 = tpu.memref_squeeze %dma_wait3A_669 : memref<1x128xi32, #tpu.memory_space<vmem>> -> memref<128xi32, #tpu.memory_space<vmem>>
        %dma_wait3A_671 = arith.constant 0 : i32
        %dma_wait3A_672 = tpu.memref_slice %arg3[%dma_wait3A_671] : memref<327680xi32, #tpu.memory_space<hbm>> -> memref<128xi32, #tpu.memory_space<hbm>>
        %dma_wait3A_673 = arith.constant 0 : i32
        %dma_wait3A_674 = tpu.memref_slice %arg6[%dma_wait3A_667, %dma_wait3A_673] : memref<4x128xi32, #tpu.memory_space<vmem>> -> memref<1x128xi32, #tpu.memory_space<vmem>>
        %dma_wait3A_675 = tpu.memref_squeeze %dma_wait3A_674 : memref<1x128xi32, #tpu.memory_space<vmem>> -> memref<128xi32, #tpu.memory_space<vmem>>
        %dma_wait3A_676 = arith.constant 0 : i32
        %dma_wait3A_677 = tpu.memref_slice %arg3[%dma_wait3A_676] : memref<327680xi32, #tpu.memory_space<hbm>> -> memref<128xi32, #tpu.memory_space<hbm>>
        tpu.wait_dma2 semaphore(%arg15 : memref<!tpu.dma_semaphore, #tpu.memory_space<semaphore_mem>>) src(%dma_wait3A_677 : memref<128xi32, #tpu.memory_space<hbm>>) dst(%dma_wait3A_675 : memref<128xi32, #tpu.memory_space<vmem>>)
        %dma_start3A_678 = arith.constant 2 : i32
        %dma_start3A_679 = arith.constant 0 : i32
        %dma_start3A_680 = tpu.memref_slice %arg6[%dma_start3A_678, %dma_start3A_679] : memref<4x128xi32, #tpu.memory_space<vmem>> -> memref<1x64xi32, #tpu.memory_space<vmem>>
        %dma_start3A_681 = tpu.memref_squeeze %dma_start3A_680 : memref<1x64xi32, #tpu.memory_space<vmem>> -> memref<64xi32, #tpu.memory_space<vmem>>
        %dma_start3A_682 = arith.constant 0 : i32
        %dma_start3A_683 = arith.constant 0 : i32
        %dma_start3A_684 = tpu.memref_slice %arg2[%dma_start3A_682, %dma_start3A_683] : memref<10240x128xf32, #tpu.memory_space<hbm>> -> memref<10240x128xf32, #tpu.memory_space<hbm>>
        tpu.enqueue_indirect_dma source(%dma_start3A_684 : memref<10240x128xf32, #tpu.memory_space<hbm>>) target(%arg8 : memref<64x128xf32, #tpu.memory_space<vmem>>) offsets(%dma_start3A_681 : memref<64xi32, #tpu.memory_space<vmem>>) semaphore(%arg17 : memref<!tpu.dma_semaphore, #tpu.memory_space<semaphore_mem>>)
      } else {
      }
      %dma_wait3A_273 = arith.constant 0 : i32
      %dma_wait3A_274 = arith.constant 0 : i32
      %dma_wait3A_275 = tpu.memref_slice %arg6[%dma_wait3A_273, %dma_wait3A_274] : memref<4x128xi32, #tpu.memory_space<vmem>> -> memref<1x64xi32, #tpu.memory_space<vmem>>
      %dma_wait3A_276 = tpu.memref_squeeze %dma_wait3A_275 : memref<1x64xi32, #tpu.memory_space<vmem>> -> memref<64xi32, #tpu.memory_space<vmem>>
      %dma_wait3A_277 = arith.constant 0 : i32
      %dma_wait3A_278 = arith.constant 0 : i32
      %dma_wait3A_279 = tpu.memref_slice %arg2[%dma_wait3A_277, %dma_wait3A_278] : memref<10240x128xf32, #tpu.memory_space<hbm>> -> memref<10240x128xf32, #tpu.memory_space<hbm>>
      tpu.wait_indirect_dma semaphore(%arg19 : memref<!tpu.dma_semaphore, #tpu.memory_space<semaphore_mem>>) src(%dma_wait3A_279 : memref<10240x128xf32, #tpu.memory_space<hbm>>) dst(%arg10 : memref<64x128xf32, #tpu.memory_space<vmem>>)
      %div3A_280 = arith.constant 2 : i32
      %div3A_281 = arith.divsi %add3A_255, %div3A_280 : i32
      %dma_start3A_282 = arith.constant 0 : i32
      %dma_start3A_283 = tpu.memref_slice %arg7[%div3A_281, %dma_start3A_282] : memref<80x128xi32, #tpu.memory_space<vmem>> -> memref<1x64xi32, #tpu.memory_space<vmem>>
      %dma_start3A_284 = tpu.memref_squeeze %dma_start3A_283 : memref<1x64xi32, #tpu.memory_space<vmem>> -> memref<64xi32, #tpu.memory_space<vmem>>
      %dma_start3A_285 = arith.constant 0 : i32
      %dma_start3A_286 = arith.constant 0 : i32
      %dma_start3A_287 = tpu.memref_slice %arg12[%dma_start3A_285, %dma_start3A_286] : memref<10240x128xf32, #tpu.memory_space<vmem_shared>> -> memref<10240x128xf32, #tpu.memory_space<vmem_shared>>
      tpu.enqueue_indirect_dma source(%arg10 : memref<64x128xf32, #tpu.memory_space<vmem>>) target(%dma_start3A_287 : memref<10240x128xf32, #tpu.memory_space<vmem_shared>>) offsets(%dma_start3A_284 : memref<64xi32, #tpu.memory_space<vmem>>) semaphore(%arg23 : memref<!tpu.dma_semaphore, #tpu.memory_space<semaphore_mem>>) {add = true}
      %jit3A_288 = arith.constant 2 : i32
      %div3A_289 = arith.divsi %add3A_255, %jit3A_288 : i32
      %sign3A_290 = arith.constant 0 : i32
      %sign3A_291 = arith.cmpi sgt, %add3A_255, %sign3A_290 : i32
      %sign3A_292 = arith.extui %sign3A_291 : i1 to i32
      %sign3A_293 = arith.constant 0 : i32
      %sign3A_294 = arith.cmpi slt, %add3A_255, %sign3A_293 : i32
      %sign3A_295 = arith.extui %sign3A_294 : i1 to i32
      %sign3A_296 = arith.subi %sign3A_292, %sign3A_295 : i32
      %sign3A_297 = arith.constant 0 : i32
      %sign3A_298 = arith.cmpi sgt, %jit3A_288, %sign3A_297 : i32
      %sign3A_299 = arith.extui %sign3A_298 : i1 to i32
      %sign3A_300 = arith.constant 0 : i32
      %sign3A_301 = arith.cmpi slt, %jit3A_288, %sign3A_300 : i32
      %sign3A_302 = arith.extui %sign3A_301 : i1 to i32
      %sign3A_303 = arith.subi %sign3A_299, %sign3A_302 : i32
      %ne3A_304 = arith.cmpi ne, %sign3A_296, %sign3A_303 : i32
      %rem3A_305 = arith.remsi %add3A_255, %jit3A_288 : i32
      %ne3A_306 = arith.constant 0 : i32
      %ne3A_307 = arith.cmpi ne, %rem3A_305, %ne3A_306 : i32
      %and3A_308 = arith.andi %ne3A_304, %ne3A_307 : i1
      %sub3A_309 = arith.constant 1 : i32
      %sub3A_310 = arith.subi %div3A_289, %sub3A_309 : i32
      %select_n3A_311 = arith.select %and3A_308, %sub3A_310, %div3A_289 : i32
      %add3A_312 = arith.constant 4 : i32
      %add3A_313 = arith.addi %select_n3A_311, %add3A_312 : i32
      %lt3A_314 = arith.constant 80 : i32
      %lt3A_315 = arith.cmpi slt, %add3A_313, %lt3A_314 : i32
      %and3A_316 = arith.constant false
      %and3A_317 = arith.andi %and3A_316, %lt3A_315 : i1
      %convert_element_type3A_318 = arith.extui %and3A_317 : i1 to i32
      %cond3A_319 = arith.constant 0 : i32
      %cond3A_320 = arith.cmpi ne, %convert_element_type3A_318, %cond3A_319 : i32
      scf.if %cond3A_320 {
        %jit3A_667 = arith.constant 2 : i32
        %div3A_668 = arith.divsi %add3A_255, %jit3A_667 : i32
        %sign3A_669 = arith.constant 0 : i32
        %sign3A_670 = arith.cmpi sgt, %add3A_255, %sign3A_669 : i32
        %sign3A_671 = arith.extui %sign3A_670 : i1 to i32
        %sign3A_672 = arith.constant 0 : i32
        %sign3A_673 = arith.cmpi slt, %add3A_255, %sign3A_672 : i32
        %sign3A_674 = arith.extui %sign3A_673 : i1 to i32
        %sign3A_675 = arith.subi %sign3A_671, %sign3A_674 : i32
        %sign3A_676 = arith.constant 0 : i32
        %sign3A_677 = arith.cmpi sgt, %jit3A_667, %sign3A_676 : i32
        %sign3A_678 = arith.extui %sign3A_677 : i1 to i32
        %sign3A_679 = arith.constant 0 : i32
        %sign3A_680 = arith.cmpi slt, %jit3A_667, %sign3A_679 : i32
        %sign3A_681 = arith.extui %sign3A_680 : i1 to i32
        %sign3A_682 = arith.subi %sign3A_678, %sign3A_681 : i32
        %ne3A_683 = arith.cmpi ne, %sign3A_675, %sign3A_682 : i32
        %rem3A_684 = arith.remsi %add3A_255, %jit3A_667 : i32
        %ne3A_685 = arith.constant 0 : i32
        %ne3A_686 = arith.cmpi ne, %rem3A_684, %ne3A_685 : i32
        %and3A_687 = arith.andi %ne3A_683, %ne3A_686 : i1
        %sub3A_688 = arith.constant 1 : i32
        %sub3A_689 = arith.subi %div3A_668, %sub3A_688 : i32
        %select_n3A_690 = arith.select %and3A_687, %sub3A_689, %div3A_668 : i32
        %add3A_691 = arith.constant 4 : i32
        %add3A_692 = arith.addi %select_n3A_690, %add3A_691 : i32
        %mul3A_693 = arith.constant 128 : i32
        %mul3A_694 = arith.muli %add3A_692, %mul3A_693 : i32
        %add3A_695 = arith.addi %mul3A_2, %mul3A_694 : i32
        %multiple_of3A_696 = tpu.assume_multiple %add3A_695, 128 : i32
        %dma_start3A_697 = arith.constant 1 : i32
        %dma_start3A_698 = arith.constant 0 : i32
        %dma_start3A_699 = tpu.memref_slice %arg6[%dma_start3A_697, %dma_start3A_698] : memref<4x128xi32, #tpu.memory_space<vmem>> -> memref<1x128xi32, #tpu.memory_space<vmem>>
        %dma_start3A_700 = tpu.memref_squeeze %dma_start3A_699 : memref<1x128xi32, #tpu.memory_space<vmem>> -> memref<128xi32, #tpu.memory_space<vmem>>
        %dma_start3A_701 = tpu.memref_slice %arg3[%multiple_of3A_696] : memref<327680xi32, #tpu.memory_space<hbm>> -> memref<128xi32, #tpu.memory_space<hbm>>
        %dma_start3A_702 = arith.constant 0 : i32
        %dma_start3A_703 = tpu.memref_slice %arg6[%dma_start3A_697, %dma_start3A_702] : memref<4x128xi32, #tpu.memory_space<vmem>> -> memref<1x128xi32, #tpu.memory_space<vmem>>
        %dma_start3A_704 = tpu.memref_squeeze %dma_start3A_703 : memref<1x128xi32, #tpu.memory_space<vmem>> -> memref<128xi32, #tpu.memory_space<vmem>>
        %dma_start3A_705 = tpu.memref_slice %arg3[%multiple_of3A_696] : memref<327680xi32, #tpu.memory_space<hbm>> -> memref<128xi32, #tpu.memory_space<hbm>>
        tpu.enqueue_dma source(%dma_start3A_705 : memref<128xi32, #tpu.memory_space<hbm>>) target(%dma_start3A_704 : memref<128xi32, #tpu.memory_space<vmem>>) target_semaphore(%arg14 : memref<!tpu.dma_semaphore, #tpu.memory_space<semaphore_mem>>)
      } else {
      }
      %mul3A_321 = arith.constant 8 : i32
      %mul3A_322 = arith.muli %scan3A_124, %mul3A_321 : i32
      %add3A_323 = arith.constant 3 : i32
      %add3A_324 = arith.addi %mul3A_322, %add3A_323 : i32
      %ge3A_325 = arith.constant 2 : i32
      %ge3A_326 = arith.cmpi sge, %add3A_324, %ge3A_325 : i32
      %add3A_327 = arith.constant 2 : i32
      %add3A_328 = arith.addi %add3A_324, %add3A_327 : i32
      %lt3A_329 = arith.constant 160 : i32
      %lt3A_330 = arith.cmpi slt, %add3A_328, %lt3A_329 : i32
      %and3A_331 = arith.andi %ge3A_326, %lt3A_330 : i1
      %convert_element_type3A_332 = arith.extui %and3A_331 : i1 to i32
      %cond3A_333 = arith.constant 0 : i32
      %cond3A_334 = arith.cmpi ne, %convert_element_type3A_332, %cond3A_333 : i32
      scf.if %cond3A_334 {
        %dma_wait3A_667 = arith.constant 0 : i32
        %dma_wait3A_668 = arith.constant 0 : i32
        %dma_wait3A_669 = tpu.memref_slice %arg12[%dma_wait3A_667, %dma_wait3A_668] : memref<10240x128xf32, #tpu.memory_space<vmem_shared>> -> memref<64x128xf32, #tpu.memory_space<vmem_shared>>
        %dma_wait3A_670 = arith.constant 0 : i32
        %dma_wait3A_671 = arith.constant 0 : i32
        %dma_wait3A_672 = tpu.memref_slice %arg12[%dma_wait3A_670, %dma_wait3A_671] : memref<10240x128xf32, #tpu.memory_space<vmem_shared>> -> memref<64x128xf32, #tpu.memory_space<vmem_shared>>
        tpu.wait_dma2 semaphore(%arg22 : memref<!tpu.dma_semaphore, #tpu.memory_space<semaphore_mem>>) src(%arg9 : memref<64x128xf32, #tpu.memory_space<vmem>>) dst(%dma_wait3A_672 : memref<64x128xf32, #tpu.memory_space<vmem_shared>>)
      } else {
      }
      %add3A_335 = arith.constant 2 : i32
      %add3A_336 = arith.addi %add3A_324, %add3A_335 : i32
      %lt3A_337 = arith.constant 160 : i32
      %lt3A_338 = arith.cmpi slt, %add3A_336, %lt3A_337 : i32
      %convert_element_type3A_339 = arith.extui %lt3A_338 : i1 to i32
      %cond3A_340 = arith.constant 0 : i32
      %cond3A_341 = arith.cmpi ne, %convert_element_type3A_339, %cond3A_340 : i32
      scf.if %cond3A_341 {
        %dma_start3A_667 = arith.constant 2 : i32
        %dma_start3A_668 = arith.constant 64 : i32
        %dma_start3A_669 = tpu.memref_slice %arg6[%dma_start3A_667, %dma_start3A_668] : memref<4x128xi32, #tpu.memory_space<vmem>> -> memref<1x64xi32, #tpu.memory_space<vmem>>
        %dma_start3A_670 = tpu.memref_squeeze %dma_start3A_669 : memref<1x64xi32, #tpu.memory_space<vmem>> -> memref<64xi32, #tpu.memory_space<vmem>>
        %dma_start3A_671 = arith.constant 0 : i32
        %dma_start3A_672 = arith.constant 0 : i32
        %dma_start3A_673 = tpu.memref_slice %arg2[%dma_start3A_671, %dma_start3A_672] : memref<10240x128xf32, #tpu.memory_space<hbm>> -> memref<10240x128xf32, #tpu.memory_space<hbm>>
        tpu.enqueue_indirect_dma source(%dma_start3A_673 : memref<10240x128xf32, #tpu.memory_space<hbm>>) target(%arg9 : memref<64x128xf32, #tpu.memory_space<vmem>>) offsets(%dma_start3A_670 : memref<64xi32, #tpu.memory_space<vmem>>) semaphore(%arg18 : memref<!tpu.dma_semaphore, #tpu.memory_space<semaphore_mem>>)
      } else {
      }
      %dma_wait3A_342 = arith.constant 0 : i32
      %dma_wait3A_343 = arith.constant 0 : i32
      %dma_wait3A_344 = tpu.memref_slice %arg6[%dma_wait3A_342, %dma_wait3A_343] : memref<4x128xi32, #tpu.memory_space<vmem>> -> memref<1x64xi32, #tpu.memory_space<vmem>>
      %dma_wait3A_345 = tpu.memref_squeeze %dma_wait3A_344 : memref<1x64xi32, #tpu.memory_space<vmem>> -> memref<64xi32, #tpu.memory_space<vmem>>
      %dma_wait3A_346 = arith.constant 0 : i32
      %dma_wait3A_347 = arith.constant 0 : i32
      %dma_wait3A_348 = tpu.memref_slice %arg2[%dma_wait3A_346, %dma_wait3A_347] : memref<10240x128xf32, #tpu.memory_space<hbm>> -> memref<10240x128xf32, #tpu.memory_space<hbm>>
      tpu.wait_indirect_dma semaphore(%arg20 : memref<!tpu.dma_semaphore, #tpu.memory_space<semaphore_mem>>) src(%dma_wait3A_348 : memref<10240x128xf32, #tpu.memory_space<hbm>>) dst(%arg11 : memref<64x128xf32, #tpu.memory_space<vmem>>)
      %div3A_349 = arith.constant 2 : i32
      %div3A_350 = arith.divsi %add3A_324, %div3A_349 : i32
      %dma_start3A_351 = arith.constant 64 : i32
      %dma_start3A_352 = tpu.memref_slice %arg7[%div3A_350, %dma_start3A_351] : memref<80x128xi32, #tpu.memory_space<vmem>> -> memref<1x64xi32, #tpu.memory_space<vmem>>
      %dma_start3A_353 = tpu.memref_squeeze %dma_start3A_352 : memref<1x64xi32, #tpu.memory_space<vmem>> -> memref<64xi32, #tpu.memory_space<vmem>>
      %dma_start3A_354 = arith.constant 0 : i32
      %dma_start3A_355 = arith.constant 0 : i32
      %dma_start3A_356 = tpu.memref_slice %arg12[%dma_start3A_354, %dma_start3A_355] : memref<10240x128xf32, #tpu.memory_space<vmem_shared>> -> memref<10240x128xf32, #tpu.memory_space<vmem_shared>>
      tpu.enqueue_indirect_dma source(%arg11 : memref<64x128xf32, #tpu.memory_space<vmem>>) target(%dma_start3A_356 : memref<10240x128xf32, #tpu.memory_space<vmem_shared>>) offsets(%dma_start3A_353 : memref<64xi32, #tpu.memory_space<vmem>>) semaphore(%arg24 : memref<!tpu.dma_semaphore, #tpu.memory_space<semaphore_mem>>) {add = true}
      %jit3A_357 = arith.constant 2 : i32
      %div3A_358 = arith.divsi %add3A_324, %jit3A_357 : i32
      %sign3A_359 = arith.constant 0 : i32
      %sign3A_360 = arith.cmpi sgt, %add3A_324, %sign3A_359 : i32
      %sign3A_361 = arith.extui %sign3A_360 : i1 to i32
      %sign3A_362 = arith.constant 0 : i32
      %sign3A_363 = arith.cmpi slt, %add3A_324, %sign3A_362 : i32
      %sign3A_364 = arith.extui %sign3A_363 : i1 to i32
      %sign3A_365 = arith.subi %sign3A_361, %sign3A_364 : i32
      %sign3A_366 = arith.constant 0 : i32
      %sign3A_367 = arith.cmpi sgt, %jit3A_357, %sign3A_366 : i32
      %sign3A_368 = arith.extui %sign3A_367 : i1 to i32
      %sign3A_369 = arith.constant 0 : i32
      %sign3A_370 = arith.cmpi slt, %jit3A_357, %sign3A_369 : i32
      %sign3A_371 = arith.extui %sign3A_370 : i1 to i32
      %sign3A_372 = arith.subi %sign3A_368, %sign3A_371 : i32
      %ne3A_373 = arith.cmpi ne, %sign3A_365, %sign3A_372 : i32
      %rem3A_374 = arith.remsi %add3A_324, %jit3A_357 : i32
      %ne3A_375 = arith.constant 0 : i32
      %ne3A_376 = arith.cmpi ne, %rem3A_374, %ne3A_375 : i32
      %and3A_377 = arith.andi %ne3A_373, %ne3A_376 : i1
      %sub3A_378 = arith.constant 1 : i32
      %sub3A_379 = arith.subi %div3A_358, %sub3A_378 : i32
      %select_n3A_380 = arith.select %and3A_377, %sub3A_379, %div3A_358 : i32
      %add3A_381 = arith.constant 4 : i32
      %add3A_382 = arith.addi %select_n3A_380, %add3A_381 : i32
      %lt3A_383 = arith.constant 80 : i32
      %lt3A_384 = arith.cmpi slt, %add3A_382, %lt3A_383 : i32
      %and3A_385 = arith.constant true
      %and3A_386 = arith.andi %and3A_385, %lt3A_384 : i1
      %convert_element_type3A_387 = arith.extui %and3A_386 : i1 to i32
      %cond3A_388 = arith.constant 0 : i32
      %cond3A_389 = arith.cmpi ne, %convert_element_type3A_387, %cond3A_388 : i32
      scf.if %cond3A_389 {
        %jit3A_667 = arith.constant 2 : i32
        %div3A_668 = arith.divsi %add3A_324, %jit3A_667 : i32
        %sign3A_669 = arith.constant 0 : i32
        %sign3A_670 = arith.cmpi sgt, %add3A_324, %sign3A_669 : i32
        %sign3A_671 = arith.extui %sign3A_670 : i1 to i32
        %sign3A_672 = arith.constant 0 : i32
        %sign3A_673 = arith.cmpi slt, %add3A_324, %sign3A_672 : i32
        %sign3A_674 = arith.extui %sign3A_673 : i1 to i32
        %sign3A_675 = arith.subi %sign3A_671, %sign3A_674 : i32
        %sign3A_676 = arith.constant 0 : i32
        %sign3A_677 = arith.cmpi sgt, %jit3A_667, %sign3A_676 : i32
        %sign3A_678 = arith.extui %sign3A_677 : i1 to i32
        %sign3A_679 = arith.constant 0 : i32
        %sign3A_680 = arith.cmpi slt, %jit3A_667, %sign3A_679 : i32
        %sign3A_681 = arith.extui %sign3A_680 : i1 to i32
        %sign3A_682 = arith.subi %sign3A_678, %sign3A_681 : i32
        %ne3A_683 = arith.cmpi ne, %sign3A_675, %sign3A_682 : i32
        %rem3A_684 = arith.remsi %add3A_324, %jit3A_667 : i32
        %ne3A_685 = arith.constant 0 : i32
        %ne3A_686 = arith.cmpi ne, %rem3A_684, %ne3A_685 : i32
        %and3A_687 = arith.andi %ne3A_683, %ne3A_686 : i1
        %sub3A_688 = arith.constant 1 : i32
        %sub3A_689 = arith.subi %div3A_668, %sub3A_688 : i32
        %select_n3A_690 = arith.select %and3A_687, %sub3A_689, %div3A_668 : i32
        %add3A_691 = arith.constant 4 : i32
        %add3A_692 = arith.addi %select_n3A_690, %add3A_691 : i32
        %mul3A_693 = arith.constant 128 : i32
        %mul3A_694 = arith.muli %add3A_692, %mul3A_693 : i32
        %add3A_695 = arith.addi %mul3A_2, %mul3A_694 : i32
        %multiple_of3A_696 = tpu.assume_multiple %add3A_695, 128 : i32
        %dma_start3A_697 = arith.constant 1 : i32
        %dma_start3A_698 = arith.constant 0 : i32
        %dma_start3A_699 = tpu.memref_slice %arg6[%dma_start3A_697, %dma_start3A_698] : memref<4x128xi32, #tpu.memory_space<vmem>> -> memref<1x128xi32, #tpu.memory_space<vmem>>
        %dma_start3A_700 = tpu.memref_squeeze %dma_start3A_699 : memref<1x128xi32, #tpu.memory_space<vmem>> -> memref<128xi32, #tpu.memory_space<vmem>>
        %dma_start3A_701 = tpu.memref_slice %arg3[%multiple_of3A_696] : memref<327680xi32, #tpu.memory_space<hbm>> -> memref<128xi32, #tpu.memory_space<hbm>>
        %dma_start3A_702 = arith.constant 0 : i32
        %dma_start3A_703 = tpu.memref_slice %arg6[%dma_start3A_697, %dma_start3A_702] : memref<4x128xi32, #tpu.memory_space<vmem>> -> memref<1x128xi32, #tpu.memory_space<vmem>>
        %dma_start3A_704 = tpu.memref_squeeze %dma_start3A_703 : memref<1x128xi32, #tpu.memory_space<vmem>> -> memref<128xi32, #tpu.memory_space<vmem>>
        %dma_start3A_705 = tpu.memref_slice %arg3[%multiple_of3A_696] : memref<327680xi32, #tpu.memory_space<hbm>> -> memref<128xi32, #tpu.memory_space<hbm>>
        tpu.enqueue_dma source(%dma_start3A_705 : memref<128xi32, #tpu.memory_space<hbm>>) target(%dma_start3A_704 : memref<128xi32, #tpu.memory_space<vmem>>) target_semaphore(%arg14 : memref<!tpu.dma_semaphore, #tpu.memory_space<semaphore_mem>>)
      } else {
      }
      %mul3A_390 = arith.constant 8 : i32
      %mul3A_391 = arith.muli %scan3A_124, %mul3A_390 : i32
      %add3A_392 = arith.constant 4 : i32
      %add3A_393 = arith.addi %mul3A_391, %add3A_392 : i32
      %ge3A_394 = arith.constant 2 : i32
      %ge3A_395 = arith.cmpi sge, %add3A_393, %ge3A_394 : i32
      %add3A_396 = arith.constant 2 : i32
      %add3A_397 = arith.addi %add3A_393, %add3A_396 : i32
      %lt3A_398 = arith.constant 160 : i32
      %lt3A_399 = arith.cmpi slt, %add3A_397, %lt3A_398 : i32
      %and3A_400 = arith.andi %ge3A_395, %lt3A_399 : i1
      %convert_element_type3A_401 = arith.extui %and3A_400 : i1 to i32
      %cond3A_402 = arith.constant 0 : i32
      %cond3A_403 = arith.cmpi ne, %convert_element_type3A_401, %cond3A_402 : i32
      scf.if %cond3A_403 {
        %dma_wait3A_667 = arith.constant 0 : i32
        %dma_wait3A_668 = arith.constant 0 : i32
        %dma_wait3A_669 = tpu.memref_slice %arg12[%dma_wait3A_667, %dma_wait3A_668] : memref<10240x128xf32, #tpu.memory_space<vmem_shared>> -> memref<64x128xf32, #tpu.memory_space<vmem_shared>>
        %dma_wait3A_670 = arith.constant 0 : i32
        %dma_wait3A_671 = arith.constant 0 : i32
        %dma_wait3A_672 = tpu.memref_slice %arg12[%dma_wait3A_670, %dma_wait3A_671] : memref<10240x128xf32, #tpu.memory_space<vmem_shared>> -> memref<64x128xf32, #tpu.memory_space<vmem_shared>>
        tpu.wait_dma2 semaphore(%arg23 : memref<!tpu.dma_semaphore, #tpu.memory_space<semaphore_mem>>) src(%arg10 : memref<64x128xf32, #tpu.memory_space<vmem>>) dst(%dma_wait3A_672 : memref<64x128xf32, #tpu.memory_space<vmem_shared>>)
      } else {
      }
      %add3A_404 = arith.constant 2 : i32
      %add3A_405 = arith.addi %add3A_393, %add3A_404 : i32
      %lt3A_406 = arith.constant 160 : i32
      %lt3A_407 = arith.cmpi slt, %add3A_405, %lt3A_406 : i32
      %convert_element_type3A_408 = arith.extui %lt3A_407 : i1 to i32
      %cond3A_409 = arith.constant 0 : i32
      %cond3A_410 = arith.cmpi ne, %convert_element_type3A_408, %cond3A_409 : i32
      scf.if %cond3A_410 {
        %dma_wait3A_667 = arith.constant 3 : i32
        %dma_wait3A_668 = arith.constant 0 : i32
        %dma_wait3A_669 = tpu.memref_slice %arg6[%dma_wait3A_667, %dma_wait3A_668] : memref<4x128xi32, #tpu.memory_space<vmem>> -> memref<1x128xi32, #tpu.memory_space<vmem>>
        %dma_wait3A_670 = tpu.memref_squeeze %dma_wait3A_669 : memref<1x128xi32, #tpu.memory_space<vmem>> -> memref<128xi32, #tpu.memory_space<vmem>>
        %dma_wait3A_671 = arith.constant 0 : i32
        %dma_wait3A_672 = tpu.memref_slice %arg3[%dma_wait3A_671] : memref<327680xi32, #tpu.memory_space<hbm>> -> memref<128xi32, #tpu.memory_space<hbm>>
        %dma_wait3A_673 = arith.constant 0 : i32
        %dma_wait3A_674 = tpu.memref_slice %arg6[%dma_wait3A_667, %dma_wait3A_673] : memref<4x128xi32, #tpu.memory_space<vmem>> -> memref<1x128xi32, #tpu.memory_space<vmem>>
        %dma_wait3A_675 = tpu.memref_squeeze %dma_wait3A_674 : memref<1x128xi32, #tpu.memory_space<vmem>> -> memref<128xi32, #tpu.memory_space<vmem>>
        %dma_wait3A_676 = arith.constant 0 : i32
        %dma_wait3A_677 = tpu.memref_slice %arg3[%dma_wait3A_676] : memref<327680xi32, #tpu.memory_space<hbm>> -> memref<128xi32, #tpu.memory_space<hbm>>
        tpu.wait_dma2 semaphore(%arg16 : memref<!tpu.dma_semaphore, #tpu.memory_space<semaphore_mem>>) src(%dma_wait3A_677 : memref<128xi32, #tpu.memory_space<hbm>>) dst(%dma_wait3A_675 : memref<128xi32, #tpu.memory_space<vmem>>)
        %dma_start3A_678 = arith.constant 3 : i32
        %dma_start3A_679 = arith.constant 0 : i32
        %dma_start3A_680 = tpu.memref_slice %arg6[%dma_start3A_678, %dma_start3A_679] : memref<4x128xi32, #tpu.memory_space<vmem>> -> memref<1x64xi32, #tpu.memory_space<vmem>>
        %dma_start3A_681 = tpu.memref_squeeze %dma_start3A_680 : memref<1x64xi32, #tpu.memory_space<vmem>> -> memref<64xi32, #tpu.memory_space<vmem>>
        %dma_start3A_682 = arith.constant 0 : i32
        %dma_start3A_683 = arith.constant 0 : i32
        %dma_start3A_684 = tpu.memref_slice %arg2[%dma_start3A_682, %dma_start3A_683] : memref<10240x128xf32, #tpu.memory_space<hbm>> -> memref<10240x128xf32, #tpu.memory_space<hbm>>
        tpu.enqueue_indirect_dma source(%dma_start3A_684 : memref<10240x128xf32, #tpu.memory_space<hbm>>) target(%arg10 : memref<64x128xf32, #tpu.memory_space<vmem>>) offsets(%dma_start3A_681 : memref<64xi32, #tpu.memory_space<vmem>>) semaphore(%arg19 : memref<!tpu.dma_semaphore, #tpu.memory_space<semaphore_mem>>)
      } else {
      }
      %dma_wait3A_411 = arith.constant 0 : i32
      %dma_wait3A_412 = arith.constant 0 : i32
      %dma_wait3A_413 = tpu.memref_slice %arg6[%dma_wait3A_411, %dma_wait3A_412] : memref<4x128xi32, #tpu.memory_space<vmem>> -> memref<1x64xi32, #tpu.memory_space<vmem>>
      %dma_wait3A_414 = tpu.memref_squeeze %dma_wait3A_413 : memref<1x64xi32, #tpu.memory_space<vmem>> -> memref<64xi32, #tpu.memory_space<vmem>>
      %dma_wait3A_415 = arith.constant 0 : i32
      %dma_wait3A_416 = arith.constant 0 : i32
      %dma_wait3A_417 = tpu.memref_slice %arg2[%dma_wait3A_415, %dma_wait3A_416] : memref<10240x128xf32, #tpu.memory_space<hbm>> -> memref<10240x128xf32, #tpu.memory_space<hbm>>
      tpu.wait_indirect_dma semaphore(%arg17 : memref<!tpu.dma_semaphore, #tpu.memory_space<semaphore_mem>>) src(%dma_wait3A_417 : memref<10240x128xf32, #tpu.memory_space<hbm>>) dst(%arg8 : memref<64x128xf32, #tpu.memory_space<vmem>>)
      %div3A_418 = arith.constant 2 : i32
      %div3A_419 = arith.divsi %add3A_393, %div3A_418 : i32
      %dma_start3A_420 = arith.constant 0 : i32
      %dma_start3A_421 = tpu.memref_slice %arg7[%div3A_419, %dma_start3A_420] : memref<80x128xi32, #tpu.memory_space<vmem>> -> memref<1x64xi32, #tpu.memory_space<vmem>>
      %dma_start3A_422 = tpu.memref_squeeze %dma_start3A_421 : memref<1x64xi32, #tpu.memory_space<vmem>> -> memref<64xi32, #tpu.memory_space<vmem>>
      %dma_start3A_423 = arith.constant 0 : i32
      %dma_start3A_424 = arith.constant 0 : i32
      %dma_start3A_425 = tpu.memref_slice %arg12[%dma_start3A_423, %dma_start3A_424] : memref<10240x128xf32, #tpu.memory_space<vmem_shared>> -> memref<10240x128xf32, #tpu.memory_space<vmem_shared>>
      tpu.enqueue_indirect_dma source(%arg8 : memref<64x128xf32, #tpu.memory_space<vmem>>) target(%dma_start3A_425 : memref<10240x128xf32, #tpu.memory_space<vmem_shared>>) offsets(%dma_start3A_422 : memref<64xi32, #tpu.memory_space<vmem>>) semaphore(%arg21 : memref<!tpu.dma_semaphore, #tpu.memory_space<semaphore_mem>>) {add = true}
      %jit3A_426 = arith.constant 2 : i32
      %div3A_427 = arith.divsi %add3A_393, %jit3A_426 : i32
      %sign3A_428 = arith.constant 0 : i32
      %sign3A_429 = arith.cmpi sgt, %add3A_393, %sign3A_428 : i32
      %sign3A_430 = arith.extui %sign3A_429 : i1 to i32
      %sign3A_431 = arith.constant 0 : i32
      %sign3A_432 = arith.cmpi slt, %add3A_393, %sign3A_431 : i32
      %sign3A_433 = arith.extui %sign3A_432 : i1 to i32
      %sign3A_434 = arith.subi %sign3A_430, %sign3A_433 : i32
      %sign3A_435 = arith.constant 0 : i32
      %sign3A_436 = arith.cmpi sgt, %jit3A_426, %sign3A_435 : i32
      %sign3A_437 = arith.extui %sign3A_436 : i1 to i32
      %sign3A_438 = arith.constant 0 : i32
      %sign3A_439 = arith.cmpi slt, %jit3A_426, %sign3A_438 : i32
      %sign3A_440 = arith.extui %sign3A_439 : i1 to i32
      %sign3A_441 = arith.subi %sign3A_437, %sign3A_440 : i32
      %ne3A_442 = arith.cmpi ne, %sign3A_434, %sign3A_441 : i32
      %rem3A_443 = arith.remsi %add3A_393, %jit3A_426 : i32
      %ne3A_444 = arith.constant 0 : i32
      %ne3A_445 = arith.cmpi ne, %rem3A_443, %ne3A_444 : i32
      %and3A_446 = arith.andi %ne3A_442, %ne3A_445 : i1
      %sub3A_447 = arith.constant 1 : i32
      %sub3A_448 = arith.subi %div3A_427, %sub3A_447 : i32
      %select_n3A_449 = arith.select %and3A_446, %sub3A_448, %div3A_427 : i32
      %add3A_450 = arith.constant 4 : i32
      %add3A_451 = arith.addi %select_n3A_449, %add3A_450 : i32
      %lt3A_452 = arith.constant 80 : i32
      %lt3A_453 = arith.cmpi slt, %add3A_451, %lt3A_452 : i32
      %and3A_454 = arith.constant false
      %and3A_455 = arith.andi %and3A_454, %lt3A_453 : i1
      %convert_element_type3A_456 = arith.extui %and3A_455 : i1 to i32
      %cond3A_457 = arith.constant 0 : i32
      %cond3A_458 = arith.cmpi ne, %convert_element_type3A_456, %cond3A_457 : i32
      scf.if %cond3A_458 {
        %jit3A_667 = arith.constant 2 : i32
        %div3A_668 = arith.divsi %add3A_393, %jit3A_667 : i32
        %sign3A_669 = arith.constant 0 : i32
        %sign3A_670 = arith.cmpi sgt, %add3A_393, %sign3A_669 : i32
        %sign3A_671 = arith.extui %sign3A_670 : i1 to i32
        %sign3A_672 = arith.constant 0 : i32
        %sign3A_673 = arith.cmpi slt, %add3A_393, %sign3A_672 : i32
        %sign3A_674 = arith.extui %sign3A_673 : i1 to i32
        %sign3A_675 = arith.subi %sign3A_671, %sign3A_674 : i32
        %sign3A_676 = arith.constant 0 : i32
        %sign3A_677 = arith.cmpi sgt, %jit3A_667, %sign3A_676 : i32
        %sign3A_678 = arith.extui %sign3A_677 : i1 to i32
        %sign3A_679 = arith.constant 0 : i32
        %sign3A_680 = arith.cmpi slt, %jit3A_667, %sign3A_679 : i32
        %sign3A_681 = arith.extui %sign3A_680 : i1 to i32
        %sign3A_682 = arith.subi %sign3A_678, %sign3A_681 : i32
        %ne3A_683 = arith.cmpi ne, %sign3A_675, %sign3A_682 : i32
        %rem3A_684 = arith.remsi %add3A_393, %jit3A_667 : i32
        %ne3A_685 = arith.constant 0 : i32
        %ne3A_686 = arith.cmpi ne, %rem3A_684, %ne3A_685 : i32
        %and3A_687 = arith.andi %ne3A_683, %ne3A_686 : i1
        %sub3A_688 = arith.constant 1 : i32
        %sub3A_689 = arith.subi %div3A_668, %sub3A_688 : i32
        %select_n3A_690 = arith.select %and3A_687, %sub3A_689, %div3A_668 : i32
        %add3A_691 = arith.constant 4 : i32
        %add3A_692 = arith.addi %select_n3A_690, %add3A_691 : i32
        %mul3A_693 = arith.constant 128 : i32
        %mul3A_694 = arith.muli %add3A_692, %mul3A_693 : i32
        %add3A_695 = arith.addi %mul3A_2, %mul3A_694 : i32
        %multiple_of3A_696 = tpu.assume_multiple %add3A_695, 128 : i32
        %dma_start3A_697 = arith.constant 2 : i32
        %dma_start3A_698 = arith.constant 0 : i32
        %dma_start3A_699 = tpu.memref_slice %arg6[%dma_start3A_697, %dma_start3A_698] : memref<4x128xi32, #tpu.memory_space<vmem>> -> memref<1x128xi32, #tpu.memory_space<vmem>>
        %dma_start3A_700 = tpu.memref_squeeze %dma_start3A_699 : memref<1x128xi32, #tpu.memory_space<vmem>> -> memref<128xi32, #tpu.memory_space<vmem>>
        %dma_start3A_701 = tpu.memref_slice %arg3[%multiple_of3A_696] : memref<327680xi32, #tpu.memory_space<hbm>> -> memref<128xi32, #tpu.memory_space<hbm>>
        %dma_start3A_702 = arith.constant 0 : i32
        %dma_start3A_703 = tpu.memref_slice %arg6[%dma_start3A_697, %dma_start3A_702] : memref<4x128xi32, #tpu.memory_space<vmem>> -> memref<1x128xi32, #tpu.memory_space<vmem>>
        %dma_start3A_704 = tpu.memref_squeeze %dma_start3A_703 : memref<1x128xi32, #tpu.memory_space<vmem>> -> memref<128xi32, #tpu.memory_space<vmem>>
        %dma_start3A_705 = tpu.memref_slice %arg3[%multiple_of3A_696] : memref<327680xi32, #tpu.memory_space<hbm>> -> memref<128xi32, #tpu.memory_space<hbm>>
        tpu.enqueue_dma source(%dma_start3A_705 : memref<128xi32, #tpu.memory_space<hbm>>) target(%dma_start3A_704 : memref<128xi32, #tpu.memory_space<vmem>>) target_semaphore(%arg15 : memref<!tpu.dma_semaphore, #tpu.memory_space<semaphore_mem>>)
      } else {
      }
      %mul3A_459 = arith.constant 8 : i32
      %mul3A_460 = arith.muli %scan3A_124, %mul3A_459 : i32
      %add3A_461 = arith.constant 5 : i32
      %add3A_462 = arith.addi %mul3A_460, %add3A_461 : i32
      %ge3A_463 = arith.constant 2 : i32
      %ge3A_464 = arith.cmpi sge, %add3A_462, %ge3A_463 : i32
      %add3A_465 = arith.constant 2 : i32
      %add3A_466 = arith.addi %add3A_462, %add3A_465 : i32
      %lt3A_467 = arith.constant 160 : i32
      %lt3A_468 = arith.cmpi slt, %add3A_466, %lt3A_467 : i32
      %and3A_469 = arith.andi %ge3A_464, %lt3A_468 : i1
      %convert_element_type3A_470 = arith.extui %and3A_469 : i1 to i32
      %cond3A_471 = arith.constant 0 : i32
      %cond3A_472 = arith.cmpi ne, %convert_element_type3A_470, %cond3A_471 : i32
      scf.if %cond3A_472 {
        %dma_wait3A_667 = arith.constant 0 : i32
        %dma_wait3A_668 = arith.constant 0 : i32
        %dma_wait3A_669 = tpu.memref_slice %arg12[%dma_wait3A_667, %dma_wait3A_668] : memref<10240x128xf32, #tpu.memory_space<vmem_shared>> -> memref<64x128xf32, #tpu.memory_space<vmem_shared>>
        %dma_wait3A_670 = arith.constant 0 : i32
        %dma_wait3A_671 = arith.constant 0 : i32
        %dma_wait3A_672 = tpu.memref_slice %arg12[%dma_wait3A_670, %dma_wait3A_671] : memref<10240x128xf32, #tpu.memory_space<vmem_shared>> -> memref<64x128xf32, #tpu.memory_space<vmem_shared>>
        tpu.wait_dma2 semaphore(%arg24 : memref<!tpu.dma_semaphore, #tpu.memory_space<semaphore_mem>>) src(%arg11 : memref<64x128xf32, #tpu.memory_space<vmem>>) dst(%dma_wait3A_672 : memref<64x128xf32, #tpu.memory_space<vmem_shared>>)
      } else {
      }
      %add3A_473 = arith.constant 2 : i32
      %add3A_474 = arith.addi %add3A_462, %add3A_473 : i32
      %lt3A_475 = arith.constant 160 : i32
      %lt3A_476 = arith.cmpi slt, %add3A_474, %lt3A_475 : i32
      %convert_element_type3A_477 = arith.extui %lt3A_476 : i1 to i32
      %cond3A_478 = arith.constant 0 : i32
      %cond3A_479 = arith.cmpi ne, %convert_element_type3A_477, %cond3A_478 : i32
      scf.if %cond3A_479 {
        %dma_start3A_667 = arith.constant 3 : i32
        %dma_start3A_668 = arith.constant 64 : i32
        %dma_start3A_669 = tpu.memref_slice %arg6[%dma_start3A_667, %dma_start3A_668] : memref<4x128xi32, #tpu.memory_space<vmem>> -> memref<1x64xi32, #tpu.memory_space<vmem>>
        %dma_start3A_670 = tpu.memref_squeeze %dma_start3A_669 : memref<1x64xi32, #tpu.memory_space<vmem>> -> memref<64xi32, #tpu.memory_space<vmem>>
        %dma_start3A_671 = arith.constant 0 : i32
        %dma_start3A_672 = arith.constant 0 : i32
        %dma_start3A_673 = tpu.memref_slice %arg2[%dma_start3A_671, %dma_start3A_672] : memref<10240x128xf32, #tpu.memory_space<hbm>> -> memref<10240x128xf32, #tpu.memory_space<hbm>>
        tpu.enqueue_indirect_dma source(%dma_start3A_673 : memref<10240x128xf32, #tpu.memory_space<hbm>>) target(%arg11 : memref<64x128xf32, #tpu.memory_space<vmem>>) offsets(%dma_start3A_670 : memref<64xi32, #tpu.memory_space<vmem>>) semaphore(%arg20 : memref<!tpu.dma_semaphore, #tpu.memory_space<semaphore_mem>>)
      } else {
      }
      %dma_wait3A_480 = arith.constant 0 : i32
      %dma_wait3A_481 = arith.constant 0 : i32
      %dma_wait3A_482 = tpu.memref_slice %arg6[%dma_wait3A_480, %dma_wait3A_481] : memref<4x128xi32, #tpu.memory_space<vmem>> -> memref<1x64xi32, #tpu.memory_space<vmem>>
      %dma_wait3A_483 = tpu.memref_squeeze %dma_wait3A_482 : memref<1x64xi32, #tpu.memory_space<vmem>> -> memref<64xi32, #tpu.memory_space<vmem>>
      %dma_wait3A_484 = arith.constant 0 : i32
      %dma_wait3A_485 = arith.constant 0 : i32
      %dma_wait3A_486 = tpu.memref_slice %arg2[%dma_wait3A_484, %dma_wait3A_485] : memref<10240x128xf32, #tpu.memory_space<hbm>> -> memref<10240x128xf32, #tpu.memory_space<hbm>>
      tpu.wait_indirect_dma semaphore(%arg18 : memref<!tpu.dma_semaphore, #tpu.memory_space<semaphore_mem>>) src(%dma_wait3A_486 : memref<10240x128xf32, #tpu.memory_space<hbm>>) dst(%arg9 : memref<64x128xf32, #tpu.memory_space<vmem>>)
      %div3A_487 = arith.constant 2 : i32
      %div3A_488 = arith.divsi %add3A_462, %div3A_487 : i32
      %dma_start3A_489 = arith.constant 64 : i32
      %dma_start3A_490 = tpu.memref_slice %arg7[%div3A_488, %dma_start3A_489] : memref<80x128xi32, #tpu.memory_space<vmem>> -> memref<1x64xi32, #tpu.memory_space<vmem>>
      %dma_start3A_491 = tpu.memref_squeeze %dma_start3A_490 : memref<1x64xi32, #tpu.memory_space<vmem>> -> memref<64xi32, #tpu.memory_space<vmem>>
      %dma_start3A_492 = arith.constant 0 : i32
      %dma_start3A_493 = arith.constant 0 : i32
      %dma_start3A_494 = tpu.memref_slice %arg12[%dma_start3A_492, %dma_start3A_493] : memref<10240x128xf32, #tpu.memory_space<vmem_shared>> -> memref<10240x128xf32, #tpu.memory_space<vmem_shared>>
      tpu.enqueue_indirect_dma source(%arg9 : memref<64x128xf32, #tpu.memory_space<vmem>>) target(%dma_start3A_494 : memref<10240x128xf32, #tpu.memory_space<vmem_shared>>) offsets(%dma_start3A_491 : memref<64xi32, #tpu.memory_space<vmem>>) semaphore(%arg22 : memref<!tpu.dma_semaphore, #tpu.memory_space<semaphore_mem>>) {add = true}
      %jit3A_495 = arith.constant 2 : i32
      %div3A_496 = arith.divsi %add3A_462, %jit3A_495 : i32
      %sign3A_497 = arith.constant 0 : i32
      %sign3A_498 = arith.cmpi sgt, %add3A_462, %sign3A_497 : i32
      %sign3A_499 = arith.extui %sign3A_498 : i1 to i32
      %sign3A_500 = arith.constant 0 : i32
      %sign3A_501 = arith.cmpi slt, %add3A_462, %sign3A_500 : i32
      %sign3A_502 = arith.extui %sign3A_501 : i1 to i32
      %sign3A_503 = arith.subi %sign3A_499, %sign3A_502 : i32
      %sign3A_504 = arith.constant 0 : i32
      %sign3A_505 = arith.cmpi sgt, %jit3A_495, %sign3A_504 : i32
      %sign3A_506 = arith.extui %sign3A_505 : i1 to i32
      %sign3A_507 = arith.constant 0 : i32
      %sign3A_508 = arith.cmpi slt, %jit3A_495, %sign3A_507 : i32
      %sign3A_509 = arith.extui %sign3A_508 : i1 to i32
      %sign3A_510 = arith.subi %sign3A_506, %sign3A_509 : i32
      %ne3A_511 = arith.cmpi ne, %sign3A_503, %sign3A_510 : i32
      %rem3A_512 = arith.remsi %add3A_462, %jit3A_495 : i32
      %ne3A_513 = arith.constant 0 : i32
      %ne3A_514 = arith.cmpi ne, %rem3A_512, %ne3A_513 : i32
      %and3A_515 = arith.andi %ne3A_511, %ne3A_514 : i1
      %sub3A_516 = arith.constant 1 : i32
      %sub3A_517 = arith.subi %div3A_496, %sub3A_516 : i32
      %select_n3A_518 = arith.select %and3A_515, %sub3A_517, %div3A_496 : i32
      %add3A_519 = arith.constant 4 : i32
      %add3A_520 = arith.addi %select_n3A_518, %add3A_519 : i32
      %lt3A_521 = arith.constant 80 : i32
      %lt3A_522 = arith.cmpi slt, %add3A_520, %lt3A_521 : i32
      %and3A_523 = arith.constant true
      %and3A_524 = arith.andi %and3A_523, %lt3A_522 : i1
      %convert_element_type3A_525 = arith.extui %and3A_524 : i1 to i32
      %cond3A_526 = arith.constant 0 : i32
      %cond3A_527 = arith.cmpi ne, %convert_element_type3A_525, %cond3A_526 : i32
      scf.if %cond3A_527 {
        %jit3A_667 = arith.constant 2 : i32
        %div3A_668 = arith.divsi %add3A_462, %jit3A_667 : i32
        %sign3A_669 = arith.constant 0 : i32
        %sign3A_670 = arith.cmpi sgt, %add3A_462, %sign3A_669 : i32
        %sign3A_671 = arith.extui %sign3A_670 : i1 to i32
        %sign3A_672 = arith.constant 0 : i32
        %sign3A_673 = arith.cmpi slt, %add3A_462, %sign3A_672 : i32
        %sign3A_674 = arith.extui %sign3A_673 : i1 to i32
        %sign3A_675 = arith.subi %sign3A_671, %sign3A_674 : i32
        %sign3A_676 = arith.constant 0 : i32
        %sign3A_677 = arith.cmpi sgt, %jit3A_667, %sign3A_676 : i32
        %sign3A_678 = arith.extui %sign3A_677 : i1 to i32
        %sign3A_679 = arith.constant 0 : i32
        %sign3A_680 = arith.cmpi slt, %jit3A_667, %sign3A_679 : i32
        %sign3A_681 = arith.extui %sign3A_680 : i1 to i32
        %sign3A_682 = arith.subi %sign3A_678, %sign3A_681 : i32
        %ne3A_683 = arith.cmpi ne, %sign3A_675, %sign3A_682 : i32
        %rem3A_684 = arith.remsi %add3A_462, %jit3A_667 : i32
        %ne3A_685 = arith.constant 0 : i32
        %ne3A_686 = arith.cmpi ne, %rem3A_684, %ne3A_685 : i32
        %and3A_687 = arith.andi %ne3A_683, %ne3A_686 : i1
        %sub3A_688 = arith.constant 1 : i32
        %sub3A_689 = arith.subi %div3A_668, %sub3A_688 : i32
        %select_n3A_690 = arith.select %and3A_687, %sub3A_689, %div3A_668 : i32
        %add3A_691 = arith.constant 4 : i32
        %add3A_692 = arith.addi %select_n3A_690, %add3A_691 : i32
        %mul3A_693 = arith.constant 128 : i32
        %mul3A_694 = arith.muli %add3A_692, %mul3A_693 : i32
        %add3A_695 = arith.addi %mul3A_2, %mul3A_694 : i32
        %multiple_of3A_696 = tpu.assume_multiple %add3A_695, 128 : i32
        %dma_start3A_697 = arith.constant 2 : i32
        %dma_start3A_698 = arith.constant 0 : i32
        %dma_start3A_699 = tpu.memref_slice %arg6[%dma_start3A_697, %dma_start3A_698] : memref<4x128xi32, #tpu.memory_space<vmem>> -> memref<1x128xi32, #tpu.memory_space<vmem>>
        %dma_start3A_700 = tpu.memref_squeeze %dma_start3A_699 : memref<1x128xi32, #tpu.memory_space<vmem>> -> memref<128xi32, #tpu.memory_space<vmem>>
        %dma_start3A_701 = tpu.memref_slice %arg3[%multiple_of3A_696] : memref<327680xi32, #tpu.memory_space<hbm>> -> memref<128xi32, #tpu.memory_space<hbm>>
        %dma_start3A_702 = arith.constant 0 : i32
        %dma_start3A_703 = tpu.memref_slice %arg6[%dma_start3A_697, %dma_start3A_702] : memref<4x128xi32, #tpu.memory_space<vmem>> -> memref<1x128xi32, #tpu.memory_space<vmem>>
        %dma_start3A_704 = tpu.memref_squeeze %dma_start3A_703 : memref<1x128xi32, #tpu.memory_space<vmem>> -> memref<128xi32, #tpu.memory_space<vmem>>
        %dma_start3A_705 = tpu.memref_slice %arg3[%multiple_of3A_696] : memref<327680xi32, #tpu.memory_space<hbm>> -> memref<128xi32, #tpu.memory_space<hbm>>
        tpu.enqueue_dma source(%dma_start3A_705 : memref<128xi32, #tpu.memory_space<hbm>>) target(%dma_start3A_704 : memref<128xi32, #tpu.memory_space<vmem>>) target_semaphore(%arg15 : memref<!tpu.dma_semaphore, #tpu.memory_space<semaphore_mem>>)
      } else {
      }
      %mul3A_528 = arith.constant 8 : i32
      %mul3A_529 = arith.muli %scan3A_124, %mul3A_528 : i32
      %add3A_530 = arith.constant 6 : i32
      %add3A_531 = arith.addi %mul3A_529, %add3A_530 : i32
      %ge3A_532 = arith.constant 2 : i32
      %ge3A_533 = arith.cmpi sge, %add3A_531, %ge3A_532 : i32
      %add3A_534 = arith.constant 2 : i32
      %add3A_535 = arith.addi %add3A_531, %add3A_534 : i32
      %lt3A_536 = arith.constant 160 : i32
      %lt3A_537 = arith.cmpi slt, %add3A_535, %lt3A_536 : i32
      %and3A_538 = arith.andi %ge3A_533, %lt3A_537 : i1
      %convert_element_type3A_539 = arith.extui %and3A_538 : i1 to i32
      %cond3A_540 = arith.constant 0 : i32
      %cond3A_541 = arith.cmpi ne, %convert_element_type3A_539, %cond3A_540 : i32
      scf.if %cond3A_541 {
        %dma_wait3A_667 = arith.constant 0 : i32
        %dma_wait3A_668 = arith.constant 0 : i32
        %dma_wait3A_669 = tpu.memref_slice %arg12[%dma_wait3A_667, %dma_wait3A_668] : memref<10240x128xf32, #tpu.memory_space<vmem_shared>> -> memref<64x128xf32, #tpu.memory_space<vmem_shared>>
        %dma_wait3A_670 = arith.constant 0 : i32
        %dma_wait3A_671 = arith.constant 0 : i32
        %dma_wait3A_672 = tpu.memref_slice %arg12[%dma_wait3A_670, %dma_wait3A_671] : memref<10240x128xf32, #tpu.memory_space<vmem_shared>> -> memref<64x128xf32, #tpu.memory_space<vmem_shared>>
        tpu.wait_dma2 semaphore(%arg21 : memref<!tpu.dma_semaphore, #tpu.memory_space<semaphore_mem>>) src(%arg8 : memref<64x128xf32, #tpu.memory_space<vmem>>) dst(%dma_wait3A_672 : memref<64x128xf32, #tpu.memory_space<vmem_shared>>)
      } else {
      }
      %add3A_542 = arith.constant 2 : i32
      %add3A_543 = arith.addi %add3A_531, %add3A_542 : i32
      %lt3A_544 = arith.constant 160 : i32
      %lt3A_545 = arith.cmpi slt, %add3A_543, %lt3A_544 : i32
      %convert_element_type3A_546 = arith.extui %lt3A_545 : i1 to i32
      %cond3A_547 = arith.constant 0 : i32
      %cond3A_548 = arith.cmpi ne, %convert_element_type3A_546, %cond3A_547 : i32
      scf.if %cond3A_548 {
        %dma_wait3A_667 = arith.constant 0 : i32
        %dma_wait3A_668 = arith.constant 0 : i32
        %dma_wait3A_669 = tpu.memref_slice %arg6[%dma_wait3A_667, %dma_wait3A_668] : memref<4x128xi32, #tpu.memory_space<vmem>> -> memref<1x128xi32, #tpu.memory_space<vmem>>
        %dma_wait3A_670 = tpu.memref_squeeze %dma_wait3A_669 : memref<1x128xi32, #tpu.memory_space<vmem>> -> memref<128xi32, #tpu.memory_space<vmem>>
        %dma_wait3A_671 = arith.constant 0 : i32
        %dma_wait3A_672 = tpu.memref_slice %arg3[%dma_wait3A_671] : memref<327680xi32, #tpu.memory_space<hbm>> -> memref<128xi32, #tpu.memory_space<hbm>>
        %dma_wait3A_673 = arith.constant 0 : i32
        %dma_wait3A_674 = tpu.memref_slice %arg6[%dma_wait3A_667, %dma_wait3A_673] : memref<4x128xi32, #tpu.memory_space<vmem>> -> memref<1x128xi32, #tpu.memory_space<vmem>>
        %dma_wait3A_675 = tpu.memref_squeeze %dma_wait3A_674 : memref<1x128xi32, #tpu.memory_space<vmem>> -> memref<128xi32, #tpu.memory_space<vmem>>
        %dma_wait3A_676 = arith.constant 0 : i32
        %dma_wait3A_677 = tpu.memref_slice %arg3[%dma_wait3A_676] : memref<327680xi32, #tpu.memory_space<hbm>> -> memref<128xi32, #tpu.memory_space<hbm>>
        tpu.wait_dma2 semaphore(%arg13 : memref<!tpu.dma_semaphore, #tpu.memory_space<semaphore_mem>>) src(%dma_wait3A_677 : memref<128xi32, #tpu.memory_space<hbm>>) dst(%dma_wait3A_675 : memref<128xi32, #tpu.memory_space<vmem>>)
        %dma_start3A_678 = arith.constant 0 : i32
        %dma_start3A_679 = arith.constant 0 : i32
        %dma_start3A_680 = tpu.memref_slice %arg6[%dma_start3A_678, %dma_start3A_679] : memref<4x128xi32, #tpu.memory_space<vmem>> -> memref<1x64xi32, #tpu.memory_space<vmem>>
        %dma_start3A_681 = tpu.memref_squeeze %dma_start3A_680 : memref<1x64xi32, #tpu.memory_space<vmem>> -> memref<64xi32, #tpu.memory_space<vmem>>
        %dma_start3A_682 = arith.constant 0 : i32
        %dma_start3A_683 = arith.constant 0 : i32
        %dma_start3A_684 = tpu.memref_slice %arg2[%dma_start3A_682, %dma_start3A_683] : memref<10240x128xf32, #tpu.memory_space<hbm>> -> memref<10240x128xf32, #tpu.memory_space<hbm>>
        tpu.enqueue_indirect_dma source(%dma_start3A_684 : memref<10240x128xf32, #tpu.memory_space<hbm>>) target(%arg8 : memref<64x128xf32, #tpu.memory_space<vmem>>) offsets(%dma_start3A_681 : memref<64xi32, #tpu.memory_space<vmem>>) semaphore(%arg17 : memref<!tpu.dma_semaphore, #tpu.memory_space<semaphore_mem>>)
      } else {
      }
      %dma_wait3A_549 = arith.constant 0 : i32
      %dma_wait3A_550 = arith.constant 0 : i32
      %dma_wait3A_551 = tpu.memref_slice %arg6[%dma_wait3A_549, %dma_wait3A_550] : memref<4x128xi32, #tpu.memory_space<vmem>> -> memref<1x64xi32, #tpu.memory_space<vmem>>
      %dma_wait3A_552 = tpu.memref_squeeze %dma_wait3A_551 : memref<1x64xi32, #tpu.memory_space<vmem>> -> memref<64xi32, #tpu.memory_space<vmem>>
      %dma_wait3A_553 = arith.constant 0 : i32
      %dma_wait3A_554 = arith.constant 0 : i32
      %dma_wait3A_555 = tpu.memref_slice %arg2[%dma_wait3A_553, %dma_wait3A_554] : memref<10240x128xf32, #tpu.memory_space<hbm>> -> memref<10240x128xf32, #tpu.memory_space<hbm>>
      tpu.wait_indirect_dma semaphore(%arg19 : memref<!tpu.dma_semaphore, #tpu.memory_space<semaphore_mem>>) src(%dma_wait3A_555 : memref<10240x128xf32, #tpu.memory_space<hbm>>) dst(%arg10 : memref<64x128xf32, #tpu.memory_space<vmem>>)
      %div3A_556 = arith.constant 2 : i32
      %div3A_557 = arith.divsi %add3A_531, %div3A_556 : i32
      %dma_start3A_558 = arith.constant 0 : i32
      %dma_start3A_559 = tpu.memref_slice %arg7[%div3A_557, %dma_start3A_558] : memref<80x128xi32, #tpu.memory_space<vmem>> -> memref<1x64xi32, #tpu.memory_space<vmem>>
      %dma_start3A_560 = tpu.memref_squeeze %dma_start3A_559 : memref<1x64xi32, #tpu.memory_space<vmem>> -> memref<64xi32, #tpu.memory_space<vmem>>
      %dma_start3A_561 = arith.constant 0 : i32
      %dma_start3A_562 = arith.constant 0 : i32
      %dma_start3A_563 = tpu.memref_slice %arg12[%dma_start3A_561, %dma_start3A_562] : memref<10240x128xf32, #tpu.memory_space<vmem_shared>> -> memref<10240x128xf32, #tpu.memory_space<vmem_shared>>
      tpu.enqueue_indirect_dma source(%arg10 : memref<64x128xf32, #tpu.memory_space<vmem>>) target(%dma_start3A_563 : memref<10240x128xf32, #tpu.memory_space<vmem_shared>>) offsets(%dma_start3A_560 : memref<64xi32, #tpu.memory_space<vmem>>) semaphore(%arg23 : memref<!tpu.dma_semaphore, #tpu.memory_space<semaphore_mem>>) {add = true}
      %jit3A_564 = arith.constant 2 : i32
      %div3A_565 = arith.divsi %add3A_531, %jit3A_564 : i32
      %sign3A_566 = arith.constant 0 : i32
      %sign3A_567 = arith.cmpi sgt, %add3A_531, %sign3A_566 : i32
      %sign3A_568 = arith.extui %sign3A_567 : i1 to i32
      %sign3A_569 = arith.constant 0 : i32
      %sign3A_570 = arith.cmpi slt, %add3A_531, %sign3A_569 : i32
      %sign3A_571 = arith.extui %sign3A_570 : i1 to i32
      %sign3A_572 = arith.subi %sign3A_568, %sign3A_571 : i32
      %sign3A_573 = arith.constant 0 : i32
      %sign3A_574 = arith.cmpi sgt, %jit3A_564, %sign3A_573 : i32
      %sign3A_575 = arith.extui %sign3A_574 : i1 to i32
      %sign3A_576 = arith.constant 0 : i32
      %sign3A_577 = arith.cmpi slt, %jit3A_564, %sign3A_576 : i32
      %sign3A_578 = arith.extui %sign3A_577 : i1 to i32
      %sign3A_579 = arith.subi %sign3A_575, %sign3A_578 : i32
      %ne3A_580 = arith.cmpi ne, %sign3A_572, %sign3A_579 : i32
      %rem3A_581 = arith.remsi %add3A_531, %jit3A_564 : i32
      %ne3A_582 = arith.constant 0 : i32
      %ne3A_583 = arith.cmpi ne, %rem3A_581, %ne3A_582 : i32
      %and3A_584 = arith.andi %ne3A_580, %ne3A_583 : i1
      %sub3A_585 = arith.constant 1 : i32
      %sub3A_586 = arith.subi %div3A_565, %sub3A_585 : i32
      %select_n3A_587 = arith.select %and3A_584, %sub3A_586, %div3A_565 : i32
      %add3A_588 = arith.constant 4 : i32
      %add3A_589 = arith.addi %select_n3A_587, %add3A_588 : i32
      %lt3A_590 = arith.constant 80 : i32
      %lt3A_591 = arith.cmpi slt, %add3A_589, %lt3A_590 : i32
      %and3A_592 = arith.constant false
      %and3A_593 = arith.andi %and3A_592, %lt3A_591 : i1
      %convert_element_type3A_594 = arith.extui %and3A_593 : i1 to i32
      %cond3A_595 = arith.constant 0 : i32
      %cond3A_596 = arith.cmpi ne, %convert_element_type3A_594, %cond3A_595 : i32
      scf.if %cond3A_596 {
        %jit3A_667 = arith.constant 2 : i32
        %div3A_668 = arith.divsi %add3A_531, %jit3A_667 : i32
        %sign3A_669 = arith.constant 0 : i32
        %sign3A_670 = arith.cmpi sgt, %add3A_531, %sign3A_669 : i32
        %sign3A_671 = arith.extui %sign3A_670 : i1 to i32
        %sign3A_672 = arith.constant 0 : i32
        %sign3A_673 = arith.cmpi slt, %add3A_531, %sign3A_672 : i32
        %sign3A_674 = arith.extui %sign3A_673 : i1 to i32
        %sign3A_675 = arith.subi %sign3A_671, %sign3A_674 : i32
        %sign3A_676 = arith.constant 0 : i32
        %sign3A_677 = arith.cmpi sgt, %jit3A_667, %sign3A_676 : i32
        %sign3A_678 = arith.extui %sign3A_677 : i1 to i32
        %sign3A_679 = arith.constant 0 : i32
        %sign3A_680 = arith.cmpi slt, %jit3A_667, %sign3A_679 : i32
        %sign3A_681 = arith.extui %sign3A_680 : i1 to i32
        %sign3A_682 = arith.subi %sign3A_678, %sign3A_681 : i32
        %ne3A_683 = arith.cmpi ne, %sign3A_675, %sign3A_682 : i32
        %rem3A_684 = arith.remsi %add3A_531, %jit3A_667 : i32
        %ne3A_685 = arith.constant 0 : i32
        %ne3A_686 = arith.cmpi ne, %rem3A_684, %ne3A_685 : i32
        %and3A_687 = arith.andi %ne3A_683, %ne3A_686 : i1
        %sub3A_688 = arith.constant 1 : i32
        %sub3A_689 = arith.subi %div3A_668, %sub3A_688 : i32
        %select_n3A_690 = arith.select %and3A_687, %sub3A_689, %div3A_668 : i32
        %add3A_691 = arith.constant 4 : i32
        %add3A_692 = arith.addi %select_n3A_690, %add3A_691 : i32
        %mul3A_693 = arith.constant 128 : i32
        %mul3A_694 = arith.muli %add3A_692, %mul3A_693 : i32
        %add3A_695 = arith.addi %mul3A_2, %mul3A_694 : i32
        %multiple_of3A_696 = tpu.assume_multiple %add3A_695, 128 : i32
        %dma_start3A_697 = arith.constant 3 : i32
        %dma_start3A_698 = arith.constant 0 : i32
        %dma_start3A_699 = tpu.memref_slice %arg6[%dma_start3A_697, %dma_start3A_698] : memref<4x128xi32, #tpu.memory_space<vmem>> -> memref<1x128xi32, #tpu.memory_space<vmem>>
        %dma_start3A_700 = tpu.memref_squeeze %dma_start3A_699 : memref<1x128xi32, #tpu.memory_space<vmem>> -> memref<128xi32, #tpu.memory_space<vmem>>
        %dma_start3A_701 = tpu.memref_slice %arg3[%multiple_of3A_696] : memref<327680xi32, #tpu.memory_space<hbm>> -> memref<128xi32, #tpu.memory_space<hbm>>
        %dma_start3A_702 = arith.constant 0 : i32
        %dma_start3A_703 = tpu.memref_slice %arg6[%dma_start3A_697, %dma_start3A_702] : memref<4x128xi32, #tpu.memory_space<vmem>> -> memref<1x128xi32, #tpu.memory_space<vmem>>
        %dma_start3A_704 = tpu.memref_squeeze %dma_start3A_703 : memref<1x128xi32, #tpu.memory_space<vmem>> -> memref<128xi32, #tpu.memory_space<vmem>>
        %dma_start3A_705 = tpu.memref_slice %arg3[%multiple_of3A_696] : memref<327680xi32, #tpu.memory_space<hbm>> -> memref<128xi32, #tpu.memory_space<hbm>>
        tpu.enqueue_dma source(%dma_start3A_705 : memref<128xi32, #tpu.memory_space<hbm>>) target(%dma_start3A_704 : memref<128xi32, #tpu.memory_space<vmem>>) target_semaphore(%arg16 : memref<!tpu.dma_semaphore, #tpu.memory_space<semaphore_mem>>)
      } else {
      }
      %mul3A_597 = arith.constant 8 : i32
      %mul3A_598 = arith.muli %scan3A_124, %mul3A_597 : i32
      %add3A_599 = arith.constant 7 : i32
      %add3A_600 = arith.addi %mul3A_598, %add3A_599 : i32
      %ge3A_601 = arith.constant 2 : i32
      %ge3A_602 = arith.cmpi sge, %add3A_600, %ge3A_601 : i32
      %add3A_603 = arith.constant 2 : i32
      %add3A_604 = arith.addi %add3A_600, %add3A_603 : i32
      %lt3A_605 = arith.constant 160 : i32
      %lt3A_606 = arith.cmpi slt, %add3A_604, %lt3A_605 : i32
      %and3A_607 = arith.andi %ge3A_602, %lt3A_606 : i1
      %convert_element_type3A_608 = arith.extui %and3A_607 : i1 to i32
      %cond3A_609 = arith.constant 0 : i32
      %cond3A_610 = arith.cmpi ne, %convert_element_type3A_608, %cond3A_609 : i32
      scf.if %cond3A_610 {
        %dma_wait3A_667 = arith.constant 0 : i32
        %dma_wait3A_668 = arith.constant 0 : i32
        %dma_wait3A_669 = tpu.memref_slice %arg12[%dma_wait3A_667, %dma_wait3A_668] : memref<10240x128xf32, #tpu.memory_space<vmem_shared>> -> memref<64x128xf32, #tpu.memory_space<vmem_shared>>
        %dma_wait3A_670 = arith.constant 0 : i32
        %dma_wait3A_671 = arith.constant 0 : i32
        %dma_wait3A_672 = tpu.memref_slice %arg12[%dma_wait3A_670, %dma_wait3A_671] : memref<10240x128xf32, #tpu.memory_space<vmem_shared>> -> memref<64x128xf32, #tpu.memory_space<vmem_shared>>
        tpu.wait_dma2 semaphore(%arg22 : memref<!tpu.dma_semaphore, #tpu.memory_space<semaphore_mem>>) src(%arg9 : memref<64x128xf32, #tpu.memory_space<vmem>>) dst(%dma_wait3A_672 : memref<64x128xf32, #tpu.memory_space<vmem_shared>>)
      } else {
      }
      %add3A_611 = arith.constant 2 : i32
      %add3A_612 = arith.addi %add3A_600, %add3A_611 : i32
      %lt3A_613 = arith.constant 160 : i32
      %lt3A_614 = arith.cmpi slt, %add3A_612, %lt3A_613 : i32
      %convert_element_type3A_615 = arith.extui %lt3A_614 : i1 to i32
      %cond3A_616 = arith.constant 0 : i32
      %cond3A_617 = arith.cmpi ne, %convert_element_type3A_615, %cond3A_616 : i32
      scf.if %cond3A_617 {
        %dma_start3A_667 = arith.constant 0 : i32
        %dma_start3A_668 = arith.constant 64 : i32
        %dma_start3A_669 = tpu.memref_slice %arg6[%dma_start3A_667, %dma_start3A_668] : memref<4x128xi32, #tpu.memory_space<vmem>> -> memref<1x64xi32, #tpu.memory_space<vmem>>
        %dma_start3A_670 = tpu.memref_squeeze %dma_start3A_669 : memref<1x64xi32, #tpu.memory_space<vmem>> -> memref<64xi32, #tpu.memory_space<vmem>>
        %dma_start3A_671 = arith.constant 0 : i32
        %dma_start3A_672 = arith.constant 0 : i32
        %dma_start3A_673 = tpu.memref_slice %arg2[%dma_start3A_671, %dma_start3A_672] : memref<10240x128xf32, #tpu.memory_space<hbm>> -> memref<10240x128xf32, #tpu.memory_space<hbm>>
        tpu.enqueue_indirect_dma source(%dma_start3A_673 : memref<10240x128xf32, #tpu.memory_space<hbm>>) target(%arg9 : memref<64x128xf32, #tpu.memory_space<vmem>>) offsets(%dma_start3A_670 : memref<64xi32, #tpu.memory_space<vmem>>) semaphore(%arg18 : memref<!tpu.dma_semaphore, #tpu.memory_space<semaphore_mem>>)
      } else {
      }
      %dma_wait3A_618 = arith.constant 0 : i32
      %dma_wait3A_619 = arith.constant 0 : i32
      %dma_wait3A_620 = tpu.memref_slice %arg6[%dma_wait3A_618, %dma_wait3A_619] : memref<4x128xi32, #tpu.memory_space<vmem>> -> memref<1x64xi32, #tpu.memory_space<vmem>>
      %dma_wait3A_621 = tpu.memref_squeeze %dma_wait3A_620 : memref<1x64xi32, #tpu.memory_space<vmem>> -> memref<64xi32, #tpu.memory_space<vmem>>
      %dma_wait3A_622 = arith.constant 0 : i32
      %dma_wait3A_623 = arith.constant 0 : i32
      %dma_wait3A_624 = tpu.memref_slice %arg2[%dma_wait3A_622, %dma_wait3A_623] : memref<10240x128xf32, #tpu.memory_space<hbm>> -> memref<10240x128xf32, #tpu.memory_space<hbm>>
      tpu.wait_indirect_dma semaphore(%arg20 : memref<!tpu.dma_semaphore, #tpu.memory_space<semaphore_mem>>) src(%dma_wait3A_624 : memref<10240x128xf32, #tpu.memory_space<hbm>>) dst(%arg11 : memref<64x128xf32, #tpu.memory_space<vmem>>)
      %div3A_625 = arith.constant 2 : i32
      %div3A_626 = arith.divsi %add3A_600, %div3A_625 : i32
      %dma_start3A_627 = arith.constant 64 : i32
      %dma_start3A_628 = tpu.memref_slice %arg7[%div3A_626, %dma_start3A_627] : memref<80x128xi32, #tpu.memory_space<vmem>> -> memref<1x64xi32, #tpu.memory_space<vmem>>
      %dma_start3A_629 = tpu.memref_squeeze %dma_start3A_628 : memref<1x64xi32, #tpu.memory_space<vmem>> -> memref<64xi32, #tpu.memory_space<vmem>>
      %dma_start3A_630 = arith.constant 0 : i32
      %dma_start3A_631 = arith.constant 0 : i32
      %dma_start3A_632 = tpu.memref_slice %arg12[%dma_start3A_630, %dma_start3A_631] : memref<10240x128xf32, #tpu.memory_space<vmem_shared>> -> memref<10240x128xf32, #tpu.memory_space<vmem_shared>>
      tpu.enqueue_indirect_dma source(%arg11 : memref<64x128xf32, #tpu.memory_space<vmem>>) target(%dma_start3A_632 : memref<10240x128xf32, #tpu.memory_space<vmem_shared>>) offsets(%dma_start3A_629 : memref<64xi32, #tpu.memory_space<vmem>>) semaphore(%arg24 : memref<!tpu.dma_semaphore, #tpu.memory_space<semaphore_mem>>) {add = true}
      %jit3A_633 = arith.constant 2 : i32
      %div3A_634 = arith.divsi %add3A_600, %jit3A_633 : i32
      %sign3A_635 = arith.constant 0 : i32
      %sign3A_636 = arith.cmpi sgt, %add3A_600, %sign3A_635 : i32
      %sign3A_637 = arith.extui %sign3A_636 : i1 to i32
      %sign3A_638 = arith.constant 0 : i32
      %sign3A_639 = arith.cmpi slt, %add3A_600, %sign3A_638 : i32
      %sign3A_640 = arith.extui %sign3A_639 : i1 to i32
      %sign3A_641 = arith.subi %sign3A_637, %sign3A_640 : i32
      %sign3A_642 = arith.constant 0 : i32
      %sign3A_643 = arith.cmpi sgt, %jit3A_633, %sign3A_642 : i32
      %sign3A_644 = arith.extui %sign3A_643 : i1 to i32
      %sign3A_645 = arith.constant 0 : i32
      %sign3A_646 = arith.cmpi slt, %jit3A_633, %sign3A_645 : i32
      %sign3A_647 = arith.extui %sign3A_646 : i1 to i32
      %sign3A_648 = arith.subi %sign3A_644, %sign3A_647 : i32
      %ne3A_649 = arith.cmpi ne, %sign3A_641, %sign3A_648 : i32
      %rem3A_650 = arith.remsi %add3A_600, %jit3A_633 : i32
      %ne3A_651 = arith.constant 0 : i32
      %ne3A_652 = arith.cmpi ne, %rem3A_650, %ne3A_651 : i32
      %and3A_653 = arith.andi %ne3A_649, %ne3A_652 : i1
      %sub3A_654 = arith.constant 1 : i32
      %sub3A_655 = arith.subi %div3A_634, %sub3A_654 : i32
      %select_n3A_656 = arith.select %and3A_653, %sub3A_655, %div3A_634 : i32
      %add3A_657 = arith.constant 4 : i32
      %add3A_658 = arith.addi %select_n3A_656, %add3A_657 : i32
      %lt3A_659 = arith.constant 80 : i32
      %lt3A_660 = arith.cmpi slt, %add3A_658, %lt3A_659 : i32
      %and3A_661 = arith.constant true
      %and3A_662 = arith.andi %and3A_661, %lt3A_660 : i1
      %convert_element_type3A_663 = arith.extui %and3A_662 : i1 to i32
      %cond3A_664 = arith.constant 0 : i32
      %cond3A_665 = arith.cmpi ne, %convert_element_type3A_663, %cond3A_664 : i32
      scf.if %cond3A_665 {
        %jit3A_667 = arith.constant 2 : i32
        %div3A_668 = arith.divsi %add3A_600, %jit3A_667 : i32
        %sign3A_669 = arith.constant 0 : i32
        %sign3A_670 = arith.cmpi sgt, %add3A_600, %sign3A_669 : i32
        %sign3A_671 = arith.extui %sign3A_670 : i1 to i32
        %sign3A_672 = arith.constant 0 : i32
        %sign3A_673 = arith.cmpi slt, %add3A_600, %sign3A_672 : i32
        %sign3A_674 = arith.extui %sign3A_673 : i1 to i32
        %sign3A_675 = arith.subi %sign3A_671, %sign3A_674 : i32
        %sign3A_676 = arith.constant 0 : i32
        %sign3A_677 = arith.cmpi sgt, %jit3A_667, %sign3A_676 : i32
        %sign3A_678 = arith.extui %sign3A_677 : i1 to i32
        %sign3A_679 = arith.constant 0 : i32
        %sign3A_680 = arith.cmpi slt, %jit3A_667, %sign3A_679 : i32
        %sign3A_681 = arith.extui %sign3A_680 : i1 to i32
        %sign3A_682 = arith.subi %sign3A_678, %sign3A_681 : i32
        %ne3A_683 = arith.cmpi ne, %sign3A_675, %sign3A_682 : i32
        %rem3A_684 = arith.remsi %add3A_600, %jit3A_667 : i32
        %ne3A_685 = arith.constant 0 : i32
        %ne3A_686 = arith.cmpi ne, %rem3A_684, %ne3A_685 : i32
        %and3A_687 = arith.andi %ne3A_683, %ne3A_686 : i1
        %sub3A_688 = arith.constant 1 : i32
        %sub3A_689 = arith.subi %div3A_668, %sub3A_688 : i32
        %select_n3A_690 = arith.select %and3A_687, %sub3A_689, %div3A_668 : i32
        %add3A_691 = arith.constant 4 : i32
        %add3A_692 = arith.addi %select_n3A_690, %add3A_691 : i32
        %mul3A_693 = arith.constant 128 : i32
        %mul3A_694 = arith.muli %add3A_692, %mul3A_693 : i32
        %add3A_695 = arith.addi %mul3A_2, %mul3A_694 : i32
        %multiple_of3A_696 = tpu.assume_multiple %add3A_695, 128 : i32
        %dma_start3A_697 = arith.constant 3 : i32
        %dma_start3A_698 = arith.constant 0 : i32
        %dma_start3A_699 = tpu.memref_slice %arg6[%dma_start3A_697, %dma_start3A_698] : memref<4x128xi32, #tpu.memory_space<vmem>> -> memref<1x128xi32, #tpu.memory_space<vmem>>
        %dma_start3A_700 = tpu.memref_squeeze %dma_start3A_699 : memref<1x128xi32, #tpu.memory_space<vmem>> -> memref<128xi32, #tpu.memory_space<vmem>>
        %dma_start3A_701 = tpu.memref_slice %arg3[%multiple_of3A_696] : memref<327680xi32, #tpu.memory_space<hbm>> -> memref<128xi32, #tpu.memory_space<hbm>>
        %dma_start3A_702 = arith.constant 0 : i32
        %dma_start3A_703 = tpu.memref_slice %arg6[%dma_start3A_697, %dma_start3A_702] : memref<4x128xi32, #tpu.memory_space<vmem>> -> memref<1x128xi32, #tpu.memory_space<vmem>>
        %dma_start3A_704 = tpu.memref_squeeze %dma_start3A_703 : memref<1x128xi32, #tpu.memory_space<vmem>> -> memref<128xi32, #tpu.memory_space<vmem>>
        %dma_start3A_705 = tpu.memref_slice %arg3[%multiple_of3A_696] : memref<327680xi32, #tpu.memory_space<hbm>> -> memref<128xi32, #tpu.memory_space<hbm>>
        tpu.enqueue_dma source(%dma_start3A_705 : memref<128xi32, #tpu.memory_space<hbm>>) target(%dma_start3A_704 : memref<128xi32, #tpu.memory_space<vmem>>) target_semaphore(%arg16 : memref<!tpu.dma_semaphore, #tpu.memory_space<semaphore_mem>>)
      } else {
      }
      %scan3A_666 = arith.constant 0 : i32
      scf.yield %scan3A_666 : i32
    }
    %scan3A_95 = arith.constant 20 : i32
    %dma_wait3A_96 = arith.constant 0 : i32
    %dma_wait3A_97 = arith.constant 0 : i32
    %dma_wait3A_98 = tpu.memref_slice %arg12[%dma_wait3A_96, %dma_wait3A_97] : memref<10240x128xf32, #tpu.memory_space<vmem_shared>> -> memref<64x128xf32, #tpu.memory_space<vmem_shared>>
    %dma_wait3A_99 = arith.constant 0 : i32
    %dma_wait3A_100 = arith.constant 0 : i32
    %dma_wait3A_101 = tpu.memref_slice %arg12[%dma_wait3A_99, %dma_wait3A_100] : memref<10240x128xf32, #tpu.memory_space<vmem_shared>> -> memref<64x128xf32, #tpu.memory_space<vmem_shared>>
    tpu.wait_dma2 semaphore(%arg21 : memref<!tpu.dma_semaphore, #tpu.memory_space<semaphore_mem>>) src(%arg8 : memref<64x128xf32, #tpu.memory_space<vmem>>) dst(%dma_wait3A_101 : memref<64x128xf32, #tpu.memory_space<vmem_shared>>)
    %dma_wait3A_102 = arith.constant 0 : i32
    %dma_wait3A_103 = arith.constant 0 : i32
    %dma_wait3A_104 = tpu.memref_slice %arg12[%dma_wait3A_102, %dma_wait3A_103] : memref<10240x128xf32, #tpu.memory_space<vmem_shared>> -> memref<64x128xf32, #tpu.memory_space<vmem_shared>>
    %dma_wait3A_105 = arith.constant 0 : i32
    %dma_wait3A_106 = arith.constant 0 : i32
    %dma_wait3A_107 = tpu.memref_slice %arg12[%dma_wait3A_105, %dma_wait3A_106] : memref<10240x128xf32, #tpu.memory_space<vmem_shared>> -> memref<64x128xf32, #tpu.memory_space<vmem_shared>>
    tpu.wait_dma2 semaphore(%arg22 : memref<!tpu.dma_semaphore, #tpu.memory_space<semaphore_mem>>) src(%arg9 : memref<64x128xf32, #tpu.memory_space<vmem>>) dst(%dma_wait3A_107 : memref<64x128xf32, #tpu.memory_space<vmem_shared>>)
    %dma_wait3A_108 = arith.constant 0 : i32
    %dma_wait3A_109 = arith.constant 0 : i32
    %dma_wait3A_110 = tpu.memref_slice %arg12[%dma_wait3A_108, %dma_wait3A_109] : memref<10240x128xf32, #tpu.memory_space<vmem_shared>> -> memref<64x128xf32, #tpu.memory_space<vmem_shared>>
    %dma_wait3A_111 = arith.constant 0 : i32
    %dma_wait3A_112 = arith.constant 0 : i32
    %dma_wait3A_113 = tpu.memref_slice %arg12[%dma_wait3A_111, %dma_wait3A_112] : memref<10240x128xf32, #tpu.memory_space<vmem_shared>> -> memref<64x128xf32, #tpu.memory_space<vmem_shared>>
    tpu.wait_dma2 semaphore(%arg23 : memref<!tpu.dma_semaphore, #tpu.memory_space<semaphore_mem>>) src(%arg10 : memref<64x128xf32, #tpu.memory_space<vmem>>) dst(%dma_wait3A_113 : memref<64x128xf32, #tpu.memory_space<vmem_shared>>)
    %dma_wait3A_114 = arith.constant 0 : i32
    %dma_wait3A_115 = arith.constant 0 : i32
    %dma_wait3A_116 = tpu.memref_slice %arg12[%dma_wait3A_114, %dma_wait3A_115] : memref<10240x128xf32, #tpu.memory_space<vmem_shared>> -> memref<64x128xf32, #tpu.memory_space<vmem_shared>>
    %dma_wait3A_117 = arith.constant 0 : i32
    %dma_wait3A_118 = arith.constant 0 : i32
    %dma_wait3A_119 = tpu.memref_slice %arg12[%dma_wait3A_117, %dma_wait3A_118] : memref<10240x128xf32, #tpu.memory_space<vmem_shared>> -> memref<64x128xf32, #tpu.memory_space<vmem_shared>>
    tpu.wait_dma2 semaphore(%arg24 : memref<!tpu.dma_semaphore, #tpu.memory_space<semaphore_mem>>) src(%arg11 : memref<64x128xf32, #tpu.memory_space<vmem>>) dst(%dma_wait3A_119 : memref<64x128xf32, #tpu.memory_space<vmem_shared>>)
    %barrier3A_120 = arith.constant 0 : index
    tpu.barrier barrier_id(%barrier3A_120)
    %mul3A_121 = arith.constant 640 : i32
    %mul3A_122 = arith.muli %arg1, %mul3A_121 : i32
    %multiple_of3A_123 = tpu.assume_multiple %mul3A_122, 640 : i32
    "tpu.region"() ({
      %run_scoped3A = tpu.sem_alloc : memref<!tpu.dma_semaphore, #tpu.memory_space<semaphore_mem>>
      %dma_start3A_124 = arith.constant 0 : i32
      %dma_start3A_125 = tpu.memref_slice %arg5[%arg0, %multiple_of3A_123, %dma_start3A_124] : memref<2x10240x128xf32, #tpu.memory_space<hbm>> -> memref<1x640x128xf32, #tpu.memory_space<hbm>>
      %dma_start3A_126 = tpu.memref_squeeze %dma_start3A_125 : memref<1x640x128xf32, #tpu.memory_space<hbm>> -> memref<640x128xf32, #tpu.memory_space<hbm>>
      %dma_start3A_127 = arith.constant 0 : i32
      %dma_start3A_128 = tpu.memref_slice %arg12[%multiple_of3A_123, %dma_start3A_127] : memref<10240x128xf32, #tpu.memory_space<vmem_shared>> -> memref<640x128xf32, #tpu.memory_space<vmem_shared>>
      tpu.enqueue_dma source(%dma_start3A_128 : memref<640x128xf32, #tpu.memory_space<vmem_shared>>) target(%dma_start3A_126 : memref<640x128xf32, #tpu.memory_space<hbm>>) target_semaphore(%run_scoped3A : memref<!tpu.dma_semaphore, #tpu.memory_space<semaphore_mem>>)
      %dma_wait3A_129 = arith.constant 0 : i32
      %dma_wait3A_130 = tpu.memref_slice %arg5[%arg0, %multiple_of3A_123, %dma_wait3A_129] : memref<2x10240x128xf32, #tpu.memory_space<hbm>> -> memref<1x640x128xf32, #tpu.memory_space<hbm>>
      %dma_wait3A_131 = tpu.memref_squeeze %dma_wait3A_130 : memref<1x640x128xf32, #tpu.memory_space<hbm>> -> memref<640x128xf32, #tpu.memory_space<hbm>>
      %dma_wait3A_132 = arith.constant 0 : i32
      %dma_wait3A_133 = tpu.memref_slice %arg12[%multiple_of3A_123, %dma_wait3A_132] : memref<10240x128xf32, #tpu.memory_space<vmem_shared>> -> memref<640x128xf32, #tpu.memory_space<vmem_shared>>
      tpu.wait_dma2 semaphore(%run_scoped3A : memref<!tpu.dma_semaphore, #tpu.memory_space<semaphore_mem>>) src(%dma_wait3A_133 : memref<640x128xf32, #tpu.memory_space<vmem_shared>>) dst(%dma_wait3A_131 : memref<640x128xf32, #tpu.memory_space<hbm>>)
      tpu.yield
    }) : () -> ()
    return
  }
}

#map = affine_map<(d0, d1) -> (0, 0)>
#map1 = affine_map<(d0, d1) -> (0)>
#map2 = affine_map<(d0, d1) -> (0, 0, 0)>
module attributes {stable_mosaic.version = 14 : i64} {
  func.func @_agg_call(%arg0: i32, %arg1: i32, %arg2: memref<10240x128xf32, #tpu.memory_space<hbm>>, %arg3: memref<327680xi32, #tpu.memory_space<hbm>>, %arg4: memref<2560x128xi32, #tpu.memory_space<hbm>>, %arg5: memref<2x10240x128xf32, #tpu.memory_space<hbm>>, %arg6: memref<4x128xi32, #tpu.memory_space<vmem>>, %arg7: memref<80x128xi32, #tpu.memory_space<vmem>>, %arg8: memref<64x128xf32, #tpu.memory_space<vmem>>, %arg9: memref<64x128xf32, #tpu.memory_space<vmem>>, %arg10: memref<64x128xf32, #tpu.memory_space<vmem>>, %arg11: memref<64x128xf32, #tpu.memory_space<vmem>>, %arg12: memref<10240x128xf32, #tpu.memory_space<vmem_shared>>, %arg13: memref<!tpu.dma_semaphore, #tpu.memory_space<semaphore_mem>>, %arg14: memref<!tpu.dma_semaphore, #tpu.memory_space<semaphore_mem>>, %arg15: memref<!tpu.dma_semaphore, #tpu.memory_space<semaphore_mem>>, %arg16: memref<!tpu.dma_semaphore, #tpu.memory_space<semaphore_mem>>, %arg17: memref<!tpu.dma_semaphore, #tpu.memory_space<semaphore_mem>>, %arg18: memref<!tpu.dma_semaphore, #tpu.memory_space<semaphore_mem>>, %arg19: memref<!tpu.dma_semaphore, #tpu.memory_space<semaphore_mem>>, %arg20: memref<!tpu.dma_semaphore, #tpu.memory_space<semaphore_mem>>, %arg21: memref<!tpu.dma_semaphore, #tpu.memory_space<semaphore_mem>>, %arg22: memref<!tpu.dma_semaphore, #tpu.memory_space<semaphore_mem>>, %arg23: memref<!tpu.dma_semaphore, #tpu.memory_space<semaphore_mem>>, %arg24: memref<!tpu.dma_semaphore, #tpu.memory_space<semaphore_mem>>) attributes {dimension_semantics = [#tpu.dimension_semantics<core_parallel>, #tpu.dimension_semantics<subcore_parallel>], iteration_bounds = array<i64: 2, 16>, scalar_prefetch = 0 : i64, scratch_operands = 19 : i64, tpu.core_type = #tpu.core_type<sc_vector_subcore>, window_params = [{transform_indices = #map}, {transform_indices = #map1}, {transform_indices = #map}, {transform_indices = #map2}]} {
    %mul3A = arith.constant 16 : i32
    %mul3A_0 = arith.muli %arg0, %mul3A : i32
    %add3A = arith.addi %mul3A_0, %arg1 : i32
    %mul3A_1 = arith.constant 10240 : i32
    %mul3A_2 = arith.muli %add3A, %mul3A_1 : i32
    %mul3A_3 = arith.constant 80 : i32
    %mul3A_4 = arith.muli %add3A, %mul3A_3 : i32
    %multiple_of3A = tpu.assume_multiple %mul3A_4, 80 : i32
    "tpu.region"() ({
      %run_scoped3A = tpu.sem_alloc : memref<!tpu.dma_semaphore, #tpu.memory_space<semaphore_mem>>
      %dma_start3A_124 = arith.constant 0 : i32
      %dma_start3A_125 = tpu.memref_slice %arg4[%multiple_of3A, %dma_start3A_124] : memref<2560x128xi32, #tpu.memory_space<hbm>> -> memref<80x128xi32, #tpu.memory_space<hbm>>
      %dma_start3A_126 = arith.constant 0 : i32
      %dma_start3A_127 = tpu.memref_slice %arg4[%multiple_of3A, %dma_start3A_126] : memref<2560x128xi32, #tpu.memory_space<hbm>> -> memref<80x128xi32, #tpu.memory_space<hbm>>
      tpu.enqueue_dma source(%dma_start3A_127 : memref<80x128xi32, #tpu.memory_space<hbm>>) target(%arg7 : memref<80x128xi32, #tpu.memory_space<vmem>>) target_semaphore(%run_scoped3A : memref<!tpu.dma_semaphore, #tpu.memory_space<semaphore_mem>>)
      %dma_wait3A_128 = arith.constant 0 : i32
      %dma_wait3A_129 = tpu.memref_slice %arg4[%multiple_of3A, %dma_wait3A_128] : memref<2560x128xi32, #tpu.memory_space<hbm>> -> memref<80x128xi32, #tpu.memory_space<hbm>>
      %dma_wait3A_130 = arith.constant 0 : i32
      %dma_wait3A_131 = tpu.memref_slice %arg4[%multiple_of3A, %dma_wait3A_130] : memref<2560x128xi32, #tpu.memory_space<hbm>> -> memref<80x128xi32, #tpu.memory_space<hbm>>
      tpu.wait_dma2 semaphore(%run_scoped3A : memref<!tpu.dma_semaphore, #tpu.memory_space<semaphore_mem>>) src(%dma_wait3A_131 : memref<80x128xi32, #tpu.memory_space<hbm>>) dst(%arg7 : memref<80x128xi32, #tpu.memory_space<vmem>>)
      tpu.yield
    }) : () -> ()
    %scan3A = arith.constant 0 : i32
    %scan3A_5 = arith.constant 0 : i32
    %scan3A_6 = arith.constant 512 : i32
    %scan3A_7 = arith.addi %scan3A_5, %scan3A_6 : i32
    %scan3A_8 = arith.constant 1 : i32
    %scan3A_9 = scf.for %scan3A_124 = %scan3A_5 to %scan3A_7 step %scan3A_8 iter_args(%scan3A_125 = %scan3A) -> (i32)  : i32 {
      %jit3A = arith.constant 8 : i32
      %div3A = arith.divsi %scan3A_124, %jit3A : i32
      %sign3A = arith.constant 0 : i32
      %sign3A_126 = arith.cmpi sgt, %scan3A_124, %sign3A : i32
      %sign3A_127 = arith.extui %sign3A_126 : i1 to i32
      %sign3A_128 = arith.constant 0 : i32
      %sign3A_129 = arith.cmpi slt, %scan3A_124, %sign3A_128 : i32
      %sign3A_130 = arith.extui %sign3A_129 : i1 to i32
      %sign3A_131 = arith.subi %sign3A_127, %sign3A_130 : i32
      %sign3A_132 = arith.constant 0 : i32
      %sign3A_133 = arith.cmpi sgt, %jit3A, %sign3A_132 : i32
      %sign3A_134 = arith.extui %sign3A_133 : i1 to i32
      %sign3A_135 = arith.constant 0 : i32
      %sign3A_136 = arith.cmpi slt, %jit3A, %sign3A_135 : i32
      %sign3A_137 = arith.extui %sign3A_136 : i1 to i32
      %sign3A_138 = arith.subi %sign3A_134, %sign3A_137 : i32
      %ne3A = arith.cmpi ne, %sign3A_131, %sign3A_138 : i32
      %rem3A = arith.remsi %scan3A_124, %jit3A : i32
      %ne3A_139 = arith.constant 0 : i32
      %ne3A_140 = arith.cmpi ne, %rem3A, %ne3A_139 : i32
      %and3A = arith.andi %ne3A, %ne3A_140 : i1
      %sub3A = arith.constant 1 : i32
      %sub3A_141 = arith.subi %div3A, %sub3A : i32
      %select_n3A = arith.select %and3A, %sub3A_141, %div3A : i32
      %mul3A_142 = arith.constant 8 : i32
      %mul3A_143 = arith.muli %select_n3A, %mul3A_142 : i32
      %sub3A_144 = arith.subi %scan3A_124, %mul3A_143 : i32
      %mul3A_145 = arith.constant 16 : i32
      %mul3A_146 = arith.muli %sub3A_144, %mul3A_145 : i32
      %multiple_of3A_147 = tpu.assume_multiple %mul3A_146, 16 : i32
      %broadcast_in_dim3A = arith.constant 0.000000e+00 : f32
      %broadcast_in_dim3A_148 = vector.broadcast %broadcast_in_dim3A : f32 to vector<16xf32>
      %swap3A = arith.index_cast %select_n3A : i32 to index
      %swap3A_149 = arith.index_cast %multiple_of3A_147 : i32 to index
      %swap3A_150 = tpu.vector_load %arg8[%swap3A, %swap3A_149] {strides = array<i32>} : memref<64x128xf32, #tpu.memory_space<vmem>>, vector<1x16xf32>,
      %swap3A_151 = vector.shape_cast %swap3A_150 : vector<1x16xf32> to vector<16xf32>
      %swap3A_152 = vector.shape_cast %broadcast_in_dim3A_148 : vector<16xf32> to vector<1x16xf32>
      tpu.vector_store %arg8[%swap3A, %swap3A_149], %swap3A_152 {strides = array<i32>} : memref<64x128xf32, #tpu.memory_space<vmem>>, vector<1x16xf32>,
      %scan3A_153 = arith.constant 0 : i32
      scf.yield %scan3A_153 : i32
    }
    %scan3A_10 = arith.constant 512 : i32
    %scan3A_11 = arith.constant 0 : i32
    %scan3A_12 = arith.constant 0 : i32
    %scan3A_13 = arith.constant 10 : i32
    %scan3A_14 = arith.addi %scan3A_12, %scan3A_13 : i32
    %scan3A_15 = arith.constant 1 : i32
    %scan3A_16 = scf.for %scan3A_124 = %scan3A_12 to %scan3A_14 step %scan3A_15 iter_args(%scan3A_125 = %scan3A_11) -> (i32)  : i32 {
      %mul3A_126 = arith.constant 640 : i32
      %mul3A_127 = arith.muli %arg1, %mul3A_126 : i32
      %mul3A_128 = arith.constant 64 : i32
      %mul3A_129 = arith.muli %scan3A_124, %mul3A_128 : i32
      %add3A_130 = arith.addi %mul3A_127, %mul3A_129 : i32
      %multiple_of3A_131 = tpu.assume_multiple %add3A_130, 64 : i32
      "tpu.region"() ({
        %run_scoped3A = tpu.sem_alloc : memref<!tpu.dma_semaphore, #tpu.memory_space<semaphore_mem>>
        %dma_start3A_133 = arith.constant 0 : i32
        %dma_start3A_134 = tpu.memref_slice %arg12[%multiple_of3A_131, %dma_start3A_133] : memref<10240x128xf32, #tpu.memory_space<vmem_shared>> -> memref<64x128xf32, #tpu.memory_space<vmem_shared>>
        %dma_start3A_135 = arith.constant 0 : i32
        %dma_start3A_136 = tpu.memref_slice %arg12[%multiple_of3A_131, %dma_start3A_135] : memref<10240x128xf32, #tpu.memory_space<vmem_shared>> -> memref<64x128xf32, #tpu.memory_space<vmem_shared>>
        tpu.enqueue_dma source(%arg8 : memref<64x128xf32, #tpu.memory_space<vmem>>) target(%dma_start3A_136 : memref<64x128xf32, #tpu.memory_space<vmem_shared>>) target_semaphore(%run_scoped3A : memref<!tpu.dma_semaphore, #tpu.memory_space<semaphore_mem>>)
        %dma_wait3A_137 = arith.constant 0 : i32
        %dma_wait3A_138 = tpu.memref_slice %arg12[%multiple_of3A_131, %dma_wait3A_137] : memref<10240x128xf32, #tpu.memory_space<vmem_shared>> -> memref<64x128xf32, #tpu.memory_space<vmem_shared>>
        %dma_wait3A_139 = arith.constant 0 : i32
        %dma_wait3A_140 = tpu.memref_slice %arg12[%multiple_of3A_131, %dma_wait3A_139] : memref<10240x128xf32, #tpu.memory_space<vmem_shared>> -> memref<64x128xf32, #tpu.memory_space<vmem_shared>>
        tpu.wait_dma2 semaphore(%run_scoped3A : memref<!tpu.dma_semaphore, #tpu.memory_space<semaphore_mem>>) src(%arg8 : memref<64x128xf32, #tpu.memory_space<vmem>>) dst(%dma_wait3A_140 : memref<64x128xf32, #tpu.memory_space<vmem_shared>>)
        tpu.yield
      }) : () -> ()
      %scan3A_132 = arith.constant 0 : i32
      scf.yield %scan3A_132 : i32
    }
    %scan3A_17 = arith.constant 10 : i32
    %barrier3A = arith.constant 0 : index
    tpu.barrier barrier_id(%barrier3A)
    %add3A_18 = arith.constant 0 : i32
    %add3A_19 = arith.addi %mul3A_2, %add3A_18 : i32
    %multiple_of3A_20 = tpu.assume_multiple %add3A_19, 128 : i32
    %dma_start3A = arith.constant 0 : i32
    %dma_start3A_21 = arith.constant 0 : i32
    %dma_start3A_22 = tpu.memref_slice %arg6[%dma_start3A, %dma_start3A_21] : memref<4x128xi32, #tpu.memory_space<vmem>> -> memref<1x128xi32, #tpu.memory_space<vmem>>
    %dma_start3A_23 = tpu.memref_squeeze %dma_start3A_22 : memref<1x128xi32, #tpu.memory_space<vmem>> -> memref<128xi32, #tpu.memory_space<vmem>>
    %dma_start3A_24 = tpu.memref_slice %arg3[%multiple_of3A_20] : memref<327680xi32, #tpu.memory_space<hbm>> -> memref<128xi32, #tpu.memory_space<hbm>>
    %dma_start3A_25 = arith.constant 0 : i32
    %dma_start3A_26 = tpu.memref_slice %arg6[%dma_start3A, %dma_start3A_25] : memref<4x128xi32, #tpu.memory_space<vmem>> -> memref<1x128xi32, #tpu.memory_space<vmem>>
    %dma_start3A_27 = tpu.memref_squeeze %dma_start3A_26 : memref<1x128xi32, #tpu.memory_space<vmem>> -> memref<128xi32, #tpu.memory_space<vmem>>
    %dma_start3A_28 = tpu.memref_slice %arg3[%multiple_of3A_20] : memref<327680xi32, #tpu.memory_space<hbm>> -> memref<128xi32, #tpu.memory_space<hbm>>
    tpu.enqueue_dma source(%dma_start3A_28 : memref<128xi32, #tpu.memory_space<hbm>>) target(%dma_start3A_27 : memref<128xi32, #tpu.memory_space<vmem>>) target_semaphore(%arg13 : memref<!tpu.dma_semaphore, #tpu.memory_space<semaphore_mem>>)
    %add3A_29 = arith.constant 128 : i32
    %add3A_30 = arith.addi %mul3A_2, %add3A_29 : i32
    %multiple_of3A_31 = tpu.assume_multiple %add3A_30, 128 : i32
    %dma_start3A_32 = arith.constant 1 : i32
    %dma_start3A_33 = arith.constant 0 : i32
    %dma_start3A_34 = tpu.memref_slice %arg6[%dma_start3A_32, %dma_start3A_33] : memref<4x128xi32, #tpu.memory_space<vmem>> -> memref<1x128xi32, #tpu.memory_space<vmem>>
    %dma_start3A_35 = tpu.memref_squeeze %dma_start3A_34 : memref<1x128xi32, #tpu.memory_space<vmem>> -> memref<128xi32, #tpu.memory_space<vmem>>
    %dma_start3A_36 = tpu.memref_slice %arg3[%multiple_of3A_31] : memref<327680xi32, #tpu.memory_space<hbm>> -> memref<128xi32, #tpu.memory_space<hbm>>
    %dma_start3A_37 = arith.constant 0 : i32
    %dma_start3A_38 = tpu.memref_slice %arg6[%dma_start3A_32, %dma_start3A_37] : memref<4x128xi32, #tpu.memory_space<vmem>> -> memref<1x128xi32, #tpu.memory_space<vmem>>
    %dma_start3A_39 = tpu.memref_squeeze %dma_start3A_38 : memref<1x128xi32, #tpu.memory_space<vmem>> -> memref<128xi32, #tpu.memory_space<vmem>>
    %dma_start3A_40 = tpu.memref_slice %arg3[%multiple_of3A_31] : memref<327680xi32, #tpu.memory_space<hbm>> -> memref<128xi32, #tpu.memory_space<hbm>>
    tpu.enqueue_dma source(%dma_start3A_40 : memref<128xi32, #tpu.memory_space<hbm>>) target(%dma_start3A_39 : memref<128xi32, #tpu.memory_space<vmem>>) target_semaphore(%arg14 : memref<!tpu.dma_semaphore, #tpu.memory_space<semaphore_mem>>)
    %add3A_41 = arith.constant 256 : i32
    %add3A_42 = arith.addi %mul3A_2, %add3A_41 : i32
    %multiple_of3A_43 = tpu.assume_multiple %add3A_42, 128 : i32
    %dma_start3A_44 = arith.constant 2 : i32
    %dma_start3A_45 = arith.constant 0 : i32
    %dma_start3A_46 = tpu.memref_slice %arg6[%dma_start3A_44, %dma_start3A_45] : memref<4x128xi32, #tpu.memory_space<vmem>> -> memref<1x128xi32, #tpu.memory_space<vmem>>
    %dma_start3A_47 = tpu.memref_squeeze %dma_start3A_46 : memref<1x128xi32, #tpu.memory_space<vmem>> -> memref<128xi32, #tpu.memory_space<vmem>>
    %dma_start3A_48 = tpu.memref_slice %arg3[%multiple_of3A_43] : memref<327680xi32, #tpu.memory_space<hbm>> -> memref<128xi32, #tpu.memory_space<hbm>>
    %dma_start3A_49 = arith.constant 0 : i32
    %dma_start3A_50 = tpu.memref_slice %arg6[%dma_start3A_44, %dma_start3A_49] : memref<4x128xi32, #tpu.memory_space<vmem>> -> memref<1x128xi32, #tpu.memory_space<vmem>>
    %dma_start3A_51 = tpu.memref_squeeze %dma_start3A_50 : memref<1x128xi32, #tpu.memory_space<vmem>> -> memref<128xi32, #tpu.memory_space<vmem>>
    %dma_start3A_52 = tpu.memref_slice %arg3[%multiple_of3A_43] : memref<327680xi32, #tpu.memory_space<hbm>> -> memref<128xi32, #tpu.memory_space<hbm>>
    tpu.enqueue_dma source(%dma_start3A_52 : memref<128xi32, #tpu.memory_space<hbm>>) target(%dma_start3A_51 : memref<128xi32, #tpu.memory_space<vmem>>) target_semaphore(%arg15 : memref<!tpu.dma_semaphore, #tpu.memory_space<semaphore_mem>>)
    %add3A_53 = arith.constant 384 : i32
    %add3A_54 = arith.addi %mul3A_2, %add3A_53 : i32
    %multiple_of3A_55 = tpu.assume_multiple %add3A_54, 128 : i32
    %dma_start3A_56 = arith.constant 3 : i32
    %dma_start3A_57 = arith.constant 0 : i32
    %dma_start3A_58 = tpu.memref_slice %arg6[%dma_start3A_56, %dma_start3A_57] : memref<4x128xi32, #tpu.memory_space<vmem>> -> memref<1x128xi32, #tpu.memory_space<vmem>>
    %dma_start3A_59 = tpu.memref_squeeze %dma_start3A_58 : memref<1x128xi32, #tpu.memory_space<vmem>> -> memref<128xi32, #tpu.memory_space<vmem>>
    %dma_start3A_60 = tpu.memref_slice %arg3[%multiple_of3A_55] : memref<327680xi32, #tpu.memory_space<hbm>> -> memref<128xi32, #tpu.memory_space<hbm>>
    %dma_start3A_61 = arith.constant 0 : i32
    %dma_start3A_62 = tpu.memref_slice %arg6[%dma_start3A_56, %dma_start3A_61] : memref<4x128xi32, #tpu.memory_space<vmem>> -> memref<1x128xi32, #tpu.memory_space<vmem>>
    %dma_start3A_63 = tpu.memref_squeeze %dma_start3A_62 : memref<1x128xi32, #tpu.memory_space<vmem>> -> memref<128xi32, #tpu.memory_space<vmem>>
    %dma_start3A_64 = tpu.memref_slice %arg3[%multiple_of3A_55] : memref<327680xi32, #tpu.memory_space<hbm>> -> memref<128xi32, #tpu.memory_space<hbm>>
    tpu.enqueue_dma source(%dma_start3A_64 : memref<128xi32, #tpu.memory_space<hbm>>) target(%dma_start3A_63 : memref<128xi32, #tpu.memory_space<vmem>>) target_semaphore(%arg16 : memref<!tpu.dma_semaphore, #tpu.memory_space<semaphore_mem>>)
    %dma_wait3A = arith.constant 0 : i32
    %dma_wait3A_65 = arith.constant 0 : i32
    %dma_wait3A_66 = tpu.memref_slice %arg6[%dma_wait3A, %dma_wait3A_65] : memref<4x128xi32, #tpu.memory_space<vmem>> -> memref<1x128xi32, #tpu.memory_space<vmem>>
    %dma_wait3A_67 = tpu.memref_squeeze %dma_wait3A_66 : memref<1x128xi32, #tpu.memory_space<vmem>> -> memref<128xi32, #tpu.memory_space<vmem>>
    %dma_wait3A_68 = arith.constant 0 : i32
    %dma_wait3A_69 = tpu.memref_slice %arg3[%dma_wait3A_68] : memref<327680xi32, #tpu.memory_space<hbm>> -> memref<128xi32, #tpu.memory_space<hbm>>
    %dma_wait3A_70 = arith.constant 0 : i32
    %dma_wait3A_71 = tpu.memref_slice %arg6[%dma_wait3A, %dma_wait3A_70] : memref<4x128xi32, #tpu.memory_space<vmem>> -> memref<1x128xi32, #tpu.memory_space<vmem>>
    %dma_wait3A_72 = tpu.memref_squeeze %dma_wait3A_71 : memref<1x128xi32, #tpu.memory_space<vmem>> -> memref<128xi32, #tpu.memory_space<vmem>>
    %dma_wait3A_73 = arith.constant 0 : i32
    %dma_wait3A_74 = tpu.memref_slice %arg3[%dma_wait3A_73] : memref<327680xi32, #tpu.memory_space<hbm>> -> memref<128xi32, #tpu.memory_space<hbm>>
    tpu.wait_dma2 semaphore(%arg13 : memref<!tpu.dma_semaphore, #tpu.memory_space<semaphore_mem>>) src(%dma_wait3A_74 : memref<128xi32, #tpu.memory_space<hbm>>) dst(%dma_wait3A_72 : memref<128xi32, #tpu.memory_space<vmem>>)
    %dma_start3A_75 = arith.constant 0 : i32
    %dma_start3A_76 = arith.constant 0 : i32
    %dma_start3A_77 = tpu.memref_slice %arg6[%dma_start3A_75, %dma_start3A_76] : memref<4x128xi32, #tpu.memory_space<vmem>> -> memref<1x64xi32, #tpu.memory_space<vmem>>
    %dma_start3A_78 = tpu.memref_squeeze %dma_start3A_77 : memref<1x64xi32, #tpu.memory_space<vmem>> -> memref<64xi32, #tpu.memory_space<vmem>>
    %dma_start3A_79 = arith.constant 0 : i32
    %dma_start3A_80 = arith.constant 0 : i32
    %dma_start3A_81 = tpu.memref_slice %arg2[%dma_start3A_79, %dma_start3A_80] : memref<10240x128xf32, #tpu.memory_space<hbm>> -> memref<10240x128xf32, #tpu.memory_space<hbm>>
    tpu.enqueue_indirect_dma source(%dma_start3A_81 : memref<10240x128xf32, #tpu.memory_space<hbm>>) target(%arg8 : memref<64x128xf32, #tpu.memory_space<vmem>>) offsets(%dma_start3A_78 : memref<64xi32, #tpu.memory_space<vmem>>) semaphore(%arg17 : memref<!tpu.dma_semaphore, #tpu.memory_space<semaphore_mem>>)
    %dma_start3A_82 = arith.constant 0 : i32
    %dma_start3A_83 = arith.constant 64 : i32
    %dma_start3A_84 = tpu.memref_slice %arg6[%dma_start3A_82, %dma_start3A_83] : memref<4x128xi32, #tpu.memory_space<vmem>> -> memref<1x64xi32, #tpu.memory_space<vmem>>
    %dma_start3A_85 = tpu.memref_squeeze %dma_start3A_84 : memref<1x64xi32, #tpu.memory_space<vmem>> -> memref<64xi32, #tpu.memory_space<vmem>>
    %dma_start3A_86 = arith.constant 0 : i32
    %dma_start3A_87 = arith.constant 0 : i32
    %dma_start3A_88 = tpu.memref_slice %arg2[%dma_start3A_86, %dma_start3A_87] : memref<10240x128xf32, #tpu.memory_space<hbm>> -> memref<10240x128xf32, #tpu.memory_space<hbm>>
    tpu.enqueue_indirect_dma source(%dma_start3A_88 : memref<10240x128xf32, #tpu.memory_space<hbm>>) target(%arg9 : memref<64x128xf32, #tpu.memory_space<vmem>>) offsets(%dma_start3A_85 : memref<64xi32, #tpu.memory_space<vmem>>) semaphore(%arg18 : memref<!tpu.dma_semaphore, #tpu.memory_space<semaphore_mem>>)
    %scan3A_89 = arith.constant 0 : i32
    %scan3A_90 = arith.constant 0 : i32
    %scan3A_91 = arith.constant 20 : i32
    %scan3A_92 = arith.addi %scan3A_90, %scan3A_91 : i32
    %scan3A_93 = arith.constant 1 : i32
    %scan3A_94 = scf.for %scan3A_124 = %scan3A_90 to %scan3A_92 step %scan3A_93 iter_args(%scan3A_125 = %scan3A_89) -> (i32)  : i32 {
      %mul3A_126 = arith.constant 8 : i32
      %mul3A_127 = arith.muli %scan3A_124, %mul3A_126 : i32
      %add3A_128 = arith.constant 0 : i32
      %add3A_129 = arith.addi %mul3A_127, %add3A_128 : i32
      %ge3A = arith.constant 2 : i32
      %ge3A_130 = arith.cmpi sge, %add3A_129, %ge3A : i32
      %add3A_131 = arith.constant 2 : i32
      %add3A_132 = arith.addi %add3A_129, %add3A_131 : i32
      %lt3A = arith.constant 160 : i32
      %lt3A_133 = arith.cmpi slt, %add3A_132, %lt3A : i32
      %and3A = arith.andi %ge3A_130, %lt3A_133 : i1
      %convert_element_type3A = arith.extui %and3A : i1 to i32
      %cond3A = arith.constant 0 : i32
      %cond3A_134 = arith.cmpi ne, %convert_element_type3A, %cond3A : i32
      scf.if %cond3A_134 {
        %dma_wait3A_667 = arith.constant 0 : i32
        %dma_wait3A_668 = arith.constant 0 : i32
        %dma_wait3A_669 = tpu.memref_slice %arg12[%dma_wait3A_667, %dma_wait3A_668] : memref<10240x128xf32, #tpu.memory_space<vmem_shared>> -> memref<64x128xf32, #tpu.memory_space<vmem_shared>>
        %dma_wait3A_670 = arith.constant 0 : i32
        %dma_wait3A_671 = arith.constant 0 : i32
        %dma_wait3A_672 = tpu.memref_slice %arg12[%dma_wait3A_670, %dma_wait3A_671] : memref<10240x128xf32, #tpu.memory_space<vmem_shared>> -> memref<64x128xf32, #tpu.memory_space<vmem_shared>>
        tpu.wait_dma2 semaphore(%arg23 : memref<!tpu.dma_semaphore, #tpu.memory_space<semaphore_mem>>) src(%arg10 : memref<64x128xf32, #tpu.memory_space<vmem>>) dst(%dma_wait3A_672 : memref<64x128xf32, #tpu.memory_space<vmem_shared>>)
      } else {
      }
      %add3A_135 = arith.constant 2 : i32
      %add3A_136 = arith.addi %add3A_129, %add3A_135 : i32
      %lt3A_137 = arith.constant 160 : i32
      %lt3A_138 = arith.cmpi slt, %add3A_136, %lt3A_137 : i32
      %convert_element_type3A_139 = arith.extui %lt3A_138 : i1 to i32
      %cond3A_140 = arith.constant 0 : i32
      %cond3A_141 = arith.cmpi ne, %convert_element_type3A_139, %cond3A_140 : i32
      scf.if %cond3A_141 {
        %dma_wait3A_667 = arith.constant 1 : i32
        %dma_wait3A_668 = arith.constant 0 : i32
        %dma_wait3A_669 = tpu.memref_slice %arg6[%dma_wait3A_667, %dma_wait3A_668] : memref<4x128xi32, #tpu.memory_space<vmem>> -> memref<1x128xi32, #tpu.memory_space<vmem>>
        %dma_wait3A_670 = tpu.memref_squeeze %dma_wait3A_669 : memref<1x128xi32, #tpu.memory_space<vmem>> -> memref<128xi32, #tpu.memory_space<vmem>>
        %dma_wait3A_671 = arith.constant 0 : i32
        %dma_wait3A_672 = tpu.memref_slice %arg3[%dma_wait3A_671] : memref<327680xi32, #tpu.memory_space<hbm>> -> memref<128xi32, #tpu.memory_space<hbm>>
        %dma_wait3A_673 = arith.constant 0 : i32
        %dma_wait3A_674 = tpu.memref_slice %arg6[%dma_wait3A_667, %dma_wait3A_673] : memref<4x128xi32, #tpu.memory_space<vmem>> -> memref<1x128xi32, #tpu.memory_space<vmem>>
        %dma_wait3A_675 = tpu.memref_squeeze %dma_wait3A_674 : memref<1x128xi32, #tpu.memory_space<vmem>> -> memref<128xi32, #tpu.memory_space<vmem>>
        %dma_wait3A_676 = arith.constant 0 : i32
        %dma_wait3A_677 = tpu.memref_slice %arg3[%dma_wait3A_676] : memref<327680xi32, #tpu.memory_space<hbm>> -> memref<128xi32, #tpu.memory_space<hbm>>
        tpu.wait_dma2 semaphore(%arg14 : memref<!tpu.dma_semaphore, #tpu.memory_space<semaphore_mem>>) src(%dma_wait3A_677 : memref<128xi32, #tpu.memory_space<hbm>>) dst(%dma_wait3A_675 : memref<128xi32, #tpu.memory_space<vmem>>)
        %dma_start3A_678 = arith.constant 1 : i32
        %dma_start3A_679 = arith.constant 0 : i32
        %dma_start3A_680 = tpu.memref_slice %arg6[%dma_start3A_678, %dma_start3A_679] : memref<4x128xi32, #tpu.memory_space<vmem>> -> memref<1x64xi32, #tpu.memory_space<vmem>>
        %dma_start3A_681 = tpu.memref_squeeze %dma_start3A_680 : memref<1x64xi32, #tpu.memory_space<vmem>> -> memref<64xi32, #tpu.memory_space<vmem>>
        %dma_start3A_682 = arith.constant 0 : i32
        %dma_start3A_683 = arith.constant 0 : i32
        %dma_start3A_684 = tpu.memref_slice %arg2[%dma_start3A_682, %dma_start3A_683] : memref<10240x128xf32, #tpu.memory_space<hbm>> -> memref<10240x128xf32, #tpu.memory_space<hbm>>
        tpu.enqueue_indirect_dma source(%dma_start3A_684 : memref<10240x128xf32, #tpu.memory_space<hbm>>) target(%arg10 : memref<64x128xf32, #tpu.memory_space<vmem>>) offsets(%dma_start3A_681 : memref<64xi32, #tpu.memory_space<vmem>>) semaphore(%arg19 : memref<!tpu.dma_semaphore, #tpu.memory_space<semaphore_mem>>)
      } else {
      }
      %dma_wait3A_142 = arith.constant 0 : i32
      %dma_wait3A_143 = arith.constant 0 : i32
      %dma_wait3A_144 = tpu.memref_slice %arg6[%dma_wait3A_142, %dma_wait3A_143] : memref<4x128xi32, #tpu.memory_space<vmem>> -> memref<1x64xi32, #tpu.memory_space<vmem>>
      %dma_wait3A_145 = tpu.memref_squeeze %dma_wait3A_144 : memref<1x64xi32, #tpu.memory_space<vmem>> -> memref<64xi32, #tpu.memory_space<vmem>>
      %dma_wait3A_146 = arith.constant 0 : i32
      %dma_wait3A_147 = arith.constant 0 : i32
      %dma_wait3A_148 = tpu.memref_slice %arg2[%dma_wait3A_146, %dma_wait3A_147] : memref<10240x128xf32, #tpu.memory_space<hbm>> -> memref<10240x128xf32, #tpu.memory_space<hbm>>
      tpu.wait_indirect_dma semaphore(%arg17 : memref<!tpu.dma_semaphore, #tpu.memory_space<semaphore_mem>>) src(%dma_wait3A_148 : memref<10240x128xf32, #tpu.memory_space<hbm>>) dst(%arg8 : memref<64x128xf32, #tpu.memory_space<vmem>>)
      %div3A = arith.constant 2 : i32
      %div3A_149 = arith.divsi %add3A_129, %div3A : i32
      %dma_start3A_150 = arith.constant 0 : i32
      %dma_start3A_151 = tpu.memref_slice %arg7[%div3A_149, %dma_start3A_150] : memref<80x128xi32, #tpu.memory_space<vmem>> -> memref<1x64xi32, #tpu.memory_space<vmem>>
      %dma_start3A_152 = tpu.memref_squeeze %dma_start3A_151 : memref<1x64xi32, #tpu.memory_space<vmem>> -> memref<64xi32, #tpu.memory_space<vmem>>
      %dma_start3A_153 = arith.constant 0 : i32
      %dma_start3A_154 = arith.constant 0 : i32
      %dma_start3A_155 = tpu.memref_slice %arg12[%dma_start3A_153, %dma_start3A_154] : memref<10240x128xf32, #tpu.memory_space<vmem_shared>> -> memref<10240x128xf32, #tpu.memory_space<vmem_shared>>
      tpu.enqueue_indirect_dma source(%arg8 : memref<64x128xf32, #tpu.memory_space<vmem>>) target(%dma_start3A_155 : memref<10240x128xf32, #tpu.memory_space<vmem_shared>>) offsets(%dma_start3A_152 : memref<64xi32, #tpu.memory_space<vmem>>) semaphore(%arg21 : memref<!tpu.dma_semaphore, #tpu.memory_space<semaphore_mem>>) {add = true}
      %jit3A = arith.constant 2 : i32
      %div3A_156 = arith.divsi %add3A_129, %jit3A : i32
      %sign3A = arith.constant 0 : i32
      %sign3A_157 = arith.cmpi sgt, %add3A_129, %sign3A : i32
      %sign3A_158 = arith.extui %sign3A_157 : i1 to i32
      %sign3A_159 = arith.constant 0 : i32
      %sign3A_160 = arith.cmpi slt, %add3A_129, %sign3A_159 : i32
      %sign3A_161 = arith.extui %sign3A_160 : i1 to i32
      %sign3A_162 = arith.subi %sign3A_158, %sign3A_161 : i32
      %sign3A_163 = arith.constant 0 : i32
      %sign3A_164 = arith.cmpi sgt, %jit3A, %sign3A_163 : i32
      %sign3A_165 = arith.extui %sign3A_164 : i1 to i32
      %sign3A_166 = arith.constant 0 : i32
      %sign3A_167 = arith.cmpi slt, %jit3A, %sign3A_166 : i32
      %sign3A_168 = arith.extui %sign3A_167 : i1 to i32
      %sign3A_169 = arith.subi %sign3A_165, %sign3A_168 : i32
      %ne3A = arith.cmpi ne, %sign3A_162, %sign3A_169 : i32
      %rem3A = arith.remsi %add3A_129, %jit3A : i32
      %ne3A_170 = arith.constant 0 : i32
      %ne3A_171 = arith.cmpi ne, %rem3A, %ne3A_170 : i32
      %and3A_172 = arith.andi %ne3A, %ne3A_171 : i1
      %sub3A = arith.constant 1 : i32
      %sub3A_173 = arith.subi %div3A_156, %sub3A : i32
      %select_n3A = arith.select %and3A_172, %sub3A_173, %div3A_156 : i32
      %add3A_174 = arith.constant 4 : i32
      %add3A_175 = arith.addi %select_n3A, %add3A_174 : i32
      %lt3A_176 = arith.constant 80 : i32
      %lt3A_177 = arith.cmpi slt, %add3A_175, %lt3A_176 : i32
      %and3A_178 = arith.constant false
      %and3A_179 = arith.andi %and3A_178, %lt3A_177 : i1
      %convert_element_type3A_180 = arith.extui %and3A_179 : i1 to i32
      %cond3A_181 = arith.constant 0 : i32
      %cond3A_182 = arith.cmpi ne, %convert_element_type3A_180, %cond3A_181 : i32
      scf.if %cond3A_182 {
        %jit3A_667 = arith.constant 2 : i32
        %div3A_668 = arith.divsi %add3A_129, %jit3A_667 : i32
        %sign3A_669 = arith.constant 0 : i32
        %sign3A_670 = arith.cmpi sgt, %add3A_129, %sign3A_669 : i32
        %sign3A_671 = arith.extui %sign3A_670 : i1 to i32
        %sign3A_672 = arith.constant 0 : i32
        %sign3A_673 = arith.cmpi slt, %add3A_129, %sign3A_672 : i32
        %sign3A_674 = arith.extui %sign3A_673 : i1 to i32
        %sign3A_675 = arith.subi %sign3A_671, %sign3A_674 : i32
        %sign3A_676 = arith.constant 0 : i32
        %sign3A_677 = arith.cmpi sgt, %jit3A_667, %sign3A_676 : i32
        %sign3A_678 = arith.extui %sign3A_677 : i1 to i32
        %sign3A_679 = arith.constant 0 : i32
        %sign3A_680 = arith.cmpi slt, %jit3A_667, %sign3A_679 : i32
        %sign3A_681 = arith.extui %sign3A_680 : i1 to i32
        %sign3A_682 = arith.subi %sign3A_678, %sign3A_681 : i32
        %ne3A_683 = arith.cmpi ne, %sign3A_675, %sign3A_682 : i32
        %rem3A_684 = arith.remsi %add3A_129, %jit3A_667 : i32
        %ne3A_685 = arith.constant 0 : i32
        %ne3A_686 = arith.cmpi ne, %rem3A_684, %ne3A_685 : i32
        %and3A_687 = arith.andi %ne3A_683, %ne3A_686 : i1
        %sub3A_688 = arith.constant 1 : i32
        %sub3A_689 = arith.subi %div3A_668, %sub3A_688 : i32
        %select_n3A_690 = arith.select %and3A_687, %sub3A_689, %div3A_668 : i32
        %add3A_691 = arith.constant 4 : i32
        %add3A_692 = arith.addi %select_n3A_690, %add3A_691 : i32
        %mul3A_693 = arith.constant 128 : i32
        %mul3A_694 = arith.muli %add3A_692, %mul3A_693 : i32
        %add3A_695 = arith.addi %mul3A_2, %mul3A_694 : i32
        %multiple_of3A_696 = tpu.assume_multiple %add3A_695, 128 : i32
        %dma_start3A_697 = arith.constant 0 : i32
        %dma_start3A_698 = arith.constant 0 : i32
        %dma_start3A_699 = tpu.memref_slice %arg6[%dma_start3A_697, %dma_start3A_698] : memref<4x128xi32, #tpu.memory_space<vmem>> -> memref<1x128xi32, #tpu.memory_space<vmem>>
        %dma_start3A_700 = tpu.memref_squeeze %dma_start3A_699 : memref<1x128xi32, #tpu.memory_space<vmem>> -> memref<128xi32, #tpu.memory_space<vmem>>
        %dma_start3A_701 = tpu.memref_slice %arg3[%multiple_of3A_696] : memref<327680xi32, #tpu.memory_space<hbm>> -> memref<128xi32, #tpu.memory_space<hbm>>
        %dma_start3A_702 = arith.constant 0 : i32
        %dma_start3A_703 = tpu.memref_slice %arg6[%dma_start3A_697, %dma_start3A_702] : memref<4x128xi32, #tpu.memory_space<vmem>> -> memref<1x128xi32, #tpu.memory_space<vmem>>
        %dma_start3A_704 = tpu.memref_squeeze %dma_start3A_703 : memref<1x128xi32, #tpu.memory_space<vmem>> -> memref<128xi32, #tpu.memory_space<vmem>>
        %dma_start3A_705 = tpu.memref_slice %arg3[%multiple_of3A_696] : memref<327680xi32, #tpu.memory_space<hbm>> -> memref<128xi32, #tpu.memory_space<hbm>>
        tpu.enqueue_dma source(%dma_start3A_705 : memref<128xi32, #tpu.memory_space<hbm>>) target(%dma_start3A_704 : memref<128xi32, #tpu.memory_space<vmem>>) target_semaphore(%arg13 : memref<!tpu.dma_semaphore, #tpu.memory_space<semaphore_mem>>)
      } else {
      }
      %mul3A_183 = arith.constant 8 : i32
      %mul3A_184 = arith.muli %scan3A_124, %mul3A_183 : i32
      %add3A_185 = arith.constant 1 : i32
      %add3A_186 = arith.addi %mul3A_184, %add3A_185 : i32
      %ge3A_187 = arith.constant 2 : i32
      %ge3A_188 = arith.cmpi sge, %add3A_186, %ge3A_187 : i32
      %add3A_189 = arith.constant 2 : i32
      %add3A_190 = arith.addi %add3A_186, %add3A_189 : i32
      %lt3A_191 = arith.constant 160 : i32
      %lt3A_192 = arith.cmpi slt, %add3A_190, %lt3A_191 : i32
      %and3A_193 = arith.andi %ge3A_188, %lt3A_192 : i1
      %convert_element_type3A_194 = arith.extui %and3A_193 : i1 to i32
      %cond3A_195 = arith.constant 0 : i32
      %cond3A_196 = arith.cmpi ne, %convert_element_type3A_194, %cond3A_195 : i32
      scf.if %cond3A_196 {
        %dma_wait3A_667 = arith.constant 0 : i32
        %dma_wait3A_668 = arith.constant 0 : i32
        %dma_wait3A_669 = tpu.memref_slice %arg12[%dma_wait3A_667, %dma_wait3A_668] : memref<10240x128xf32, #tpu.memory_space<vmem_shared>> -> memref<64x128xf32, #tpu.memory_space<vmem_shared>>
        %dma_wait3A_670 = arith.constant 0 : i32
        %dma_wait3A_671 = arith.constant 0 : i32
        %dma_wait3A_672 = tpu.memref_slice %arg12[%dma_wait3A_670, %dma_wait3A_671] : memref<10240x128xf32, #tpu.memory_space<vmem_shared>> -> memref<64x128xf32, #tpu.memory_space<vmem_shared>>
        tpu.wait_dma2 semaphore(%arg24 : memref<!tpu.dma_semaphore, #tpu.memory_space<semaphore_mem>>) src(%arg11 : memref<64x128xf32, #tpu.memory_space<vmem>>) dst(%dma_wait3A_672 : memref<64x128xf32, #tpu.memory_space<vmem_shared>>)
      } else {
      }
      %add3A_197 = arith.constant 2 : i32
      %add3A_198 = arith.addi %add3A_186, %add3A_197 : i32
      %lt3A_199 = arith.constant 160 : i32
      %lt3A_200 = arith.cmpi slt, %add3A_198, %lt3A_199 : i32
      %convert_element_type3A_201 = arith.extui %lt3A_200 : i1 to i32
      %cond3A_202 = arith.constant 0 : i32
      %cond3A_203 = arith.cmpi ne, %convert_element_type3A_201, %cond3A_202 : i32
      scf.if %cond3A_203 {
        %dma_start3A_667 = arith.constant 1 : i32
        %dma_start3A_668 = arith.constant 64 : i32
        %dma_start3A_669 = tpu.memref_slice %arg6[%dma_start3A_667, %dma_start3A_668] : memref<4x128xi32, #tpu.memory_space<vmem>> -> memref<1x64xi32, #tpu.memory_space<vmem>>
        %dma_start3A_670 = tpu.memref_squeeze %dma_start3A_669 : memref<1x64xi32, #tpu.memory_space<vmem>> -> memref<64xi32, #tpu.memory_space<vmem>>
        %dma_start3A_671 = arith.constant 0 : i32
        %dma_start3A_672 = arith.constant 0 : i32
        %dma_start3A_673 = tpu.memref_slice %arg2[%dma_start3A_671, %dma_start3A_672] : memref<10240x128xf32, #tpu.memory_space<hbm>> -> memref<10240x128xf32, #tpu.memory_space<hbm>>
        tpu.enqueue_indirect_dma source(%dma_start3A_673 : memref<10240x128xf32, #tpu.memory_space<hbm>>) target(%arg11 : memref<64x128xf32, #tpu.memory_space<vmem>>) offsets(%dma_start3A_670 : memref<64xi32, #tpu.memory_space<vmem>>) semaphore(%arg20 : memref<!tpu.dma_semaphore, #tpu.memory_space<semaphore_mem>>)
      } else {
      }
      %dma_wait3A_204 = arith.constant 0 : i32
      %dma_wait3A_205 = arith.constant 0 : i32
      %dma_wait3A_206 = tpu.memref_slice %arg6[%dma_wait3A_204, %dma_wait3A_205] : memref<4x128xi32, #tpu.memory_space<vmem>> -> memref<1x64xi32, #tpu.memory_space<vmem>>
      %dma_wait3A_207 = tpu.memref_squeeze %dma_wait3A_206 : memref<1x64xi32, #tpu.memory_space<vmem>> -> memref<64xi32, #tpu.memory_space<vmem>>
      %dma_wait3A_208 = arith.constant 0 : i32
      %dma_wait3A_209 = arith.constant 0 : i32
      %dma_wait3A_210 = tpu.memref_slice %arg2[%dma_wait3A_208, %dma_wait3A_209] : memref<10240x128xf32, #tpu.memory_space<hbm>> -> memref<10240x128xf32, #tpu.memory_space<hbm>>
      tpu.wait_indirect_dma semaphore(%arg18 : memref<!tpu.dma_semaphore, #tpu.memory_space<semaphore_mem>>) src(%dma_wait3A_210 : memref<10240x128xf32, #tpu.memory_space<hbm>>) dst(%arg9 : memref<64x128xf32, #tpu.memory_space<vmem>>)
      %div3A_211 = arith.constant 2 : i32
      %div3A_212 = arith.divsi %add3A_186, %div3A_211 : i32
      %dma_start3A_213 = arith.constant 64 : i32
      %dma_start3A_214 = tpu.memref_slice %arg7[%div3A_212, %dma_start3A_213] : memref<80x128xi32, #tpu.memory_space<vmem>> -> memref<1x64xi32, #tpu.memory_space<vmem>>
      %dma_start3A_215 = tpu.memref_squeeze %dma_start3A_214 : memref<1x64xi32, #tpu.memory_space<vmem>> -> memref<64xi32, #tpu.memory_space<vmem>>
      %dma_start3A_216 = arith.constant 0 : i32
      %dma_start3A_217 = arith.constant 0 : i32
      %dma_start3A_218 = tpu.memref_slice %arg12[%dma_start3A_216, %dma_start3A_217] : memref<10240x128xf32, #tpu.memory_space<vmem_shared>> -> memref<10240x128xf32, #tpu.memory_space<vmem_shared>>
      tpu.enqueue_indirect_dma source(%arg9 : memref<64x128xf32, #tpu.memory_space<vmem>>) target(%dma_start3A_218 : memref<10240x128xf32, #tpu.memory_space<vmem_shared>>) offsets(%dma_start3A_215 : memref<64xi32, #tpu.memory_space<vmem>>) semaphore(%arg22 : memref<!tpu.dma_semaphore, #tpu.memory_space<semaphore_mem>>) {add = true}
      %jit3A_219 = arith.constant 2 : i32
      %div3A_220 = arith.divsi %add3A_186, %jit3A_219 : i32
      %sign3A_221 = arith.constant 0 : i32
      %sign3A_222 = arith.cmpi sgt, %add3A_186, %sign3A_221 : i32
      %sign3A_223 = arith.extui %sign3A_222 : i1 to i32
      %sign3A_224 = arith.constant 0 : i32
      %sign3A_225 = arith.cmpi slt, %add3A_186, %sign3A_224 : i32
      %sign3A_226 = arith.extui %sign3A_225 : i1 to i32
      %sign3A_227 = arith.subi %sign3A_223, %sign3A_226 : i32
      %sign3A_228 = arith.constant 0 : i32
      %sign3A_229 = arith.cmpi sgt, %jit3A_219, %sign3A_228 : i32
      %sign3A_230 = arith.extui %sign3A_229 : i1 to i32
      %sign3A_231 = arith.constant 0 : i32
      %sign3A_232 = arith.cmpi slt, %jit3A_219, %sign3A_231 : i32
      %sign3A_233 = arith.extui %sign3A_232 : i1 to i32
      %sign3A_234 = arith.subi %sign3A_230, %sign3A_233 : i32
      %ne3A_235 = arith.cmpi ne, %sign3A_227, %sign3A_234 : i32
      %rem3A_236 = arith.remsi %add3A_186, %jit3A_219 : i32
      %ne3A_237 = arith.constant 0 : i32
      %ne3A_238 = arith.cmpi ne, %rem3A_236, %ne3A_237 : i32
      %and3A_239 = arith.andi %ne3A_235, %ne3A_238 : i1
      %sub3A_240 = arith.constant 1 : i32
      %sub3A_241 = arith.subi %div3A_220, %sub3A_240 : i32
      %select_n3A_242 = arith.select %and3A_239, %sub3A_241, %div3A_220 : i32
      %add3A_243 = arith.constant 4 : i32
      %add3A_244 = arith.addi %select_n3A_242, %add3A_243 : i32
      %lt3A_245 = arith.constant 80 : i32
      %lt3A_246 = arith.cmpi slt, %add3A_244, %lt3A_245 : i32
      %and3A_247 = arith.constant true
      %and3A_248 = arith.andi %and3A_247, %lt3A_246 : i1
      %convert_element_type3A_249 = arith.extui %and3A_248 : i1 to i32
      %cond3A_250 = arith.constant 0 : i32
      %cond3A_251 = arith.cmpi ne, %convert_element_type3A_249, %cond3A_250 : i32
      scf.if %cond3A_251 {
        %jit3A_667 = arith.constant 2 : i32
        %div3A_668 = arith.divsi %add3A_186, %jit3A_667 : i32
        %sign3A_669 = arith.constant 0 : i32
        %sign3A_670 = arith.cmpi sgt, %add3A_186, %sign3A_669 : i32
        %sign3A_671 = arith.extui %sign3A_670 : i1 to i32
        %sign3A_672 = arith.constant 0 : i32
        %sign3A_673 = arith.cmpi slt, %add3A_186, %sign3A_672 : i32
        %sign3A_674 = arith.extui %sign3A_673 : i1 to i32
        %sign3A_675 = arith.subi %sign3A_671, %sign3A_674 : i32
        %sign3A_676 = arith.constant 0 : i32
        %sign3A_677 = arith.cmpi sgt, %jit3A_667, %sign3A_676 : i32
        %sign3A_678 = arith.extui %sign3A_677 : i1 to i32
        %sign3A_679 = arith.constant 0 : i32
        %sign3A_680 = arith.cmpi slt, %jit3A_667, %sign3A_679 : i32
        %sign3A_681 = arith.extui %sign3A_680 : i1 to i32
        %sign3A_682 = arith.subi %sign3A_678, %sign3A_681 : i32
        %ne3A_683 = arith.cmpi ne, %sign3A_675, %sign3A_682 : i32
        %rem3A_684 = arith.remsi %add3A_186, %jit3A_667 : i32
        %ne3A_685 = arith.constant 0 : i32
        %ne3A_686 = arith.cmpi ne, %rem3A_684, %ne3A_685 : i32
        %and3A_687 = arith.andi %ne3A_683, %ne3A_686 : i1
        %sub3A_688 = arith.constant 1 : i32
        %sub3A_689 = arith.subi %div3A_668, %sub3A_688 : i32
        %select_n3A_690 = arith.select %and3A_687, %sub3A_689, %div3A_668 : i32
        %add3A_691 = arith.constant 4 : i32
        %add3A_692 = arith.addi %select_n3A_690, %add3A_691 : i32
        %mul3A_693 = arith.constant 128 : i32
        %mul3A_694 = arith.muli %add3A_692, %mul3A_693 : i32
        %add3A_695 = arith.addi %mul3A_2, %mul3A_694 : i32
        %multiple_of3A_696 = tpu.assume_multiple %add3A_695, 128 : i32
        %dma_start3A_697 = arith.constant 0 : i32
        %dma_start3A_698 = arith.constant 0 : i32
        %dma_start3A_699 = tpu.memref_slice %arg6[%dma_start3A_697, %dma_start3A_698] : memref<4x128xi32, #tpu.memory_space<vmem>> -> memref<1x128xi32, #tpu.memory_space<vmem>>
        %dma_start3A_700 = tpu.memref_squeeze %dma_start3A_699 : memref<1x128xi32, #tpu.memory_space<vmem>> -> memref<128xi32, #tpu.memory_space<vmem>>
        %dma_start3A_701 = tpu.memref_slice %arg3[%multiple_of3A_696] : memref<327680xi32, #tpu.memory_space<hbm>> -> memref<128xi32, #tpu.memory_space<hbm>>
        %dma_start3A_702 = arith.constant 0 : i32
        %dma_start3A_703 = tpu.memref_slice %arg6[%dma_start3A_697, %dma_start3A_702] : memref<4x128xi32, #tpu.memory_space<vmem>> -> memref<1x128xi32, #tpu.memory_space<vmem>>
        %dma_start3A_704 = tpu.memref_squeeze %dma_start3A_703 : memref<1x128xi32, #tpu.memory_space<vmem>> -> memref<128xi32, #tpu.memory_space<vmem>>
        %dma_start3A_705 = tpu.memref_slice %arg3[%multiple_of3A_696] : memref<327680xi32, #tpu.memory_space<hbm>> -> memref<128xi32, #tpu.memory_space<hbm>>
        tpu.enqueue_dma source(%dma_start3A_705 : memref<128xi32, #tpu.memory_space<hbm>>) target(%dma_start3A_704 : memref<128xi32, #tpu.memory_space<vmem>>) target_semaphore(%arg13 : memref<!tpu.dma_semaphore, #tpu.memory_space<semaphore_mem>>)
      } else {
      }
      %mul3A_252 = arith.constant 8 : i32
      %mul3A_253 = arith.muli %scan3A_124, %mul3A_252 : i32
      %add3A_254 = arith.constant 2 : i32
      %add3A_255 = arith.addi %mul3A_253, %add3A_254 : i32
      %ge3A_256 = arith.constant 2 : i32
      %ge3A_257 = arith.cmpi sge, %add3A_255, %ge3A_256 : i32
      %add3A_258 = arith.constant 2 : i32
      %add3A_259 = arith.addi %add3A_255, %add3A_258 : i32
      %lt3A_260 = arith.constant 160 : i32
      %lt3A_261 = arith.cmpi slt, %add3A_259, %lt3A_260 : i32
      %and3A_262 = arith.andi %ge3A_257, %lt3A_261 : i1
      %convert_element_type3A_263 = arith.extui %and3A_262 : i1 to i32
      %cond3A_264 = arith.constant 0 : i32
      %cond3A_265 = arith.cmpi ne, %convert_element_type3A_263, %cond3A_264 : i32
      scf.if %cond3A_265 {
        %dma_wait3A_667 = arith.constant 0 : i32
        %dma_wait3A_668 = arith.constant 0 : i32
        %dma_wait3A_669 = tpu.memref_slice %arg12[%dma_wait3A_667, %dma_wait3A_668] : memref<10240x128xf32, #tpu.memory_space<vmem_shared>> -> memref<64x128xf32, #tpu.memory_space<vmem_shared>>
        %dma_wait3A_670 = arith.constant 0 : i32
        %dma_wait3A_671 = arith.constant 0 : i32
        %dma_wait3A_672 = tpu.memref_slice %arg12[%dma_wait3A_670, %dma_wait3A_671] : memref<10240x128xf32, #tpu.memory_space<vmem_shared>> -> memref<64x128xf32, #tpu.memory_space<vmem_shared>>
        tpu.wait_dma2 semaphore(%arg21 : memref<!tpu.dma_semaphore, #tpu.memory_space<semaphore_mem>>) src(%arg8 : memref<64x128xf32, #tpu.memory_space<vmem>>) dst(%dma_wait3A_672 : memref<64x128xf32, #tpu.memory_space<vmem_shared>>)
      } else {
      }
      %add3A_266 = arith.constant 2 : i32
      %add3A_267 = arith.addi %add3A_255, %add3A_266 : i32
      %lt3A_268 = arith.constant 160 : i32
      %lt3A_269 = arith.cmpi slt, %add3A_267, %lt3A_268 : i32
      %convert_element_type3A_270 = arith.extui %lt3A_269 : i1 to i32
      %cond3A_271 = arith.constant 0 : i32
      %cond3A_272 = arith.cmpi ne, %convert_element_type3A_270, %cond3A_271 : i32
      scf.if %cond3A_272 {
        %dma_wait3A_667 = arith.constant 2 : i32
        %dma_wait3A_668 = arith.constant 0 : i32
        %dma_wait3A_669 = tpu.memref_slice %arg6[%dma_wait3A_667, %dma_wait3A_668] : memref<4x128xi32, #tpu.memory_space<vmem>> -> memref<1x128xi32, #tpu.memory_space<vmem>>
        %dma_wait3A_670 = tpu.memref_squeeze %dma_wait3A_669 : memref<1x128xi32, #tpu.memory_space<vmem>> -> memref<128xi32, #tpu.memory_space<vmem>>
        %dma_wait3A_671 = arith.constant 0 : i32
        %dma_wait3A_672 = tpu.memref_slice %arg3[%dma_wait3A_671] : memref<327680xi32, #tpu.memory_space<hbm>> -> memref<128xi32, #tpu.memory_space<hbm>>
        %dma_wait3A_673 = arith.constant 0 : i32
        %dma_wait3A_674 = tpu.memref_slice %arg6[%dma_wait3A_667, %dma_wait3A_673] : memref<4x128xi32, #tpu.memory_space<vmem>> -> memref<1x128xi32, #tpu.memory_space<vmem>>
        %dma_wait3A_675 = tpu.memref_squeeze %dma_wait3A_674 : memref<1x128xi32, #tpu.memory_space<vmem>> -> memref<128xi32, #tpu.memory_space<vmem>>
        %dma_wait3A_676 = arith.constant 0 : i32
        %dma_wait3A_677 = tpu.memref_slice %arg3[%dma_wait3A_676] : memref<327680xi32, #tpu.memory_space<hbm>> -> memref<128xi32, #tpu.memory_space<hbm>>
        tpu.wait_dma2 semaphore(%arg15 : memref<!tpu.dma_semaphore, #tpu.memory_space<semaphore_mem>>) src(%dma_wait3A_677 : memref<128xi32, #tpu.memory_space<hbm>>) dst(%dma_wait3A_675 : memref<128xi32, #tpu.memory_space<vmem>>)
        %dma_start3A_678 = arith.constant 2 : i32
        %dma_start3A_679 = arith.constant 0 : i32
        %dma_start3A_680 = tpu.memref_slice %arg6[%dma_start3A_678, %dma_start3A_679] : memref<4x128xi32, #tpu.memory_space<vmem>> -> memref<1x64xi32, #tpu.memory_space<vmem>>
        %dma_start3A_681 = tpu.memref_squeeze %dma_start3A_680 : memref<1x64xi32, #tpu.memory_space<vmem>> -> memref<64xi32, #tpu.memory_space<vmem>>
        %dma_start3A_682 = arith.constant 0 : i32
        %dma_start3A_683 = arith.constant 0 : i32
        %dma_start3A_684 = tpu.memref_slice %arg2[%dma_start3A_682, %dma_start3A_683] : memref<10240x128xf32, #tpu.memory_space<hbm>> -> memref<10240x128xf32, #tpu.memory_space<hbm>>
        tpu.enqueue_indirect_dma source(%dma_start3A_684 : memref<10240x128xf32, #tpu.memory_space<hbm>>) target(%arg8 : memref<64x128xf32, #tpu.memory_space<vmem>>) offsets(%dma_start3A_681 : memref<64xi32, #tpu.memory_space<vmem>>) semaphore(%arg17 : memref<!tpu.dma_semaphore, #tpu.memory_space<semaphore_mem>>)
      } else {
      }
      %dma_wait3A_273 = arith.constant 0 : i32
      %dma_wait3A_274 = arith.constant 0 : i32
      %dma_wait3A_275 = tpu.memref_slice %arg6[%dma_wait3A_273, %dma_wait3A_274] : memref<4x128xi32, #tpu.memory_space<vmem>> -> memref<1x64xi32, #tpu.memory_space<vmem>>
      %dma_wait3A_276 = tpu.memref_squeeze %dma_wait3A_275 : memref<1x64xi32, #tpu.memory_space<vmem>> -> memref<64xi32, #tpu.memory_space<vmem>>
      %dma_wait3A_277 = arith.constant 0 : i32
      %dma_wait3A_278 = arith.constant 0 : i32
      %dma_wait3A_279 = tpu.memref_slice %arg2[%dma_wait3A_277, %dma_wait3A_278] : memref<10240x128xf32, #tpu.memory_space<hbm>> -> memref<10240x128xf32, #tpu.memory_space<hbm>>
      tpu.wait_indirect_dma semaphore(%arg19 : memref<!tpu.dma_semaphore, #tpu.memory_space<semaphore_mem>>) src(%dma_wait3A_279 : memref<10240x128xf32, #tpu.memory_space<hbm>>) dst(%arg10 : memref<64x128xf32, #tpu.memory_space<vmem>>)
      %div3A_280 = arith.constant 2 : i32
      %div3A_281 = arith.divsi %add3A_255, %div3A_280 : i32
      %dma_start3A_282 = arith.constant 0 : i32
      %dma_start3A_283 = tpu.memref_slice %arg7[%div3A_281, %dma_start3A_282] : memref<80x128xi32, #tpu.memory_space<vmem>> -> memref<1x64xi32, #tpu.memory_space<vmem>>
      %dma_start3A_284 = tpu.memref_squeeze %dma_start3A_283 : memref<1x64xi32, #tpu.memory_space<vmem>> -> memref<64xi32, #tpu.memory_space<vmem>>
      %dma_start3A_285 = arith.constant 0 : i32
      %dma_start3A_286 = arith.constant 0 : i32
      %dma_start3A_287 = tpu.memref_slice %arg12[%dma_start3A_285, %dma_start3A_286] : memref<10240x128xf32, #tpu.memory_space<vmem_shared>> -> memref<10240x128xf32, #tpu.memory_space<vmem_shared>>
      tpu.enqueue_indirect_dma source(%arg10 : memref<64x128xf32, #tpu.memory_space<vmem>>) target(%dma_start3A_287 : memref<10240x128xf32, #tpu.memory_space<vmem_shared>>) offsets(%dma_start3A_284 : memref<64xi32, #tpu.memory_space<vmem>>) semaphore(%arg23 : memref<!tpu.dma_semaphore, #tpu.memory_space<semaphore_mem>>) {add = true}
      %jit3A_288 = arith.constant 2 : i32
      %div3A_289 = arith.divsi %add3A_255, %jit3A_288 : i32
      %sign3A_290 = arith.constant 0 : i32
      %sign3A_291 = arith.cmpi sgt, %add3A_255, %sign3A_290 : i32
      %sign3A_292 = arith.extui %sign3A_291 : i1 to i32
      %sign3A_293 = arith.constant 0 : i32
      %sign3A_294 = arith.cmpi slt, %add3A_255, %sign3A_293 : i32
      %sign3A_295 = arith.extui %sign3A_294 : i1 to i32
      %sign3A_296 = arith.subi %sign3A_292, %sign3A_295 : i32
      %sign3A_297 = arith.constant 0 : i32
      %sign3A_298 = arith.cmpi sgt, %jit3A_288, %sign3A_297 : i32
      %sign3A_299 = arith.extui %sign3A_298 : i1 to i32
      %sign3A_300 = arith.constant 0 : i32
      %sign3A_301 = arith.cmpi slt, %jit3A_288, %sign3A_300 : i32
      %sign3A_302 = arith.extui %sign3A_301 : i1 to i32
      %sign3A_303 = arith.subi %sign3A_299, %sign3A_302 : i32
      %ne3A_304 = arith.cmpi ne, %sign3A_296, %sign3A_303 : i32
      %rem3A_305 = arith.remsi %add3A_255, %jit3A_288 : i32
      %ne3A_306 = arith.constant 0 : i32
      %ne3A_307 = arith.cmpi ne, %rem3A_305, %ne3A_306 : i32
      %and3A_308 = arith.andi %ne3A_304, %ne3A_307 : i1
      %sub3A_309 = arith.constant 1 : i32
      %sub3A_310 = arith.subi %div3A_289, %sub3A_309 : i32
      %select_n3A_311 = arith.select %and3A_308, %sub3A_310, %div3A_289 : i32
      %add3A_312 = arith.constant 4 : i32
      %add3A_313 = arith.addi %select_n3A_311, %add3A_312 : i32
      %lt3A_314 = arith.constant 80 : i32
      %lt3A_315 = arith.cmpi slt, %add3A_313, %lt3A_314 : i32
      %and3A_316 = arith.constant false
      %and3A_317 = arith.andi %and3A_316, %lt3A_315 : i1
      %convert_element_type3A_318 = arith.extui %and3A_317 : i1 to i32
      %cond3A_319 = arith.constant 0 : i32
      %cond3A_320 = arith.cmpi ne, %convert_element_type3A_318, %cond3A_319 : i32
      scf.if %cond3A_320 {
        %jit3A_667 = arith.constant 2 : i32
        %div3A_668 = arith.divsi %add3A_255, %jit3A_667 : i32
        %sign3A_669 = arith.constant 0 : i32
        %sign3A_670 = arith.cmpi sgt, %add3A_255, %sign3A_669 : i32
        %sign3A_671 = arith.extui %sign3A_670 : i1 to i32
        %sign3A_672 = arith.constant 0 : i32
        %sign3A_673 = arith.cmpi slt, %add3A_255, %sign3A_672 : i32
        %sign3A_674 = arith.extui %sign3A_673 : i1 to i32
        %sign3A_675 = arith.subi %sign3A_671, %sign3A_674 : i32
        %sign3A_676 = arith.constant 0 : i32
        %sign3A_677 = arith.cmpi sgt, %jit3A_667, %sign3A_676 : i32
        %sign3A_678 = arith.extui %sign3A_677 : i1 to i32
        %sign3A_679 = arith.constant 0 : i32
        %sign3A_680 = arith.cmpi slt, %jit3A_667, %sign3A_679 : i32
        %sign3A_681 = arith.extui %sign3A_680 : i1 to i32
        %sign3A_682 = arith.subi %sign3A_678, %sign3A_681 : i32
        %ne3A_683 = arith.cmpi ne, %sign3A_675, %sign3A_682 : i32
        %rem3A_684 = arith.remsi %add3A_255, %jit3A_667 : i32
        %ne3A_685 = arith.constant 0 : i32
        %ne3A_686 = arith.cmpi ne, %rem3A_684, %ne3A_685 : i32
        %and3A_687 = arith.andi %ne3A_683, %ne3A_686 : i1
        %sub3A_688 = arith.constant 1 : i32
        %sub3A_689 = arith.subi %div3A_668, %sub3A_688 : i32
        %select_n3A_690 = arith.select %and3A_687, %sub3A_689, %div3A_668 : i32
        %add3A_691 = arith.constant 4 : i32
        %add3A_692 = arith.addi %select_n3A_690, %add3A_691 : i32
        %mul3A_693 = arith.constant 128 : i32
        %mul3A_694 = arith.muli %add3A_692, %mul3A_693 : i32
        %add3A_695 = arith.addi %mul3A_2, %mul3A_694 : i32
        %multiple_of3A_696 = tpu.assume_multiple %add3A_695, 128 : i32
        %dma_start3A_697 = arith.constant 1 : i32
        %dma_start3A_698 = arith.constant 0 : i32
        %dma_start3A_699 = tpu.memref_slice %arg6[%dma_start3A_697, %dma_start3A_698] : memref<4x128xi32, #tpu.memory_space<vmem>> -> memref<1x128xi32, #tpu.memory_space<vmem>>
        %dma_start3A_700 = tpu.memref_squeeze %dma_start3A_699 : memref<1x128xi32, #tpu.memory_space<vmem>> -> memref<128xi32, #tpu.memory_space<vmem>>
        %dma_start3A_701 = tpu.memref_slice %arg3[%multiple_of3A_696] : memref<327680xi32, #tpu.memory_space<hbm>> -> memref<128xi32, #tpu.memory_space<hbm>>
        %dma_start3A_702 = arith.constant 0 : i32
        %dma_start3A_703 = tpu.memref_slice %arg6[%dma_start3A_697, %dma_start3A_702] : memref<4x128xi32, #tpu.memory_space<vmem>> -> memref<1x128xi32, #tpu.memory_space<vmem>>
        %dma_start3A_704 = tpu.memref_squeeze %dma_start3A_703 : memref<1x128xi32, #tpu.memory_space<vmem>> -> memref<128xi32, #tpu.memory_space<vmem>>
        %dma_start3A_705 = tpu.memref_slice %arg3[%multiple_of3A_696] : memref<327680xi32, #tpu.memory_space<hbm>> -> memref<128xi32, #tpu.memory_space<hbm>>
        tpu.enqueue_dma source(%dma_start3A_705 : memref<128xi32, #tpu.memory_space<hbm>>) target(%dma_start3A_704 : memref<128xi32, #tpu.memory_space<vmem>>) target_semaphore(%arg14 : memref<!tpu.dma_semaphore, #tpu.memory_space<semaphore_mem>>)
      } else {
      }
      %mul3A_321 = arith.constant 8 : i32
      %mul3A_322 = arith.muli %scan3A_124, %mul3A_321 : i32
      %add3A_323 = arith.constant 3 : i32
      %add3A_324 = arith.addi %mul3A_322, %add3A_323 : i32
      %ge3A_325 = arith.constant 2 : i32
      %ge3A_326 = arith.cmpi sge, %add3A_324, %ge3A_325 : i32
      %add3A_327 = arith.constant 2 : i32
      %add3A_328 = arith.addi %add3A_324, %add3A_327 : i32
      %lt3A_329 = arith.constant 160 : i32
      %lt3A_330 = arith.cmpi slt, %add3A_328, %lt3A_329 : i32
      %and3A_331 = arith.andi %ge3A_326, %lt3A_330 : i1
      %convert_element_type3A_332 = arith.extui %and3A_331 : i1 to i32
      %cond3A_333 = arith.constant 0 : i32
      %cond3A_334 = arith.cmpi ne, %convert_element_type3A_332, %cond3A_333 : i32
      scf.if %cond3A_334 {
        %dma_wait3A_667 = arith.constant 0 : i32
        %dma_wait3A_668 = arith.constant 0 : i32
        %dma_wait3A_669 = tpu.memref_slice %arg12[%dma_wait3A_667, %dma_wait3A_668] : memref<10240x128xf32, #tpu.memory_space<vmem_shared>> -> memref<64x128xf32, #tpu.memory_space<vmem_shared>>
        %dma_wait3A_670 = arith.constant 0 : i32
        %dma_wait3A_671 = arith.constant 0 : i32
        %dma_wait3A_672 = tpu.memref_slice %arg12[%dma_wait3A_670, %dma_wait3A_671] : memref<10240x128xf32, #tpu.memory_space<vmem_shared>> -> memref<64x128xf32, #tpu.memory_space<vmem_shared>>
        tpu.wait_dma2 semaphore(%arg22 : memref<!tpu.dma_semaphore, #tpu.memory_space<semaphore_mem>>) src(%arg9 : memref<64x128xf32, #tpu.memory_space<vmem>>) dst(%dma_wait3A_672 : memref<64x128xf32, #tpu.memory_space<vmem_shared>>)
      } else {
      }
      %add3A_335 = arith.constant 2 : i32
      %add3A_336 = arith.addi %add3A_324, %add3A_335 : i32
      %lt3A_337 = arith.constant 160 : i32
      %lt3A_338 = arith.cmpi slt, %add3A_336, %lt3A_337 : i32
      %convert_element_type3A_339 = arith.extui %lt3A_338 : i1 to i32
      %cond3A_340 = arith.constant 0 : i32
      %cond3A_341 = arith.cmpi ne, %convert_element_type3A_339, %cond3A_340 : i32
      scf.if %cond3A_341 {
        %dma_start3A_667 = arith.constant 2 : i32
        %dma_start3A_668 = arith.constant 64 : i32
        %dma_start3A_669 = tpu.memref_slice %arg6[%dma_start3A_667, %dma_start3A_668] : memref<4x128xi32, #tpu.memory_space<vmem>> -> memref<1x64xi32, #tpu.memory_space<vmem>>
        %dma_start3A_670 = tpu.memref_squeeze %dma_start3A_669 : memref<1x64xi32, #tpu.memory_space<vmem>> -> memref<64xi32, #tpu.memory_space<vmem>>
        %dma_start3A_671 = arith.constant 0 : i32
        %dma_start3A_672 = arith.constant 0 : i32
        %dma_start3A_673 = tpu.memref_slice %arg2[%dma_start3A_671, %dma_start3A_672] : memref<10240x128xf32, #tpu.memory_space<hbm>> -> memref<10240x128xf32, #tpu.memory_space<hbm>>
        tpu.enqueue_indirect_dma source(%dma_start3A_673 : memref<10240x128xf32, #tpu.memory_space<hbm>>) target(%arg9 : memref<64x128xf32, #tpu.memory_space<vmem>>) offsets(%dma_start3A_670 : memref<64xi32, #tpu.memory_space<vmem>>) semaphore(%arg18 : memref<!tpu.dma_semaphore, #tpu.memory_space<semaphore_mem>>)
      } else {
      }
      %dma_wait3A_342 = arith.constant 0 : i32
      %dma_wait3A_343 = arith.constant 0 : i32
      %dma_wait3A_344 = tpu.memref_slice %arg6[%dma_wait3A_342, %dma_wait3A_343] : memref<4x128xi32, #tpu.memory_space<vmem>> -> memref<1x64xi32, #tpu.memory_space<vmem>>
      %dma_wait3A_345 = tpu.memref_squeeze %dma_wait3A_344 : memref<1x64xi32, #tpu.memory_space<vmem>> -> memref<64xi32, #tpu.memory_space<vmem>>
      %dma_wait3A_346 = arith.constant 0 : i32
      %dma_wait3A_347 = arith.constant 0 : i32
      %dma_wait3A_348 = tpu.memref_slice %arg2[%dma_wait3A_346, %dma_wait3A_347] : memref<10240x128xf32, #tpu.memory_space<hbm>> -> memref<10240x128xf32, #tpu.memory_space<hbm>>
      tpu.wait_indirect_dma semaphore(%arg20 : memref<!tpu.dma_semaphore, #tpu.memory_space<semaphore_mem>>) src(%dma_wait3A_348 : memref<10240x128xf32, #tpu.memory_space<hbm>>) dst(%arg11 : memref<64x128xf32, #tpu.memory_space<vmem>>)
      %div3A_349 = arith.constant 2 : i32
      %div3A_350 = arith.divsi %add3A_324, %div3A_349 : i32
      %dma_start3A_351 = arith.constant 64 : i32
      %dma_start3A_352 = tpu.memref_slice %arg7[%div3A_350, %dma_start3A_351] : memref<80x128xi32, #tpu.memory_space<vmem>> -> memref<1x64xi32, #tpu.memory_space<vmem>>
      %dma_start3A_353 = tpu.memref_squeeze %dma_start3A_352 : memref<1x64xi32, #tpu.memory_space<vmem>> -> memref<64xi32, #tpu.memory_space<vmem>>
      %dma_start3A_354 = arith.constant 0 : i32
      %dma_start3A_355 = arith.constant 0 : i32
      %dma_start3A_356 = tpu.memref_slice %arg12[%dma_start3A_354, %dma_start3A_355] : memref<10240x128xf32, #tpu.memory_space<vmem_shared>> -> memref<10240x128xf32, #tpu.memory_space<vmem_shared>>
      tpu.enqueue_indirect_dma source(%arg11 : memref<64x128xf32, #tpu.memory_space<vmem>>) target(%dma_start3A_356 : memref<10240x128xf32, #tpu.memory_space<vmem_shared>>) offsets(%dma_start3A_353 : memref<64xi32, #tpu.memory_space<vmem>>) semaphore(%arg24 : memref<!tpu.dma_semaphore, #tpu.memory_space<semaphore_mem>>) {add = true}
      %jit3A_357 = arith.constant 2 : i32
      %div3A_358 = arith.divsi %add3A_324, %jit3A_357 : i32
      %sign3A_359 = arith.constant 0 : i32
      %sign3A_360 = arith.cmpi sgt, %add3A_324, %sign3A_359 : i32
      %sign3A_361 = arith.extui %sign3A_360 : i1 to i32
      %sign3A_362 = arith.constant 0 : i32
      %sign3A_363 = arith.cmpi slt, %add3A_324, %sign3A_362 : i32
      %sign3A_364 = arith.extui %sign3A_363 : i1 to i32
      %sign3A_365 = arith.subi %sign3A_361, %sign3A_364 : i32
      %sign3A_366 = arith.constant 0 : i32
      %sign3A_367 = arith.cmpi sgt, %jit3A_357, %sign3A_366 : i32
      %sign3A_368 = arith.extui %sign3A_367 : i1 to i32
      %sign3A_369 = arith.constant 0 : i32
      %sign3A_370 = arith.cmpi slt, %jit3A_357, %sign3A_369 : i32
      %sign3A_371 = arith.extui %sign3A_370 : i1 to i32
      %sign3A_372 = arith.subi %sign3A_368, %sign3A_371 : i32
      %ne3A_373 = arith.cmpi ne, %sign3A_365, %sign3A_372 : i32
      %rem3A_374 = arith.remsi %add3A_324, %jit3A_357 : i32
      %ne3A_375 = arith.constant 0 : i32
      %ne3A_376 = arith.cmpi ne, %rem3A_374, %ne3A_375 : i32
      %and3A_377 = arith.andi %ne3A_373, %ne3A_376 : i1
      %sub3A_378 = arith.constant 1 : i32
      %sub3A_379 = arith.subi %div3A_358, %sub3A_378 : i32
      %select_n3A_380 = arith.select %and3A_377, %sub3A_379, %div3A_358 : i32
      %add3A_381 = arith.constant 4 : i32
      %add3A_382 = arith.addi %select_n3A_380, %add3A_381 : i32
      %lt3A_383 = arith.constant 80 : i32
      %lt3A_384 = arith.cmpi slt, %add3A_382, %lt3A_383 : i32
      %and3A_385 = arith.constant true
      %and3A_386 = arith.andi %and3A_385, %lt3A_384 : i1
      %convert_element_type3A_387 = arith.extui %and3A_386 : i1 to i32
      %cond3A_388 = arith.constant 0 : i32
      %cond3A_389 = arith.cmpi ne, %convert_element_type3A_387, %cond3A_388 : i32
      scf.if %cond3A_389 {
        %jit3A_667 = arith.constant 2 : i32
        %div3A_668 = arith.divsi %add3A_324, %jit3A_667 : i32
        %sign3A_669 = arith.constant 0 : i32
        %sign3A_670 = arith.cmpi sgt, %add3A_324, %sign3A_669 : i32
        %sign3A_671 = arith.extui %sign3A_670 : i1 to i32
        %sign3A_672 = arith.constant 0 : i32
        %sign3A_673 = arith.cmpi slt, %add3A_324, %sign3A_672 : i32
        %sign3A_674 = arith.extui %sign3A_673 : i1 to i32
        %sign3A_675 = arith.subi %sign3A_671, %sign3A_674 : i32
        %sign3A_676 = arith.constant 0 : i32
        %sign3A_677 = arith.cmpi sgt, %jit3A_667, %sign3A_676 : i32
        %sign3A_678 = arith.extui %sign3A_677 : i1 to i32
        %sign3A_679 = arith.constant 0 : i32
        %sign3A_680 = arith.cmpi slt, %jit3A_667, %sign3A_679 : i32
        %sign3A_681 = arith.extui %sign3A_680 : i1 to i32
        %sign3A_682 = arith.subi %sign3A_678, %sign3A_681 : i32
        %ne3A_683 = arith.cmpi ne, %sign3A_675, %sign3A_682 : i32
        %rem3A_684 = arith.remsi %add3A_324, %jit3A_667 : i32
        %ne3A_685 = arith.constant 0 : i32
        %ne3A_686 = arith.cmpi ne, %rem3A_684, %ne3A_685 : i32
        %and3A_687 = arith.andi %ne3A_683, %ne3A_686 : i1
        %sub3A_688 = arith.constant 1 : i32
        %sub3A_689 = arith.subi %div3A_668, %sub3A_688 : i32
        %select_n3A_690 = arith.select %and3A_687, %sub3A_689, %div3A_668 : i32
        %add3A_691 = arith.constant 4 : i32
        %add3A_692 = arith.addi %select_n3A_690, %add3A_691 : i32
        %mul3A_693 = arith.constant 128 : i32
        %mul3A_694 = arith.muli %add3A_692, %mul3A_693 : i32
        %add3A_695 = arith.addi %mul3A_2, %mul3A_694 : i32
        %multiple_of3A_696 = tpu.assume_multiple %add3A_695, 128 : i32
        %dma_start3A_697 = arith.constant 1 : i32
        %dma_start3A_698 = arith.constant 0 : i32
        %dma_start3A_699 = tpu.memref_slice %arg6[%dma_start3A_697, %dma_start3A_698] : memref<4x128xi32, #tpu.memory_space<vmem>> -> memref<1x128xi32, #tpu.memory_space<vmem>>
        %dma_start3A_700 = tpu.memref_squeeze %dma_start3A_699 : memref<1x128xi32, #tpu.memory_space<vmem>> -> memref<128xi32, #tpu.memory_space<vmem>>
        %dma_start3A_701 = tpu.memref_slice %arg3[%multiple_of3A_696] : memref<327680xi32, #tpu.memory_space<hbm>> -> memref<128xi32, #tpu.memory_space<hbm>>
        %dma_start3A_702 = arith.constant 0 : i32
        %dma_start3A_703 = tpu.memref_slice %arg6[%dma_start3A_697, %dma_start3A_702] : memref<4x128xi32, #tpu.memory_space<vmem>> -> memref<1x128xi32, #tpu.memory_space<vmem>>
        %dma_start3A_704 = tpu.memref_squeeze %dma_start3A_703 : memref<1x128xi32, #tpu.memory_space<vmem>> -> memref<128xi32, #tpu.memory_space<vmem>>
        %dma_start3A_705 = tpu.memref_slice %arg3[%multiple_of3A_696] : memref<327680xi32, #tpu.memory_space<hbm>> -> memref<128xi32, #tpu.memory_space<hbm>>
        tpu.enqueue_dma source(%dma_start3A_705 : memref<128xi32, #tpu.memory_space<hbm>>) target(%dma_start3A_704 : memref<128xi32, #tpu.memory_space<vmem>>) target_semaphore(%arg14 : memref<!tpu.dma_semaphore, #tpu.memory_space<semaphore_mem>>)
      } else {
      }
      %mul3A_390 = arith.constant 8 : i32
      %mul3A_391 = arith.muli %scan3A_124, %mul3A_390 : i32
      %add3A_392 = arith.constant 4 : i32
      %add3A_393 = arith.addi %mul3A_391, %add3A_392 : i32
      %ge3A_394 = arith.constant 2 : i32
      %ge3A_395 = arith.cmpi sge, %add3A_393, %ge3A_394 : i32
      %add3A_396 = arith.constant 2 : i32
      %add3A_397 = arith.addi %add3A_393, %add3A_396 : i32
      %lt3A_398 = arith.constant 160 : i32
      %lt3A_399 = arith.cmpi slt, %add3A_397, %lt3A_398 : i32
      %and3A_400 = arith.andi %ge3A_395, %lt3A_399 : i1
      %convert_element_type3A_401 = arith.extui %and3A_400 : i1 to i32
      %cond3A_402 = arith.constant 0 : i32
      %cond3A_403 = arith.cmpi ne, %convert_element_type3A_401, %cond3A_402 : i32
      scf.if %cond3A_403 {
        %dma_wait3A_667 = arith.constant 0 : i32
        %dma_wait3A_668 = arith.constant 0 : i32
        %dma_wait3A_669 = tpu.memref_slice %arg12[%dma_wait3A_667, %dma_wait3A_668] : memref<10240x128xf32, #tpu.memory_space<vmem_shared>> -> memref<64x128xf32, #tpu.memory_space<vmem_shared>>
        %dma_wait3A_670 = arith.constant 0 : i32
        %dma_wait3A_671 = arith.constant 0 : i32
        %dma_wait3A_672 = tpu.memref_slice %arg12[%dma_wait3A_670, %dma_wait3A_671] : memref<10240x128xf32, #tpu.memory_space<vmem_shared>> -> memref<64x128xf32, #tpu.memory_space<vmem_shared>>
        tpu.wait_dma2 semaphore(%arg23 : memref<!tpu.dma_semaphore, #tpu.memory_space<semaphore_mem>>) src(%arg10 : memref<64x128xf32, #tpu.memory_space<vmem>>) dst(%dma_wait3A_672 : memref<64x128xf32, #tpu.memory_space<vmem_shared>>)
      } else {
      }
      %add3A_404 = arith.constant 2 : i32
      %add3A_405 = arith.addi %add3A_393, %add3A_404 : i32
      %lt3A_406 = arith.constant 160 : i32
      %lt3A_407 = arith.cmpi slt, %add3A_405, %lt3A_406 : i32
      %convert_element_type3A_408 = arith.extui %lt3A_407 : i1 to i32
      %cond3A_409 = arith.constant 0 : i32
      %cond3A_410 = arith.cmpi ne, %convert_element_type3A_408, %cond3A_409 : i32
      scf.if %cond3A_410 {
        %dma_wait3A_667 = arith.constant 3 : i32
        %dma_wait3A_668 = arith.constant 0 : i32
        %dma_wait3A_669 = tpu.memref_slice %arg6[%dma_wait3A_667, %dma_wait3A_668] : memref<4x128xi32, #tpu.memory_space<vmem>> -> memref<1x128xi32, #tpu.memory_space<vmem>>
        %dma_wait3A_670 = tpu.memref_squeeze %dma_wait3A_669 : memref<1x128xi32, #tpu.memory_space<vmem>> -> memref<128xi32, #tpu.memory_space<vmem>>
        %dma_wait3A_671 = arith.constant 0 : i32
        %dma_wait3A_672 = tpu.memref_slice %arg3[%dma_wait3A_671] : memref<327680xi32, #tpu.memory_space<hbm>> -> memref<128xi32, #tpu.memory_space<hbm>>
        %dma_wait3A_673 = arith.constant 0 : i32
        %dma_wait3A_674 = tpu.memref_slice %arg6[%dma_wait3A_667, %dma_wait3A_673] : memref<4x128xi32, #tpu.memory_space<vmem>> -> memref<1x128xi32, #tpu.memory_space<vmem>>
        %dma_wait3A_675 = tpu.memref_squeeze %dma_wait3A_674 : memref<1x128xi32, #tpu.memory_space<vmem>> -> memref<128xi32, #tpu.memory_space<vmem>>
        %dma_wait3A_676 = arith.constant 0 : i32
        %dma_wait3A_677 = tpu.memref_slice %arg3[%dma_wait3A_676] : memref<327680xi32, #tpu.memory_space<hbm>> -> memref<128xi32, #tpu.memory_space<hbm>>
        tpu.wait_dma2 semaphore(%arg16 : memref<!tpu.dma_semaphore, #tpu.memory_space<semaphore_mem>>) src(%dma_wait3A_677 : memref<128xi32, #tpu.memory_space<hbm>>) dst(%dma_wait3A_675 : memref<128xi32, #tpu.memory_space<vmem>>)
        %dma_start3A_678 = arith.constant 3 : i32
        %dma_start3A_679 = arith.constant 0 : i32
        %dma_start3A_680 = tpu.memref_slice %arg6[%dma_start3A_678, %dma_start3A_679] : memref<4x128xi32, #tpu.memory_space<vmem>> -> memref<1x64xi32, #tpu.memory_space<vmem>>
        %dma_start3A_681 = tpu.memref_squeeze %dma_start3A_680 : memref<1x64xi32, #tpu.memory_space<vmem>> -> memref<64xi32, #tpu.memory_space<vmem>>
        %dma_start3A_682 = arith.constant 0 : i32
        %dma_start3A_683 = arith.constant 0 : i32
        %dma_start3A_684 = tpu.memref_slice %arg2[%dma_start3A_682, %dma_start3A_683] : memref<10240x128xf32, #tpu.memory_space<hbm>> -> memref<10240x128xf32, #tpu.memory_space<hbm>>
        tpu.enqueue_indirect_dma source(%dma_start3A_684 : memref<10240x128xf32, #tpu.memory_space<hbm>>) target(%arg10 : memref<64x128xf32, #tpu.memory_space<vmem>>) offsets(%dma_start3A_681 : memref<64xi32, #tpu.memory_space<vmem>>) semaphore(%arg19 : memref<!tpu.dma_semaphore, #tpu.memory_space<semaphore_mem>>)
      } else {
      }
      %dma_wait3A_411 = arith.constant 0 : i32
      %dma_wait3A_412 = arith.constant 0 : i32
      %dma_wait3A_413 = tpu.memref_slice %arg6[%dma_wait3A_411, %dma_wait3A_412] : memref<4x128xi32, #tpu.memory_space<vmem>> -> memref<1x64xi32, #tpu.memory_space<vmem>>
      %dma_wait3A_414 = tpu.memref_squeeze %dma_wait3A_413 : memref<1x64xi32, #tpu.memory_space<vmem>> -> memref<64xi32, #tpu.memory_space<vmem>>
      %dma_wait3A_415 = arith.constant 0 : i32
      %dma_wait3A_416 = arith.constant 0 : i32
      %dma_wait3A_417 = tpu.memref_slice %arg2[%dma_wait3A_415, %dma_wait3A_416] : memref<10240x128xf32, #tpu.memory_space<hbm>> -> memref<10240x128xf32, #tpu.memory_space<hbm>>
      tpu.wait_indirect_dma semaphore(%arg17 : memref<!tpu.dma_semaphore, #tpu.memory_space<semaphore_mem>>) src(%dma_wait3A_417 : memref<10240x128xf32, #tpu.memory_space<hbm>>) dst(%arg8 : memref<64x128xf32, #tpu.memory_space<vmem>>)
      %div3A_418 = arith.constant 2 : i32
      %div3A_419 = arith.divsi %add3A_393, %div3A_418 : i32
      %dma_start3A_420 = arith.constant 0 : i32
      %dma_start3A_421 = tpu.memref_slice %arg7[%div3A_419, %dma_start3A_420] : memref<80x128xi32, #tpu.memory_space<vmem>> -> memref<1x64xi32, #tpu.memory_space<vmem>>
      %dma_start3A_422 = tpu.memref_squeeze %dma_start3A_421 : memref<1x64xi32, #tpu.memory_space<vmem>> -> memref<64xi32, #tpu.memory_space<vmem>>
      %dma_start3A_423 = arith.constant 0 : i32
      %dma_start3A_424 = arith.constant 0 : i32
      %dma_start3A_425 = tpu.memref_slice %arg12[%dma_start3A_423, %dma_start3A_424] : memref<10240x128xf32, #tpu.memory_space<vmem_shared>> -> memref<10240x128xf32, #tpu.memory_space<vmem_shared>>
      tpu.enqueue_indirect_dma source(%arg8 : memref<64x128xf32, #tpu.memory_space<vmem>>) target(%dma_start3A_425 : memref<10240x128xf32, #tpu.memory_space<vmem_shared>>) offsets(%dma_start3A_422 : memref<64xi32, #tpu.memory_space<vmem>>) semaphore(%arg21 : memref<!tpu.dma_semaphore, #tpu.memory_space<semaphore_mem>>) {add = true}
      %jit3A_426 = arith.constant 2 : i32
      %div3A_427 = arith.divsi %add3A_393, %jit3A_426 : i32
      %sign3A_428 = arith.constant 0 : i32
      %sign3A_429 = arith.cmpi sgt, %add3A_393, %sign3A_428 : i32
      %sign3A_430 = arith.extui %sign3A_429 : i1 to i32
      %sign3A_431 = arith.constant 0 : i32
      %sign3A_432 = arith.cmpi slt, %add3A_393, %sign3A_431 : i32
      %sign3A_433 = arith.extui %sign3A_432 : i1 to i32
      %sign3A_434 = arith.subi %sign3A_430, %sign3A_433 : i32
      %sign3A_435 = arith.constant 0 : i32
      %sign3A_436 = arith.cmpi sgt, %jit3A_426, %sign3A_435 : i32
      %sign3A_437 = arith.extui %sign3A_436 : i1 to i32
      %sign3A_438 = arith.constant 0 : i32
      %sign3A_439 = arith.cmpi slt, %jit3A_426, %sign3A_438 : i32
      %sign3A_440 = arith.extui %sign3A_439 : i1 to i32
      %sign3A_441 = arith.subi %sign3A_437, %sign3A_440 : i32
      %ne3A_442 = arith.cmpi ne, %sign3A_434, %sign3A_441 : i32
      %rem3A_443 = arith.remsi %add3A_393, %jit3A_426 : i32
      %ne3A_444 = arith.constant 0 : i32
      %ne3A_445 = arith.cmpi ne, %rem3A_443, %ne3A_444 : i32
      %and3A_446 = arith.andi %ne3A_442, %ne3A_445 : i1
      %sub3A_447 = arith.constant 1 : i32
      %sub3A_448 = arith.subi %div3A_427, %sub3A_447 : i32
      %select_n3A_449 = arith.select %and3A_446, %sub3A_448, %div3A_427 : i32
      %add3A_450 = arith.constant 4 : i32
      %add3A_451 = arith.addi %select_n3A_449, %add3A_450 : i32
      %lt3A_452 = arith.constant 80 : i32
      %lt3A_453 = arith.cmpi slt, %add3A_451, %lt3A_452 : i32
      %and3A_454 = arith.constant false
      %and3A_455 = arith.andi %and3A_454, %lt3A_453 : i1
      %convert_element_type3A_456 = arith.extui %and3A_455 : i1 to i32
      %cond3A_457 = arith.constant 0 : i32
      %cond3A_458 = arith.cmpi ne, %convert_element_type3A_456, %cond3A_457 : i32
      scf.if %cond3A_458 {
        %jit3A_667 = arith.constant 2 : i32
        %div3A_668 = arith.divsi %add3A_393, %jit3A_667 : i32
        %sign3A_669 = arith.constant 0 : i32
        %sign3A_670 = arith.cmpi sgt, %add3A_393, %sign3A_669 : i32
        %sign3A_671 = arith.extui %sign3A_670 : i1 to i32
        %sign3A_672 = arith.constant 0 : i32
        %sign3A_673 = arith.cmpi slt, %add3A_393, %sign3A_672 : i32
        %sign3A_674 = arith.extui %sign3A_673 : i1 to i32
        %sign3A_675 = arith.subi %sign3A_671, %sign3A_674 : i32
        %sign3A_676 = arith.constant 0 : i32
        %sign3A_677 = arith.cmpi sgt, %jit3A_667, %sign3A_676 : i32
        %sign3A_678 = arith.extui %sign3A_677 : i1 to i32
        %sign3A_679 = arith.constant 0 : i32
        %sign3A_680 = arith.cmpi slt, %jit3A_667, %sign3A_679 : i32
        %sign3A_681 = arith.extui %sign3A_680 : i1 to i32
        %sign3A_682 = arith.subi %sign3A_678, %sign3A_681 : i32
        %ne3A_683 = arith.cmpi ne, %sign3A_675, %sign3A_682 : i32
        %rem3A_684 = arith.remsi %add3A_393, %jit3A_667 : i32
        %ne3A_685 = arith.constant 0 : i32
        %ne3A_686 = arith.cmpi ne, %rem3A_684, %ne3A_685 : i32
        %and3A_687 = arith.andi %ne3A_683, %ne3A_686 : i1
        %sub3A_688 = arith.constant 1 : i32
        %sub3A_689 = arith.subi %div3A_668, %sub3A_688 : i32
        %select_n3A_690 = arith.select %and3A_687, %sub3A_689, %div3A_668 : i32
        %add3A_691 = arith.constant 4 : i32
        %add3A_692 = arith.addi %select_n3A_690, %add3A_691 : i32
        %mul3A_693 = arith.constant 128 : i32
        %mul3A_694 = arith.muli %add3A_692, %mul3A_693 : i32
        %add3A_695 = arith.addi %mul3A_2, %mul3A_694 : i32
        %multiple_of3A_696 = tpu.assume_multiple %add3A_695, 128 : i32
        %dma_start3A_697 = arith.constant 2 : i32
        %dma_start3A_698 = arith.constant 0 : i32
        %dma_start3A_699 = tpu.memref_slice %arg6[%dma_start3A_697, %dma_start3A_698] : memref<4x128xi32, #tpu.memory_space<vmem>> -> memref<1x128xi32, #tpu.memory_space<vmem>>
        %dma_start3A_700 = tpu.memref_squeeze %dma_start3A_699 : memref<1x128xi32, #tpu.memory_space<vmem>> -> memref<128xi32, #tpu.memory_space<vmem>>
        %dma_start3A_701 = tpu.memref_slice %arg3[%multiple_of3A_696] : memref<327680xi32, #tpu.memory_space<hbm>> -> memref<128xi32, #tpu.memory_space<hbm>>
        %dma_start3A_702 = arith.constant 0 : i32
        %dma_start3A_703 = tpu.memref_slice %arg6[%dma_start3A_697, %dma_start3A_702] : memref<4x128xi32, #tpu.memory_space<vmem>> -> memref<1x128xi32, #tpu.memory_space<vmem>>
        %dma_start3A_704 = tpu.memref_squeeze %dma_start3A_703 : memref<1x128xi32, #tpu.memory_space<vmem>> -> memref<128xi32, #tpu.memory_space<vmem>>
        %dma_start3A_705 = tpu.memref_slice %arg3[%multiple_of3A_696] : memref<327680xi32, #tpu.memory_space<hbm>> -> memref<128xi32, #tpu.memory_space<hbm>>
        tpu.enqueue_dma source(%dma_start3A_705 : memref<128xi32, #tpu.memory_space<hbm>>) target(%dma_start3A_704 : memref<128xi32, #tpu.memory_space<vmem>>) target_semaphore(%arg15 : memref<!tpu.dma_semaphore, #tpu.memory_space<semaphore_mem>>)
      } else {
      }
      %mul3A_459 = arith.constant 8 : i32
      %mul3A_460 = arith.muli %scan3A_124, %mul3A_459 : i32
      %add3A_461 = arith.constant 5 : i32
      %add3A_462 = arith.addi %mul3A_460, %add3A_461 : i32
      %ge3A_463 = arith.constant 2 : i32
      %ge3A_464 = arith.cmpi sge, %add3A_462, %ge3A_463 : i32
      %add3A_465 = arith.constant 2 : i32
      %add3A_466 = arith.addi %add3A_462, %add3A_465 : i32
      %lt3A_467 = arith.constant 160 : i32
      %lt3A_468 = arith.cmpi slt, %add3A_466, %lt3A_467 : i32
      %and3A_469 = arith.andi %ge3A_464, %lt3A_468 : i1
      %convert_element_type3A_470 = arith.extui %and3A_469 : i1 to i32
      %cond3A_471 = arith.constant 0 : i32
      %cond3A_472 = arith.cmpi ne, %convert_element_type3A_470, %cond3A_471 : i32
      scf.if %cond3A_472 {
        %dma_wait3A_667 = arith.constant 0 : i32
        %dma_wait3A_668 = arith.constant 0 : i32
        %dma_wait3A_669 = tpu.memref_slice %arg12[%dma_wait3A_667, %dma_wait3A_668] : memref<10240x128xf32, #tpu.memory_space<vmem_shared>> -> memref<64x128xf32, #tpu.memory_space<vmem_shared>>
        %dma_wait3A_670 = arith.constant 0 : i32
        %dma_wait3A_671 = arith.constant 0 : i32
        %dma_wait3A_672 = tpu.memref_slice %arg12[%dma_wait3A_670, %dma_wait3A_671] : memref<10240x128xf32, #tpu.memory_space<vmem_shared>> -> memref<64x128xf32, #tpu.memory_space<vmem_shared>>
        tpu.wait_dma2 semaphore(%arg24 : memref<!tpu.dma_semaphore, #tpu.memory_space<semaphore_mem>>) src(%arg11 : memref<64x128xf32, #tpu.memory_space<vmem>>) dst(%dma_wait3A_672 : memref<64x128xf32, #tpu.memory_space<vmem_shared>>)
      } else {
      }
      %add3A_473 = arith.constant 2 : i32
      %add3A_474 = arith.addi %add3A_462, %add3A_473 : i32
      %lt3A_475 = arith.constant 160 : i32
      %lt3A_476 = arith.cmpi slt, %add3A_474, %lt3A_475 : i32
      %convert_element_type3A_477 = arith.extui %lt3A_476 : i1 to i32
      %cond3A_478 = arith.constant 0 : i32
      %cond3A_479 = arith.cmpi ne, %convert_element_type3A_477, %cond3A_478 : i32
      scf.if %cond3A_479 {
        %dma_start3A_667 = arith.constant 3 : i32
        %dma_start3A_668 = arith.constant 64 : i32
        %dma_start3A_669 = tpu.memref_slice %arg6[%dma_start3A_667, %dma_start3A_668] : memref<4x128xi32, #tpu.memory_space<vmem>> -> memref<1x64xi32, #tpu.memory_space<vmem>>
        %dma_start3A_670 = tpu.memref_squeeze %dma_start3A_669 : memref<1x64xi32, #tpu.memory_space<vmem>> -> memref<64xi32, #tpu.memory_space<vmem>>
        %dma_start3A_671 = arith.constant 0 : i32
        %dma_start3A_672 = arith.constant 0 : i32
        %dma_start3A_673 = tpu.memref_slice %arg2[%dma_start3A_671, %dma_start3A_672] : memref<10240x128xf32, #tpu.memory_space<hbm>> -> memref<10240x128xf32, #tpu.memory_space<hbm>>
        tpu.enqueue_indirect_dma source(%dma_start3A_673 : memref<10240x128xf32, #tpu.memory_space<hbm>>) target(%arg11 : memref<64x128xf32, #tpu.memory_space<vmem>>) offsets(%dma_start3A_670 : memref<64xi32, #tpu.memory_space<vmem>>) semaphore(%arg20 : memref<!tpu.dma_semaphore, #tpu.memory_space<semaphore_mem>>)
      } else {
      }
      %dma_wait3A_480 = arith.constant 0 : i32
      %dma_wait3A_481 = arith.constant 0 : i32
      %dma_wait3A_482 = tpu.memref_slice %arg6[%dma_wait3A_480, %dma_wait3A_481] : memref<4x128xi32, #tpu.memory_space<vmem>> -> memref<1x64xi32, #tpu.memory_space<vmem>>
      %dma_wait3A_483 = tpu.memref_squeeze %dma_wait3A_482 : memref<1x64xi32, #tpu.memory_space<vmem>> -> memref<64xi32, #tpu.memory_space<vmem>>
      %dma_wait3A_484 = arith.constant 0 : i32
      %dma_wait3A_485 = arith.constant 0 : i32
      %dma_wait3A_486 = tpu.memref_slice %arg2[%dma_wait3A_484, %dma_wait3A_485] : memref<10240x128xf32, #tpu.memory_space<hbm>> -> memref<10240x128xf32, #tpu.memory_space<hbm>>
      tpu.wait_indirect_dma semaphore(%arg18 : memref<!tpu.dma_semaphore, #tpu.memory_space<semaphore_mem>>) src(%dma_wait3A_486 : memref<10240x128xf32, #tpu.memory_space<hbm>>) dst(%arg9 : memref<64x128xf32, #tpu.memory_space<vmem>>)
      %div3A_487 = arith.constant 2 : i32
      %div3A_488 = arith.divsi %add3A_462, %div3A_487 : i32
      %dma_start3A_489 = arith.constant 64 : i32
      %dma_start3A_490 = tpu.memref_slice %arg7[%div3A_488, %dma_start3A_489] : memref<80x128xi32, #tpu.memory_space<vmem>> -> memref<1x64xi32, #tpu.memory_space<vmem>>
      %dma_start3A_491 = tpu.memref_squeeze %dma_start3A_490 : memref<1x64xi32, #tpu.memory_space<vmem>> -> memref<64xi32, #tpu.memory_space<vmem>>
      %dma_start3A_492 = arith.constant 0 : i32
      %dma_start3A_493 = arith.constant 0 : i32
      %dma_start3A_494 = tpu.memref_slice %arg12[%dma_start3A_492, %dma_start3A_493] : memref<10240x128xf32, #tpu.memory_space<vmem_shared>> -> memref<10240x128xf32, #tpu.memory_space<vmem_shared>>
      tpu.enqueue_indirect_dma source(%arg9 : memref<64x128xf32, #tpu.memory_space<vmem>>) target(%dma_start3A_494 : memref<10240x128xf32, #tpu.memory_space<vmem_shared>>) offsets(%dma_start3A_491 : memref<64xi32, #tpu.memory_space<vmem>>) semaphore(%arg22 : memref<!tpu.dma_semaphore, #tpu.memory_space<semaphore_mem>>) {add = true}
      %jit3A_495 = arith.constant 2 : i32
      %div3A_496 = arith.divsi %add3A_462, %jit3A_495 : i32
      %sign3A_497 = arith.constant 0 : i32
      %sign3A_498 = arith.cmpi sgt, %add3A_462, %sign3A_497 : i32
      %sign3A_499 = arith.extui %sign3A_498 : i1 to i32
      %sign3A_500 = arith.constant 0 : i32
      %sign3A_501 = arith.cmpi slt, %add3A_462, %sign3A_500 : i32
      %sign3A_502 = arith.extui %sign3A_501 : i1 to i32
      %sign3A_503 = arith.subi %sign3A_499, %sign3A_502 : i32
      %sign3A_504 = arith.constant 0 : i32
      %sign3A_505 = arith.cmpi sgt, %jit3A_495, %sign3A_504 : i32
      %sign3A_506 = arith.extui %sign3A_505 : i1 to i32
      %sign3A_507 = arith.constant 0 : i32
      %sign3A_508 = arith.cmpi slt, %jit3A_495, %sign3A_507 : i32
      %sign3A_509 = arith.extui %sign3A_508 : i1 to i32
      %sign3A_510 = arith.subi %sign3A_506, %sign3A_509 : i32
      %ne3A_511 = arith.cmpi ne, %sign3A_503, %sign3A_510 : i32
      %rem3A_512 = arith.remsi %add3A_462, %jit3A_495 : i32
      %ne3A_513 = arith.constant 0 : i32
      %ne3A_514 = arith.cmpi ne, %rem3A_512, %ne3A_513 : i32
      %and3A_515 = arith.andi %ne3A_511, %ne3A_514 : i1
      %sub3A_516 = arith.constant 1 : i32
      %sub3A_517 = arith.subi %div3A_496, %sub3A_516 : i32
      %select_n3A_518 = arith.select %and3A_515, %sub3A_517, %div3A_496 : i32
      %add3A_519 = arith.constant 4 : i32
      %add3A_520 = arith.addi %select_n3A_518, %add3A_519 : i32
      %lt3A_521 = arith.constant 80 : i32
      %lt3A_522 = arith.cmpi slt, %add3A_520, %lt3A_521 : i32
      %and3A_523 = arith.constant true
      %and3A_524 = arith.andi %and3A_523, %lt3A_522 : i1
      %convert_element_type3A_525 = arith.extui %and3A_524 : i1 to i32
      %cond3A_526 = arith.constant 0 : i32
      %cond3A_527 = arith.cmpi ne, %convert_element_type3A_525, %cond3A_526 : i32
      scf.if %cond3A_527 {
        %jit3A_667 = arith.constant 2 : i32
        %div3A_668 = arith.divsi %add3A_462, %jit3A_667 : i32
        %sign3A_669 = arith.constant 0 : i32
        %sign3A_670 = arith.cmpi sgt, %add3A_462, %sign3A_669 : i32
        %sign3A_671 = arith.extui %sign3A_670 : i1 to i32
        %sign3A_672 = arith.constant 0 : i32
        %sign3A_673 = arith.cmpi slt, %add3A_462, %sign3A_672 : i32
        %sign3A_674 = arith.extui %sign3A_673 : i1 to i32
        %sign3A_675 = arith.subi %sign3A_671, %sign3A_674 : i32
        %sign3A_676 = arith.constant 0 : i32
        %sign3A_677 = arith.cmpi sgt, %jit3A_667, %sign3A_676 : i32
        %sign3A_678 = arith.extui %sign3A_677 : i1 to i32
        %sign3A_679 = arith.constant 0 : i32
        %sign3A_680 = arith.cmpi slt, %jit3A_667, %sign3A_679 : i32
        %sign3A_681 = arith.extui %sign3A_680 : i1 to i32
        %sign3A_682 = arith.subi %sign3A_678, %sign3A_681 : i32
        %ne3A_683 = arith.cmpi ne, %sign3A_675, %sign3A_682 : i32
        %rem3A_684 = arith.remsi %add3A_462, %jit3A_667 : i32
        %ne3A_685 = arith.constant 0 : i32
        %ne3A_686 = arith.cmpi ne, %rem3A_684, %ne3A_685 : i32
        %and3A_687 = arith.andi %ne3A_683, %ne3A_686 : i1
        %sub3A_688 = arith.constant 1 : i32
        %sub3A_689 = arith.subi %div3A_668, %sub3A_688 : i32
        %select_n3A_690 = arith.select %and3A_687, %sub3A_689, %div3A_668 : i32
        %add3A_691 = arith.constant 4 : i32
        %add3A_692 = arith.addi %select_n3A_690, %add3A_691 : i32
        %mul3A_693 = arith.constant 128 : i32
        %mul3A_694 = arith.muli %add3A_692, %mul3A_693 : i32
        %add3A_695 = arith.addi %mul3A_2, %mul3A_694 : i32
        %multiple_of3A_696 = tpu.assume_multiple %add3A_695, 128 : i32
        %dma_start3A_697 = arith.constant 2 : i32
        %dma_start3A_698 = arith.constant 0 : i32
        %dma_start3A_699 = tpu.memref_slice %arg6[%dma_start3A_697, %dma_start3A_698] : memref<4x128xi32, #tpu.memory_space<vmem>> -> memref<1x128xi32, #tpu.memory_space<vmem>>
        %dma_start3A_700 = tpu.memref_squeeze %dma_start3A_699 : memref<1x128xi32, #tpu.memory_space<vmem>> -> memref<128xi32, #tpu.memory_space<vmem>>
        %dma_start3A_701 = tpu.memref_slice %arg3[%multiple_of3A_696] : memref<327680xi32, #tpu.memory_space<hbm>> -> memref<128xi32, #tpu.memory_space<hbm>>
        %dma_start3A_702 = arith.constant 0 : i32
        %dma_start3A_703 = tpu.memref_slice %arg6[%dma_start3A_697, %dma_start3A_702] : memref<4x128xi32, #tpu.memory_space<vmem>> -> memref<1x128xi32, #tpu.memory_space<vmem>>
        %dma_start3A_704 = tpu.memref_squeeze %dma_start3A_703 : memref<1x128xi32, #tpu.memory_space<vmem>> -> memref<128xi32, #tpu.memory_space<vmem>>
        %dma_start3A_705 = tpu.memref_slice %arg3[%multiple_of3A_696] : memref<327680xi32, #tpu.memory_space<hbm>> -> memref<128xi32, #tpu.memory_space<hbm>>
        tpu.enqueue_dma source(%dma_start3A_705 : memref<128xi32, #tpu.memory_space<hbm>>) target(%dma_start3A_704 : memref<128xi32, #tpu.memory_space<vmem>>) target_semaphore(%arg15 : memref<!tpu.dma_semaphore, #tpu.memory_space<semaphore_mem>>)
      } else {
      }
      %mul3A_528 = arith.constant 8 : i32
      %mul3A_529 = arith.muli %scan3A_124, %mul3A_528 : i32
      %add3A_530 = arith.constant 6 : i32
      %add3A_531 = arith.addi %mul3A_529, %add3A_530 : i32
      %ge3A_532 = arith.constant 2 : i32
      %ge3A_533 = arith.cmpi sge, %add3A_531, %ge3A_532 : i32
      %add3A_534 = arith.constant 2 : i32
      %add3A_535 = arith.addi %add3A_531, %add3A_534 : i32
      %lt3A_536 = arith.constant 160 : i32
      %lt3A_537 = arith.cmpi slt, %add3A_535, %lt3A_536 : i32
      %and3A_538 = arith.andi %ge3A_533, %lt3A_537 : i1
      %convert_element_type3A_539 = arith.extui %and3A_538 : i1 to i32
      %cond3A_540 = arith.constant 0 : i32
      %cond3A_541 = arith.cmpi ne, %convert_element_type3A_539, %cond3A_540 : i32
      scf.if %cond3A_541 {
        %dma_wait3A_667 = arith.constant 0 : i32
        %dma_wait3A_668 = arith.constant 0 : i32
        %dma_wait3A_669 = tpu.memref_slice %arg12[%dma_wait3A_667, %dma_wait3A_668] : memref<10240x128xf32, #tpu.memory_space<vmem_shared>> -> memref<64x128xf32, #tpu.memory_space<vmem_shared>>
        %dma_wait3A_670 = arith.constant 0 : i32
        %dma_wait3A_671 = arith.constant 0 : i32
        %dma_wait3A_672 = tpu.memref_slice %arg12[%dma_wait3A_670, %dma_wait3A_671] : memref<10240x128xf32, #tpu.memory_space<vmem_shared>> -> memref<64x128xf32, #tpu.memory_space<vmem_shared>>
        tpu.wait_dma2 semaphore(%arg21 : memref<!tpu.dma_semaphore, #tpu.memory_space<semaphore_mem>>) src(%arg8 : memref<64x128xf32, #tpu.memory_space<vmem>>) dst(%dma_wait3A_672 : memref<64x128xf32, #tpu.memory_space<vmem_shared>>)
      } else {
      }
      %add3A_542 = arith.constant 2 : i32
      %add3A_543 = arith.addi %add3A_531, %add3A_542 : i32
      %lt3A_544 = arith.constant 160 : i32
      %lt3A_545 = arith.cmpi slt, %add3A_543, %lt3A_544 : i32
      %convert_element_type3A_546 = arith.extui %lt3A_545 : i1 to i32
      %cond3A_547 = arith.constant 0 : i32
      %cond3A_548 = arith.cmpi ne, %convert_element_type3A_546, %cond3A_547 : i32
      scf.if %cond3A_548 {
        %dma_wait3A_667 = arith.constant 0 : i32
        %dma_wait3A_668 = arith.constant 0 : i32
        %dma_wait3A_669 = tpu.memref_slice %arg6[%dma_wait3A_667, %dma_wait3A_668] : memref<4x128xi32, #tpu.memory_space<vmem>> -> memref<1x128xi32, #tpu.memory_space<vmem>>
        %dma_wait3A_670 = tpu.memref_squeeze %dma_wait3A_669 : memref<1x128xi32, #tpu.memory_space<vmem>> -> memref<128xi32, #tpu.memory_space<vmem>>
        %dma_wait3A_671 = arith.constant 0 : i32
        %dma_wait3A_672 = tpu.memref_slice %arg3[%dma_wait3A_671] : memref<327680xi32, #tpu.memory_space<hbm>> -> memref<128xi32, #tpu.memory_space<hbm>>
        %dma_wait3A_673 = arith.constant 0 : i32
        %dma_wait3A_674 = tpu.memref_slice %arg6[%dma_wait3A_667, %dma_wait3A_673] : memref<4x128xi32, #tpu.memory_space<vmem>> -> memref<1x128xi32, #tpu.memory_space<vmem>>
        %dma_wait3A_675 = tpu.memref_squeeze %dma_wait3A_674 : memref<1x128xi32, #tpu.memory_space<vmem>> -> memref<128xi32, #tpu.memory_space<vmem>>
        %dma_wait3A_676 = arith.constant 0 : i32
        %dma_wait3A_677 = tpu.memref_slice %arg3[%dma_wait3A_676] : memref<327680xi32, #tpu.memory_space<hbm>> -> memref<128xi32, #tpu.memory_space<hbm>>
        tpu.wait_dma2 semaphore(%arg13 : memref<!tpu.dma_semaphore, #tpu.memory_space<semaphore_mem>>) src(%dma_wait3A_677 : memref<128xi32, #tpu.memory_space<hbm>>) dst(%dma_wait3A_675 : memref<128xi32, #tpu.memory_space<vmem>>)
        %dma_start3A_678 = arith.constant 0 : i32
        %dma_start3A_679 = arith.constant 0 : i32
        %dma_start3A_680 = tpu.memref_slice %arg6[%dma_start3A_678, %dma_start3A_679] : memref<4x128xi32, #tpu.memory_space<vmem>> -> memref<1x64xi32, #tpu.memory_space<vmem>>
        %dma_start3A_681 = tpu.memref_squeeze %dma_start3A_680 : memref<1x64xi32, #tpu.memory_space<vmem>> -> memref<64xi32, #tpu.memory_space<vmem>>
        %dma_start3A_682 = arith.constant 0 : i32
        %dma_start3A_683 = arith.constant 0 : i32
        %dma_start3A_684 = tpu.memref_slice %arg2[%dma_start3A_682, %dma_start3A_683] : memref<10240x128xf32, #tpu.memory_space<hbm>> -> memref<10240x128xf32, #tpu.memory_space<hbm>>
        tpu.enqueue_indirect_dma source(%dma_start3A_684 : memref<10240x128xf32, #tpu.memory_space<hbm>>) target(%arg8 : memref<64x128xf32, #tpu.memory_space<vmem>>) offsets(%dma_start3A_681 : memref<64xi32, #tpu.memory_space<vmem>>) semaphore(%arg17 : memref<!tpu.dma_semaphore, #tpu.memory_space<semaphore_mem>>)
      } else {
      }
      %dma_wait3A_549 = arith.constant 0 : i32
      %dma_wait3A_550 = arith.constant 0 : i32
      %dma_wait3A_551 = tpu.memref_slice %arg6[%dma_wait3A_549, %dma_wait3A_550] : memref<4x128xi32, #tpu.memory_space<vmem>> -> memref<1x64xi32, #tpu.memory_space<vmem>>
      %dma_wait3A_552 = tpu.memref_squeeze %dma_wait3A_551 : memref<1x64xi32, #tpu.memory_space<vmem>> -> memref<64xi32, #tpu.memory_space<vmem>>
      %dma_wait3A_553 = arith.constant 0 : i32
      %dma_wait3A_554 = arith.constant 0 : i32
      %dma_wait3A_555 = tpu.memref_slice %arg2[%dma_wait3A_553, %dma_wait3A_554] : memref<10240x128xf32, #tpu.memory_space<hbm>> -> memref<10240x128xf32, #tpu.memory_space<hbm>>
      tpu.wait_indirect_dma semaphore(%arg19 : memref<!tpu.dma_semaphore, #tpu.memory_space<semaphore_mem>>) src(%dma_wait3A_555 : memref<10240x128xf32, #tpu.memory_space<hbm>>) dst(%arg10 : memref<64x128xf32, #tpu.memory_space<vmem>>)
      %div3A_556 = arith.constant 2 : i32
      %div3A_557 = arith.divsi %add3A_531, %div3A_556 : i32
      %dma_start3A_558 = arith.constant 0 : i32
      %dma_start3A_559 = tpu.memref_slice %arg7[%div3A_557, %dma_start3A_558] : memref<80x128xi32, #tpu.memory_space<vmem>> -> memref<1x64xi32, #tpu.memory_space<vmem>>
      %dma_start3A_560 = tpu.memref_squeeze %dma_start3A_559 : memref<1x64xi32, #tpu.memory_space<vmem>> -> memref<64xi32, #tpu.memory_space<vmem>>
      %dma_start3A_561 = arith.constant 0 : i32
      %dma_start3A_562 = arith.constant 0 : i32
      %dma_start3A_563 = tpu.memref_slice %arg12[%dma_start3A_561, %dma_start3A_562] : memref<10240x128xf32, #tpu.memory_space<vmem_shared>> -> memref<10240x128xf32, #tpu.memory_space<vmem_shared>>
      tpu.enqueue_indirect_dma source(%arg10 : memref<64x128xf32, #tpu.memory_space<vmem>>) target(%dma_start3A_563 : memref<10240x128xf32, #tpu.memory_space<vmem_shared>>) offsets(%dma_start3A_560 : memref<64xi32, #tpu.memory_space<vmem>>) semaphore(%arg23 : memref<!tpu.dma_semaphore, #tpu.memory_space<semaphore_mem>>) {add = true}
      %jit3A_564 = arith.constant 2 : i32
      %div3A_565 = arith.divsi %add3A_531, %jit3A_564 : i32
      %sign3A_566 = arith.constant 0 : i32
      %sign3A_567 = arith.cmpi sgt, %add3A_531, %sign3A_566 : i32
      %sign3A_568 = arith.extui %sign3A_567 : i1 to i32
      %sign3A_569 = arith.constant 0 : i32
      %sign3A_570 = arith.cmpi slt, %add3A_531, %sign3A_569 : i32
      %sign3A_571 = arith.extui %sign3A_570 : i1 to i32
      %sign3A_572 = arith.subi %sign3A_568, %sign3A_571 : i32
      %sign3A_573 = arith.constant 0 : i32
      %sign3A_574 = arith.cmpi sgt, %jit3A_564, %sign3A_573 : i32
      %sign3A_575 = arith.extui %sign3A_574 : i1 to i32
      %sign3A_576 = arith.constant 0 : i32
      %sign3A_577 = arith.cmpi slt, %jit3A_564, %sign3A_576 : i32
      %sign3A_578 = arith.extui %sign3A_577 : i1 to i32
      %sign3A_579 = arith.subi %sign3A_575, %sign3A_578 : i32
      %ne3A_580 = arith.cmpi ne, %sign3A_572, %sign3A_579 : i32
      %rem3A_581 = arith.remsi %add3A_531, %jit3A_564 : i32
      %ne3A_582 = arith.constant 0 : i32
      %ne3A_583 = arith.cmpi ne, %rem3A_581, %ne3A_582 : i32
      %and3A_584 = arith.andi %ne3A_580, %ne3A_583 : i1
      %sub3A_585 = arith.constant 1 : i32
      %sub3A_586 = arith.subi %div3A_565, %sub3A_585 : i32
      %select_n3A_587 = arith.select %and3A_584, %sub3A_586, %div3A_565 : i32
      %add3A_588 = arith.constant 4 : i32
      %add3A_589 = arith.addi %select_n3A_587, %add3A_588 : i32
      %lt3A_590 = arith.constant 80 : i32
      %lt3A_591 = arith.cmpi slt, %add3A_589, %lt3A_590 : i32
      %and3A_592 = arith.constant false
      %and3A_593 = arith.andi %and3A_592, %lt3A_591 : i1
      %convert_element_type3A_594 = arith.extui %and3A_593 : i1 to i32
      %cond3A_595 = arith.constant 0 : i32
      %cond3A_596 = arith.cmpi ne, %convert_element_type3A_594, %cond3A_595 : i32
      scf.if %cond3A_596 {
        %jit3A_667 = arith.constant 2 : i32
        %div3A_668 = arith.divsi %add3A_531, %jit3A_667 : i32
        %sign3A_669 = arith.constant 0 : i32
        %sign3A_670 = arith.cmpi sgt, %add3A_531, %sign3A_669 : i32
        %sign3A_671 = arith.extui %sign3A_670 : i1 to i32
        %sign3A_672 = arith.constant 0 : i32
        %sign3A_673 = arith.cmpi slt, %add3A_531, %sign3A_672 : i32
        %sign3A_674 = arith.extui %sign3A_673 : i1 to i32
        %sign3A_675 = arith.subi %sign3A_671, %sign3A_674 : i32
        %sign3A_676 = arith.constant 0 : i32
        %sign3A_677 = arith.cmpi sgt, %jit3A_667, %sign3A_676 : i32
        %sign3A_678 = arith.extui %sign3A_677 : i1 to i32
        %sign3A_679 = arith.constant 0 : i32
        %sign3A_680 = arith.cmpi slt, %jit3A_667, %sign3A_679 : i32
        %sign3A_681 = arith.extui %sign3A_680 : i1 to i32
        %sign3A_682 = arith.subi %sign3A_678, %sign3A_681 : i32
        %ne3A_683 = arith.cmpi ne, %sign3A_675, %sign3A_682 : i32
        %rem3A_684 = arith.remsi %add3A_531, %jit3A_667 : i32
        %ne3A_685 = arith.constant 0 : i32
        %ne3A_686 = arith.cmpi ne, %rem3A_684, %ne3A_685 : i32
        %and3A_687 = arith.andi %ne3A_683, %ne3A_686 : i1
        %sub3A_688 = arith.constant 1 : i32
        %sub3A_689 = arith.subi %div3A_668, %sub3A_688 : i32
        %select_n3A_690 = arith.select %and3A_687, %sub3A_689, %div3A_668 : i32
        %add3A_691 = arith.constant 4 : i32
        %add3A_692 = arith.addi %select_n3A_690, %add3A_691 : i32
        %mul3A_693 = arith.constant 128 : i32
        %mul3A_694 = arith.muli %add3A_692, %mul3A_693 : i32
        %add3A_695 = arith.addi %mul3A_2, %mul3A_694 : i32
        %multiple_of3A_696 = tpu.assume_multiple %add3A_695, 128 : i32
        %dma_start3A_697 = arith.constant 3 : i32
        %dma_start3A_698 = arith.constant 0 : i32
        %dma_start3A_699 = tpu.memref_slice %arg6[%dma_start3A_697, %dma_start3A_698] : memref<4x128xi32, #tpu.memory_space<vmem>> -> memref<1x128xi32, #tpu.memory_space<vmem>>
        %dma_start3A_700 = tpu.memref_squeeze %dma_start3A_699 : memref<1x128xi32, #tpu.memory_space<vmem>> -> memref<128xi32, #tpu.memory_space<vmem>>
        %dma_start3A_701 = tpu.memref_slice %arg3[%multiple_of3A_696] : memref<327680xi32, #tpu.memory_space<hbm>> -> memref<128xi32, #tpu.memory_space<hbm>>
        %dma_start3A_702 = arith.constant 0 : i32
        %dma_start3A_703 = tpu.memref_slice %arg6[%dma_start3A_697, %dma_start3A_702] : memref<4x128xi32, #tpu.memory_space<vmem>> -> memref<1x128xi32, #tpu.memory_space<vmem>>
        %dma_start3A_704 = tpu.memref_squeeze %dma_start3A_703 : memref<1x128xi32, #tpu.memory_space<vmem>> -> memref<128xi32, #tpu.memory_space<vmem>>
        %dma_start3A_705 = tpu.memref_slice %arg3[%multiple_of3A_696] : memref<327680xi32, #tpu.memory_space<hbm>> -> memref<128xi32, #tpu.memory_space<hbm>>
        tpu.enqueue_dma source(%dma_start3A_705 : memref<128xi32, #tpu.memory_space<hbm>>) target(%dma_start3A_704 : memref<128xi32, #tpu.memory_space<vmem>>) target_semaphore(%arg16 : memref<!tpu.dma_semaphore, #tpu.memory_space<semaphore_mem>>)
      } else {
      }
      %mul3A_597 = arith.constant 8 : i32
      %mul3A_598 = arith.muli %scan3A_124, %mul3A_597 : i32
      %add3A_599 = arith.constant 7 : i32
      %add3A_600 = arith.addi %mul3A_598, %add3A_599 : i32
      %ge3A_601 = arith.constant 2 : i32
      %ge3A_602 = arith.cmpi sge, %add3A_600, %ge3A_601 : i32
      %add3A_603 = arith.constant 2 : i32
      %add3A_604 = arith.addi %add3A_600, %add3A_603 : i32
      %lt3A_605 = arith.constant 160 : i32
      %lt3A_606 = arith.cmpi slt, %add3A_604, %lt3A_605 : i32
      %and3A_607 = arith.andi %ge3A_602, %lt3A_606 : i1
      %convert_element_type3A_608 = arith.extui %and3A_607 : i1 to i32
      %cond3A_609 = arith.constant 0 : i32
      %cond3A_610 = arith.cmpi ne, %convert_element_type3A_608, %cond3A_609 : i32
      scf.if %cond3A_610 {
        %dma_wait3A_667 = arith.constant 0 : i32
        %dma_wait3A_668 = arith.constant 0 : i32
        %dma_wait3A_669 = tpu.memref_slice %arg12[%dma_wait3A_667, %dma_wait3A_668] : memref<10240x128xf32, #tpu.memory_space<vmem_shared>> -> memref<64x128xf32, #tpu.memory_space<vmem_shared>>
        %dma_wait3A_670 = arith.constant 0 : i32
        %dma_wait3A_671 = arith.constant 0 : i32
        %dma_wait3A_672 = tpu.memref_slice %arg12[%dma_wait3A_670, %dma_wait3A_671] : memref<10240x128xf32, #tpu.memory_space<vmem_shared>> -> memref<64x128xf32, #tpu.memory_space<vmem_shared>>
        tpu.wait_dma2 semaphore(%arg22 : memref<!tpu.dma_semaphore, #tpu.memory_space<semaphore_mem>>) src(%arg9 : memref<64x128xf32, #tpu.memory_space<vmem>>) dst(%dma_wait3A_672 : memref<64x128xf32, #tpu.memory_space<vmem_shared>>)
      } else {
      }
      %add3A_611 = arith.constant 2 : i32
      %add3A_612 = arith.addi %add3A_600, %add3A_611 : i32
      %lt3A_613 = arith.constant 160 : i32
      %lt3A_614 = arith.cmpi slt, %add3A_612, %lt3A_613 : i32
      %convert_element_type3A_615 = arith.extui %lt3A_614 : i1 to i32
      %cond3A_616 = arith.constant 0 : i32
      %cond3A_617 = arith.cmpi ne, %convert_element_type3A_615, %cond3A_616 : i32
      scf.if %cond3A_617 {
        %dma_start3A_667 = arith.constant 0 : i32
        %dma_start3A_668 = arith.constant 64 : i32
        %dma_start3A_669 = tpu.memref_slice %arg6[%dma_start3A_667, %dma_start3A_668] : memref<4x128xi32, #tpu.memory_space<vmem>> -> memref<1x64xi32, #tpu.memory_space<vmem>>
        %dma_start3A_670 = tpu.memref_squeeze %dma_start3A_669 : memref<1x64xi32, #tpu.memory_space<vmem>> -> memref<64xi32, #tpu.memory_space<vmem>>
        %dma_start3A_671 = arith.constant 0 : i32
        %dma_start3A_672 = arith.constant 0 : i32
        %dma_start3A_673 = tpu.memref_slice %arg2[%dma_start3A_671, %dma_start3A_672] : memref<10240x128xf32, #tpu.memory_space<hbm>> -> memref<10240x128xf32, #tpu.memory_space<hbm>>
        tpu.enqueue_indirect_dma source(%dma_start3A_673 : memref<10240x128xf32, #tpu.memory_space<hbm>>) target(%arg9 : memref<64x128xf32, #tpu.memory_space<vmem>>) offsets(%dma_start3A_670 : memref<64xi32, #tpu.memory_space<vmem>>) semaphore(%arg18 : memref<!tpu.dma_semaphore, #tpu.memory_space<semaphore_mem>>)
      } else {
      }
      %dma_wait3A_618 = arith.constant 0 : i32
      %dma_wait3A_619 = arith.constant 0 : i32
      %dma_wait3A_620 = tpu.memref_slice %arg6[%dma_wait3A_618, %dma_wait3A_619] : memref<4x128xi32, #tpu.memory_space<vmem>> -> memref<1x64xi32, #tpu.memory_space<vmem>>
      %dma_wait3A_621 = tpu.memref_squeeze %dma_wait3A_620 : memref<1x64xi32, #tpu.memory_space<vmem>> -> memref<64xi32, #tpu.memory_space<vmem>>
      %dma_wait3A_622 = arith.constant 0 : i32
      %dma_wait3A_623 = arith.constant 0 : i32
      %dma_wait3A_624 = tpu.memref_slice %arg2[%dma_wait3A_622, %dma_wait3A_623] : memref<10240x128xf32, #tpu.memory_space<hbm>> -> memref<10240x128xf32, #tpu.memory_space<hbm>>
      tpu.wait_indirect_dma semaphore(%arg20 : memref<!tpu.dma_semaphore, #tpu.memory_space<semaphore_mem>>) src(%dma_wait3A_624 : memref<10240x128xf32, #tpu.memory_space<hbm>>) dst(%arg11 : memref<64x128xf32, #tpu.memory_space<vmem>>)
      %div3A_625 = arith.constant 2 : i32
      %div3A_626 = arith.divsi %add3A_600, %div3A_625 : i32
      %dma_start3A_627 = arith.constant 64 : i32
      %dma_start3A_628 = tpu.memref_slice %arg7[%div3A_626, %dma_start3A_627] : memref<80x128xi32, #tpu.memory_space<vmem>> -> memref<1x64xi32, #tpu.memory_space<vmem>>
      %dma_start3A_629 = tpu.memref_squeeze %dma_start3A_628 : memref<1x64xi32, #tpu.memory_space<vmem>> -> memref<64xi32, #tpu.memory_space<vmem>>
      %dma_start3A_630 = arith.constant 0 : i32
      %dma_start3A_631 = arith.constant 0 : i32
      %dma_start3A_632 = tpu.memref_slice %arg12[%dma_start3A_630, %dma_start3A_631] : memref<10240x128xf32, #tpu.memory_space<vmem_shared>> -> memref<10240x128xf32, #tpu.memory_space<vmem_shared>>
      tpu.enqueue_indirect_dma source(%arg11 : memref<64x128xf32, #tpu.memory_space<vmem>>) target(%dma_start3A_632 : memref<10240x128xf32, #tpu.memory_space<vmem_shared>>) offsets(%dma_start3A_629 : memref<64xi32, #tpu.memory_space<vmem>>) semaphore(%arg24 : memref<!tpu.dma_semaphore, #tpu.memory_space<semaphore_mem>>) {add = true}
      %jit3A_633 = arith.constant 2 : i32
      %div3A_634 = arith.divsi %add3A_600, %jit3A_633 : i32
      %sign3A_635 = arith.constant 0 : i32
      %sign3A_636 = arith.cmpi sgt, %add3A_600, %sign3A_635 : i32
      %sign3A_637 = arith.extui %sign3A_636 : i1 to i32
      %sign3A_638 = arith.constant 0 : i32
      %sign3A_639 = arith.cmpi slt, %add3A_600, %sign3A_638 : i32
      %sign3A_640 = arith.extui %sign3A_639 : i1 to i32
      %sign3A_641 = arith.subi %sign3A_637, %sign3A_640 : i32
      %sign3A_642 = arith.constant 0 : i32
      %sign3A_643 = arith.cmpi sgt, %jit3A_633, %sign3A_642 : i32
      %sign3A_644 = arith.extui %sign3A_643 : i1 to i32
      %sign3A_645 = arith.constant 0 : i32
      %sign3A_646 = arith.cmpi slt, %jit3A_633, %sign3A_645 : i32
      %sign3A_647 = arith.extui %sign3A_646 : i1 to i32
      %sign3A_648 = arith.subi %sign3A_644, %sign3A_647 : i32
      %ne3A_649 = arith.cmpi ne, %sign3A_641, %sign3A_648 : i32
      %rem3A_650 = arith.remsi %add3A_600, %jit3A_633 : i32
      %ne3A_651 = arith.constant 0 : i32
      %ne3A_652 = arith.cmpi ne, %rem3A_650, %ne3A_651 : i32
      %and3A_653 = arith.andi %ne3A_649, %ne3A_652 : i1
      %sub3A_654 = arith.constant 1 : i32
      %sub3A_655 = arith.subi %div3A_634, %sub3A_654 : i32
      %select_n3A_656 = arith.select %and3A_653, %sub3A_655, %div3A_634 : i32
      %add3A_657 = arith.constant 4 : i32
      %add3A_658 = arith.addi %select_n3A_656, %add3A_657 : i32
      %lt3A_659 = arith.constant 80 : i32
      %lt3A_660 = arith.cmpi slt, %add3A_658, %lt3A_659 : i32
      %and3A_661 = arith.constant true
      %and3A_662 = arith.andi %and3A_661, %lt3A_660 : i1
      %convert_element_type3A_663 = arith.extui %and3A_662 : i1 to i32
      %cond3A_664 = arith.constant 0 : i32
      %cond3A_665 = arith.cmpi ne, %convert_element_type3A_663, %cond3A_664 : i32
      scf.if %cond3A_665 {
        %jit3A_667 = arith.constant 2 : i32
        %div3A_668 = arith.divsi %add3A_600, %jit3A_667 : i32
        %sign3A_669 = arith.constant 0 : i32
        %sign3A_670 = arith.cmpi sgt, %add3A_600, %sign3A_669 : i32
        %sign3A_671 = arith.extui %sign3A_670 : i1 to i32
        %sign3A_672 = arith.constant 0 : i32
        %sign3A_673 = arith.cmpi slt, %add3A_600, %sign3A_672 : i32
        %sign3A_674 = arith.extui %sign3A_673 : i1 to i32
        %sign3A_675 = arith.subi %sign3A_671, %sign3A_674 : i32
        %sign3A_676 = arith.constant 0 : i32
        %sign3A_677 = arith.cmpi sgt, %jit3A_667, %sign3A_676 : i32
        %sign3A_678 = arith.extui %sign3A_677 : i1 to i32
        %sign3A_679 = arith.constant 0 : i32
        %sign3A_680 = arith.cmpi slt, %jit3A_667, %sign3A_679 : i32
        %sign3A_681 = arith.extui %sign3A_680 : i1 to i32
        %sign3A_682 = arith.subi %sign3A_678, %sign3A_681 : i32
        %ne3A_683 = arith.cmpi ne, %sign3A_675, %sign3A_682 : i32
        %rem3A_684 = arith.remsi %add3A_600, %jit3A_667 : i32
        %ne3A_685 = arith.constant 0 : i32
        %ne3A_686 = arith.cmpi ne, %rem3A_684, %ne3A_685 : i32
        %and3A_687 = arith.andi %ne3A_683, %ne3A_686 : i1
        %sub3A_688 = arith.constant 1 : i32
        %sub3A_689 = arith.subi %div3A_668, %sub3A_688 : i32
        %select_n3A_690 = arith.select %and3A_687, %sub3A_689, %div3A_668 : i32
        %add3A_691 = arith.constant 4 : i32
        %add3A_692 = arith.addi %select_n3A_690, %add3A_691 : i32
        %mul3A_693 = arith.constant 128 : i32
        %mul3A_694 = arith.muli %add3A_692, %mul3A_693 : i32
        %add3A_695 = arith.addi %mul3A_2, %mul3A_694 : i32
        %multiple_of3A_696 = tpu.assume_multiple %add3A_695, 128 : i32
        %dma_start3A_697 = arith.constant 3 : i32
        %dma_start3A_698 = arith.constant 0 : i32
        %dma_start3A_699 = tpu.memref_slice %arg6[%dma_start3A_697, %dma_start3A_698] : memref<4x128xi32, #tpu.memory_space<vmem>> -> memref<1x128xi32, #tpu.memory_space<vmem>>
        %dma_start3A_700 = tpu.memref_squeeze %dma_start3A_699 : memref<1x128xi32, #tpu.memory_space<vmem>> -> memref<128xi32, #tpu.memory_space<vmem>>
        %dma_start3A_701 = tpu.memref_slice %arg3[%multiple_of3A_696] : memref<327680xi32, #tpu.memory_space<hbm>> -> memref<128xi32, #tpu.memory_space<hbm>>
        %dma_start3A_702 = arith.constant 0 : i32
        %dma_start3A_703 = tpu.memref_slice %arg6[%dma_start3A_697, %dma_start3A_702] : memref<4x128xi32, #tpu.memory_space<vmem>> -> memref<1x128xi32, #tpu.memory_space<vmem>>
        %dma_start3A_704 = tpu.memref_squeeze %dma_start3A_703 : memref<1x128xi32, #tpu.memory_space<vmem>> -> memref<128xi32, #tpu.memory_space<vmem>>
        %dma_start3A_705 = tpu.memref_slice %arg3[%multiple_of3A_696] : memref<327680xi32, #tpu.memory_space<hbm>> -> memref<128xi32, #tpu.memory_space<hbm>>
        tpu.enqueue_dma source(%dma_start3A_705 : memref<128xi32, #tpu.memory_space<hbm>>) target(%dma_start3A_704 : memref<128xi32, #tpu.memory_space<vmem>>) target_semaphore(%arg16 : memref<!tpu.dma_semaphore, #tpu.memory_space<semaphore_mem>>)
      } else {
      }
      %scan3A_666 = arith.constant 0 : i32
      scf.yield %scan3A_666 : i32
    }
    %scan3A_95 = arith.constant 20 : i32
    %dma_wait3A_96 = arith.constant 0 : i32
    %dma_wait3A_97 = arith.constant 0 : i32
    %dma_wait3A_98 = tpu.memref_slice %arg12[%dma_wait3A_96, %dma_wait3A_97] : memref<10240x128xf32, #tpu.memory_space<vmem_shared>> -> memref<64x128xf32, #tpu.memory_space<vmem_shared>>
    %dma_wait3A_99 = arith.constant 0 : i32
    %dma_wait3A_100 = arith.constant 0 : i32
    %dma_wait3A_101 = tpu.memref_slice %arg12[%dma_wait3A_99, %dma_wait3A_100] : memref<10240x128xf32, #tpu.memory_space<vmem_shared>> -> memref<64x128xf32, #tpu.memory_space<vmem_shared>>
    tpu.wait_dma2 semaphore(%arg21 : memref<!tpu.dma_semaphore, #tpu.memory_space<semaphore_mem>>) src(%arg8 : memref<64x128xf32, #tpu.memory_space<vmem>>) dst(%dma_wait3A_101 : memref<64x128xf32, #tpu.memory_space<vmem_shared>>)
    %dma_wait3A_102 = arith.constant 0 : i32
    %dma_wait3A_103 = arith.constant 0 : i32
    %dma_wait3A_104 = tpu.memref_slice %arg12[%dma_wait3A_102, %dma_wait3A_103] : memref<10240x128xf32, #tpu.memory_space<vmem_shared>> -> memref<64x128xf32, #tpu.memory_space<vmem_shared>>
    %dma_wait3A_105 = arith.constant 0 : i32
    %dma_wait3A_106 = arith.constant 0 : i32
    %dma_wait3A_107 = tpu.memref_slice %arg12[%dma_wait3A_105, %dma_wait3A_106] : memref<10240x128xf32, #tpu.memory_space<vmem_shared>> -> memref<64x128xf32, #tpu.memory_space<vmem_shared>>
    tpu.wait_dma2 semaphore(%arg22 : memref<!tpu.dma_semaphore, #tpu.memory_space<semaphore_mem>>) src(%arg9 : memref<64x128xf32, #tpu.memory_space<vmem>>) dst(%dma_wait3A_107 : memref<64x128xf32, #tpu.memory_space<vmem_shared>>)
    %dma_wait3A_108 = arith.constant 0 : i32
    %dma_wait3A_109 = arith.constant 0 : i32
    %dma_wait3A_110 = tpu.memref_slice %arg12[%dma_wait3A_108, %dma_wait3A_109] : memref<10240x128xf32, #tpu.memory_space<vmem_shared>> -> memref<64x128xf32, #tpu.memory_space<vmem_shared>>
    %dma_wait3A_111 = arith.constant 0 : i32
    %dma_wait3A_112 = arith.constant 0 : i32
    %dma_wait3A_113 = tpu.memref_slice %arg12[%dma_wait3A_111, %dma_wait3A_112] : memref<10240x128xf32, #tpu.memory_space<vmem_shared>> -> memref<64x128xf32, #tpu.memory_space<vmem_shared>>
    tpu.wait_dma2 semaphore(%arg23 : memref<!tpu.dma_semaphore, #tpu.memory_space<semaphore_mem>>) src(%arg10 : memref<64x128xf32, #tpu.memory_space<vmem>>) dst(%dma_wait3A_113 : memref<64x128xf32, #tpu.memory_space<vmem_shared>>)
    %dma_wait3A_114 = arith.constant 0 : i32
    %dma_wait3A_115 = arith.constant 0 : i32
    %dma_wait3A_116 = tpu.memref_slice %arg12[%dma_wait3A_114, %dma_wait3A_115] : memref<10240x128xf32, #tpu.memory_space<vmem_shared>> -> memref<64x128xf32, #tpu.memory_space<vmem_shared>>
    %dma_wait3A_117 = arith.constant 0 : i32
    %dma_wait3A_118 = arith.constant 0 : i32
    %dma_wait3A_119 = tpu.memref_slice %arg12[%dma_wait3A_117, %dma_wait3A_118] : memref<10240x128xf32, #tpu.memory_space<vmem_shared>> -> memref<64x128xf32, #tpu.memory_space<vmem_shared>>
    tpu.wait_dma2 semaphore(%arg24 : memref<!tpu.dma_semaphore, #tpu.memory_space<semaphore_mem>>) src(%arg11 : memref<64x128xf32, #tpu.memory_space<vmem>>) dst(%dma_wait3A_119 : memref<64x128xf32, #tpu.memory_space<vmem_shared>>)
    %barrier3A_120 = arith.constant 0 : index
    tpu.barrier barrier_id(%barrier3A_120)
    %mul3A_121 = arith.constant 640 : i32
    %mul3A_122 = arith.muli %arg1, %mul3A_121 : i32
    %multiple_of3A_123 = tpu.assume_multiple %mul3A_122, 640 : i32
    "tpu.region"() ({
      %run_scoped3A = tpu.sem_alloc : memref<!tpu.dma_semaphore, #tpu.memory_space<semaphore_mem>>
      %dma_start3A_124 = arith.constant 0 : i32
      %dma_start3A_125 = tpu.memref_slice %arg5[%arg0, %multiple_of3A_123, %dma_start3A_124] : memref<2x10240x128xf32, #tpu.memory_space<hbm>> -> memref<1x640x128xf32, #tpu.memory_space<hbm>>
      %dma_start3A_126 = tpu.memref_squeeze %dma_start3A_125 : memref<1x640x128xf32, #tpu.memory_space<hbm>> -> memref<640x128xf32, #tpu.memory_space<hbm>>
      %dma_start3A_127 = arith.constant 0 : i32
      %dma_start3A_128 = tpu.memref_slice %arg12[%multiple_of3A_123, %dma_start3A_127] : memref<10240x128xf32, #tpu.memory_space<vmem_shared>> -> memref<640x128xf32, #tpu.memory_space<vmem_shared>>
      tpu.enqueue_dma source(%dma_start3A_128 : memref<640x128xf32, #tpu.memory_space<vmem_shared>>) target(%dma_start3A_126 : memref<640x128xf32, #tpu.memory_space<hbm>>) target_semaphore(%run_scoped3A : memref<!tpu.dma_semaphore, #tpu.memory_space<semaphore_mem>>)
      %dma_wait3A_129 = arith.constant 0 : i32
      %dma_wait3A_130 = tpu.memref_slice %arg5[%arg0, %multiple_of3A_123, %dma_wait3A_129] : memref<2x10240x128xf32, #tpu.memory_space<hbm>> -> memref<1x640x128xf32, #tpu.memory_space<hbm>>
      %dma_wait3A_131 = tpu.memref_squeeze %dma_wait3A_130 : memref<1x640x128xf32, #tpu.memory_space<hbm>> -> memref<640x128xf32, #tpu.memory_space<hbm>>
      %dma_wait3A_132 = arith.constant 0 : i32
      %dma_wait3A_133 = tpu.memref_slice %arg12[%multiple_of3A_123, %dma_wait3A_132] : memref<10240x128xf32, #tpu.memory_space<vmem_shared>> -> memref<640x128xf32, #tpu.memory_space<vmem_shared>>
      tpu.wait_dma2 semaphore(%run_scoped3A : memref<!tpu.dma_semaphore, #tpu.memory_space<semaphore_mem>>) src(%dma_wait3A_133 : memref<640x128xf32, #tpu.memory_space<vmem_shared>>) dst(%dma_wait3A_131 : memref<640x128xf32, #tpu.memory_space<hbm>>)
      tpu.yield
    }) : () -> ()
    return
  }
}

module attributes {stable_mosaic.version = 14 : i64} {
  func.func @_mm1_body(%arg0: i32, %arg1: memref<2x2048xf32, #tpu.memory_space<vmem>>, %arg2: memref<2048x128xf32, #tpu.memory_space<vmem>>, %arg3: memref<128x128xf32, #tpu.memory_space<vmem>>, %arg4: memref<2048x128xf32, #tpu.memory_space<vmem>>, %arg5: memref<2048x1xf32, #tpu.memory_space<vmem>>) attributes {dimension_semantics = [#tpu.dimension_semantics<arbitrary>], iteration_bounds = array<i64: 5>, scalar_prefetch = 0 : i64, scratch_operands = 0 : i64, tpu.core_type = #tpu.core_type<tc>, window_params = [{transform_indices = @transform_0, window_bounds = array<i64: 2, 2048>}, {transform_indices = @transform_1, window_bounds = array<i64: 2048, 128>}, {pipeline_mode = #tpu.pipeline_mode<synchronous>, transform_indices = @transform_2, window_bounds = array<i64: 128, 128>}, {transform_indices = @transform_3, window_bounds = array<i64: 2048, 128>}, {transform_indices = @transform_4, window_bounds = array<i64: 2048, 1>}]} {
    %get3A = arith.constant 0 : index
    %get3A_0 = arith.constant 0 : index
    %get3A_1 = vector.load %arg1[%get3A, %get3A_0] : memref<2x2048xf32, #tpu.memory_space<vmem>>, vector<2x2048xf32>
    %broadcast_in_dim3A = arith.constant 1.000000e+00 : f32
    %broadcast_in_dim3A_2 = vector.broadcast %broadcast_in_dim3A : f32 to vector<2x1xf32>
    %dot_general3A = arith.constant dense<0.000000e+00> : vector<2048x1xf32>
    %dot_general3A_3 = tpu.matmul %get3A_1, %broadcast_in_dim3A_2, %dot_general3A {dimension_numbers = #tpu.dot_dimension_numbers<[0], [0], [1], [1], [0, 1, 1, 1], [], []>, transpose_lhs_hint = false} : vector<2x2048xf32>, vector<2x1xf32>, vector<2048x1xf32> -> vector<2048x1xf32>
    %add3A = arith.constant 1.000000e+00 : f32
    %add3A_4 = vector.broadcast %add3A : f32 to vector<2048x1xf32>
    %add3A_5 = arith.addf %dot_general3A_3, %add3A_4 : vector<2048x1xf32>
    %rsqrt3A = math.rsqrt %add3A_5 : vector<2048x1xf32>
    %get3A_6 = arith.constant 0 : index
    %get3A_7 = arith.constant 0 : index
    %get3A_8 = vector.load %arg2[%get3A_6, %get3A_7] : memref<2048x128xf32, #tpu.memory_space<vmem>>, vector<2048x128xf32>
    %get3A_9 = arith.constant 0 : index
    %get3A_10 = arith.constant 0 : index
    %get3A_11 = vector.load %arg3[%get3A_9, %get3A_10] : memref<128x128xf32, #tpu.memory_space<vmem>>, vector<128x128xf32>
    %dot_general3A_12 = arith.constant dense<0.000000e+00> : vector<2048x128xf32>
    %dot_general3A_13 = tpu.matmul %get3A_8, %get3A_11, %dot_general3A_12 {dimension_numbers = #tpu.dot_dimension_numbers<[1], [0], [0], [1], [0, 0, 1, 1], [], []>, transpose_lhs_hint = false} : vector<2048x128xf32>, vector<128x128xf32>, vector<2048x128xf32> -> vector<2048x128xf32>
    %mul3A = vector.broadcast %rsqrt3A : vector<2048x1xf32> to vector<2048x128xf32>
    %mul3A_14 = arith.mulf %dot_general3A_13, %mul3A : vector<2048x128xf32>
    %swap3A = arith.constant 0 : index
    %swap3A_15 = arith.constant 0 : index
    %swap3A_16 = vector.load %arg4[%swap3A, %swap3A_15] : memref<2048x128xf32, #tpu.memory_space<vmem>>, vector<2048x128xf32>
    tpu.vector_store %arg4[%swap3A, %swap3A_15], %mul3A_14 {strides = array<i32>} : memref<2048x128xf32, #tpu.memory_space<vmem>>, vector<2048x128xf32>,
    %swap3A_17 = arith.constant 0 : index
    %swap3A_18 = arith.constant 0 : index
    %swap3A_19 = vector.load %arg5[%swap3A_17, %swap3A_18] : memref<2048x1xf32, #tpu.memory_space<vmem>>, vector<2048x1xf32>
    tpu.vector_store %arg5[%swap3A_17, %swap3A_18], %rsqrt3A {strides = array<i32>} : memref<2048x1xf32, #tpu.memory_space<vmem>>, vector<2048x1xf32>,
    return
  }
  func.func @transform_0(%arg0: i32) -> (i32, i32) {
    %c0_i32 = arith.constant 0 : i32
    %c0_i32_0 = arith.constant 0 : i32
    return %c0_i32, %arg0 : i32, i32
  }
  func.func @transform_1(%arg0: i32) -> (i32, i32) {
    %c0_i32 = arith.constant 0 : i32
    %c0_i32_0 = arith.constant 0 : i32
    return %arg0, %c0_i32 : i32, i32
  }
  func.func @transform_2(%arg0: i32) -> (i32, i32) {
    %c0_i32 = arith.constant 0 : i32
    %c0_i32_0 = arith.constant 0 : i32
    %c0_i32_1 = arith.constant 0 : i32
    return %c0_i32, %c0_i32_0 : i32, i32
  }
  func.func @transform_3(%arg0: i32) -> (i32, i32) {
    %c0_i32 = arith.constant 0 : i32
    %c0_i32_0 = arith.constant 0 : i32
    return %arg0, %c0_i32 : i32, i32
  }
  func.func @transform_4(%arg0: i32) -> (i32, i32) {
    %c0_i32 = arith.constant 0 : i32
    %c0_i32_0 = arith.constant 0 : i32
    return %arg0, %c0_i32 : i32, i32
  }
}

module attributes {stable_mosaic.version = 14 : i64} {
  func.func @_mm2_body(%arg0: i32, %arg1: memref<2048x128xf32, #tpu.memory_space<vmem>>, %arg2: memref<2048x128xf32, #tpu.memory_space<vmem>>, %arg3: memref<2048x128xf32, #tpu.memory_space<vmem>>, %arg4: memref<2048x1xf32, #tpu.memory_space<vmem>>, %arg5: memref<1x128xf32, #tpu.memory_space<vmem>>, %arg6: memref<128x128xf32, #tpu.memory_space<vmem>>, %arg7: memref<2048x128xf32, #tpu.memory_space<vmem>>) attributes {dimension_semantics = [#tpu.dimension_semantics<arbitrary>], iteration_bounds = array<i64: 5>, scalar_prefetch = 0 : i64, scratch_operands = 0 : i64, tpu.core_type = #tpu.core_type<tc>, window_params = [{transform_indices = @transform_0, window_bounds = array<i64: 2048, 128>}, {transform_indices = @transform_1, window_bounds = array<i64: 2048, 128>}, {transform_indices = @transform_2, window_bounds = array<i64: 2048, 128>}, {transform_indices = @transform_3, window_bounds = array<i64: 2048, 1>}, {pipeline_mode = #tpu.pipeline_mode<synchronous>, transform_indices = @transform_4, window_bounds = array<i64: 1, 128>}, {pipeline_mode = #tpu.pipeline_mode<synchronous>, transform_indices = @transform_5, window_bounds = array<i64: 128, 128>}, {transform_indices = @transform_6, window_bounds = array<i64: 2048, 128>}]} {
    %get3A = arith.constant 0 : index
    %get3A_0 = arith.constant 0 : index
    %get3A_1 = vector.load %arg4[%get3A, %get3A_0] : memref<2048x1xf32, #tpu.memory_space<vmem>>, vector<2048x1xf32>
    %get3A_2 = arith.constant 0 : index
    %get3A_3 = arith.constant 0 : index
    %get3A_4 = vector.load %arg1[%get3A_2, %get3A_3] : memref<2048x128xf32, #tpu.memory_space<vmem>>, vector<2048x128xf32>
    %get3A_5 = arith.constant 0 : index
    %get3A_6 = arith.constant 0 : index
    %get3A_7 = vector.load %arg2[%get3A_5, %get3A_6] : memref<2048x128xf32, #tpu.memory_space<vmem>>, vector<2048x128xf32>
    %add3A = arith.addf %get3A_4, %get3A_7 : vector<2048x128xf32>
    %get3A_8 = arith.constant 0 : index
    %get3A_9 = arith.constant 0 : index
    %get3A_10 = vector.load %arg3[%get3A_8, %get3A_9] : memref<2048x128xf32, #tpu.memory_space<vmem>>, vector<2048x128xf32>
    %add3A_11 = arith.addf %add3A, %get3A_10 : vector<2048x128xf32>
    %mul3A = vector.broadcast %get3A_1 : vector<2048x1xf32> to vector<2048x128xf32>
    %mul3A_12 = arith.mulf %mul3A, %add3A_11 : vector<2048x128xf32>
    %get3A_13 = arith.constant 0 : index
    %get3A_14 = arith.constant 0 : index
    %get3A_15 = vector.load %arg5[%get3A_13, %get3A_14] : memref<1x128xf32, #tpu.memory_space<vmem>>, vector<1x128xf32>
    %add3A_16 = vector.broadcast %get3A_15 : vector<1x128xf32> to vector<2048x128xf32>
    %add3A_17 = arith.addf %mul3A_12, %add3A_16 : vector<2048x128xf32>
    %get3A_18 = arith.constant 0 : index
    %get3A_19 = arith.constant 0 : index
    %get3A_20 = vector.load %arg6[%get3A_18, %get3A_19] : memref<128x128xf32, #tpu.memory_space<vmem>>, vector<128x128xf32>
    %dot_general3A = arith.constant dense<0.000000e+00> : vector<2048x128xf32>
    %dot_general3A_21 = tpu.matmul %add3A_17, %get3A_20, %dot_general3A {dimension_numbers = #tpu.dot_dimension_numbers<[1], [0], [0], [1], [0, 0, 1, 1], [], []>, transpose_lhs_hint = false} : vector<2048x128xf32>, vector<128x128xf32>, vector<2048x128xf32> -> vector<2048x128xf32>
    %mul3A_22 = vector.broadcast %get3A_1 : vector<2048x1xf32> to vector<2048x128xf32>
    %mul3A_23 = arith.mulf %dot_general3A_21, %mul3A_22 : vector<2048x128xf32>
    %swap3A = arith.constant 0 : index
    %swap3A_24 = arith.constant 0 : index
    %swap3A_25 = vector.load %arg7[%swap3A, %swap3A_24] : memref<2048x128xf32, #tpu.memory_space<vmem>>, vector<2048x128xf32>
    tpu.vector_store %arg7[%swap3A, %swap3A_24], %mul3A_23 {strides = array<i32>} : memref<2048x128xf32, #tpu.memory_space<vmem>>, vector<2048x128xf32>,
    return
  }
  func.func @transform_0(%arg0: i32) -> (i32, i32) {
    %c0_i32 = arith.constant 0 : i32
    %c0_i32_0 = arith.constant 0 : i32
    return %arg0, %c0_i32 : i32, i32
  }
  func.func @transform_1(%arg0: i32) -> (i32, i32) {
    %c0_i32 = arith.constant 0 : i32
    %c0_i32_0 = arith.constant 0 : i32
    return %arg0, %c0_i32 : i32, i32
  }
  func.func @transform_2(%arg0: i32) -> (i32, i32) {
    %c0_i32 = arith.constant 0 : i32
    %c0_i32_0 = arith.constant 0 : i32
    return %arg0, %c0_i32 : i32, i32
  }
  func.func @transform_3(%arg0: i32) -> (i32, i32) {
    %c0_i32 = arith.constant 0 : i32
    %c0_i32_0 = arith.constant 0 : i32
    return %arg0, %c0_i32 : i32, i32
  }
  func.func @transform_4(%arg0: i32) -> (i32, i32) {
    %c0_i32 = arith.constant 0 : i32
    %c0_i32_0 = arith.constant 0 : i32
    %c0_i32_1 = arith.constant 0 : i32
    return %c0_i32, %c0_i32_0 : i32, i32
  }
  func.func @transform_5(%arg0: i32) -> (i32, i32) {
    %c0_i32 = arith.constant 0 : i32
    %c0_i32_0 = arith.constant 0 : i32
    %c0_i32_1 = arith.constant 0 : i32
    return %c0_i32, %c0_i32_0 : i32, i32
  }
  func.func @transform_6(%arg0: i32) -> (i32, i32) {
    %c0_i32 = arith.constant 0 : i32
    %c0_i32_0 = arith.constant 0 : i32
    return %arg0, %c0_i32 : i32, i32
  }
}

module attributes {stable_mosaic.version = 14 : i64} {
  func.func @_fin_body(%arg0: i32, %arg1: memref<2000x128xf32, #tpu.memory_space<vmem>>, %arg2: memref<2000x128xf32, #tpu.memory_space<vmem>>, %arg3: memref<2000x128xf32, #tpu.memory_space<vmem>>, %arg4: memref<2000x1xf32, #tpu.memory_space<vmem>>, %arg5: memref<1x128xf32, #tpu.memory_space<vmem>>, %arg6: memref<2000x128xf32, #tpu.memory_space<vmem>>) attributes {dimension_semantics = [#tpu.dimension_semantics<arbitrary>], iteration_bounds = array<i64: 5>, scalar_prefetch = 0 : i64, scratch_operands = 0 : i64, tpu.core_type = #tpu.core_type<tc>, window_params = [{transform_indices = @transform_0, window_bounds = array<i64: 2000, 128>}, {transform_indices = @transform_1, window_bounds = array<i64: 2000, 128>}, {transform_indices = @transform_2, window_bounds = array<i64: 2000, 128>}, {transform_indices = @transform_3, window_bounds = array<i64: 2000, 1>}, {pipeline_mode = #tpu.pipeline_mode<synchronous>, transform_indices = @transform_4, window_bounds = array<i64: 1, 128>}, {transform_indices = @transform_5, window_bounds = array<i64: 2000, 128>}]} {
    %get3A = arith.constant 0 : index
    %get3A_0 = arith.constant 0 : index
    %get3A_1 = vector.load %arg4[%get3A, %get3A_0] : memref<2000x1xf32, #tpu.memory_space<vmem>>, vector<2000x1xf32>
    %get3A_2 = arith.constant 0 : index
    %get3A_3 = arith.constant 0 : index
    %get3A_4 = vector.load %arg1[%get3A_2, %get3A_3] : memref<2000x128xf32, #tpu.memory_space<vmem>>, vector<2000x128xf32>
    %get3A_5 = arith.constant 0 : index
    %get3A_6 = arith.constant 0 : index
    %get3A_7 = vector.load %arg2[%get3A_5, %get3A_6] : memref<2000x128xf32, #tpu.memory_space<vmem>>, vector<2000x128xf32>
    %add3A = arith.addf %get3A_4, %get3A_7 : vector<2000x128xf32>
    %get3A_8 = arith.constant 0 : index
    %get3A_9 = arith.constant 0 : index
    %get3A_10 = vector.load %arg3[%get3A_8, %get3A_9] : memref<2000x128xf32, #tpu.memory_space<vmem>>, vector<2000x128xf32>
    %add3A_11 = arith.addf %add3A, %get3A_10 : vector<2000x128xf32>
    %mul3A = vector.broadcast %get3A_1 : vector<2000x1xf32> to vector<2000x128xf32>
    %mul3A_12 = arith.mulf %mul3A, %add3A_11 : vector<2000x128xf32>
    %get3A_13 = arith.constant 0 : index
    %get3A_14 = arith.constant 0 : index
    %get3A_15 = vector.load %arg5[%get3A_13, %get3A_14] : memref<1x128xf32, #tpu.memory_space<vmem>>, vector<1x128xf32>
    %add3A_16 = vector.broadcast %get3A_15 : vector<1x128xf32> to vector<2000x128xf32>
    %add3A_17 = arith.addf %mul3A_12, %add3A_16 : vector<2000x128xf32>
    %swap3A = arith.constant 0 : index
    %swap3A_18 = arith.constant 0 : index
    %swap3A_19 = vector.load %arg6[%swap3A, %swap3A_18] : memref<2000x128xf32, #tpu.memory_space<vmem>>, vector<2000x128xf32>
    tpu.vector_store %arg6[%swap3A, %swap3A_18], %add3A_17 {strides = array<i32>} : memref<2000x128xf32, #tpu.memory_space<vmem>>, vector<2000x128xf32>,
    return
  }
  func.func @transform_0(%arg0: i32) -> (i32, i32) {
    %c0_i32 = arith.constant 0 : i32
    %c0_i32_0 = arith.constant 0 : i32
    return %arg0, %c0_i32 : i32, i32
  }
  func.func @transform_1(%arg0: i32) -> (i32, i32) {
    %c0_i32 = arith.constant 0 : i32
    %c0_i32_0 = arith.constant 0 : i32
    return %arg0, %c0_i32 : i32, i32
  }
  func.func @transform_2(%arg0: i32) -> (i32, i32) {
    %c0_i32 = arith.constant 0 : i32
    %c0_i32_0 = arith.constant 0 : i32
    return %arg0, %c0_i32 : i32, i32
  }
  func.func @transform_3(%arg0: i32) -> (i32, i32) {
    %c0_i32 = arith.constant 0 : i32
    %c0_i32_0 = arith.constant 0 : i32
    return %arg0, %c0_i32 : i32, i32
  }
  func.func @transform_4(%arg0: i32) -> (i32, i32) {
    %c0_i32 = arith.constant 0 : i32
    %c0_i32_0 = arith.constant 0 : i32
    %c0_i32_1 = arith.constant 0 : i32
    return %c0_i32, %c0_i32_0 : i32, i32
  }
  func.func @transform_5(%arg0: i32) -> (i32, i32) {
    %c0_i32 = arith.constant 0 : i32
    %c0_i32_0 = arith.constant 0 : i32
    return %arg0, %c0_i32 : i32, i32
  }
}

</mosaic_0001>

<sc_bundles>
// kernel: kernel.11.cloned.1.call-start
scs
__scs_entry_jumppad:
0x0: {  	(pc) =	sbr.rel $0x88, $3  }
0x1: {  	(tag) =	ssettag $0x0;
	lr =	simm.s32 $0x1  }
0x2: {  	[smem:$0x3F9B] =	sst lr;
	_ =	strace $0xD0000000  }
0x3: {  	_ = 	snop  }
0x4: {  	_ = 	snop  }
0x5: {  	_ = 	snop  }
0x6: {  	_ = 	snop  }
0x7: {  	_ = 	snop  }
__scs_overlays_trampoline_lowered:
0x8: {  	[smem:$0x3FAA] =	sst s0  }
0x9: {  	[smem:$0x3FAB] =	sst s1  }
0xa: {  	[smem:$0x3FAC] =	sst s2  }
0xb: {  	[smem:$0x3FAD] =	sst s3  }
0xc: {  	[smem:$0x3FAE] =	sst s4  }
0xd: {  	[smem:$0x3FAF] =	sst s5  }
0xe: {  	[smem:$0x3FB0] =	sst s6  }
0xf: {  	[smem:$0x3FB1] =	sst s7  }
0x10: {  	[smem:$0x3FB2] =	sst s8  }
0x11: {  	[smem:$0x3FB3] =	sst s9;
	s0 =	simm.s32 @!p0 $0x0  }
0x12: {  	s1 =	sld [smem:$0x3F99];
	s0 =	simm.s32 @p0 $0x1  }
0x13: {  	[smem:$0x3FB4] =	sst s0;
	s0 =	simm.s32 @!p1 $0x0  }
0x14: {  	s2 =	sld [smem:$0x3F98];
	s0 =	simm.s32 @p1 $0x1  }
0x15: {  	[smem:$0x3FB5] =	sst s0;
	s0 =	simm.s32 @!p2 $0x0  }
0x16: {  	s3 =	sld [smem:$0x3FDB];
	s0 =	simm.s32 @p2 $0x1  }
0x17: {  	s4 =	simm.s32 $0x1BF5;
	[smem:$0x3FB7] =	sst s0  }
0x18: {  	s0 =	sld [smem:$0x3F9A];
	_ =	swait.ge [sflag:s4], $0x0  }
0x19: {  	s7 =	sld [smem:$0x3F9B]  }
0x1a: {  	s8 =	sadd.s32 $0xFFFFE003, lr  }
0x1b: {  	s9 =	sadd.s32 $0xFFFFFEF7, lr;
	s5 =	simm.s32 $0xFFFFFFFF;
	p2 =	slt.u32 s8, $0xFFFFF086  }
0x1c: {  	p1 =	slt.u32 s9, $0xF7A;
	s5 =	simm.s32 @!p2 $0x0  }
0x1d: {  	s5 =	simm.s32 @p1 $0x1;
	p0 =	seq.s32 s7, s2  }
0x1e: {  	s7 =	smul.u32 @!p0 $0xF7A, s2;
	p2 =	seq.s32 @!p0 s5, $0x0  }
0x1f: {  	s9 =	smul.u32 $0xF7A, s1;
	s8 =	simm.s32 @!p0 $0x1BF5;
	p2 =	por !p2, p0  }
0x20: {  	[sflag:s8] =	ssyncset.s32 @!p0 $0xFFFFF086;
	s6 =	sadd.s32 @!p0 s3, s7;
	s7 =	simm.s32 @!p0 $0x108  }
0x21: {  	s3 =	sadd.s32 s3, s9;
	s6 =	sadd.s32 @!p0 $0x88, s6;
	s7 =	simm.s32 @p2 $0x1082  }
0x22: {  	[simem:s7], [sflag:s8] =	dma.local @!p0 [hbm:s6], $0xF7A  }
0x23: {  	s9 =	sor.u32 $0xD0000000, s2;
	s6 =	simm.s32 $0x108;
	_ =	swait.ge @!p0 [sflag:s8], $0x0  }
0x24: {  	s3 =	sadd.s32 $0x88, s3;
	s6 =	simm.s32 @!p1 $0x1082;
	[sflag:s4] =	ssyncset.s32 $0xFFFFF086  }
0x25: {  	[simem:s6], [sflag:s4] =	dma.local [hbm:s3], $0xF7A  }
0x26: {  	[smem:$0x3F9B] =	sst s1;
	(tag) =	ssettag s2;
	_ =	strace s9  }
0x27: {  	s1 =	sld [smem:$0x3FAB]  }
0x28: {  	s2 =	sld [smem:$0x3FAC]  }
0x29: {  	s4 =	sld [smem:$0x3FAE]  }
0x2a: {  	p0 =	seq.s32 s5, $0x0;
	s5 =	sld [smem:$0x3FAF]  }
0x2b: {  	s6 =	sld [smem:$0x3FB0]  }
0x2c: {  	s7 =	sld [smem:$0x3FB1]  }
0x2d: {  	s3 =	simm.s32 $0x108;
	s8 =	sld [smem:$0x3FB2]  }
0x2e: {  	s3 =	simm.s32 @!p0 $0x1082;
	s9 =	sld [smem:$0x3FB3]  }
0x2f: {  	lr =	sadd.s32 s0, s3;
	s0 =	sld [smem:$0x3FAA]  }
0x30: {  	s3 =	sld [smem:$0x3FAD]  }
0x31: {  	[smem:$0x3FB6] =	sst s10  }
0x32: {  	s10 =	sld [smem:$0x3FB4];
	_ =	sdelay $0x3  }
0x33: {  	p0 =	seq.s32 s10, $0x1;
	s10 =	sld [smem:$0x3FB6];
	_ =	sdelay $0x3  }
0x34: {  	[smem:$0x3FB6] =	sst s10  }
0x35: {  	s10 =	sld [smem:$0x3FB5];
	_ =	sdelay $0x3  }
0x36: {  	p1 =	seq.s32 s10, $0x1;
	s10 =	sld [smem:$0x3FB6];
	_ =	sdelay $0x3  }
0x37: {  	[smem:$0x3FB6] =	sst s10  }
0x38: {  	s10 =	sld [smem:$0x3FB7]  }
0x39: {  	_ = 	snop;
	(pc) =	sbr.ind lr, $3  }
0x3a: {  	_ = 	snop  }
0x3b: {  	_ = 	snop  }
0x3c: {  	p2 =	seq.s32 s10, $0x1;
	s10 =	sld [smem:$0x3FB6]  }
0x3d: {  	_ =	shalt  }
0x3e: {  	_ =	shalt  }
0x3f: {  	_ =	shalt  }
0x40: {  	_ =	shalt  }
0x41: {  	_ =	shalt  }
0x42: {  	_ =	shalt  }
0x43: {  	_ =	shalt  }
0x44: {  	_ =	shalt  }
0x45: {  	_ =	shalt  }
0x46: {  	_ =	shalt  }
0x47: {  	_ =	shalt  }
0x48: {  	_ =	shalt  }
0x49: {  	_ =	shalt  }
0x4a: {  	_ =	shalt  }
0x4b: {  	_ =	shalt  }
0x4c: {  	_ =	shalt  }
0x4d: {  	_ =	shalt  }
0x4e: {  	_ =	shalt  }
0x4f: {  	_ =	shalt  }
0x50: {  	_ =	shalt  }
0x51: {  	_ =	shalt  }
0x52: {  	_ =	shalt  }
0x53: {  	_ =	shalt  }
0x54: {  	_ =	shalt  }
0x55: {  	_ =	shalt  }
0x56: {  	_ =	shalt  }
0x57: {  	_ =	shalt  }
0x58: {  	_ =	shalt  }
0x59: {  	_ =	shalt  }
0x5a: {  	_ =	shalt  }
0x5b: {  	_ =	shalt  }
0x5c: {  	_ =	shalt  }
0x5d: {  	_ =	shalt  }
0x5e: {  	_ =	shalt  }
0x5f: {  	_ =	shalt  }
0x60: {  	_ =	shalt  }
0x61: {  	_ =	shalt  }
0x62: {  	_ =	shalt  }
0x63: {  	_ =	shalt  }
0x64: {  	_ =	shalt  }
0x65: {  	_ =	shalt  }
0x66: {  	_ =	shalt  }
0x67: {  	_ =	shalt  }
0x68: {  	_ =	shalt  }
0x69: {  	_ =	shalt  }
0x6a: {  	_ =	shalt  }
0x6b: {  	_ =	shalt  }
0x6c: {  	_ =	shalt  }
0x6d: {  	_ =	shalt  }
0x6e: {  	_ =	shalt  }
0x6f: {  	_ =	shalt  }
0x70: {  	_ =	shalt  }
0x71: {  	_ =	shalt  }
0x72: {  	_ =	shalt  }
0x73: {  	_ =	shalt  }
0x74: {  	_ =	shalt  }
0x75: {  	_ =	shalt  }
0x76: {  	_ =	shalt  }
0x77: {  	_ =	shalt  }
0x78: {  	_ =	shalt  }
0x79: {  	_ =	shalt  }
0x7a: {  	_ =	shalt  }
0x7b: {  	_ =	shalt  }
0x7c: {  	_ =	shalt  }
0x7d: {  	_ =	shalt  }
0x7e: {  	_ =	shalt  }
0x7f: {  	_ =	shalt  }
0x80: {  	_ =	shalt  }
0x81: {  	_ =	shalt  }
0x82: {  	_ =	shalt  }
0x83: {  	_ =	shalt  }
0x84: {  	_ =	shalt  }
0x85: {  	_ =	shalt  }
0x86: {  	_ =	shalt  }
0x87: {  	_ =	shalt  }
.Lfunc_end0:
.L_simem_size_0:
called_computation.1_lowered:
.L_overlay_start_0:
0x88: {  	s2 =	sld [smem:$0x3FD9]  }
0x89: {  	s3 =	sld [smem:$0x3FFE];
	_ =	sdelay $0x1  }
0x8a: {  	s1 =	srdreg.scid  }
0x8b: {  	s0 =	sand.u32 $0x1, s1  }
0x8c: {  	s17 =	sshll.u32 s0, $0xA;
	s2 =	sadd.s32 s3, s2  }
0x8d: {  	s2 =	sadd.s32 s2, s17  }
0x8e: {  	[smem:$0x3FC2] =	sst s2  }
0x8f: {  	_ = 	snop  }
0x90: {  	s2 =	sld [smem:$0x3FD0];
	(tm) =	ssettm $0x1  }
0x91: {  	s18 =	sld [smem:$0x3FFB];
	_ =	sdelay $0x3  }
0x92: {  	_ =	strace s18  }
0x93: {  	s3 =	sld [smem:$0x3FFC];
	_ =	sdelay $0x3  }
0x94: {  	_ =	strace s3  }
0x95: {  	s3 =	sld [smem:$0x3FFD];
	_ =	sdelay $0x3  }
0x96: {  	_ =	strace s3  }
0x97: {  	_ =	strace $0x8FFFFFFF  }
0x98: {  	s19 =	sld [smem:$0x3FDB];
	_ =	sdelay $0x1  }
0x99: {  	s4 =	simm.s32 $_scs_section_size  }
0x9a: {  	s5 =	simm.s32 $_size__tile_overlayer_lowered;
	s6 =	simm.s32 $_tile_overlayer_lowered  }
0x9b: {  	s22 =	simm.s32 $0x1BFF;
	s21 =	sshll.u32 s6, $0x1;
	s3 =	sadd.s32 s4, s19  }
0x9c: {  	s7 =	simm.s32 $0x0;
	s20 =	sshll.u32 s5, $0x1;
	s5 =	sadd.s32 s21, s3  }
0x9d: {  	[timem:s7], [sflag:s22] =	dma.local [hbm:s5], s20  }
0x9e: {  	_ =	swait.ge [sflag:s22], s20  }
0x9f: {  	s4 =	ssub.s32 $0x0, s20;
	[sflag:s22] =	ssyncset.done $0x0  }
0xa0: {  	[sflag:s22] =	ssyncadd.s32 s4;
	_ =	sdelay $0x1  }
0xa1: {  	s23 =	simm.s32 $0x1B8B  }
0xa2: {  	_ =	swait.ge [sflag:s23], $0x1  }
0xa3: {  	[sflag:s23] =	ssyncset.done $0x0  }
0xa4: {  	s25 =	simm.s32 $0x1B8E;
	s24 =	sld [smem:$0x3FFE];
	[sflag:s23] =	ssyncadd.s32 $0xFFFFFFFF  }
0xa5: {  	s26 =	simm.s32 $execute0_lowered;
	[smem:$0x3FD2] =	sst s25  }
0xa6: {  	s5 =	sshll.u32 s26, $0x1;
	_ =	strace $0x80000049;
	[dreg:$0x1] =	wrdreg $0xFFFFFFFF  }
0xa7: {  	s28 =	simm.s32 $_size_execute0_lowered;
	s3 =	sadd.s32 s3, s5;
	[dreg:$0x0] =	wrdreg $0x0  }
0xa8: {  	s5 =	sshll.u32 s28, $0x1;
	[dreg:$0x2] =	wrdreg s3  }
0xa9: {  	[dreg:$0x3] =	wrdreg s5  }
0xaa: {  	[dreg:$0x4] =	wrdreg $0xC0  }
0xab: {  	_ =	task [dreg:s7], $0x5FFFF  }
0xac: {  	[dreg:$0x1] =	wrdreg $0xFFFFFFFF  }
0xad: {  	[dreg:$0x0] =	wrdreg $0x60  }
0xae: {  	[dreg:$0x2] =	wrdreg s24  }
0xaf: {  	[dreg:$0x3] =	wrdreg s2  }
0xb0: {  	[dreg:$0x4] =	wrdreg $0xAA000  }
0xb1: {  	[dreg:$0x5] =	wrdreg $0x9  }
0xb2: {  	_ =	task.clear_ibuf [dreg:s7], $0x6FFFF;
	_ =	strace $0x90000049  }
0xb3: {  	s29 =	simm.s32 $0x9;
	_ =	strace $0x8000004B  }
0xb4: {  	_ =	swait.ge [sflag:s29], $0x1  }
0xb5: {  	[sflag:s29] =	ssyncadd.s32 $0xFFFFFFFF  }
0xb6: {  	_ =	strace $0x9000004B  }
0xb7: {  	_ =	sfence  }
0xb8: {  	s30 =	sld [smem:$0x0];
	_ =	sdelay $0x2  }
0xb9: {  	s31 =	sshll.u32 s1, $0xD;
	s1 =	sshrl.u32 s1, $0x2  }
0xba: {  	s3 =	sand.u32 $0x4000, s31;
	s1 =	sadd.s32 s1, s30  }
0xbb: {  	s0 =	sor.u32 s3, s0;
	s1 =	sshll.u32 s1, $0x11  }
0xbc: {  	s0 =	sor.u32 s1, s0  }
0xbd: {  	s0 =	sadd.s32 $0x8F2B, s0  }
0xbe: {  	[sflag:s0] =	ssyncadd.remote.s32 $0x1  }
0xbf: {  	_ =	sfence.sel $0xFFFF  }
0xc0: {  	[dreg:$0x0] =	wrdreg $0xFFFFFFFF;
	(pc) =	sbr.abs _section_cstart, $3  }
0xc1: {  	[dreg:$0x1] =	wrdreg $0xFFFFFFFF  }
0xc2: {  	_ =	task.clear_ibuf [dreg:s7], $0x2FFFF;
	_ =	strace $0x9FFFFFFF  }
0xc3: {  	(tm) =	ssettm $0x7FFFFFFF  }
tec
execute0_lowered:
.L_overlay_start_1:
0x0: {  	(tag) =	ssettag $0x1  }
0x1: {  	s0 =	rddreg [dreg:$0x0]  }
0x2: {  	s2 =	rddreg [dreg:$0x1]  }
0x3: {  	s1 =	rddreg [dreg:$0x2];
	s11 =	stileid.u32  }
0x4: {  	s3 =	srdreg.scid;
	s6 =	simm.s32 $0x0;
	s7 =	smul.u32 $0x14000, s11  }
0x5: {  	s28 =	simm.s32 $0xD;
	s29 =	simm.s32 $0x2A00;
	s10 =	smul.u32 $0x50000, s11  }
0x6: {  	s3 =	sand.u32 $0x1, s3;
	[smem:$0x7FF] =	sst s6;
	s12 =	smul.u32 $0x2800, s11  }
0x7: {  	s4 =	sshll.u32 s3, $0x4;
	s5 =	smul.u32 $0x140000, s3;
	_ =	strace $0x8000004A  }
0x8: {  	s26 =	ssub.s32 $0x2, s3;
	s3 =	smul.u32 $0x28000, s3;
	s25 =	sor.u32 s11, s4  }
0x9: {  	s4 =	sadd.s32 $0xD600, s0;
	s9 =	sshrl.u32 s26, $0x1;
	s8 =	smul.u32 $0x500, s25  }
0xa: {  	s5 =	sadd.s32 s7, s5;
	s6 =	smul.u32 $0x2800, s25;
	s30 =	ssub.s32 s26, s9  }
0xb: {  	s16 =	sadd.s32 s12, s3;
	s5 =	sshrl.u32 s5, $0x3;
	s13 =	smax.u32 s30, $0x1  }
0xc: {  	s20 =	sor.u32 $0x380, s16;
	s26 =	sor.u32 $0x280, s16;
	s8 =	sadd.s32 s8, s0  }
0xd: {  	s6 =	sshrl.u32 s6, $0x3;
	[dreg:$0xb] =	wrdreg s13;
	s31 =	sadd.s32 $0x3600, s8  }
0xe: {  	s0 =	sadd.s32 s5, s0;
	s9 =	sadd.s32 s2, s6;
	[dreg:$0x4] =	wrdreg s31  }
0xf: {  	s3 =	sshrl.u32 s20, $0x3;
	s0 =	sadd.s32 $0x5D600, s0;
	[dreg:$0x6] =	wrdreg s9  }
0x10: {  	s5 =	sshrl.u32 s26, $0x3;
	s3 =	sadd.s32 s3, s2;
	[dreg:$0xa] =	wrdreg s0  }
0x11: {  	s12 =	simm.s32 $0x8A00;
	s30 =	sadd.s32 s5, s2;
	[dreg:$0x14] =	wrdreg s3  }
0x12: {  	s25 =	sor.u32 $0x300, s16;
	s6 =	sadd.s32 $0x10, s9;
	[dreg:$0x16] =	wrdreg s30  }
0x13: {  	s8 =	sshrl.u32 s10, $0x2;
	s10 =	sadd.s32 $0x20, s9;
	[dreg:$0x7] =	wrdreg s6  }
0x14: {  	s26 =	simm.s32 $0x40;
	s7 =	sadd.s32 $0x30, s9;
	[dreg:$0x8] =	wrdreg s10  }
0x15: {  	s13 =	simm.s32 $0x6;
	s18 =	sadd.s32 s8, s1;
	[dreg:$0x9] =	wrdreg s7  }
0x16: {  	s20 =	simm.s32 $0xB;
	s14 =	sadd.s32 $0x2000, s18;
	[dreg:$0x5] =	wrdreg s18  }
0x17: {  	s5 =	simm.s32 $0x4A00;
	s15 =	sadd.s32 $0x4000, s18;
	[dreg:$0xc] =	wrdreg s14  }
0x18: {  	s0 =	sor.u32 $0x200, s16;
	s17 =	sadd.s32 $0x6000, s18;
	[dreg:$0xd] =	wrdreg s15  }
0x19: {  	s3 =	sshrl.u32 s25, $0x3;
	s19 =	sadd.s32 $0x8000, s18;
	[dreg:$0xe] =	wrdreg s17  }
0x1a: {  	s8 =	simm.s32 $0x2;
	s21 =	sadd.s32 $0xA000, s18;
	[dreg:$0xf] =	wrdreg s19  }
0x1b: {  	s9 =	simm.s32 $0x6A00;
	s22 =	sadd.s32 $0xC000, s18;
	[dreg:$0x10] =	wrdreg s21  }
0x1c: {  	s16 =	simm.s32 $0x7;
	s23 =	sadd.s32 $0xE000, s18;
	[dreg:$0x11] =	wrdreg s22  }
0x1d: {  	s24 =	sadd.s32 $0x10000, s18;
	s0 =	sshrl.u32 s0, $0x3;
	[dreg:$0x12] =	wrdreg s23  }
0x1e: {  	s3 =	sadd.s32 s3, s2;
	s31 =	sadd.s32 $0x12000, s18;
	[dreg:$0x13] =	wrdreg s24  }
.Ltmp0:
0x1f: {  	s10 =	simm.s32 $0x5;
	[dreg:$0x15] =	wrdreg s3;
	(pc) =	sbr.rel .LBB2_1-.Ltmp0, $4  }
0x20: {  	s7 =	simm.s32 $0xC;
	s0 =	sadd.s32 s0, s2;
	[dreg:$0x18] =	wrdreg s31  }
0x21: {  	s14 =	simm.s32 $0x9;
	s15 =	simm.s32 $0x3;
	s17 =	simm.s32 $0xA  }
0x22: {  	s19 =	simm.s32 $0x8;
	s21 =	simm.s32 $0x4;
	s3 =	simm.s32 $0x0  }
0x23: {  	v0 =	vimm.f32 $0.0e+00;
	s22 =	simm.s32 $0x0;
	[dreg:$0x17] =	wrdreg s0;
	s0 =	simm.s32 $0x180  }
.LBB2_6:
0x24: {  	_ =	swait.ge [sflag:s14], $0x2000  }
0x25: {  	[sflag:s14] =	ssyncset.done $0x0  }
0x26: {  	[sflag:s14] =	ssyncadd.s32 $0xFFFFE000  }
0x27: {  	_ =	swait.ge [sflag:s17], $0x2000  }
0x28: {  	[sflag:s17] =	ssyncset.done $0x0  }
0x29: {  	[sflag:s17] =	ssyncadd.s32 $0xFFFFE000  }
0x2a: {  	_ =	swait.ge [sflag:s20], $0x2000  }
0x2b: {  	[sflag:s20] =	ssyncset.done $0x0  }
0x2c: {  	[sflag:s20] =	ssyncadd.s32 $0xFFFFE000  }
0x2d: {  	_ =	swait.ge [sflag:s7], $0x2000  }
0x2e: {  	[sflag:s7] =	ssyncset.done $0x0  }
0x2f: {  	[sflag:s7] =	ssyncadd.s32 $0xFFFFE000  }
0x30: {  	s2 =	stileid.u32;
	[bflag:$0x0] =	sbarrier.arrive $0xFFFF  }
0x31: {  	s2 =	sshll.u32 s2, $0x6;
	s18 =	rddreg [dreg:$0x5]  }
0x32: {  	s2 =	sor.u32 $0x1C0D, s2;
	s6 =	rddreg [dreg:$0xa];
	s3 =	sshrl.u32 s18, $0x3  }
0x33: {  	[hbm:s6], [sflag:s2] =	dma.local [spmem:s3], $0x2800  }
0x34: {  	_ =	swait.ge [sflag:s28], $0x2800  }
0x35: {  	s30 =	rddreg [dreg:$0x19]  }
0x36: {  	s31 =	rddreg [dreg:$0xb];
	s3 =	sadd.s32 $0x1, s30  }
0x37: {  	p0 =	sne.s32 s3, s31  }
.Ltmp1:
0x38: {  	_ = 	snop;
	(pc) =	sbr.rel @!p0 .LBB2_7-.Ltmp1, $3  }
0x39: {  	_ =	sdelay $0x1  }
0x3a: {  	[sflag:s28] =	ssyncset.done $0x0  }
0x3b: {  	[sflag:s28] =	ssyncadd.s32 $0xFFFFD800  }
.LBB2_1:
0x3c: {  	s6 =	simm.s32 $0x0  }
0x3d: {  	s2 =	rddreg [dreg:$0x4];
	s25 =	simm.s32 $0x200;
	s30 =	simm.s32 $0x0  }
0x3e: {  	[tilespmem:s25], [sflag:$0xD] =	stream.linear.gather [hbm4b:s2+s6], $0x2800, $0x38;
	[tilespmem:$0x1EA00] =	vst v63  }
0x3f: {  	[dreg:$0x19] =	wrdreg s3;
	s31 =	sand.u32 $0xFFFFFF80, s30  }
0x40: {  	_ =	swait.ge [sflag:s28], $0x2800;
	s3 =	ssub.s32 $0x0, s31  }
0x41: {  	s2 =	sand.u32 $0x3FFFFF80, s30;
	[sflag:s28] =	ssyncset.done $0x0;
	s3 =	sand.u32 $0xFFFFFF80, s3  }
0x42: {  	s6 =	sand.u32 $0x70, s6;
	[sflag:s28] =	ssyncadd.s32 $0xFFFFD800;
	s3 =	sadd.s32 s3, s2  }
0x43: {  	s2 =	simm.s32 $0x1;
	s6 =	sor.u32 s6, s3;
	s3 =	simm.s32 $0x0  }
.LBB2_2:
0x44: {  	s23 =	sshll.u32 s2, $0x4;
	p0 =	sne.s32 s2, $0x1FF;
	s2 =	sadd.s32 $0x1, s2;
	[tilespmem:s6+$0x2A00] =	vst v0  }
.Ltmp2:
0x45: {  	s3 =	sadd.s32 $0x10, s3;
	s6 =	sand.u32 $0xFFFFFF80, s23;
	(pc) =	sbr.rel @p0 .LBB2_2-.Ltmp2, $4  }
0x46: {  	s6 =	ssub.s32 s3, s6  }
0x47: {  	s23 =	sand.u32 $0x3FFFFF80, s23;
	s6 =	sand.u32 $0xFFFFFF80, s6  }
0x48: {  	s24 =	sand.u32 $0x70, s3;
	s6 =	sadd.s32 s6, s23  }
0x49: {  	s6 =	sor.u32 s24, s6  }
0x4a: {  	[tilespmem:s6+$0x2A00] =	vst v0  }
0x4b: {  	[spmem:s18] =	stream.linear.scatter [tilespmem:s29], [sflag:$0xD], $0x2000, $0x38;
	[tilespmem:$0x1EA00] =	vst v63  }
0x4c: {  	_ =	swait.ge [sflag:s28], $0x2000  }
0x4d: {  	[sflag:s28] =	ssyncset.done $0x0  }
0x4e: {  	s2 =	rddreg [dreg:$0xc];
	[sflag:s28] =	ssyncadd.s32 $0xFFFFE000  }
0x4f: {  	[spmem:s2] =	stream.linear.scatter [tilespmem:s29], [sflag:$0xD], $0x2000, $0x38;
	[tilespmem:$0x1EA00] =	vst v63  }
0x50: {  	_ =	swait.ge [sflag:s28], $0x2000  }
0x51: {  	[sflag:s28] =	ssyncset.done $0x0  }
0x52: {  	s18 =	rddreg [dreg:$0xd];
	[sflag:s28] =	ssyncadd.s32 $0xFFFFE000  }
0x53: {  	[spmem:s18] =	stream.linear.scatter [tilespmem:s29], [sflag:$0xD], $0x2000, $0x38;
	[tilespmem:$0x1EA00] =	vst v63  }
0x54: {  	_ =	swait.ge [sflag:s28], $0x2000  }
0x55: {  	[sflag:s28] =	ssyncset.done $0x0  }
0x56: {  	s23 =	rddreg [dreg:$0xe];
	[sflag:s28] =	ssyncadd.s32 $0xFFFFE000  }
0x57: {  	[spmem:s23] =	stream.linear.scatter [tilespmem:s29], [sflag:$0xD], $0x2000, $0x38;
	[tilespmem:$0x1EA00] =	vst v63  }
0x58: {  	_ =	swait.ge [sflag:s28], $0x2000  }
0x59: {  	[sflag:s28] =	ssyncset.done $0x0  }
0x5a: {  	s24 =	rddreg [dreg:$0xf];
	[sflag:s28] =	ssyncadd.s32 $0xFFFFE000  }
0x5b: {  	[spmem:s24] =	stream.linear.scatter [tilespmem:s29], [sflag:$0xD], $0x2000, $0x38;
	[tilespmem:$0x1EA00] =	vst v63  }
0x5c: {  	_ =	swait.ge [sflag:s28], $0x2000  }
0x5d: {  	[sflag:s28] =	ssyncset.done $0x0  }
0x5e: {  	s25 =	rddreg [dreg:$0x10];
	[sflag:s28] =	ssyncadd.s32 $0xFFFFE000  }
0x5f: {  	[spmem:s25] =	stream.linear.scatter [tilespmem:s29], [sflag:$0xD], $0x2000, $0x38;
	[tilespmem:$0x1EA00] =	vst v63  }
0x60: {  	_ =	swait.ge [sflag:s28], $0x2000  }
0x61: {  	[sflag:s28] =	ssyncset.done $0x0  }
0x62: {  	s30 =	rddreg [dreg:$0x11];
	[sflag:s28] =	ssyncadd.s32 $0xFFFFE000  }
0x63: {  	[spmem:s30] =	stream.linear.scatter [tilespmem:s29], [sflag:$0xD], $0x2000, $0x38;
	[tilespmem:$0x1EA00] =	vst v63  }
0x64: {  	_ =	swait.ge [sflag:s28], $0x2000  }
0x65: {  	[sflag:s28] =	ssyncset.done $0x0  }
0x66: {  	s31 =	rddreg [dreg:$0x12];
	[sflag:s28] =	ssyncadd.s32 $0xFFFFE000  }
0x67: {  	[spmem:s31] =	stream.linear.scatter [tilespmem:s29], [sflag:$0xD], $0x2000, $0x38;
	[tilespmem:$0x1EA00] =	vst v63  }
0x68: {  	_ =	swait.ge [sflag:s28], $0x2000  }
0x69: {  	[sflag:s28] =	ssyncset.done $0x0  }
0x6a: {  	s3 =	rddreg [dreg:$0x13];
	[sflag:s28] =	ssyncadd.s32 $0xFFFFE000  }
0x6b: {  	[spmem:s3] =	stream.linear.scatter [tilespmem:s29], [sflag:$0xD], $0x2000, $0x38;
	[tilespmem:$0x1EA00] =	vst v63  }
0x6c: {  	_ =	swait.ge [sflag:s28], $0x2000  }
0x6d: {  	[sflag:s28] =	ssyncset.done $0x0  }
0x6e: {  	s6 =	rddreg [dreg:$0x18];
	[sflag:s28] =	ssyncadd.s32 $0xFFFFE000  }
0x6f: {  	[spmem:s6] =	stream.linear.scatter [tilespmem:s29], [sflag:$0xD], $0x2000, $0x38;
	[tilespmem:$0x1EA00] =	vst v63  }
0x70: {  	_ =	swait.ge [sflag:s28], $0x2000  }
0x71: {  	[sflag:s28] =	ssyncset.done $0x0  }
0x72: {  	[sflag:s28] =	ssyncadd.s32 $0xFFFFE000  }
0x73: {  	[bflag:$0x0] =	sbarrier.arrive $0xFFFF  }
0x74: {  	s23 =	simm.s32 $0x0;
	s11 =	rddreg [dreg:$0x6]  }
0x75: {  	[tilespmem:s23], [sflag:$0x1] =	stream.linear.gather [hbm4b:s11+s23], $0x80, $0x38;
	[tilespmem:$0x1EA00] =	vst v63  }
0x76: {  	s3 =	simm.s32 $0x80;
	s18 =	rddreg [dreg:$0x7]  }
0x77: {  	[tilespmem:s3], [sflag:$0x2] =	stream.linear.gather [hbm4b:s18+s23], $0x80, $0x38;
	[tilespmem:$0x1EA00] =	vst v63  }
0x78: {  	s25 =	simm.s32 $0x100;
	s24 =	rddreg [dreg:$0x8]  }
0x79: {  	[tilespmem:s25], [sflag:$0x3] =	stream.linear.gather [hbm4b:s24+s23], $0x80, $0x38;
	[tilespmem:$0x1EA00] =	vst v63  }
0x7a: {  	s31 =	simm.s32 $0x1;
	s30 =	rddreg [dreg:$0x9]  }
0x7b: {  	[tilespmem:s0], [sflag:$0x4] =	stream.linear.gather [hbm4b:s30+s23], $0x80, $0x38;
	[tilespmem:$0x1EA00] =	vst v63  }
0x7c: {  	_ =	swait.ge [sflag:s31], $0x80  }
0x7d: {  	s24 =	rddreg [dreg:$0x17]  }
0x7e: {  	[sflag:s31] =	ssyncset.done $0x0;
	s2 =	rddreg [dreg:$0x16]  }
0x7f: {  	s6 =	rddreg [dreg:$0x15];
	[sflag:s31] =	ssyncadd.s32 $0xFFFFFF80  }
0x80: {  	[tilespmem:s29], [sflag:$0x5] =	stream.indirect.gather [hbm4b:s4+s26], $0x80, s23, s26, $0xb8;
	[tilespmem:$0x1EA00] =	vst v63  }
0x81: {  	s25 =	rddreg [dreg:$0x14]  }
0x82: {  	[tilespmem:s5], [sflag:$0x6] =	stream.indirect.gather [hbm4b:s4+s26], $0x80, s26, s26, $0xb8;
	[tilespmem:$0x1EA00] =	vst v63  }
.LBB2_4:
0x83: {  	p0 =	seq.s32 s23, $0x0  }
0x84: {  	s3 =	simm.s32 @!p0 $0xB  }
0x85: {  	_ =	swait.ge @!p0 [sflag:s3], $0x2000  }
0x86: {  	[sflag:s3] =	ssyncset.done @!p0 $0x0  }
0x87: {  	[sflag:s3] =	ssyncadd.s32 @!p0 $0xFFFFE000  }
0x88: {  	_ =	swait.ge [sflag:s8], $0x80  }
0x89: {  	[sflag:s8] =	ssyncset.done $0x0  }
0x8a: {  	s11 =	simm.s32 $0x80;
	[sflag:s8] =	ssyncadd.s32 $0xFFFFFF80  }
0x8b: {  	[tilespmem:s9], [sflag:$0x7] =	stream.indirect.gather [hbm4b:s4+s26], $0x80, s11, s26, $0xb8;
	[tilespmem:$0x1EA00] =	vst v63  }
0x8c: {  	_ =	swait.ge [sflag:s10], $0x2000  }
0x8d: {  	s3 =	sshra.s32 s23, $0x2;
	[sflag:s10] =	ssyncset.done $0x0  }
0x8e: {  	s30 =	sadd.s32 $0x200, s3;
	[sflag:s10] =	ssyncadd.s32 $0xFFFFE000  }
0x8f: {  	[spmem:s1] =	stream.indirect.scatter.add.f32 [tilespmem:s29], [sflag:$0x9], $0x80, s30, s26, $0xb8;
	[tilespmem:$0x1EA00] =	vst v63  }
0x90: {  	s30 =	simm.s32 @!p0 $0xC  }
0x91: {  	_ =	swait.ge @!p0 [sflag:s30], $0x2000  }
0x92: {  	[sflag:s30] =	ssyncset.done @!p0 $0x0  }
0x93: {  	s11 =	simm.s32 $0xC0;
	[sflag:s30] =	ssyncadd.s32 @!p0 $0xFFFFE000  }
0x94: {  	[tilespmem:s12], [sflag:$0x8] =	stream.indirect.gather [hbm4b:s4+s26], $0x80, s11, s26, $0xb8;
	[tilespmem:$0x1EA00] =	vst v63  }
0x95: {  	_ =	swait.ge [sflag:s13], $0x2000  }
0x96: {  	[sflag:s13] =	ssyncset.done $0x0  }
0x97: {  	s18 =	sadd.s32 $0x240, s3;
	p0 =	seq.s32 s23, $0x9800;
	[sflag:s13] =	ssyncadd.s32 $0xFFFFE000  }
0x98: {  	[spmem:s1] =	stream.indirect.scatter.add.f32 [tilespmem:s5], [sflag:$0xA], $0x80, s18, s26, $0xb8;
	[tilespmem:$0x1EA00] =	vst v63  }
0x99: {  	s30 =	simm.s32 @!p0 $0x0  }
0x9a: {  	[tilespmem:s30], [sflag:$0x1] =	stream.linear.gather @!p0 [hbm4b:s24+s30], $0x80, $0x38;
	[tilespmem:$0x1EA00] =	vst v63  }
0x9b: {  	_ =	swait.ge [sflag:s14], $0x2000  }
0x9c: {  	[sflag:s14] =	ssyncset.done $0x0  }
0x9d: {  	[sflag:s14] =	ssyncadd.s32 $0xFFFFE000  }
0x9e: {  	_ =	swait.ge [sflag:s15], $0x80  }
0x9f: {  	[sflag:s15] =	ssyncset.done $0x0  }
0xa0: {  	s31 =	simm.s32 $0x100;
	[sflag:s15] =	ssyncadd.s32 $0xFFFFFF80  }
0xa1: {  	[tilespmem:s29], [sflag:$0x5] =	stream.indirect.gather [hbm4b:s4+s26], $0x80, s31, s26, $0xb8;
	[tilespmem:$0x1EA00] =	vst v63  }
0xa2: {  	_ =	swait.ge [sflag:s16], $0x2000  }
0xa3: {  	[sflag:s16] =	ssyncset.done $0x0  }
0xa4: {  	s18 =	sadd.s32 $0x280, s3;
	[sflag:s16] =	ssyncadd.s32 $0xFFFFE000  }
0xa5: {  	[spmem:s1] =	stream.indirect.scatter.add.f32 [tilespmem:s9], [sflag:$0xB], $0x80, s18, s26, $0xb8;
	[tilespmem:$0x1EA00] =	vst v63  }
0xa6: {  	_ =	swait.ge [sflag:s17], $0x2000  }
0xa7: {  	[sflag:s17] =	ssyncset.done $0x0  }
0xa8: {  	s31 =	simm.s32 $0x140;
	[sflag:s17] =	ssyncadd.s32 $0xFFFFE000  }
0xa9: {  	[tilespmem:s5], [sflag:$0x6] =	stream.indirect.gather [hbm4b:s4+s26], $0x80, s31, s26, $0xb8;
	[tilespmem:$0x1EA00] =	vst v63  }
0xaa: {  	_ =	swait.ge [sflag:s19], $0x2000  }
0xab: {  	[sflag:s19] =	ssyncset.done $0x0  }
0xac: {  	s18 =	sadd.s32 $0x2C0, s3;
	[sflag:s19] =	ssyncadd.s32 $0xFFFFE000  }
0xad: {  	[spmem:s1] =	stream.indirect.scatter.add.f32 [tilespmem:s12], [sflag:$0xC], $0x80, s18, s26, $0xb8;
	[tilespmem:$0x1EA00] =	vst v63  }
0xae: {  	s11 =	simm.s32 @!p0 $0x80  }
0xaf: {  	[tilespmem:s11], [sflag:$0x2] =	stream.linear.gather @!p0 [hbm4b:s2+s30], $0x80, $0x38;
	[tilespmem:$0x1EA00] =	vst v63  }
0xb0: {  	_ =	swait.ge [sflag:s20], $0x2000  }
0xb1: {  	[sflag:s20] =	ssyncset.done $0x0  }
0xb2: {  	[sflag:s20] =	ssyncadd.s32 $0xFFFFE000  }
0xb3: {  	_ =	swait.ge [sflag:s21], $0x80  }
0xb4: {  	[sflag:s21] =	ssyncset.done $0x0  }
0xb5: {  	[sflag:s21] =	ssyncadd.s32 $0xFFFFFF80  }
0xb6: {  	[tilespmem:s9], [sflag:$0x7] =	stream.indirect.gather [hbm4b:s4+s26], $0x80, s0, s26, $0xb8;
	[tilespmem:$0x1EA00] =	vst v63  }
0xb7: {  	_ =	swait.ge [sflag:s10], $0x2000  }
0xb8: {  	[sflag:s10] =	ssyncset.done $0x0  }
0xb9: {  	s31 =	sadd.s32 $0x300, s3;
	[sflag:s10] =	ssyncadd.s32 $0xFFFFE000  }
0xba: {  	[spmem:s1] =	stream.indirect.scatter.add.f32 [tilespmem:s29], [sflag:$0x9], $0x80, s31, s26, $0xb8;
	[tilespmem:$0x1EA00] =	vst v63  }
0xbb: {  	_ =	swait.ge [sflag:s7], $0x2000  }
0xbc: {  	[sflag:s7] =	ssyncset.done $0x0  }
0xbd: {  	s18 =	simm.s32 $0x1C0;
	[sflag:s7] =	ssyncadd.s32 $0xFFFFE000  }
0xbe: {  	[tilespmem:s12], [sflag:$0x8] =	stream.indirect.gather [hbm4b:s4+s26], $0x80, s18, s26, $0xb8;
	[tilespmem:$0x1EA00] =	vst v63  }
0xbf: {  	_ =	swait.ge [sflag:s13], $0x2000  }
0xc0: {  	[sflag:s13] =	ssyncset.done $0x0  }
0xc1: {  	s11 =	simm.s32 @p0 $0x7;
	s31 =	sadd.s32 $0x340, s3;
	[sflag:s13] =	ssyncadd.s32 $0xFFFFE000  }
0xc2: {  	[spmem:s1] =	stream.indirect.scatter.add.f32 [tilespmem:s5], [sflag:$0xA], $0x80, s31, s26, $0xb8;
	[tilespmem:$0x1EA00] =	vst v63  }
0xc3: {  	_ =	swait.ge @p0 [sflag:s11], $0x2000  }
0xc4: {  	[sflag:s11] =	ssyncset.done @p0 $0x0  }
0xc5: {  	[sflag:s11] =	ssyncadd.s32 @p0 $0xFFFFE000;
	s11 =	sshra.s32 @p0 s23, $0x2  }
0xc6: {  	s18 =	simm.s32 @p0 $0x6A00;
	s31 =	simm.s32 @p0 $0x40;
	s11 =	sadd.s32 @p0 $0x380, s11  }
0xc7: {  	[spmem:s1] =	stream.indirect.scatter.add.f32 @p0 [tilespmem:s18], [sflag:$0xB], $0x80, s11, s31, $0xb8;
	[tilespmem:$0x1EA00] =	vst v63  }
0xc8: {  	s11 =	simm.s32 @!p0 $0x100  }
0xc9: {  	[tilespmem:s11], [sflag:$0x3] =	stream.linear.gather @!p0 [hbm4b:s6+s30], $0x80, $0x38;
	[tilespmem:$0x1EA00] =	vst v63  }
0xca: {  	s11 =	simm.s32 @!p0 $0x9  }
0xcb: {  	_ =	swait.ge @!p0 [sflag:s11], $0x2000  }
0xcc: {  	[sflag:s11] =	ssyncset.done @!p0 $0x0  }
0xcd: {  	[sflag:s11] =	ssyncadd.s32 @!p0 $0xFFFFE000;
	s11 =	simm.s32 @!p0 $0x1  }
0xce: {  	_ =	swait.ge @!p0 [sflag:s11], $0x80  }
0xcf: {  	[sflag:s11] =	ssyncset.done @!p0 $0x0  }
0xd0: {  	s18 =	simm.s32 @!p0 $0x2A00;
	[sflag:s11] =	ssyncadd.s32 @!p0 $0xFFFFFF80;
	s11 =	simm.s32 @!p0 $0x40  }
0xd1: {  	[tilespmem:s18], [sflag:$0x5] =	stream.indirect.gather @!p0 [hbm4b:s4+s11], $0x80, s30, s11, $0xb8;
	[tilespmem:$0x1EA00] =	vst v63  }
0xd2: {  	s18 =	simm.s32 @!p0 $0x7  }
0xd3: {  	_ =	swait.ge @!p0 [sflag:s18], $0x2000  }
0xd4: {  	s30 =	sshra.s32 @!p0 s23, $0x2;
	[sflag:s18] =	ssyncset.done @!p0 $0x0  }
0xd5: {  	[sflag:s18] =	ssyncadd.s32 @!p0 $0xFFFFE000;
	s18 =	sadd.s32 @!p0 $0x380, s30;
	s30 =	simm.s32 @!p0 $0x6A00  }
0xd6: {  	[spmem:s1] =	stream.indirect.scatter.add.f32 @!p0 [tilespmem:s30], [sflag:$0xB], $0x80, s18, s11, $0xb8;
	[tilespmem:$0x1EA00] =	vst v63  }
0xd7: {  	s18 =	simm.s32 @!p0 $0xA  }
0xd8: {  	_ =	swait.ge @!p0 [sflag:s18], $0x2000  }
0xd9: {  	[sflag:s18] =	ssyncset.done @!p0 $0x0  }
0xda: {  	[sflag:s18] =	ssyncadd.s32 @!p0 $0xFFFFE000;
	s18 =	simm.s32 @!p0 $0x4A00  }
0xdb: {  	[tilespmem:s18], [sflag:$0x6] =	stream.indirect.gather @!p0 [hbm4b:s4+s11], $0x80, s11, s11, $0xb8;
	[tilespmem:$0x1EA00] =	vst v63  }
.Ltmp3:
0xdc: {  	_ = 	snop;
	(pc) =	sbr.rel @p0 .LBB2_6-.Ltmp3, $4  }
0xdd: {  	_ =	swait.ge [sflag:s19], $0x2000  }
0xde: {  	[sflag:s19] =	ssyncset.done $0x0  }
0xdf: {  	s3 =	sadd.s32 $0x3C0, s3;
	[sflag:s19] =	ssyncadd.s32 $0xFFFFE000  }
0xe0: {  	[spmem:s1] =	stream.indirect.scatter.add.f32 [tilespmem:s12], [sflag:$0xC], $0x80, s3, s26, $0xb8;
	[tilespmem:$0x1EA00] =	vst v63  }
.Ltmp4:
0xe1: {  	(pc) =	sbr.rel .LBB2_4-.Ltmp4, $4  }
0xe2: {  	_ = 	snop  }
0xe3: {  	[tilespmem:s0], [sflag:$0x4] =	stream.linear.gather [hbm4b:s25+s22], $0x80, $0x38;
	[tilespmem:$0x1EA00] =	vst v63  }
0xe4: {  	s25 =	sadd.s32 $0x40, s25;
	s6 =	sadd.s32 $0x40, s6  }
0xe5: {  	s2 =	sadd.s32 $0x40, s2;
	s24 =	sadd.s32 $0x40, s24;
	s23 =	sadd.s32 $0x800, s23  }
.LBB2_7:
0xe6: {  	_ =	sfence.sel $0x180000  }
0xe7: {  	[bflag:$0x0] =	sbarrier.arrive $0xFFFF  }
0xe8: {  	_ =	strace $0x9000004A  }
0xe9: {  	s0 =	stileid.u32;
	[bflag:$0x2] =	sbarrier.arrive $0xFFFF  }
0xea: {  	p0 =	sne.s32 s0, $0x0;
	s0 =	rddreg [dreg:$0x3]  }
0xeb: {  	s0 =	sadd.s32 @!p0 $0x100000, s0  }
0xec: {  	[sflag:s0] =	ssyncadd.tile.s32 @!p0 $0x1;
	_ =	shalt  }
.Lfunc_end2:
_tile_overlayer_lowered:
.L_overlay_start_2:
0xed: {  	(tag) =	ssettag $0x2  }
0xee: {  	s0 =	rddreg [dreg:$0x0];
	s2 =	stileid.u32  }
0xef: {  	s1 =	rddreg [dreg:$0x1];
	p0 =	sne.s32 s2, $0x0  }
0xf0: {  	s3 =	rddreg [dreg:$0x2];
	[bflag:$0x3] =	sbarrier.arrive $0xFFFF;
	s2 =	simm.s32 @!p0 $0x1C0D  }
0xf1: {  	[timem:s3], [sflag:s2] =	dma.local @!p0 [hbm:s0], s1  }
0xf2: {  	s0 =	simm.s32 @!p0 $0xD  }
0xf3: {  	_ =	swait.ge @!p0 [sflag:s0], s1  }
0xf4: {  	s1 =	ssub.s32 @!p0 $0x0, s1;
	[sflag:s0] =	ssyncset.done @!p0 $0x0  }
0xf5: {  	[sflag:s0] =	ssyncadd.s32 @!p0 s1  }
0xf6: {  	[bflag:$0x3] =	sbarrier.arrive $0xFFFF  }
0xf7: {  	_ =	shalt  }

// kernel: kernel.14.cloned.1.call-start
scs
__scs_entry_jumppad:
0x0: {  	(pc) =	sbr.rel $0x88, $3  }
0x1: {  	(tag) =	ssettag $0x0;
	lr =	simm.s32 $0x1  }
0x2: {  	[smem:$0x3F9B] =	sst lr;
	_ =	strace $0xD0000000  }
0x3: {  	_ = 	snop  }
0x4: {  	_ = 	snop  }
0x5: {  	_ = 	snop  }
0x6: {  	_ = 	snop  }
0x7: {  	_ = 	snop  }
__scs_overlays_trampoline_lowered:
0x8: {  	[smem:$0x3FAA] =	sst s0  }
0x9: {  	[smem:$0x3FAB] =	sst s1  }
0xa: {  	[smem:$0x3FAC] =	sst s2  }
0xb: {  	[smem:$0x3FAD] =	sst s3  }
0xc: {  	[smem:$0x3FAE] =	sst s4  }
0xd: {  	[smem:$0x3FAF] =	sst s5  }
0xe: {  	[smem:$0x3FB0] =	sst s6  }
0xf: {  	[smem:$0x3FB1] =	sst s7  }
0x10: {  	[smem:$0x3FB2] =	sst s8  }
0x11: {  	[smem:$0x3FB3] =	sst s9;
	s0 =	simm.s32 @!p0 $0x0  }
0x12: {  	s1 =	sld [smem:$0x3F99];
	s0 =	simm.s32 @p0 $0x1  }
0x13: {  	[smem:$0x3FB4] =	sst s0;
	s0 =	simm.s32 @!p1 $0x0  }
0x14: {  	s2 =	sld [smem:$0x3F98];
	s0 =	simm.s32 @p1 $0x1  }
0x15: {  	[smem:$0x3FB5] =	sst s0;
	s0 =	simm.s32 @!p2 $0x0  }
0x16: {  	s3 =	sld [smem:$0x3FDB];
	s0 =	simm.s32 @p2 $0x1  }
0x17: {  	s4 =	simm.s32 $0x1BF5;
	[smem:$0x3FB7] =	sst s0  }
0x18: {  	s0 =	sld [smem:$0x3F9A];
	_ =	swait.ge [sflag:s4], $0x0  }
0x19: {  	s7 =	sld [smem:$0x3F9B]  }
0x1a: {  	s8 =	sadd.s32 $0xFFFFE003, lr  }
0x1b: {  	s9 =	sadd.s32 $0xFFFFFEF7, lr;
	s5 =	simm.s32 $0xFFFFFFFF;
	p2 =	slt.u32 s8, $0xFFFFF086  }
0x1c: {  	p1 =	slt.u32 s9, $0xF7A;
	s5 =	simm.s32 @!p2 $0x0  }
0x1d: {  	s5 =	simm.s32 @p1 $0x1;
	p0 =	seq.s32 s7, s2  }
0x1e: {  	s7 =	smul.u32 @!p0 $0xF7A, s2;
	p2 =	seq.s32 @!p0 s5, $0x0  }
0x1f: {  	s9 =	smul.u32 $0xF7A, s1;
	s8 =	simm.s32 @!p0 $0x1BF5;
	p2 =	por !p2, p0  }
0x20: {  	[sflag:s8] =	ssyncset.s32 @!p0 $0xFFFFF086;
	s6 =	sadd.s32 @!p0 s3, s7;
	s7 =	simm.s32 @!p0 $0x108  }
0x21: {  	s3 =	sadd.s32 s3, s9;
	s6 =	sadd.s32 @!p0 $0x88, s6;
	s7 =	simm.s32 @p2 $0x1082  }
0x22: {  	[simem:s7], [sflag:s8] =	dma.local @!p0 [hbm:s6], $0xF7A  }
0x23: {  	s9 =	sor.u32 $0xD0000000, s2;
	s6 =	simm.s32 $0x108;
	_ =	swait.ge @!p0 [sflag:s8], $0x0  }
0x24: {  	s3 =	sadd.s32 $0x88, s3;
	s6 =	simm.s32 @!p1 $0x1082;
	[sflag:s4] =	ssyncset.s32 $0xFFFFF086  }
0x25: {  	[simem:s6], [sflag:s4] =	dma.local [hbm:s3], $0xF7A  }
0x26: {  	[smem:$0x3F9B] =	sst s1;
	(tag) =	ssettag s2;
	_ =	strace s9  }
0x27: {  	s1 =	sld [smem:$0x3FAB]  }
0x28: {  	s2 =	sld [smem:$0x3FAC]  }
0x29: {  	s4 =	sld [smem:$0x3FAE]  }
0x2a: {  	p0 =	seq.s32 s5, $0x0;
	s5 =	sld [smem:$0x3FAF]  }
0x2b: {  	s6 =	sld [smem:$0x3FB0]  }
0x2c: {  	s7 =	sld [smem:$0x3FB1]  }
0x2d: {  	s3 =	simm.s32 $0x108;
	s8 =	sld [smem:$0x3FB2]  }
0x2e: {  	s3 =	simm.s32 @!p0 $0x1082;
	s9 =	sld [smem:$0x3FB3]  }
0x2f: {  	lr =	sadd.s32 s0, s3;
	s0 =	sld [smem:$0x3FAA]  }
0x30: {  	s3 =	sld [smem:$0x3FAD]  }
0x31: {  	[smem:$0x3FB6] =	sst s10  }
0x32: {  	s10 =	sld [smem:$0x3FB4];
	_ =	sdelay $0x3  }
0x33: {  	p0 =	seq.s32 s10, $0x1;
	s10 =	sld [smem:$0x3FB6];
	_ =	sdelay $0x3  }
0x34: {  	[smem:$0x3FB6] =	sst s10  }
0x35: {  	s10 =	sld [smem:$0x3FB5];
	_ =	sdelay $0x3  }
0x36: {  	p1 =	seq.s32 s10, $0x1;
	s10 =	sld [smem:$0x3FB6];
	_ =	sdelay $0x3  }
0x37: {  	[smem:$0x3FB6] =	sst s10  }
0x38: {  	s10 =	sld [smem:$0x3FB7]  }
0x39: {  	_ = 	snop;
	(pc) =	sbr.ind lr, $3  }
0x3a: {  	_ = 	snop  }
0x3b: {  	_ = 	snop  }
0x3c: {  	p2 =	seq.s32 s10, $0x1;
	s10 =	sld [smem:$0x3FB6]  }
0x3d: {  	_ =	shalt  }
0x3e: {  	_ =	shalt  }
0x3f: {  	_ =	shalt  }
0x40: {  	_ =	shalt  }
0x41: {  	_ =	shalt  }
0x42: {  	_ =	shalt  }
0x43: {  	_ =	shalt  }
0x44: {  	_ =	shalt  }
0x45: {  	_ =	shalt  }
0x46: {  	_ =	shalt  }
0x47: {  	_ =	shalt  }
0x48: {  	_ =	shalt  }
0x49: {  	_ =	shalt  }
0x4a: {  	_ =	shalt  }
0x4b: {  	_ =	shalt  }
0x4c: {  	_ =	shalt  }
0x4d: {  	_ =	shalt  }
0x4e: {  	_ =	shalt  }
0x4f: {  	_ =	shalt  }
0x50: {  	_ =	shalt  }
0x51: {  	_ =	shalt  }
0x52: {  	_ =	shalt  }
0x53: {  	_ =	shalt  }
0x54: {  	_ =	shalt  }
0x55: {  	_ =	shalt  }
0x56: {  	_ =	shalt  }
0x57: {  	_ =	shalt  }
0x58: {  	_ =	shalt  }
0x59: {  	_ =	shalt  }
0x5a: {  	_ =	shalt  }
0x5b: {  	_ =	shalt  }
0x5c: {  	_ =	shalt  }
0x5d: {  	_ =	shalt  }
0x5e: {  	_ =	shalt  }
0x5f: {  	_ =	shalt  }
0x60: {  	_ =	shalt  }
0x61: {  	_ =	shalt  }
0x62: {  	_ =	shalt  }
0x63: {  	_ =	shalt  }
0x64: {  	_ =	shalt  }
0x65: {  	_ =	shalt  }
0x66: {  	_ =	shalt  }
0x67: {  	_ =	shalt  }
0x68: {  	_ =	shalt  }
0x69: {  	_ =	shalt  }
0x6a: {  	_ =	shalt  }
0x6b: {  	_ =	shalt  }
0x6c: {  	_ =	shalt  }
0x6d: {  	_ =	shalt  }
0x6e: {  	_ =	shalt  }
0x6f: {  	_ =	shalt  }
0x70: {  	_ =	shalt  }
0x71: {  	_ =	shalt  }
0x72: {  	_ =	shalt  }
0x73: {  	_ =	shalt  }
0x74: {  	_ =	shalt  }
0x75: {  	_ =	shalt  }
0x76: {  	_ =	shalt  }
0x77: {  	_ =	shalt  }
0x78: {  	_ =	shalt  }
0x79: {  	_ =	shalt  }
0x7a: {  	_ =	shalt  }
0x7b: {  	_ =	shalt  }
0x7c: {  	_ =	shalt  }
0x7d: {  	_ =	shalt  }
0x7e: {  	_ =	shalt  }
0x7f: {  	_ =	shalt  }
0x80: {  	_ =	shalt  }
0x81: {  	_ =	shalt  }
0x82: {  	_ =	shalt  }
0x83: {  	_ =	shalt  }
0x84: {  	_ =	shalt  }
0x85: {  	_ =	shalt  }
0x86: {  	_ =	shalt  }
0x87: {  	_ =	shalt  }
.Lfunc_end0:
.L_simem_size_0:
called_computation.2_lowered:
.L_overlay_start_0:
0x88: {  	s2 =	sld [smem:$0x3FD9]  }
0x89: {  	s3 =	sld [smem:$0x3FFE];
	_ =	sdelay $0x1  }
0x8a: {  	s1 =	srdreg.scid  }
0x8b: {  	s0 =	sand.u32 $0x1, s1  }
0x8c: {  	s17 =	sshll.u32 s0, $0xA;
	s2 =	sadd.s32 s3, s2  }
0x8d: {  	s2 =	sadd.s32 s2, s17  }
0x8e: {  	[smem:$0x3FC2] =	sst s2  }
0x8f: {  	_ = 	snop  }
0x90: {  	s2 =	sld [smem:$0x3FD0];
	(tm) =	ssettm $0x1  }
0x91: {  	s18 =	sld [smem:$0x3FFB];
	_ =	sdelay $0x3  }
0x92: {  	_ =	strace s18  }
0x93: {  	s3 =	sld [smem:$0x3FFC];
	_ =	sdelay $0x3  }
0x94: {  	_ =	strace s3  }
0x95: {  	s3 =	sld [smem:$0x3FFD];
	_ =	sdelay $0x3  }
0x96: {  	_ =	strace s3  }
0x97: {  	_ =	strace $0x8FFFFFFF  }
0x98: {  	s19 =	sld [smem:$0x3FDB];
	_ =	sdelay $0x1  }
0x99: {  	s4 =	simm.s32 $_scs_section_size  }
0x9a: {  	s5 =	simm.s32 $_size__tile_overlayer_lowered;
	s6 =	simm.s32 $_tile_overlayer_lowered  }
0x9b: {  	s22 =	simm.s32 $0x1BFF;
	s21 =	sshll.u32 s6, $0x1;
	s3 =	sadd.s32 s4, s19  }
0x9c: {  	s7 =	simm.s32 $0x0;
	s20 =	sshll.u32 s5, $0x1;
	s5 =	sadd.s32 s21, s3  }
0x9d: {  	[timem:s7], [sflag:s22] =	dma.local [hbm:s5], s20  }
0x9e: {  	_ =	swait.ge [sflag:s22], s20  }
0x9f: {  	s4 =	ssub.s32 $0x0, s20;
	[sflag:s22] =	ssyncset.done $0x0  }
0xa0: {  	[sflag:s22] =	ssyncadd.s32 s4;
	_ =	sdelay $0x1  }
0xa1: {  	s23 =	simm.s32 $0x1B8B  }
0xa2: {  	_ =	swait.ge [sflag:s23], $0x1  }
0xa3: {  	[sflag:s23] =	ssyncset.done $0x0  }
0xa4: {  	s25 =	simm.s32 $0x1B8E;
	s24 =	sld [smem:$0x3FFE];
	[sflag:s23] =	ssyncadd.s32 $0xFFFFFFFF  }
0xa5: {  	s26 =	simm.s32 $execute0_lowered;
	[smem:$0x3FD2] =	sst s25  }
0xa6: {  	s5 =	sshll.u32 s26, $0x1;
	_ =	strace $0x8000004C;
	[dreg:$0x1] =	wrdreg $0xFFFFFFFF  }
0xa7: {  	s28 =	simm.s32 $_size_execute0_lowered;
	s3 =	sadd.s32 s3, s5;
	[dreg:$0x0] =	wrdreg $0x0  }
0xa8: {  	s5 =	sshll.u32 s28, $0x1;
	[dreg:$0x2] =	wrdreg s3  }
0xa9: {  	[dreg:$0x3] =	wrdreg s5  }
0xaa: {  	[dreg:$0x4] =	wrdreg $0xC0  }
0xab: {  	_ =	task [dreg:s7], $0x5FFFF  }
0xac: {  	[dreg:$0x1] =	wrdreg $0xFFFFFFFF  }
0xad: {  	[dreg:$0x0] =	wrdreg $0x60  }
0xae: {  	[dreg:$0x2] =	wrdreg s24  }
0xaf: {  	[dreg:$0x3] =	wrdreg s2  }
0xb0: {  	[dreg:$0x4] =	wrdreg $0xAA000  }
0xb1: {  	[dreg:$0x5] =	wrdreg $0x9  }
0xb2: {  	_ =	task.clear_ibuf [dreg:s7], $0x6FFFF;
	_ =	strace $0x9000004C  }
0xb3: {  	s29 =	simm.s32 $0x9;
	_ =	strace $0x8000004E  }
0xb4: {  	_ =	swait.ge [sflag:s29], $0x1  }
0xb5: {  	[sflag:s29] =	ssyncadd.s32 $0xFFFFFFFF  }
0xb6: {  	_ =	strace $0x9000004E  }
0xb7: {  	_ =	sfence  }
0xb8: {  	s30 =	sld [smem:$0x0];
	_ =	sdelay $0x2  }
0xb9: {  	s31 =	sshll.u32 s1, $0xD;
	s1 =	sshrl.u32 s1, $0x2  }
0xba: {  	s3 =	sand.u32 $0x4000, s31;
	s1 =	sadd.s32 s1, s30  }
0xbb: {  	s0 =	sor.u32 s3, s0;
	s1 =	sshll.u32 s1, $0x11  }
0xbc: {  	s0 =	sor.u32 s1, s0  }
0xbd: {  	s0 =	sadd.s32 $0x8F2B, s0  }
0xbe: {  	[sflag:s0] =	ssyncadd.remote.s32 $0x1  }
0xbf: {  	_ =	sfence.sel $0xFFFF  }
0xc0: {  	[dreg:$0x0] =	wrdreg $0xFFFFFFFF;
	(pc) =	sbr.abs _section_cstart, $3  }
0xc1: {  	[dreg:$0x1] =	wrdreg $0xFFFFFFFF  }
0xc2: {  	_ =	task.clear_ibuf [dreg:s7], $0x2FFFF;
	_ =	strace $0x9FFFFFFF  }
0xc3: {  	(tm) =	ssettm $0x7FFFFFFF  }
tec
execute0_lowered:
.L_overlay_start_1:
0x0: {  	(tag) =	ssettag $0x1  }
0x1: {  	s0 =	rddreg [dreg:$0x0]  }
0x2: {  	s2 =	rddreg [dreg:$0x1]  }
0x3: {  	s1 =	rddreg [dreg:$0x2];
	s11 =	stileid.u32  }
0x4: {  	s3 =	srdreg.scid;
	s6 =	simm.s32 $0x0;
	s7 =	smul.u32 $0x14000, s11  }
0x5: {  	s28 =	simm.s32 $0xD;
	s29 =	simm.s32 $0x2A00;
	s10 =	smul.u32 $0x50000, s11  }
0x6: {  	s3 =	sand.u32 $0x1, s3;
	[smem:$0x7FF] =	sst s6;
	s12 =	smul.u32 $0x2800, s11  }
0x7: {  	s4 =	sshll.u32 s3, $0x4;
	s5 =	smul.u32 $0x140000, s3;
	_ =	strace $0x8000004D  }
0x8: {  	s26 =	ssub.s32 $0x2, s3;
	s3 =	smul.u32 $0x28000, s3;
	s25 =	sor.u32 s11, s4  }
0x9: {  	s4 =	sadd.s32 $0xD600, s0;
	s9 =	sshrl.u32 s26, $0x1;
	s8 =	smul.u32 $0x500, s25  }
0xa: {  	s5 =	sadd.s32 s7, s5;
	s6 =	smul.u32 $0x2800, s25;
	s30 =	ssub.s32 s26, s9  }
0xb: {  	s16 =	sadd.s32 s12, s3;
	s5 =	sshrl.u32 s5, $0x3;
	s13 =	smax.u32 s30, $0x1  }
0xc: {  	s20 =	sor.u32 $0x380, s16;
	s26 =	sor.u32 $0x280, s16;
	s8 =	sadd.s32 s8, s0  }
0xd: {  	s6 =	sshrl.u32 s6, $0x3;
	[dreg:$0xb] =	wrdreg s13;
	s31 =	sadd.s32 $0x3600, s8  }
0xe: {  	s0 =	sadd.s32 s5, s0;
	s9 =	sadd.s32 s2, s6;
	[dreg:$0x4] =	wrdreg s31  }
0xf: {  	s3 =	sshrl.u32 s20, $0x3;
	s0 =	sadd.s32 $0x5D600, s0;
	[dreg:$0x6] =	wrdreg s9  }
0x10: {  	s5 =	sshrl.u32 s26, $0x3;
	s3 =	sadd.s32 s3, s2;
	[dreg:$0xa] =	wrdreg s0  }
0x11: {  	s12 =	simm.s32 $0x8A00;
	s30 =	sadd.s32 s5, s2;
	[dreg:$0x14] =	wrdreg s3  }
0x12: {  	s25 =	sor.u32 $0x300, s16;
	s6 =	sadd.s32 $0x10, s9;
	[dreg:$0x16] =	wrdreg s30  }
0x13: {  	s8 =	sshrl.u32 s10, $0x2;
	s10 =	sadd.s32 $0x20, s9;
	[dreg:$0x7] =	wrdreg s6  }
0x14: {  	s26 =	simm.s32 $0x40;
	s7 =	sadd.s32 $0x30, s9;
	[dreg:$0x8] =	wrdreg s10  }
0x15: {  	s13 =	simm.s32 $0x6;
	s18 =	sadd.s32 s8, s1;
	[dreg:$0x9] =	wrdreg s7  }
0x16: {  	s20 =	simm.s32 $0xB;
	s14 =	sadd.s32 $0x2000, s18;
	[dreg:$0x5] =	wrdreg s18  }
0x17: {  	s5 =	simm.s32 $0x4A00;
	s15 =	sadd.s32 $0x4000, s18;
	[dreg:$0xc] =	wrdreg s14  }
0x18: {  	s0 =	sor.u32 $0x200, s16;
	s17 =	sadd.s32 $0x6000, s18;
	[dreg:$0xd] =	wrdreg s15  }
0x19: {  	s3 =	sshrl.u32 s25, $0x3;
	s19 =	sadd.s32 $0x8000, s18;
	[dreg:$0xe] =	wrdreg s17  }
0x1a: {  	s8 =	simm.s32 $0x2;
	s21 =	sadd.s32 $0xA000, s18;
	[dreg:$0xf] =	wrdreg s19  }
0x1b: {  	s9 =	simm.s32 $0x6A00;
	s22 =	sadd.s32 $0xC000, s18;
	[dreg:$0x10] =	wrdreg s21  }
0x1c: {  	s16 =	simm.s32 $0x7;
	s23 =	sadd.s32 $0xE000, s18;
	[dreg:$0x11] =	wrdreg s22  }
0x1d: {  	s24 =	sadd.s32 $0x10000, s18;
	s0 =	sshrl.u32 s0, $0x3;
	[dreg:$0x12] =	wrdreg s23  }
0x1e: {  	s3 =	sadd.s32 s3, s2;
	s31 =	sadd.s32 $0x12000, s18;
	[dreg:$0x13] =	wrdreg s24  }
.Ltmp0:
0x1f: {  	s10 =	simm.s32 $0x5;
	[dreg:$0x15] =	wrdreg s3;
	(pc) =	sbr.rel .LBB2_1-.Ltmp0, $4  }
0x20: {  	s7 =	simm.s32 $0xC;
	s0 =	sadd.s32 s0, s2;
	[dreg:$0x18] =	wrdreg s31  }
0x21: {  	s14 =	simm.s32 $0x9;
	s15 =	simm.s32 $0x3;
	s17 =	simm.s32 $0xA  }
0x22: {  	s19 =	simm.s32 $0x8;
	s21 =	simm.s32 $0x4;
	s3 =	simm.s32 $0x0  }
0x23: {  	v0 =	vimm.f32 $0.0e+00;
	s22 =	simm.s32 $0x0;
	[dreg:$0x17] =	wrdreg s0;
	s0 =	simm.s32 $0x180  }
.LBB2_6:
0x24: {  	_ =	swait.ge [sflag:s14], $0x2000  }
0x25: {  	[sflag:s14] =	ssyncset.done $0x0  }
0x26: {  	[sflag:s14] =	ssyncadd.s32 $0xFFFFE000  }
0x27: {  	_ =	swait.ge [sflag:s17], $0x2000  }
0x28: {  	[sflag:s17] =	ssyncset.done $0x0  }
0x29: {  	[sflag:s17] =	ssyncadd.s32 $0xFFFFE000  }
0x2a: {  	_ =	swait.ge [sflag:s20], $0x2000  }
0x2b: {  	[sflag:s20] =	ssyncset.done $0x0  }
0x2c: {  	[sflag:s20] =	ssyncadd.s32 $0xFFFFE000  }
0x2d: {  	_ =	swait.ge [sflag:s7], $0x2000  }
0x2e: {  	[sflag:s7] =	ssyncset.done $0x0  }
0x2f: {  	[sflag:s7] =	ssyncadd.s32 $0xFFFFE000  }
0x30: {  	s2 =	stileid.u32;
	[bflag:$0x0] =	sbarrier.arrive $0xFFFF  }
0x31: {  	s2 =	sshll.u32 s2, $0x6;
	s18 =	rddreg [dreg:$0x5]  }
0x32: {  	s2 =	sor.u32 $0x1C0D, s2;
	s6 =	rddreg [dreg:$0xa];
	s3 =	sshrl.u32 s18, $0x3  }
0x33: {  	[hbm:s6], [sflag:s2] =	dma.local [spmem:s3], $0x2800  }
0x34: {  	_ =	swait.ge [sflag:s28], $0x2800  }
0x35: {  	s30 =	rddreg [dreg:$0x19]  }
0x36: {  	s31 =	rddreg [dreg:$0xb];
	s3 =	sadd.s32 $0x1, s30  }
0x37: {  	p0 =	sne.s32 s3, s31  }
.Ltmp1:
0x38: {  	_ = 	snop;
	(pc) =	sbr.rel @!p0 .LBB2_7-.Ltmp1, $3  }
0x39: {  	_ =	sdelay $0x1  }
0x3a: {  	[sflag:s28] =	ssyncset.done $0x0  }
0x3b: {  	[sflag:s28] =	ssyncadd.s32 $0xFFFFD800  }
.LBB2_1:
0x3c: {  	s6 =	simm.s32 $0x0  }
0x3d: {  	s2 =	rddreg [dreg:$0x4];
	s25 =	simm.s32 $0x200;
	s30 =	simm.s32 $0x0  }
0x3e: {  	[tilespmem:s25], [sflag:$0xD] =	stream.linear.gather [hbm4b:s2+s6], $0x2800, $0x38;
	[tilespmem:$0x1EA00] =	vst v63  }
0x3f: {  	[dreg:$0x19] =	wrdreg s3;
	s31 =	sand.u32 $0xFFFFFF80, s30  }
0x40: {  	_ =	swait.ge [sflag:s28], $0x2800;
	s3 =	ssub.s32 $0x0, s31  }
0x41: {  	s2 =	sand.u32 $0x3FFFFF80, s30;
	[sflag:s28] =	ssyncset.done $0x0;
	s3 =	sand.u32 $0xFFFFFF80, s3  }
0x42: {  	s6 =	sand.u32 $0x70, s6;
	[sflag:s28] =	ssyncadd.s32 $0xFFFFD800;
	s3 =	sadd.s32 s3, s2  }
0x43: {  	s2 =	simm.s32 $0x1;
	s6 =	sor.u32 s6, s3;
	s3 =	simm.s32 $0x0  }
.LBB2_2:
0x44: {  	s23 =	sshll.u32 s2, $0x4;
	p0 =	sne.s32 s2, $0x1FF;
	s2 =	sadd.s32 $0x1, s2;
	[tilespmem:s6+$0x2A00] =	vst v0  }
.Ltmp2:
0x45: {  	s3 =	sadd.s32 $0x10, s3;
	s6 =	sand.u32 $0xFFFFFF80, s23;
	(pc) =	sbr.rel @p0 .LBB2_2-.Ltmp2, $4  }
0x46: {  	s6 =	ssub.s32 s3, s6  }
0x47: {  	s23 =	sand.u32 $0x3FFFFF80, s23;
	s6 =	sand.u32 $0xFFFFFF80, s6  }
0x48: {  	s24 =	sand.u32 $0x70, s3;
	s6 =	sadd.s32 s6, s23  }
0x49: {  	s6 =	sor.u32 s24, s6  }
0x4a: {  	[tilespmem:s6+$0x2A00] =	vst v0  }
0x4b: {  	[spmem:s18] =	stream.linear.scatter [tilespmem:s29], [sflag:$0xD], $0x2000, $0x38;
	[tilespmem:$0x1EA00] =	vst v63  }
0x4c: {  	_ =	swait.ge [sflag:s28], $0x2000  }
0x4d: {  	[sflag:s28] =	ssyncset.done $0x0  }
0x4e: {  	s2 =	rddreg [dreg:$0xc];
	[sflag:s28] =	ssyncadd.s32 $0xFFFFE000  }
0x4f: {  	[spmem:s2] =	stream.linear.scatter [tilespmem:s29], [sflag:$0xD], $0x2000, $0x38;
	[tilespmem:$0x1EA00] =	vst v63  }
0x50: {  	_ =	swait.ge [sflag:s28], $0x2000  }
0x51: {  	[sflag:s28] =	ssyncset.done $0x0  }
0x52: {  	s18 =	rddreg [dreg:$0xd];
	[sflag:s28] =	ssyncadd.s32 $0xFFFFE000  }
0x53: {  	[spmem:s18] =	stream.linear.scatter [tilespmem:s29], [sflag:$0xD], $0x2000, $0x38;
	[tilespmem:$0x1EA00] =	vst v63  }
0x54: {  	_ =	swait.ge [sflag:s28], $0x2000  }
0x55: {  	[sflag:s28] =	ssyncset.done $0x0  }
0x56: {  	s23 =	rddreg [dreg:$0xe];
	[sflag:s28] =	ssyncadd.s32 $0xFFFFE000  }
0x57: {  	[spmem:s23] =	stream.linear.scatter [tilespmem:s29], [sflag:$0xD], $0x2000, $0x38;
	[tilespmem:$0x1EA00] =	vst v63  }
0x58: {  	_ =	swait.ge [sflag:s28], $0x2000  }
0x59: {  	[sflag:s28] =	ssyncset.done $0x0  }
0x5a: {  	s24 =	rddreg [dreg:$0xf];
	[sflag:s28] =	ssyncadd.s32 $0xFFFFE000  }
0x5b: {  	[spmem:s24] =	stream.linear.scatter [tilespmem:s29], [sflag:$0xD], $0x2000, $0x38;
	[tilespmem:$0x1EA00] =	vst v63  }
0x5c: {  	_ =	swait.ge [sflag:s28], $0x2000  }
0x5d: {  	[sflag:s28] =	ssyncset.done $0x0  }
0x5e: {  	s25 =	rddreg [dreg:$0x10];
	[sflag:s28] =	ssyncadd.s32 $0xFFFFE000  }
0x5f: {  	[spmem:s25] =	stream.linear.scatter [tilespmem:s29], [sflag:$0xD], $0x2000, $0x38;
	[tilespmem:$0x1EA00] =	vst v63  }
0x60: {  	_ =	swait.ge [sflag:s28], $0x2000  }
0x61: {  	[sflag:s28] =	ssyncset.done $0x0  }
0x62: {  	s30 =	rddreg [dreg:$0x11];
	[sflag:s28] =	ssyncadd.s32 $0xFFFFE000  }
0x63: {  	[spmem:s30] =	stream.linear.scatter [tilespmem:s29], [sflag:$0xD], $0x2000, $0x38;
	[tilespmem:$0x1EA00] =	vst v63  }
0x64: {  	_ =	swait.ge [sflag:s28], $0x2000  }
0x65: {  	[sflag:s28] =	ssyncset.done $0x0  }
0x66: {  	s31 =	rddreg [dreg:$0x12];
	[sflag:s28] =	ssyncadd.s32 $0xFFFFE000  }
0x67: {  	[spmem:s31] =	stream.linear.scatter [tilespmem:s29], [sflag:$0xD], $0x2000, $0x38;
	[tilespmem:$0x1EA00] =	vst v63  }
0x68: {  	_ =	swait.ge [sflag:s28], $0x2000  }
0x69: {  	[sflag:s28] =	ssyncset.done $0x0  }
0x6a: {  	s3 =	rddreg [dreg:$0x13];
	[sflag:s28] =	ssyncadd.s32 $0xFFFFE000  }
0x6b: {  	[spmem:s3] =	stream.linear.scatter [tilespmem:s29], [sflag:$0xD], $0x2000, $0x38;
	[tilespmem:$0x1EA00] =	vst v63  }
0x6c: {  	_ =	swait.ge [sflag:s28], $0x2000  }
0x6d: {  	[sflag:s28] =	ssyncset.done $0x0  }
0x6e: {  	s6 =	rddreg [dreg:$0x18];
	[sflag:s28] =	ssyncadd.s32 $0xFFFFE000  }
0x6f: {  	[spmem:s6] =	stream.linear.scatter [tilespmem:s29], [sflag:$0xD], $0x2000, $0x38;
	[tilespmem:$0x1EA00] =	vst v63  }
0x70: {  	_ =	swait.ge [sflag:s28], $0x2000  }
0x71: {  	[sflag:s28] =	ssyncset.done $0x0  }
0x72: {  	[sflag:s28] =	ssyncadd.s32 $0xFFFFE000  }
0x73: {  	[bflag:$0x0] =	sbarrier.arrive $0xFFFF  }
0x74: {  	s23 =	simm.s32 $0x0;
	s11 =	rddreg [dreg:$0x6]  }
0x75: {  	[tilespmem:s23], [sflag:$0x1] =	stream.linear.gather [hbm4b:s11+s23], $0x80, $0x38;
	[tilespmem:$0x1EA00] =	vst v63  }
0x76: {  	s3 =	simm.s32 $0x80;
	s18 =	rddreg [dreg:$0x7]  }
0x77: {  	[tilespmem:s3], [sflag:$0x2] =	stream.linear.gather [hbm4b:s18+s23], $0x80, $0x38;
	[tilespmem:$0x1EA00] =	vst v63  }
0x78: {  	s25 =	simm.s32 $0x100;
	s24 =	rddreg [dreg:$0x8]  }
0x79: {  	[tilespmem:s25], [sflag:$0x3] =	stream.linear.gather [hbm4b:s24+s23], $0x80, $0x38;
	[tilespmem:$0x1EA00] =	vst v63  }
0x7a: {  	s31 =	simm.s32 $0x1;
	s30 =	rddreg [dreg:$0x9]  }
0x7b: {  	[tilespmem:s0], [sflag:$0x4] =	stream.linear.gather [hbm4b:s30+s23], $0x80, $0x38;
	[tilespmem:$0x1EA00] =	vst v63  }
0x7c: {  	_ =	swait.ge [sflag:s31], $0x80  }
0x7d: {  	s24 =	rddreg [dreg:$0x17]  }
0x7e: {  	[sflag:s31] =	ssyncset.done $0x0;
	s2 =	rddreg [dreg:$0x16]  }
0x7f: {  	s6 =	rddreg [dreg:$0x15];
	[sflag:s31] =	ssyncadd.s32 $0xFFFFFF80  }
0x80: {  	[tilespmem:s29], [sflag:$0x5] =	stream.indirect.gather [hbm4b:s4+s26], $0x80, s23, s26, $0xb8;
	[tilespmem:$0x1EA00] =	vst v63  }
0x81: {  	s25 =	rddreg [dreg:$0x14]  }
0x82: {  	[tilespmem:s5], [sflag:$0x6] =	stream.indirect.gather [hbm4b:s4+s26], $0x80, s26, s26, $0xb8;
	[tilespmem:$0x1EA00] =	vst v63  }
.LBB2_4:
0x83: {  	p0 =	seq.s32 s23, $0x0  }
0x84: {  	s3 =	simm.s32 @!p0 $0xB  }
0x85: {  	_ =	swait.ge @!p0 [sflag:s3], $0x2000  }
0x86: {  	[sflag:s3] =	ssyncset.done @!p0 $0x0  }
0x87: {  	[sflag:s3] =	ssyncadd.s32 @!p0 $0xFFFFE000  }
0x88: {  	_ =	swait.ge [sflag:s8], $0x80  }
0x89: {  	[sflag:s8] =	ssyncset.done $0x0  }
0x8a: {  	s11 =	simm.s32 $0x80;
	[sflag:s8] =	ssyncadd.s32 $0xFFFFFF80  }
0x8b: {  	[tilespmem:s9], [sflag:$0x7] =	stream.indirect.gather [hbm4b:s4+s26], $0x80, s11, s26, $0xb8;
	[tilespmem:$0x1EA00] =	vst v63  }
0x8c: {  	_ =	swait.ge [sflag:s10], $0x2000  }
0x8d: {  	s3 =	sshra.s32 s23, $0x2;
	[sflag:s10] =	ssyncset.done $0x0  }
0x8e: {  	s30 =	sadd.s32 $0x200, s3;
	[sflag:s10] =	ssyncadd.s32 $0xFFFFE000  }
0x8f: {  	[spmem:s1] =	stream.indirect.scatter.add.f32 [tilespmem:s29], [sflag:$0x9], $0x80, s30, s26, $0xb8;
	[tilespmem:$0x1EA00] =	vst v63  }
0x90: {  	s30 =	simm.s32 @!p0 $0xC  }
0x91: {  	_ =	swait.ge @!p0 [sflag:s30], $0x2000  }
0x92: {  	[sflag:s30] =	ssyncset.done @!p0 $0x0  }
0x93: {  	s11 =	simm.s32 $0xC0;
	[sflag:s30] =	ssyncadd.s32 @!p0 $0xFFFFE000  }
0x94: {  	[tilespmem:s12], [sflag:$0x8] =	stream.indirect.gather [hbm4b:s4+s26], $0x80, s11, s26, $0xb8;
	[tilespmem:$0x1EA00] =	vst v63  }
0x95: {  	_ =	swait.ge [sflag:s13], $0x2000  }
0x96: {  	[sflag:s13] =	ssyncset.done $0x0  }
0x97: {  	s18 =	sadd.s32 $0x240, s3;
	p0 =	seq.s32 s23, $0x9800;
	[sflag:s13] =	ssyncadd.s32 $0xFFFFE000  }
0x98: {  	[spmem:s1] =	stream.indirect.scatter.add.f32 [tilespmem:s5], [sflag:$0xA], $0x80, s18, s26, $0xb8;
	[tilespmem:$0x1EA00] =	vst v63  }
0x99: {  	s30 =	simm.s32 @!p0 $0x0  }
0x9a: {  	[tilespmem:s30], [sflag:$0x1] =	stream.linear.gather @!p0 [hbm4b:s24+s30], $0x80, $0x38;
	[tilespmem:$0x1EA00] =	vst v63  }
0x9b: {  	_ =	swait.ge [sflag:s14], $0x2000  }
0x9c: {  	[sflag:s14] =	ssyncset.done $0x0  }
0x9d: {  	[sflag:s14] =	ssyncadd.s32 $0xFFFFE000  }
0x9e: {  	_ =	swait.ge [sflag:s15], $0x80  }
0x9f: {  	[sflag:s15] =	ssyncset.done $0x0  }
0xa0: {  	s31 =	simm.s32 $0x100;
	[sflag:s15] =	ssyncadd.s32 $0xFFFFFF80  }
0xa1: {  	[tilespmem:s29], [sflag:$0x5] =	stream.indirect.gather [hbm4b:s4+s26], $0x80, s31, s26, $0xb8;
	[tilespmem:$0x1EA00] =	vst v63  }
0xa2: {  	_ =	swait.ge [sflag:s16], $0x2000  }
0xa3: {  	[sflag:s16] =	ssyncset.done $0x0  }
0xa4: {  	s18 =	sadd.s32 $0x280, s3;
	[sflag:s16] =	ssyncadd.s32 $0xFFFFE000  }
0xa5: {  	[spmem:s1] =	stream.indirect.scatter.add.f32 [tilespmem:s9], [sflag:$0xB], $0x80, s18, s26, $0xb8;
	[tilespmem:$0x1EA00] =	vst v63  }
0xa6: {  	_ =	swait.ge [sflag:s17], $0x2000  }
0xa7: {  	[sflag:s17] =	ssyncset.done $0x0  }
0xa8: {  	s31 =	simm.s32 $0x140;
	[sflag:s17] =	ssyncadd.s32 $0xFFFFE000  }
0xa9: {  	[tilespmem:s5], [sflag:$0x6] =	stream.indirect.gather [hbm4b:s4+s26], $0x80, s31, s26, $0xb8;
	[tilespmem:$0x1EA00] =	vst v63  }
0xaa: {  	_ =	swait.ge [sflag:s19], $0x2000  }
0xab: {  	[sflag:s19] =	ssyncset.done $0x0  }
0xac: {  	s18 =	sadd.s32 $0x2C0, s3;
	[sflag:s19] =	ssyncadd.s32 $0xFFFFE000  }
0xad: {  	[spmem:s1] =	stream.indirect.scatter.add.f32 [tilespmem:s12], [sflag:$0xC], $0x80, s18, s26, $0xb8;
	[tilespmem:$0x1EA00] =	vst v63  }
0xae: {  	s11 =	simm.s32 @!p0 $0x80  }
0xaf: {  	[tilespmem:s11], [sflag:$0x2] =	stream.linear.gather @!p0 [hbm4b:s2+s30], $0x80, $0x38;
	[tilespmem:$0x1EA00] =	vst v63  }
0xb0: {  	_ =	swait.ge [sflag:s20], $0x2000  }
0xb1: {  	[sflag:s20] =	ssyncset.done $0x0  }
0xb2: {  	[sflag:s20] =	ssyncadd.s32 $0xFFFFE000  }
0xb3: {  	_ =	swait.ge [sflag:s21], $0x80  }
0xb4: {  	[sflag:s21] =	ssyncset.done $0x0  }
0xb5: {  	[sflag:s21] =	ssyncadd.s32 $0xFFFFFF80  }
0xb6: {  	[tilespmem:s9], [sflag:$0x7] =	stream.indirect.gather [hbm4b:s4+s26], $0x80, s0, s26, $0xb8;
	[tilespmem:$0x1EA00] =	vst v63  }
0xb7: {  	_ =	swait.ge [sflag:s10], $0x2000  }
0xb8: {  	[sflag:s10] =	ssyncset.done $0x0  }
0xb9: {  	s31 =	sadd.s32 $0x300, s3;
	[sflag:s10] =	ssyncadd.s32 $0xFFFFE000  }
0xba: {  	[spmem:s1] =	stream.indirect.scatter.add.f32 [tilespmem:s29], [sflag:$0x9], $0x80, s31, s26, $0xb8;
	[tilespmem:$0x1EA00] =	vst v63  }
0xbb: {  	_ =	swait.ge [sflag:s7], $0x2000  }
0xbc: {  	[sflag:s7] =	ssyncset.done $0x0  }
0xbd: {  	s18 =	simm.s32 $0x1C0;
	[sflag:s7] =	ssyncadd.s32 $0xFFFFE000  }
0xbe: {  	[tilespmem:s12], [sflag:$0x8] =	stream.indirect.gather [hbm4b:s4+s26], $0x80, s18, s26, $0xb8;
	[tilespmem:$0x1EA00] =	vst v63  }
0xbf: {  	_ =	swait.ge [sflag:s13], $0x2000  }
0xc0: {  	[sflag:s13] =	ssyncset.done $0x0  }
0xc1: {  	s11 =	simm.s32 @p0 $0x7;
	s31 =	sadd.s32 $0x340, s3;
	[sflag:s13] =	ssyncadd.s32 $0xFFFFE000  }
0xc2: {  	[spmem:s1] =	stream.indirect.scatter.add.f32 [tilespmem:s5], [sflag:$0xA], $0x80, s31, s26, $0xb8;
	[tilespmem:$0x1EA00] =	vst v63  }
0xc3: {  	_ =	swait.ge @p0 [sflag:s11], $0x2000  }
0xc4: {  	[sflag:s11] =	ssyncset.done @p0 $0x0  }
0xc5: {  	[sflag:s11] =	ssyncadd.s32 @p0 $0xFFFFE000;
	s11 =	sshra.s32 @p0 s23, $0x2  }
0xc6: {  	s18 =	simm.s32 @p0 $0x6A00;
	s31 =	simm.s32 @p0 $0x40;
	s11 =	sadd.s32 @p0 $0x380, s11  }
0xc7: {  	[spmem:s1] =	stream.indirect.scatter.add.f32 @p0 [tilespmem:s18], [sflag:$0xB], $0x80, s11, s31, $0xb8;
	[tilespmem:$0x1EA00] =	vst v63  }
0xc8: {  	s11 =	simm.s32 @!p0 $0x100  }
0xc9: {  	[tilespmem:s11], [sflag:$0x3] =	stream.linear.gather @!p0 [hbm4b:s6+s30], $0x80, $0x38;
	[tilespmem:$0x1EA00] =	vst v63  }
0xca: {  	s11 =	simm.s32 @!p0 $0x9  }
0xcb: {  	_ =	swait.ge @!p0 [sflag:s11], $0x2000  }
0xcc: {  	[sflag:s11] =	ssyncset.done @!p0 $0x0  }
0xcd: {  	[sflag:s11] =	ssyncadd.s32 @!p0 $0xFFFFE000;
	s11 =	simm.s32 @!p0 $0x1  }
0xce: {  	_ =	swait.ge @!p0 [sflag:s11], $0x80  }
0xcf: {  	[sflag:s11] =	ssyncset.done @!p0 $0x0  }
0xd0: {  	s18 =	simm.s32 @!p0 $0x2A00;
	[sflag:s11] =	ssyncadd.s32 @!p0 $0xFFFFFF80;
	s11 =	simm.s32 @!p0 $0x40  }
0xd1: {  	[tilespmem:s18], [sflag:$0x5] =	stream.indirect.gather @!p0 [hbm4b:s4+s11], $0x80, s30, s11, $0xb8;
	[tilespmem:$0x1EA00] =	vst v63  }
0xd2: {  	s18 =	simm.s32 @!p0 $0x7  }
0xd3: {  	_ =	swait.ge @!p0 [sflag:s18], $0x2000  }
0xd4: {  	s30 =	sshra.s32 @!p0 s23, $0x2;
	[sflag:s18] =	ssyncset.done @!p0 $0x0  }
0xd5: {  	[sflag:s18] =	ssyncadd.s32 @!p0 $0xFFFFE000;
	s18 =	sadd.s32 @!p0 $0x380, s30;
	s30 =	simm.s32 @!p0 $0x6A00  }
0xd6: {  	[spmem:s1] =	stream.indirect.scatter.add.f32 @!p0 [tilespmem:s30], [sflag:$0xB], $0x80, s18, s11, $0xb8;
	[tilespmem:$0x1EA00] =	vst v63  }
0xd7: {  	s18 =	simm.s32 @!p0 $0xA  }
0xd8: {  	_ =	swait.ge @!p0 [sflag:s18], $0x2000  }
0xd9: {  	[sflag:s18] =	ssyncset.done @!p0 $0x0  }
0xda: {  	[sflag:s18] =	ssyncadd.s32 @!p0 $0xFFFFE000;
	s18 =	simm.s32 @!p0 $0x4A00  }
0xdb: {  	[tilespmem:s18], [sflag:$0x6] =	stream.indirect.gather @!p0 [hbm4b:s4+s11], $0x80, s11, s11, $0xb8;
	[tilespmem:$0x1EA00] =	vst v63  }
.Ltmp3:
0xdc: {  	_ = 	snop;
	(pc) =	sbr.rel @p0 .LBB2_6-.Ltmp3, $4  }
0xdd: {  	_ =	swait.ge [sflag:s19], $0x2000  }
0xde: {  	[sflag:s19] =	ssyncset.done $0x0  }
0xdf: {  	s3 =	sadd.s32 $0x3C0, s3;
	[sflag:s19] =	ssyncadd.s32 $0xFFFFE000  }
0xe0: {  	[spmem:s1] =	stream.indirect.scatter.add.f32 [tilespmem:s12], [sflag:$0xC], $0x80, s3, s26, $0xb8;
	[tilespmem:$0x1EA00] =	vst v63  }
.Ltmp4:
0xe1: {  	(pc) =	sbr.rel .LBB2_4-.Ltmp4, $4  }
0xe2: {  	_ = 	snop  }
0xe3: {  	[tilespmem:s0], [sflag:$0x4] =	stream.linear.gather [hbm4b:s25+s22], $0x80, $0x38;
	[tilespmem:$0x1EA00] =	vst v63  }
0xe4: {  	s25 =	sadd.s32 $0x40, s25;
	s6 =	sadd.s32 $0x40, s6  }
0xe5: {  	s2 =	sadd.s32 $0x40, s2;
	s24 =	sadd.s32 $0x40, s24;
	s23 =	sadd.s32 $0x800, s23  }
.LBB2_7:
0xe6: {  	_ =	sfence.sel $0x180000  }
0xe7: {  	[bflag:$0x0] =	sbarrier.arrive $0xFFFF  }
0xe8: {  	_ =	strace $0x9000004D  }
0xe9: {  	s0 =	stileid.u32;
	[bflag:$0x2] =	sbarrier.arrive $0xFFFF  }
0xea: {  	p0 =	sne.s32 s0, $0x0;
	s0 =	rddreg [dreg:$0x3]  }
0xeb: {  	s0 =	sadd.s32 @!p0 $0x100000, s0  }
0xec: {  	[sflag:s0] =	ssyncadd.tile.s32 @!p0 $0x1;
	_ =	shalt  }
.Lfunc_end2:
_tile_overlayer_lowered:
.L_overlay_start_2:
0xed: {  	(tag) =	ssettag $0x2  }
0xee: {  	s0 =	rddreg [dreg:$0x0];
	s2 =	stileid.u32  }
0xef: {  	s1 =	rddreg [dreg:$0x1];
	p0 =	sne.s32 s2, $0x0  }
0xf0: {  	s3 =	rddreg [dreg:$0x2];
	[bflag:$0x3] =	sbarrier.arrive $0xFFFF;
	s2 =	simm.s32 @!p0 $0x1C0D  }
0xf1: {  	[timem:s3], [sflag:s2] =	dma.local @!p0 [hbm:s0], s1  }
0xf2: {  	s0 =	simm.s32 @!p0 $0xD  }
0xf3: {  	_ =	swait.ge @!p0 [sflag:s0], s1  }
0xf4: {  	s1 =	ssub.s32 @!p0 $0x0, s1;
	[sflag:s0] =	ssyncset.done @!p0 $0x0  }
0xf5: {  	[sflag:s0] =	ssyncadd.s32 @!p0 s1  }
0xf6: {  	[bflag:$0x3] =	sbarrier.arrive $0xFFFF  }
0xf7: {  	_ =	shalt  }

// kernel: kernel.8.cloned.1.call-start
scs
__scs_entry_jumppad:
0x0: {  	(pc) =	sbr.rel $0x88, $3  }
0x1: {  	(tag) =	ssettag $0x0;
	lr =	simm.s32 $0x1  }
0x2: {  	[smem:$0x3F9B] =	sst lr;
	_ =	strace $0xD0000000  }
0x3: {  	_ = 	snop  }
0x4: {  	_ = 	snop  }
0x5: {  	_ = 	snop  }
0x6: {  	_ = 	snop  }
0x7: {  	_ = 	snop  }
__scs_overlays_trampoline_lowered:
0x8: {  	[smem:$0x3FAA] =	sst s0  }
0x9: {  	[smem:$0x3FAB] =	sst s1  }
0xa: {  	[smem:$0x3FAC] =	sst s2  }
0xb: {  	[smem:$0x3FAD] =	sst s3  }
0xc: {  	[smem:$0x3FAE] =	sst s4  }
0xd: {  	[smem:$0x3FAF] =	sst s5  }
0xe: {  	[smem:$0x3FB0] =	sst s6  }
0xf: {  	[smem:$0x3FB1] =	sst s7  }
0x10: {  	[smem:$0x3FB2] =	sst s8  }
0x11: {  	[smem:$0x3FB3] =	sst s9;
	s0 =	simm.s32 @!p0 $0x0  }
0x12: {  	s1 =	sld [smem:$0x3F99];
	s0 =	simm.s32 @p0 $0x1  }
0x13: {  	[smem:$0x3FB4] =	sst s0;
	s0 =	simm.s32 @!p1 $0x0  }
0x14: {  	s2 =	sld [smem:$0x3F98];
	s0 =	simm.s32 @p1 $0x1  }
0x15: {  	[smem:$0x3FB5] =	sst s0;
	s0 =	simm.s32 @!p2 $0x0  }
0x16: {  	s3 =	sld [smem:$0x3FDB];
	s0 =	simm.s32 @p2 $0x1  }
0x17: {  	s4 =	simm.s32 $0x1BF5;
	[smem:$0x3FB7] =	sst s0  }
0x18: {  	s0 =	sld [smem:$0x3F9A];
	_ =	swait.ge [sflag:s4], $0x0  }
0x19: {  	s7 =	sld [smem:$0x3F9B]  }
0x1a: {  	s8 =	sadd.s32 $0xFFFFE003, lr  }
0x1b: {  	s9 =	sadd.s32 $0xFFFFFEF7, lr;
	s5 =	simm.s32 $0xFFFFFFFF;
	p2 =	slt.u32 s8, $0xFFFFF086  }
0x1c: {  	p1 =	slt.u32 s9, $0xF7A;
	s5 =	simm.s32 @!p2 $0x0  }
0x1d: {  	s5 =	simm.s32 @p1 $0x1;
	p0 =	seq.s32 s7, s2  }
0x1e: {  	s7 =	smul.u32 @!p0 $0xF7A, s2;
	p2 =	seq.s32 @!p0 s5, $0x0  }
0x1f: {  	s9 =	smul.u32 $0xF7A, s1;
	s8 =	simm.s32 @!p0 $0x1BF5;
	p2 =	por !p2, p0  }
0x20: {  	[sflag:s8] =	ssyncset.s32 @!p0 $0xFFFFF086;
	s6 =	sadd.s32 @!p0 s3, s7;
	s7 =	simm.s32 @!p0 $0x108  }
0x21: {  	s3 =	sadd.s32 s3, s9;
	s6 =	sadd.s32 @!p0 $0x88, s6;
	s7 =	simm.s32 @p2 $0x1082  }
0x22: {  	[simem:s7], [sflag:s8] =	dma.local @!p0 [hbm:s6], $0xF7A  }
0x23: {  	s9 =	sor.u32 $0xD0000000, s2;
	s6 =	simm.s32 $0x108;
	_ =	swait.ge @!p0 [sflag:s8], $0x0  }
0x24: {  	s3 =	sadd.s32 $0x88, s3;
	s6 =	simm.s32 @!p1 $0x1082;
	[sflag:s4] =	ssyncset.s32 $0xFFFFF086  }
0x25: {  	[simem:s6], [sflag:s4] =	dma.local [hbm:s3], $0xF7A  }
0x26: {  	[smem:$0x3F9B] =	sst s1;
	(tag) =	ssettag s2;
	_ =	strace s9  }
0x27: {  	s1 =	sld [smem:$0x3FAB]  }
0x28: {  	s2 =	sld [smem:$0x3FAC]  }
0x29: {  	s4 =	sld [smem:$0x3FAE]  }
0x2a: {  	p0 =	seq.s32 s5, $0x0;
	s5 =	sld [smem:$0x3FAF]  }
0x2b: {  	s6 =	sld [smem:$0x3FB0]  }
0x2c: {  	s7 =	sld [smem:$0x3FB1]  }
0x2d: {  	s3 =	simm.s32 $0x108;
	s8 =	sld [smem:$0x3FB2]  }
0x2e: {  	s3 =	simm.s32 @!p0 $0x1082;
	s9 =	sld [smem:$0x3FB3]  }
0x2f: {  	lr =	sadd.s32 s0, s3;
	s0 =	sld [smem:$0x3FAA]  }
0x30: {  	s3 =	sld [smem:$0x3FAD]  }
0x31: {  	[smem:$0x3FB6] =	sst s10  }
0x32: {  	s10 =	sld [smem:$0x3FB4];
	_ =	sdelay $0x3  }
0x33: {  	p0 =	seq.s32 s10, $0x1;
	s10 =	sld [smem:$0x3FB6];
	_ =	sdelay $0x3  }
0x34: {  	[smem:$0x3FB6] =	sst s10  }
0x35: {  	s10 =	sld [smem:$0x3FB5];
	_ =	sdelay $0x3  }
0x36: {  	p1 =	seq.s32 s10, $0x1;
	s10 =	sld [smem:$0x3FB6];
	_ =	sdelay $0x3  }
0x37: {  	[smem:$0x3FB6] =	sst s10  }
0x38: {  	s10 =	sld [smem:$0x3FB7]  }
0x39: {  	_ = 	snop;
	(pc) =	sbr.ind lr, $3  }
0x3a: {  	_ = 	snop  }
0x3b: {  	_ = 	snop  }
0x3c: {  	p2 =	seq.s32 s10, $0x1;
	s10 =	sld [smem:$0x3FB6]  }
0x3d: {  	_ =	shalt  }
0x3e: {  	_ =	shalt  }
0x3f: {  	_ =	shalt  }
0x40: {  	_ =	shalt  }
0x41: {  	_ =	shalt  }
0x42: {  	_ =	shalt  }
0x43: {  	_ =	shalt  }
0x44: {  	_ =	shalt  }
0x45: {  	_ =	shalt  }
0x46: {  	_ =	shalt  }
0x47: {  	_ =	shalt  }
0x48: {  	_ =	shalt  }
0x49: {  	_ =	shalt  }
0x4a: {  	_ =	shalt  }
0x4b: {  	_ =	shalt  }
0x4c: {  	_ =	shalt  }
0x4d: {  	_ =	shalt  }
0x4e: {  	_ =	shalt  }
0x4f: {  	_ =	shalt  }
0x50: {  	_ =	shalt  }
0x51: {  	_ =	shalt  }
0x52: {  	_ =	shalt  }
0x53: {  	_ =	shalt  }
0x54: {  	_ =	shalt  }
0x55: {  	_ =	shalt  }
0x56: {  	_ =	shalt  }
0x57: {  	_ =	shalt  }
0x58: {  	_ =	shalt  }
0x59: {  	_ =	shalt  }
0x5a: {  	_ =	shalt  }
0x5b: {  	_ =	shalt  }
0x5c: {  	_ =	shalt  }
0x5d: {  	_ =	shalt  }
0x5e: {  	_ =	shalt  }
0x5f: {  	_ =	shalt  }
0x60: {  	_ =	shalt  }
0x61: {  	_ =	shalt  }
0x62: {  	_ =	shalt  }
0x63: {  	_ =	shalt  }
0x64: {  	_ =	shalt  }
0x65: {  	_ =	shalt  }
0x66: {  	_ =	shalt  }
0x67: {  	_ =	shalt  }
0x68: {  	_ =	shalt  }
0x69: {  	_ =	shalt  }
0x6a: {  	_ =	shalt  }
0x6b: {  	_ =	shalt  }
0x6c: {  	_ =	shalt  }
0x6d: {  	_ =	shalt  }
0x6e: {  	_ =	shalt  }
0x6f: {  	_ =	shalt  }
0x70: {  	_ =	shalt  }
0x71: {  	_ =	shalt  }
0x72: {  	_ =	shalt  }
0x73: {  	_ =	shalt  }
0x74: {  	_ =	shalt  }
0x75: {  	_ =	shalt  }
0x76: {  	_ =	shalt  }
0x77: {  	_ =	shalt  }
0x78: {  	_ =	shalt  }
0x79: {  	_ =	shalt  }
0x7a: {  	_ =	shalt  }
0x7b: {  	_ =	shalt  }
0x7c: {  	_ =	shalt  }
0x7d: {  	_ =	shalt  }
0x7e: {  	_ =	shalt  }
0x7f: {  	_ =	shalt  }
0x80: {  	_ =	shalt  }
0x81: {  	_ =	shalt  }
0x82: {  	_ =	shalt  }
0x83: {  	_ =	shalt  }
0x84: {  	_ =	shalt  }
0x85: {  	_ =	shalt  }
0x86: {  	_ =	shalt  }
0x87: {  	_ =	shalt  }
.Lfunc_end0:
.L_simem_size_0:
called_computation_lowered:
.L_overlay_start_0:
0x88: {  	s2 =	sld [smem:$0x3FD9]  }
0x89: {  	s3 =	sld [smem:$0x3FFE];
	_ =	sdelay $0x1  }
0x8a: {  	s1 =	srdreg.scid  }
0x8b: {  	s0 =	sand.u32 $0x1, s1  }
0x8c: {  	s16 =	sshll.u32 s0, $0xA;
	s2 =	sadd.s32 s3, s2  }
0x8d: {  	s2 =	sadd.s32 s2, s16  }
0x8e: {  	[smem:$0x3FC2] =	sst s2  }
0x8f: {  	_ = 	snop  }
0x90: {  	(tm) =	ssettm $0x1  }
0x91: {  	s17 =	sld [smem:$0x3FFB];
	_ =	sdelay $0x3  }
0x92: {  	_ =	strace s17  }
0x93: {  	s2 =	sld [smem:$0x3FFC];
	_ =	sdelay $0x3  }
0x94: {  	_ =	strace s2  }
0x95: {  	s2 =	sld [smem:$0x3FFD];
	_ =	sdelay $0x3  }
0x96: {  	_ =	strace s2  }
0x97: {  	_ =	strace $0x8FFFFFFF  }
0x98: {  	s18 =	sld [smem:$0x3FDB];
	_ =	sdelay $0x1  }
0x99: {  	s19 =	simm.s32 $_scs_section_size  }
0x9a: {  	s4 =	simm.s32 $_size__tile_overlayer_lowered;
	s5 =	simm.s32 $_tile_overlayer_lowered  }
0x9b: {  	s22 =	simm.s32 $0x1BFF;
	s21 =	sshll.u32 s5, $0x1;
	s2 =	sadd.s32 s19, s18  }
0x9c: {  	s6 =	simm.s32 $0x0;
	s20 =	sshll.u32 s4, $0x1;
	s4 =	sadd.s32 s21, s2  }
0x9d: {  	[timem:s6], [sflag:s22] =	dma.local [hbm:s4], s20  }
0x9e: {  	_ =	swait.ge [sflag:s22], s20  }
0x9f: {  	s3 =	ssub.s32 $0x0, s20;
	[sflag:s22] =	ssyncset.done $0x0  }
0xa0: {  	[sflag:s22] =	ssyncadd.s32 s3;
	_ =	sdelay $0x1  }
0xa1: {  	s23 =	simm.s32 $0x1B8B  }
0xa2: {  	_ =	swait.ge [sflag:s23], $0x1  }
0xa3: {  	[sflag:s23] =	ssyncset.done $0x0  }
0xa4: {  	s25 =	simm.s32 $0x1B8E;
	s24 =	sld [smem:$0x3FFE];
	[sflag:s23] =	ssyncadd.s32 $0xFFFFFFFF  }
0xa5: {  	s26 =	simm.s32 $execute0_lowered;
	[smem:$0x3FD2] =	sst s25  }
0xa6: {  	s4 =	sshll.u32 s26, $0x1;
	_ =	strace $0x80000046;
	[dreg:$0x1] =	wrdreg $0xFFFFFFFF  }
0xa7: {  	s28 =	simm.s32 $_size_execute0_lowered;
	s2 =	sadd.s32 s2, s4;
	[dreg:$0x0] =	wrdreg $0x0  }
0xa8: {  	s4 =	sshll.u32 s28, $0x1;
	[dreg:$0x2] =	wrdreg s2  }
0xa9: {  	[dreg:$0x3] =	wrdreg s4  }
0xaa: {  	[dreg:$0x4] =	wrdreg $0xC0  }
0xab: {  	_ =	task [dreg:s6], $0x5FFFF  }
0xac: {  	[dreg:$0x1] =	wrdreg $0xFFFFFFFF  }
0xad: {  	[dreg:$0x0] =	wrdreg $0x60  }
0xae: {  	[dreg:$0x2] =	wrdreg s24  }
0xaf: {  	[dreg:$0x3] =	wrdreg $0x2B000  }
0xb0: {  	[dreg:$0x4] =	wrdreg $0x9  }
0xb1: {  	_ =	task.clear_ibuf [dreg:s6], $0x5FFFF;
	_ =	strace $0x90000046  }
0xb2: {  	s29 =	simm.s32 $0x9;
	_ =	strace $0x80000048  }
0xb3: {  	_ =	swait.ge [sflag:s29], $0x1  }
0xb4: {  	[sflag:s29] =	ssyncadd.s32 $0xFFFFFFFF  }
0xb5: {  	_ =	strace $0x90000048  }
0xb6: {  	_ =	sfence  }
0xb7: {  	s30 =	sld [smem:$0x0];
	_ =	sdelay $0x2  }
0xb8: {  	s31 =	sshll.u32 s1, $0xD;
	s1 =	sshrl.u32 s1, $0x2  }
0xb9: {  	s3 =	sand.u32 $0x4000, s31;
	s1 =	sadd.s32 s1, s30  }
0xba: {  	s0 =	sor.u32 s3, s0;
	s1 =	sshll.u32 s1, $0x11  }
0xbb: {  	s0 =	sor.u32 s1, s0  }
0xbc: {  	s0 =	sadd.s32 $0x8F2B, s0  }
0xbd: {  	[sflag:s0] =	ssyncadd.remote.s32 $0x1  }
0xbe: {  	_ =	sfence.sel $0xFFFF  }
0xbf: {  	[dreg:$0x0] =	wrdreg $0xFFFFFFFF;
	(pc) =	sbr.abs _section_cstart, $3  }
0xc0: {  	[dreg:$0x1] =	wrdreg $0xFFFFFFFF  }
0xc1: {  	_ =	task.clear_ibuf [dreg:s6], $0x2FFFF;
	_ =	strace $0x9FFFFFFF  }
0xc2: {  	(tm) =	ssettm $0x7FFFFFFF  }
0xc3: {  	_ =	shalt  }
tec
execute0_lowered:
.L_overlay_start_1:
0x0: {  	(tag) =	ssettag $0x1  }
0x1: {  	s4 =	rddreg [dreg:$0x0];
	s0 =	srdreg.scid  }
0x2: {  	s2 =	rddreg [dreg:$0x1];
	s1 =	stileid.u32  }
0x3: {  	s3 =	simm.s32 $0x0;
	s10 =	simm.s32 $0x80;
	s11 =	simm.s32 $0x2800  }
0x4: {  	s14 =	simm.s32 $0x20;
	s15 =	simm.s32 $0x10;
	s16 =	simm.s32 $0x0  }
0x5: {  	s5 =	sand.u32 $0x1, s0;
	s0 =	rddreg [dreg:$0x2];
	s7 =	smul.u32 $0x500, s1  }
0x6: {  	[smem:$0x7FF] =	sst s3;
	s30 =	smul.u32 $0xA00, s1;
	s12 =	sshll.u32 s1, $0x6  }
0x7: {  	s6 =	sshll.u32 s5, $0x4;
	s8 =	sshll.u32 s5, $0x7;
	_ =	strace $0x80000047  }
0x8: {  	s5 =	ssub.s32 $0x2, s5;
	s12 =	sor.u32 $0x1C01, s12;
	s6 =	sor.u32 s1, s6  }
0x9: {  	s7 =	sor.u32 s8, s7;
	s31 =	sshrl.u32 s5, $0x1;
	s6 =	smul.u32 $0x500, s6  }
0xa: {  	s8 =	sshrl.u32 s30, $0x2;
	s7 =	sshrl.u32 s7, $0x3;
	s9 =	ssub.s32 s5, s31  }
0xb: {  	s5 =	sadd.s32 s8, s2;
	s8 =	simm.s32 $0x1;
	s6 =	sadd.s32 s6, s4  }
0xc: {  	s7 =	sadd.s32 s7, s4;
	s13 =	sshrl.u32 s5, $0x3;
	s4 =	sadd.s32 $0x3600, s6  }
0xd: {  	v0 =	vimm.f32 $1.000000000e+00;
	v1 =	vimm.f32 $0.0e+00;
	s6 =	sadd.s32 $0xD600, s7;
	s7 =	smax.u32 s9, $0x1;
	s9 =	simm.s32 $0x2880  }
.LBB2_1:
0xe: {  	[tilespmem:s3], [sflag:$0x1] =	stream.linear.gather [hbm4b:s4+s3], $0x2800, $0x38;
	[tilespmem:$0x2D80] =	vst v63  }
0xf: {  	_ =	swait.ge [sflag:s8], $0x2800  }
0x10: {  	[sflag:s8] =	ssyncset.done $0x0  }
0x11: {  	[sflag:s8] =	ssyncadd.s32 $0xFFFFD800  }
0x12: {  	[tilespmem:$0x2800] =	vst v0  }
0x13: {  	[tilespmem:$0x2810] =	vst v0  }
0x14: {  	[tilespmem:$0x2820] =	vst v0  }
0x15: {  	[tilespmem:$0x2830] =	vst v0  }
0x16: {  	[tilespmem:$0x2840] =	vst v0  }
0x17: {  	[tilespmem:$0x2850] =	vst v0  }
0x18: {  	[tilespmem:$0x2860] =	vst v0  }
0x19: {  	[tilespmem:$0x2870] =	vst v0  }
0x1a: {  	[tilespmem:$0x2880] =	vst v1  }
0x1b: {  	[tilespmem:$0x2890] =	vst v1  }
0x1c: {  	[tilespmem:$0x28A0] =	vst v1  }
0x1d: {  	[tilespmem:$0x28B0] =	vst v1  }
0x1e: {  	[tilespmem:$0x28C0] =	vst v1  }
0x1f: {  	[tilespmem:$0x28D0] =	vst v1  }
0x20: {  	[tilespmem:$0x28E0] =	vst v1  }
0x21: {  	[tilespmem:$0x28F0] =	vst v1  }
0x22: {  	[tilespmem:$0x2900] =	vst v1  }
0x23: {  	[tilespmem:$0x2910] =	vst v1  }
0x24: {  	[tilespmem:$0x2920] =	vst v1  }
0x25: {  	[tilespmem:$0x2930] =	vst v1  }
0x26: {  	[tilespmem:$0x2940] =	vst v1  }
0x27: {  	[tilespmem:$0x2950] =	vst v1  }
0x28: {  	[tilespmem:$0x2960] =	vst v1  }
0x29: {  	[tilespmem:$0x2970] =	vst v1  }
0x2a: {  	[tilespmem:$0x2980] =	vst v1  }
0x2b: {  	[tilespmem:$0x2990] =	vst v1  }
0x2c: {  	[tilespmem:$0x29A0] =	vst v1  }
0x2d: {  	[tilespmem:$0x29B0] =	vst v1  }
0x2e: {  	[tilespmem:$0x29C0] =	vst v1  }
0x2f: {  	[tilespmem:$0x29D0] =	vst v1  }
0x30: {  	[tilespmem:$0x29E0] =	vst v1  }
0x31: {  	[tilespmem:$0x29F0] =	vst v1  }
0x32: {  	[tilespmem:$0x2A00] =	vst v1  }
0x33: {  	[tilespmem:$0x2A10] =	vst v1  }
0x34: {  	[tilespmem:$0x2A20] =	vst v1  }
0x35: {  	[tilespmem:$0x2A30] =	vst v1  }
0x36: {  	[tilespmem:$0x2A40] =	vst v1  }
0x37: {  	[tilespmem:$0x2A50] =	vst v1  }
0x38: {  	[tilespmem:$0x2A60] =	vst v1  }
0x39: {  	[tilespmem:$0x2A70] =	vst v1  }
0x3a: {  	[tilespmem:$0x2A80] =	vst v1  }
0x3b: {  	[tilespmem:$0x2A90] =	vst v1  }
0x3c: {  	[tilespmem:$0x2AA0] =	vst v1  }
0x3d: {  	[tilespmem:$0x2AB0] =	vst v1  }
0x3e: {  	[tilespmem:$0x2AC0] =	vst v1  }
0x3f: {  	[tilespmem:$0x2AD0] =	vst v1  }
0x40: {  	[tilespmem:$0x2AE0] =	vst v1  }
0x41: {  	[tilespmem:$0x2AF0] =	vst v1  }
0x42: {  	[spmem:s5] =	stream.linear.scatter [tilespmem:s9], [sflag:$0x1], $0x280, $0x38;
	[tilespmem:$0x2D80] =	vst v63  }
0x43: {  	_ =	swait.ge [sflag:s8], $0x280  }
0x44: {  	[sflag:s8] =	ssyncset.done $0x0  }
0x45: {  	[sflag:s8] =	ssyncadd.s32 $0xFFFFFD80  }
0x46: {  	s17 =	simm.s32 $0x0;
	[bflag:$0x0] =	sbarrier.arrive $0xFFFF  }
0x47: {  	[spmem:s2] =	stream.indirect.scatter.add.f32 [tilespmem:s11], [sflag:$0x1], $0x1, s17, s10, $0xb8;
	[tilespmem:$0x2D80] =	vst v63  }
0x48: {  	_ =	swait.ge [sflag:s8], $0x80  }
0x49: {  	s17 =	simm.s32 $0x200;
	[sflag:s8] =	ssyncset.done $0x0  }
.LBB2_2:
0x4a: {  	s18 =	sshra.s32 s17, $0x2;
	[sflag:s8] =	ssyncadd.s32 $0xFFFFFF80;
	p0 =	sne.s32 s17, $0x9E00  }
0x4b: {  	[spmem:s2] =	stream.indirect.scatter.add.f32 [tilespmem:s11], [sflag:$0x1], $0x1, s18, s10, $0xb8;
	[tilespmem:$0x2D80] =	vst v63  }
.Ltmp0:
0x4c: {  	_ = 	snop;
	(pc) =	sbr.rel @p0 .LBB2_2-.Ltmp0, $4  }
0x4d: {  	_ = 	snop  }
0x4e: {  	s17 =	sadd.s32 $0x200, s17  }
0x4f: {  	_ =	swait.ge [sflag:s8], $0x80  }
0x50: {  	[sflag:s8] =	ssyncset.done $0x0  }
0x51: {  	s16 =	sadd.s32 $0x1, s16  }
0x52: {  	[sflag:s8] =	ssyncadd.s32 $0xFFFFFF80;
	p0 =	sne.s32 s16, s7  }
.Ltmp1:
0x53: {  	[bflag:$0x0] =	sbarrier.arrive $0xFFFF;
	(pc) =	sbr.rel @p0 .LBB2_1-.Ltmp1, $4  }
0x54: {  	[hbm:s6@s14], [sflag:s12] =	dma.strided [spmem:s13@s15], $0x50, s8, $0x10   }
0x55: {  	_ =	swait.ge [sflag:s8], $0x50  }
0x56: {  	[sflag:s8] =	ssyncset.done $0x0  }
0x57: {  	[sflag:s8] =	ssyncadd.s32 $0xFFFFFFB0  }
0x58: {  	_ =	sfence.sel $0x180000  }
0x59: {  	[bflag:$0x0] =	sbarrier.arrive $0xFFFF  }
0x5a: {  	p0 =	sne.s32 s1, $0x0;
	_ =	strace $0x90000047  }
0x5b: {  	s0 =	sadd.s32 @!p0 $0x100000, s0;
	[bflag:$0x2] =	sbarrier.arrive $0xFFFF  }
0x5c: {  	[sflag:s0] =	ssyncadd.tile.s32 @!p0 $0x1;
	_ =	shalt  }
.Lfunc_end2:
_tile_overlayer_lowered:
.L_overlay_start_2:
0x5d: {  	(tag) =	ssettag $0x2  }
0x5e: {  	s0 =	rddreg [dreg:$0x0];
	s2 =	stileid.u32  }
0x5f: {  	s1 =	rddreg [dreg:$0x1];
	p0 =	sne.s32 s2, $0x0  }
0x60: {  	s3 =	rddreg [dreg:$0x2];
	[bflag:$0x3] =	sbarrier.arrive $0xFFFF;
	s2 =	simm.s32 @!p0 $0x1C01  }
0x61: {  	[timem:s3], [sflag:s2] =	dma.local @!p0 [hbm:s0], s1  }
0x62: {  	s0 =	simm.s32 @!p0 $0x1  }
0x63: {  	_ =	swait.ge @!p0 [sflag:s0], s1  }
0x64: {  	s1 =	ssub.s32 @!p0 $0x0, s1;
	[sflag:s0] =	ssyncset.done @!p0 $0x0  }
0x65: {  	[sflag:s0] =	ssyncadd.s32 @!p0 s1  }
0x66: {  	[bflag:$0x3] =	sbarrier.arrive $0xFFFF  }
0x67: {  	_ =	shalt  }

</sc_bundles>
